<compile_context>
chip_gen: v7x
topology: tpu7x:2x2x1
jax: 0.10.2.dev20260603
libtpu: 0.0.44.dev20260713+nightly
codegen_flags: <defaults>
</compile_context>

<pallas_src>
import jax
import jax.numpy as jnp
from jax import lax
from jax.experimental import pallas as pl
from jax.experimental.pallas import tpu as pltpu
from jax.experimental.pallas import tpu_sc as plsc

N = 10000
E = 160000
D = 256
T = 4
NC = 2
NS = 16
LANES = 16
NW = NC * NS

NP = 10240
DST_PAD = 10100
FP = 4
NPASS = D // (NW * FP)
E_PAD = 163840
EC = 2048
NECH = E_PAD // EC
EPT = E // NW
DEG_P = NP


def _deg_body(dst_hbm, attr_hbm, emb_hbm, zero_hbm, out_hbm,
              dstv, attrv, embv, ldeg):
    c = lax.axis_index("c")
    s = lax.axis_index("s")
    wid = c * NS + s
    base = wid * EPT

    pltpu.sync_copy(zero_hbm, ldeg)
    pltpu.sync_copy(emb_hbm, embv)
    pltpu.sync_copy(dst_hbm.at[pl.ds(base, EPT + LANES)], dstv)
    pltpu.sync_copy(attr_hbm.at[pl.ds(base, EPT + LANES)], attrv)

    lane = lax.iota(jnp.int32, LANES)
    ngrp = (EPT + LANES - 1) // LANES

    def body(g, _):
        off = g * LANES
        dv = dstv[pl.ds(off, LANES)]
        av = attrv[pl.ds(off, LANES)]
        ew = plsc.load_gather(embv, [av])
        mask = lane < (EPT - off)
        plsc.addupdate_scatter(ldeg, [dv], ew, mask=mask)
        return 0

    lax.fori_loop(0, ngrp, body, 0)
    pltpu.sync_copy(ldeg, out_hbm.at[wid])


def _deg_kernel(dst_p, attr_p, emb_p, zero_deg):
    kfn = pl.kernel(
        _deg_body,
        out_type=jax.ShapeDtypeStruct((NW, DEG_P), jnp.float32),
        mesh=plsc.VectorSubcoreMesh(core_axis_name="c", subcore_axis_name="s"),
        compiler_params=pltpu.CompilerParams(needs_layout_passes=False),
        scratch_types=[
            pltpu.VMEM((EPT + LANES,), jnp.int32),
            pltpu.VMEM((EPT + LANES,), jnp.int32),
            pltpu.VMEM((LANES,), jnp.float32),
            pltpu.VMEM((DEG_P,), jnp.float32),
        ],
    )
    return kfn(dst_p, attr_p, emb_p, zero_deg)


def _pack_body(src_ref, attr_ref, dst_ref, out_ref):
    out_ref[...] = (src_ref[...] + attr_ref[...] * 16384
                    + dst_ref[...] * 65536)


def _pack_kernel(src2, attr2, dst2):
    R = E_PAD // 1024
    BR = 16
    return pl.pallas_call(
        _pack_body,
        grid=(R // BR,),
        in_specs=[pl.BlockSpec((BR, 1024), lambda i: (i, 0))] * 3,
        out_specs=pl.BlockSpec((BR, 1024), lambda i: (i, 0)),
        out_shape=jax.ShapeDtypeStruct((R, 1024), jnp.int32),
    )(src2, attr2, dst2)


def _xt_body(x_ref, degt_ref, xst_ref):
    deg = jnp.sum(degt_ref[...], axis=1)
    pos = deg > 0
    dinv = jnp.where(pos, lax.rsqrt(jnp.where(pos, deg, 1.0)), 0.0)
    s = dinv[:, None] * x_ref[...]
    xst_ref[...] = s.T


def _build_xst(x, degt):
    BN = 1024
    nb = NP // BN
    return pl.pallas_call(
        _xt_body,
        grid=(nb,),
        in_specs=[
            pl.BlockSpec((BN, D), lambda i: (i, 0)),
            pl.BlockSpec((BN, NW), lambda i: (i, 0)),
        ],
        out_specs=pl.BlockSpec((D, BN), lambda i: (0, i)),
        out_shape=jax.ShapeDtypeStruct((D, NP), jnp.float32),
    )(x, degt)


def _msg_body(xst_hbm, pk_hbm, emb_hbm, zero_hbm, out_hbm,
              xstage, xsv, accv, pkv, pkv2, embv, sem, sem2):
    c = lax.axis_index("c")
    s = lax.axis_index("s")
    wid = c * NS + s

    pltpu.sync_copy(emb_hbm, embv)

    lane = lax.iota(jnp.int32, LANES)
    flane = jnp.bitwise_and(lane, 3)
    quad = lax.shift_right_logical(lane, 2)
    gdn = lax.GatherDimensionNumbers(offset_dims=(), collapsed_slice_dims=(0,),
                                     start_index_map=(0,))

    def bcast4(v, j):
        return lax.gather(v, (quad + 4 * j)[:, None], gdn, (1,),
                          mode=lax.GatherScatterMode.PROMISE_IN_BOUNDS)

    for p in range(NPASS):
        fr = p * (NW * FP) + wid * FP

        pltpu.sync_copy(xst_hbm.at[pl.ds(fr * NP, FP * NP)], xstage)
        pltpu.sync_copy(zero_hbm, accv)

        @plsc.parallel_loop(0, NP // LANES, unroll=4)
        def rin(i):
            n0 = i * LANES
            for f in range(FP):
                t = xstage[pl.ds(f * NP + n0, LANES)]
                plsc.store_scatter(xsv, [(n0 + lane) * 4 + f], t)

        def fire(ch, buf, sm):
            pltpu.make_async_copy(pk_hbm.at[pl.ds(ch * EC, EC)], buf, sm).start()

        def drain(buf, sm):
            pltpu.make_async_copy(pk_hbm.at[pl.ds(0, EC)], buf, sm).wait()

        def compute(buf):
            @plsc.parallel_loop(0, EC // LANES, unroll=4)
            def grp(g):
                w = buf[pl.ds(g * LANES, LANES)]
                for j in range(4):
                    wp = bcast4(w, j)
                    sp = jnp.bitwise_and(wp, 16383)
                    ap = jnp.bitwise_and(lax.shift_right_logical(wp, 14), 3)
                    dp = lax.shift_right_logical(wp, 16)
                    ewp = plsc.load_gather(embv, [ap])
                    v = plsc.load_gather(xsv, [sp * 4 + flane]) * ewp
                    plsc.addupdate_scatter(accv, [dp * 4 + flane], v)

        fire(0, pkv, sem)

        def pairchunk(cp, _):
            ch0 = 2 * cp
            fire(ch0 + 1, pkv2, sem2)
            drain(pkv, sem)
            compute(pkv)

            @pl.when(ch0 + 2 < NECH)
            def _nxt():
                fire(ch0 + 2, pkv, sem)

            drain(pkv2, sem2)
            compute(pkv2)
            return 0

        lax.fori_loop(0, NECH // 2, pairchunk, 0)

        @plsc.parallel_loop(0, NP // LANES, unroll=4)
        def rout(i):
            n0 = i * LANES
            for f in range(FP):
                t = plsc.load_gather(accv, [(n0 + lane) * 4 + f])
                xstage[pl.ds(f * NP + n0, LANES)] = t

        pltpu.sync_copy(xstage, out_hbm.at[pl.ds(fr * NP, FP * NP)])


def _msg_kernel(xst, pk, emb_p, zero_rows):
    kfn = pl.kernel(
        _msg_body,
        out_type=jax.ShapeDtypeStruct((D * NP,), jnp.float32),
        mesh=plsc.VectorSubcoreMesh(core_axis_name="c", subcore_axis_name="s"),
        compiler_params=pltpu.CompilerParams(needs_layout_passes=False),
        scratch_types=[
            pltpu.VMEM((FP * NP,), jnp.float32),
            pltpu.VMEM((FP * NP,), jnp.float32),
            pltpu.VMEM((FP * NP,), jnp.float32),
            pltpu.VMEM((EC,), jnp.int32),
            pltpu.VMEM((EC,), jnp.int32),
            pltpu.VMEM((LANES,), jnp.float32),
            pltpu.SemaphoreType.DMA,
            pltpu.SemaphoreType.DMA,
        ],
    )
    return kfn(xst, pk, emb_p, zero_rows)


def _out_body(ht_ref, x0_ref, degt_ref, w_ref, out_ref):
    deg = jnp.sum(degt_ref[...], axis=1)
    pos = deg > 0
    dinv = jnp.where(pos, lax.rsqrt(jnp.where(pos, deg, 1.0)), 0.0)
    h = dinv[:, None] * ht_ref[...].T
    xm = 0.9 * h + 0.1 * x0_ref[...]
    out_ref[...] = 0.5 * xm + 0.5 * jnp.dot(xm, w_ref[...],
                                            preferred_element_type=jnp.float32)


def _epilogue(ht, x_0, degt, W):
    BN = 1024
    nb = NP // BN
    return pl.pallas_call(
        _out_body,
        grid=(nb,),
        in_specs=[
            pl.BlockSpec((D, BN), lambda i: (0, i)),
            pl.BlockSpec((BN, D), lambda i: (i, 0)),
            pl.BlockSpec((BN, NW), lambda i: (i, 0)),
            pl.BlockSpec((D, D), lambda i: (0, 0)),
        ],
        out_specs=pl.BlockSpec((BN, D), lambda i: (i, 0)),
        out_shape=jax.ShapeDtypeStruct((N, D), jnp.float32),
    )(ht, x_0, degt, W)


@jax.jit
def kernel(x, x_0, edge_index, edge_attr, W, edge_emb):
    src = edge_index[0].astype(jnp.int32)
    dst = edge_index[1].astype(jnp.int32)
    attr = edge_attr.astype(jnp.int32)

    src_p = jnp.pad(src, (0, E_PAD - E))
    dst_p = jnp.pad(dst, (0, E_PAD - E), constant_values=DST_PAD)
    attr_p = jnp.pad(attr, (0, E_PAD - E))
    emb_p = jnp.pad(edge_emb[:, 0].astype(jnp.float32), (0, LANES - T))

    deg32 = _deg_kernel(dst_p, attr_p, emb_p,
                        jnp.zeros((DEG_P,), jnp.float32))
    degt = deg32.T

    pk = _pack_kernel(src_p.reshape(-1, 1024), attr_p.reshape(-1, 1024),
                      dst_p.reshape(-1, 1024)).reshape(E_PAD)

    xst = _build_xst(x, degt)

    ht = _msg_kernel(xst.reshape(D * NP), pk, emb_p,
                     jnp.zeros((FP * NP,), jnp.float32)).reshape(D, NP)

    return _epilogue(ht, x_0, degt, W)

# --- scband reference (transcript-rebuilt; emitter-appended) ---
"""Pipeline reference for scband-gcn2-layer-53197464928895 (READ-ONLY COPY).

The authoritative reference and input builder live on the scoring server;
editing this copy changes nothing except your own understanding.
"""

import jax, jax.numpy as jnp
import numpy as np

N = 10000
E = 160000
D = 256
NUM_EDGE_EMB = 4
ALPHA = 0.1
BETA = 0.5


def setup_inputs(seed: int = 0) -> dict:
    key = jax.random.key(seed)
    k1, k2, k3, k4, k5, k6 = jax.random.split(key, 6)
    x = jax.random.normal(k1, (N, D), dtype=jnp.float32)
    x_0 = jax.random.normal(k2, (N, D), dtype=jnp.float32)
    edge_index = jax.random.randint(k3, (2, E), 0, N, dtype=jnp.int64)
    edge_attr = jax.random.randint(k4, (E,), 0, NUM_EDGE_EMB, dtype=jnp.int64)
    W = jax.random.normal(k5, (D, D), dtype=jnp.float32) * 0.05
    edge_emb = jax.random.normal(k6, (NUM_EDGE_EMB, 1), dtype=jnp.float32) * 0.05
    return {"x": x, "x_0": x_0, "edge_index": edge_index, "edge_attr": edge_attr, "W": W, "edge_emb": edge_emb}


def reference(x, x_0, edge_index, edge_attr, W, edge_emb):
    # edge weight from edge-type embedding (embedding_dim=1), squeezed to scalar per edge
    ew = jnp.take(edge_emb, edge_attr, axis=0)[:, 0]  # [E]
    src = edge_index[0]
    dst = edge_index[1]
    # GCN symmetric normalization WITHOUT self loops (add_self_loops=False)
    deg = jnp.zeros((N,), dtype=x.dtype).at[dst].add(ew)
    deg_safe = jnp.where(deg > 0, deg, 1.0)
    deg_inv_sqrt = jnp.where(deg > 0, jax.lax.rsqrt(deg_safe), 0.0)
    norm = deg_inv_sqrt[src] * ew * deg_inv_sqrt[dst]  # [E]
    # message passing: gather from src, scatter-add to dst
    msgs = norm[:, None] * jnp.take(x, src, axis=0)  # [E, D]
    h = jnp.zeros((N, D), dtype=x.dtype).at[dst].add(msgs)
    # GCNII-style initial-residual + identity mapping (x_0 is the layer-0 residual)
    x_mid = (1.0 - ALPHA) * h + ALPHA * x_0
    out = (1.0 - BETA) * x_mid + BETA * (x_mid @ W)
    return out

if __name__ == "__main__":
    import jax
    _d = setup_inputs()
    print(jax.jit(kernel)(*tuple(_d.values())))

</pallas_src>

<mosaic_0001>
#map = affine_map<(d0, d1) -> (0)>
#map1 = affine_map<(d0, d1) -> (0, 0)>
module attributes {stable_mosaic.version = 14 : i64} {
  func.func @_deg_body(%arg0: i32, %arg1: i32, %arg2: memref<163840xi32, #tpu.memory_space<hbm>>, %arg3: memref<163840xi32, #tpu.memory_space<hbm>>, %arg4: memref<16xf32, #tpu.memory_space<hbm>>, %arg5: memref<10240xf32, #tpu.memory_space<hbm>>, %arg6: memref<32x10240xf32, #tpu.memory_space<hbm>>, %arg7: memref<5016xi32, #tpu.memory_space<vmem>>, %arg8: memref<5016xi32, #tpu.memory_space<vmem>>, %arg9: memref<16xf32, #tpu.memory_space<vmem>>, %arg10: memref<10240xf32, #tpu.memory_space<vmem>>) attributes {dimension_semantics = [#tpu.dimension_semantics<core_parallel>, #tpu.dimension_semantics<subcore_parallel>], iteration_bounds = array<i64: 2, 16>, scalar_prefetch = 0 : i64, scratch_operands = 4 : i64, tpu.core_type = #tpu.core_type<sc_vector_subcore>, window_params = [{transform_indices = #map}, {transform_indices = #map}, {transform_indices = #map}, {transform_indices = #map}, {transform_indices = #map1}]} {
    %mul3A = arith.constant 16 : i32
    %mul3A_0 = arith.muli %arg0, %mul3A : i32
    %add3A = arith.addi %mul3A_0, %arg1 : i32
    %mul3A_1 = arith.constant 5000 : i32
    %mul3A_2 = arith.muli %add3A, %mul3A_1 : i32
    "tpu.region"() ({
      %run_scoped3A = tpu.sem_alloc : memref<!tpu.dma_semaphore, #tpu.memory_space<semaphore_mem>>
      tpu.enqueue_dma source(%arg5 : memref<10240xf32, #tpu.memory_space<hbm>>) target(%arg10 : memref<10240xf32, #tpu.memory_space<vmem>>) target_semaphore(%run_scoped3A : memref<!tpu.dma_semaphore, #tpu.memory_space<semaphore_mem>>)
      tpu.wait_dma2 semaphore(%run_scoped3A : memref<!tpu.dma_semaphore, #tpu.memory_space<semaphore_mem>>) src(%arg5 : memref<10240xf32, #tpu.memory_space<hbm>>) dst(%arg10 : memref<10240xf32, #tpu.memory_space<vmem>>)
      tpu.yield
    }) : () -> ()
    "tpu.region"() ({
      %run_scoped3A = tpu.sem_alloc : memref<!tpu.dma_semaphore, #tpu.memory_space<semaphore_mem>>
      tpu.enqueue_dma source(%arg4 : memref<16xf32, #tpu.memory_space<hbm>>) target(%arg9 : memref<16xf32, #tpu.memory_space<vmem>>) target_semaphore(%run_scoped3A : memref<!tpu.dma_semaphore, #tpu.memory_space<semaphore_mem>>)
      tpu.wait_dma2 semaphore(%run_scoped3A : memref<!tpu.dma_semaphore, #tpu.memory_space<semaphore_mem>>) src(%arg4 : memref<16xf32, #tpu.memory_space<hbm>>) dst(%arg9 : memref<16xf32, #tpu.memory_space<vmem>>)
      tpu.yield
    }) : () -> ()
    "tpu.region"() ({
      %run_scoped3A = tpu.sem_alloc : memref<!tpu.dma_semaphore, #tpu.memory_space<semaphore_mem>>
      %dma_start3A = tpu.memref_slice %arg2[%mul3A_2] : memref<163840xi32, #tpu.memory_space<hbm>> -> memref<5016xi32, #tpu.memory_space<hbm>>
      %dma_start3A_9 = tpu.memref_slice %arg2[%mul3A_2] : memref<163840xi32, #tpu.memory_space<hbm>> -> memref<5016xi32, #tpu.memory_space<hbm>>
      tpu.enqueue_dma source(%dma_start3A_9 : memref<5016xi32, #tpu.memory_space<hbm>>) target(%arg7 : memref<5016xi32, #tpu.memory_space<vmem>>) target_semaphore(%run_scoped3A : memref<!tpu.dma_semaphore, #tpu.memory_space<semaphore_mem>>)
      %dma_wait3A = tpu.memref_slice %arg2[%mul3A_2] : memref<163840xi32, #tpu.memory_space<hbm>> -> memref<5016xi32, #tpu.memory_space<hbm>>
      %dma_wait3A_10 = tpu.memref_slice %arg2[%mul3A_2] : memref<163840xi32, #tpu.memory_space<hbm>> -> memref<5016xi32, #tpu.memory_space<hbm>>
      tpu.wait_dma2 semaphore(%run_scoped3A : memref<!tpu.dma_semaphore, #tpu.memory_space<semaphore_mem>>) src(%dma_wait3A_10 : memref<5016xi32, #tpu.memory_space<hbm>>) dst(%arg7 : memref<5016xi32, #tpu.memory_space<vmem>>)
      tpu.yield
    }) : () -> ()
    "tpu.region"() ({
      %run_scoped3A = tpu.sem_alloc : memref<!tpu.dma_semaphore, #tpu.memory_space<semaphore_mem>>
      %dma_start3A = tpu.memref_slice %arg3[%mul3A_2] : memref<163840xi32, #tpu.memory_space<hbm>> -> memref<5016xi32, #tpu.memory_space<hbm>>
      %dma_start3A_9 = tpu.memref_slice %arg3[%mul3A_2] : memref<163840xi32, #tpu.memory_space<hbm>> -> memref<5016xi32, #tpu.memory_space<hbm>>
      tpu.enqueue_dma source(%dma_start3A_9 : memref<5016xi32, #tpu.memory_space<hbm>>) target(%arg8 : memref<5016xi32, #tpu.memory_space<vmem>>) target_semaphore(%run_scoped3A : memref<!tpu.dma_semaphore, #tpu.memory_space<semaphore_mem>>)
      %dma_wait3A = tpu.memref_slice %arg3[%mul3A_2] : memref<163840xi32, #tpu.memory_space<hbm>> -> memref<5016xi32, #tpu.memory_space<hbm>>
      %dma_wait3A_10 = tpu.memref_slice %arg3[%mul3A_2] : memref<163840xi32, #tpu.memory_space<hbm>> -> memref<5016xi32, #tpu.memory_space<hbm>>
      tpu.wait_dma2 semaphore(%run_scoped3A : memref<!tpu.dma_semaphore, #tpu.memory_space<semaphore_mem>>) src(%dma_wait3A_10 : memref<5016xi32, #tpu.memory_space<hbm>>) dst(%arg8 : memref<5016xi32, #tpu.memory_space<vmem>>)
      tpu.yield
    }) : () -> ()
    %iota3A = tpu.iota {dimensions = array<i32: 0>} : vector<16xi32>
    %scan3A = arith.constant 0 : i32
    %scan3A_3 = arith.constant 0 : i32
    %scan3A_4 = arith.constant 313 : i32
    %scan3A_5 = arith.addi %scan3A_3, %scan3A_4 : i32
    %scan3A_6 = arith.constant 1 : i32
    %scan3A_7 = scf.for %scan3A_9 = %scan3A_3 to %scan3A_5 step %scan3A_6 iter_args(%scan3A_10 = %scan3A) -> (i32)  : i32 {
      %mul3A_11 = arith.constant 16 : i32
      %mul3A_12 = arith.muli %scan3A_9, %mul3A_11 : i32
      %get3A = arith.index_cast %mul3A_12 : i32 to index
      %get3A_13 = tpu.vector_load %arg7[%get3A] {strides = array<i32>} : memref<5016xi32, #tpu.memory_space<vmem>>, vector<16xi32>,
      %get3A_14 = arith.index_cast %mul3A_12 : i32 to index
      %get3A_15 = tpu.vector_load %arg8[%get3A_14] {strides = array<i32>} : memref<5016xi32, #tpu.memory_space<vmem>>, vector<16xi32>,
      %gather3A = tpu.vector_load_idx %arg9[%get3A_15] : memref<16xf32, #tpu.memory_space<vmem>>[vector<16xi32>], vector<16xf32>,
      %sub3A = arith.constant 5000 : i32
      %sub3A_16 = arith.subi %sub3A, %mul3A_12 : i32
      %lt3A = vector.broadcast %sub3A_16 : i32 to vector<16xi32>
      %lt3A_17 = arith.cmpi slt, %iota3A, %lt3A : vector<16xi32>
      tpu.vector_store_idx %arg10[%get3A_13], %gather3A masked %lt3A_17 {add = true} : memref<10240xf32, #tpu.memory_space<vmem>>[vector<16xi32>], vector<16xf32>, vector<16xi1>
      %scan3A_18 = arith.constant 0 : i32
      scf.yield %scan3A_18 : i32
    }
    %scan3A_8 = arith.constant 313 : i32
    "tpu.region"() ({
      %run_scoped3A = tpu.sem_alloc : memref<!tpu.dma_semaphore, #tpu.memory_space<semaphore_mem>>
      %dma_start3A = arith.constant 0 : i32
      %dma_start3A_9 = tpu.memref_slice %arg6[%add3A, %dma_start3A] : memref<32x10240xf32, #tpu.memory_space<hbm>> -> memref<1x10240xf32, #tpu.memory_space<hbm>>
      %dma_start3A_10 = tpu.memref_squeeze %dma_start3A_9 : memref<1x10240xf32, #tpu.memory_space<hbm>> -> memref<10240xf32, #tpu.memory_space<hbm>>
      %dma_start3A_11 = arith.constant 0 : i32
      %dma_start3A_12 = tpu.memref_slice %arg6[%add3A, %dma_start3A_11] : memref<32x10240xf32, #tpu.memory_space<hbm>> -> memref<1x10240xf32, #tpu.memory_space<hbm>>
      %dma_start3A_13 = tpu.memref_squeeze %dma_start3A_12 : memref<1x10240xf32, #tpu.memory_space<hbm>> -> memref<10240xf32, #tpu.memory_space<hbm>>
      tpu.enqueue_dma source(%arg10 : memref<10240xf32, #tpu.memory_space<vmem>>) target(%dma_start3A_13 : memref<10240xf32, #tpu.memory_space<hbm>>) target_semaphore(%run_scoped3A : memref<!tpu.dma_semaphore, #tpu.memory_space<semaphore_mem>>)
      %dma_wait3A = arith.constant 0 : i32
      %dma_wait3A_14 = tpu.memref_slice %arg6[%add3A, %dma_wait3A] : memref<32x10240xf32, #tpu.memory_space<hbm>> -> memref<1x10240xf32, #tpu.memory_space<hbm>>
      %dma_wait3A_15 = tpu.memref_squeeze %dma_wait3A_14 : memref<1x10240xf32, #tpu.memory_space<hbm>> -> memref<10240xf32, #tpu.memory_space<hbm>>
      %dma_wait3A_16 = arith.constant 0 : i32
      %dma_wait3A_17 = tpu.memref_slice %arg6[%add3A, %dma_wait3A_16] : memref<32x10240xf32, #tpu.memory_space<hbm>> -> memref<1x10240xf32, #tpu.memory_space<hbm>>
      %dma_wait3A_18 = tpu.memref_squeeze %dma_wait3A_17 : memref<1x10240xf32, #tpu.memory_space<hbm>> -> memref<10240xf32, #tpu.memory_space<hbm>>
      tpu.wait_dma2 semaphore(%run_scoped3A : memref<!tpu.dma_semaphore, #tpu.memory_space<semaphore_mem>>) src(%arg10 : memref<10240xf32, #tpu.memory_space<vmem>>) dst(%dma_wait3A_18 : memref<10240xf32, #tpu.memory_space<hbm>>)
      tpu.yield
    }) : () -> ()
    return
  }
}

#map = affine_map<(d0, d1) -> (0)>
module attributes {stable_mosaic.version = 14 : i64} {
  func.func @_msg_body(%arg0: i32, %arg1: i32, %arg2: memref<2621440xf32, #tpu.memory_space<hbm>>, %arg3: memref<163840xi32, #tpu.memory_space<hbm>>, %arg4: memref<16xf32, #tpu.memory_space<hbm>>, %arg5: memref<40960xf32, #tpu.memory_space<hbm>>, %arg6: memref<2621440xf32, #tpu.memory_space<hbm>>, %arg7: memref<40960xf32, #tpu.memory_space<vmem>>, %arg8: memref<40960xf32, #tpu.memory_space<vmem>>, %arg9: memref<40960xf32, #tpu.memory_space<vmem>>, %arg10: memref<2048xi32, #tpu.memory_space<vmem>>, %arg11: memref<2048xi32, #tpu.memory_space<vmem>>, %arg12: memref<16xf32, #tpu.memory_space<vmem>>, %arg13: memref<!tpu.dma_semaphore, #tpu.memory_space<semaphore_mem>>, %arg14: memref<!tpu.dma_semaphore, #tpu.memory_space<semaphore_mem>>) attributes {dimension_semantics = [#tpu.dimension_semantics<core_parallel>, #tpu.dimension_semantics<subcore_parallel>], iteration_bounds = array<i64: 2, 16>, scalar_prefetch = 0 : i64, scratch_operands = 8 : i64, tpu.core_type = #tpu.core_type<sc_vector_subcore>, window_params = [{transform_indices = #map}, {transform_indices = #map}, {transform_indices = #map}, {transform_indices = #map}, {transform_indices = #map}]} {
    %mul3A = arith.constant 16 : i32
    %mul3A_0 = arith.muli %arg0, %mul3A : i32
    %add3A = arith.addi %mul3A_0, %arg1 : i32
    "tpu.region"() ({
      %run_scoped3A = tpu.sem_alloc : memref<!tpu.dma_semaphore, #tpu.memory_space<semaphore_mem>>
      tpu.enqueue_dma source(%arg4 : memref<16xf32, #tpu.memory_space<hbm>>) target(%arg12 : memref<16xf32, #tpu.memory_space<vmem>>) target_semaphore(%run_scoped3A : memref<!tpu.dma_semaphore, #tpu.memory_space<semaphore_mem>>)
      tpu.wait_dma2 semaphore(%run_scoped3A : memref<!tpu.dma_semaphore, #tpu.memory_space<semaphore_mem>>) src(%arg4 : memref<16xf32, #tpu.memory_space<hbm>>) dst(%arg12 : memref<16xf32, #tpu.memory_space<vmem>>)
      tpu.yield
    }) : () -> ()
    %iota3A = tpu.iota {dimensions = array<i32: 0>} : vector<16xi32>
    %and3A = arith.constant 3 : i32
    %and3A_1 = vector.broadcast %and3A : i32 to vector<16xi32>
    %and3A_2 = arith.andi %iota3A, %and3A_1 : vector<16xi32>
    %shift_right_logical3A = arith.constant 2 : i32
    %shift_right_logical3A_3 = vector.broadcast %shift_right_logical3A : i32 to vector<16xi32>
    %shift_right_logical3A_4 = arith.shrui %iota3A, %shift_right_logical3A_3 : vector<16xi32>
    %mul3A_5 = arith.constant 4 : i32
    %mul3A_6 = arith.muli %add3A, %mul3A_5 : i32
    %add3A_7 = arith.constant 0 : i32
    %add3A_8 = arith.addi %add3A_7, %mul3A_6 : i32
    %mul3A_9 = arith.constant 10240 : i32
    %mul3A_10 = arith.muli %add3A_8, %mul3A_9 : i32
    "tpu.region"() ({
      %run_scoped3A = tpu.sem_alloc : memref<!tpu.dma_semaphore, #tpu.memory_space<semaphore_mem>>
      %dma_start3A_52 = tpu.memref_slice %arg2[%mul3A_10] : memref<2621440xf32, #tpu.memory_space<hbm>> -> memref<40960xf32, #tpu.memory_space<hbm>>
      %dma_start3A_53 = tpu.memref_slice %arg2[%mul3A_10] : memref<2621440xf32, #tpu.memory_space<hbm>> -> memref<40960xf32, #tpu.memory_space<hbm>>
      tpu.enqueue_dma source(%dma_start3A_53 : memref<40960xf32, #tpu.memory_space<hbm>>) target(%arg7 : memref<40960xf32, #tpu.memory_space<vmem>>) target_semaphore(%run_scoped3A : memref<!tpu.dma_semaphore, #tpu.memory_space<semaphore_mem>>)
      %dma_wait3A = tpu.memref_slice %arg2[%mul3A_10] : memref<2621440xf32, #tpu.memory_space<hbm>> -> memref<40960xf32, #tpu.memory_space<hbm>>
      %dma_wait3A_54 = tpu.memref_slice %arg2[%mul3A_10] : memref<2621440xf32, #tpu.memory_space<hbm>> -> memref<40960xf32, #tpu.memory_space<hbm>>
      tpu.wait_dma2 semaphore(%run_scoped3A : memref<!tpu.dma_semaphore, #tpu.memory_space<semaphore_mem>>) src(%dma_wait3A_54 : memref<40960xf32, #tpu.memory_space<hbm>>) dst(%arg7 : memref<40960xf32, #tpu.memory_space<vmem>>)
      tpu.yield
    }) : () -> ()
    "tpu.region"() ({
      %run_scoped3A = tpu.sem_alloc : memref<!tpu.dma_semaphore, #tpu.memory_space<semaphore_mem>>
      tpu.enqueue_dma source(%arg5 : memref<40960xf32, #tpu.memory_space<hbm>>) target(%arg9 : memref<40960xf32, #tpu.memory_space<vmem>>) target_semaphore(%run_scoped3A : memref<!tpu.dma_semaphore, #tpu.memory_space<semaphore_mem>>)
      tpu.wait_dma2 semaphore(%run_scoped3A : memref<!tpu.dma_semaphore, #tpu.memory_space<semaphore_mem>>) src(%arg5 : memref<40960xf32, #tpu.memory_space<hbm>>) dst(%arg9 : memref<40960xf32, #tpu.memory_space<vmem>>)
      tpu.yield
    }) : () -> ()
    %parallel_loop3A = arith.constant 0 : i32
    %parallel_loop3A_11 = arith.constant 640 : i32
    %parallel_loop3A_12 = arith.constant 1 : i32
    scf.for %parallel_loop3A_52 = %parallel_loop3A to %parallel_loop3A_11 step %parallel_loop3A_12  : i32 {
      %parallel_loop3A_53 = arith.constant 16 : i32
      %parallel_loop3A_54 = arith.muli %parallel_loop3A_52, %parallel_loop3A_53 : i32
      %parallel_loop3A_55 = arith.constant 0 : i32
      %parallel_loop3A_56 = arith.addi %parallel_loop3A_55, %parallel_loop3A_54 : i32
      %parallel_loop3A_57 = arith.index_cast %parallel_loop3A_56 : i32 to index
      %parallel_loop3A_58 = tpu.vector_load %arg7[%parallel_loop3A_57] {strides = array<i32>} : memref<40960xf32, #tpu.memory_space<vmem>>, vector<16xf32>,
      %parallel_loop3A_59 = vector.broadcast %parallel_loop3A_54 : i32 to vector<16xi32>
      %parallel_loop3A_60 = arith.addi %parallel_loop3A_59, %iota3A : vector<16xi32>
      %parallel_loop3A_61 = arith.constant 4 : i32
      %parallel_loop3A_62 = vector.broadcast %parallel_loop3A_61 : i32 to vector<16xi32>
      %parallel_loop3A_63 = arith.muli %parallel_loop3A_60, %parallel_loop3A_62 : vector<16xi32>
      %parallel_loop3A_64 = arith.constant 0 : i32
      %parallel_loop3A_65 = vector.broadcast %parallel_loop3A_64 : i32 to vector<16xi32>
      %parallel_loop3A_66 = arith.addi %parallel_loop3A_63, %parallel_loop3A_65 : vector<16xi32>
      tpu.vector_store_idx %arg8[%parallel_loop3A_66], %parallel_loop3A_58 : memref<40960xf32, #tpu.memory_space<vmem>>[vector<16xi32>], vector<16xf32>,
      %parallel_loop3A_67 = arith.constant 10240 : i32
      %parallel_loop3A_68 = arith.addi %parallel_loop3A_67, %parallel_loop3A_54 : i32
      %parallel_loop3A_69 = arith.index_cast %parallel_loop3A_68 : i32 to index
      %parallel_loop3A_70 = tpu.vector_load %arg7[%parallel_loop3A_69] {strides = array<i32>} : memref<40960xf32, #tpu.memory_space<vmem>>, vector<16xf32>,
      %parallel_loop3A_71 = vector.broadcast %parallel_loop3A_54 : i32 to vector<16xi32>
      %parallel_loop3A_72 = arith.addi %parallel_loop3A_71, %iota3A : vector<16xi32>
      %parallel_loop3A_73 = arith.constant 4 : i32
      %parallel_loop3A_74 = vector.broadcast %parallel_loop3A_73 : i32 to vector<16xi32>
      %parallel_loop3A_75 = arith.muli %parallel_loop3A_72, %parallel_loop3A_74 : vector<16xi32>
      %parallel_loop3A_76 = arith.constant 1 : i32
      %parallel_loop3A_77 = vector.broadcast %parallel_loop3A_76 : i32 to vector<16xi32>
      %parallel_loop3A_78 = arith.addi %parallel_loop3A_75, %parallel_loop3A_77 : vector<16xi32>
      tpu.vector_store_idx %arg8[%parallel_loop3A_78], %parallel_loop3A_70 : memref<40960xf32, #tpu.memory_space<vmem>>[vector<16xi32>], vector<16xf32>,
      %parallel_loop3A_79 = arith.constant 20480 : i32
      %parallel_loop3A_80 = arith.addi %parallel_loop3A_79, %parallel_loop3A_54 : i32
      %parallel_loop3A_81 = arith.index_cast %parallel_loop3A_80 : i32 to index
      %parallel_loop3A_82 = tpu.vector_load %arg7[%parallel_loop3A_81] {strides = array<i32>} : memref<40960xf32, #tpu.memory_space<vmem>>, vector<16xf32>,
      %parallel_loop3A_83 = vector.broadcast %parallel_loop3A_54 : i32 to vector<16xi32>
      %parallel_loop3A_84 = arith.addi %parallel_loop3A_83, %iota3A : vector<16xi32>
      %parallel_loop3A_85 = arith.constant 4 : i32
      %parallel_loop3A_86 = vector.broadcast %parallel_loop3A_85 : i32 to vector<16xi32>
      %parallel_loop3A_87 = arith.muli %parallel_loop3A_84, %parallel_loop3A_86 : vector<16xi32>
      %parallel_loop3A_88 = arith.constant 2 : i32
      %parallel_loop3A_89 = vector.broadcast %parallel_loop3A_88 : i32 to vector<16xi32>
      %parallel_loop3A_90 = arith.addi %parallel_loop3A_87, %parallel_loop3A_89 : vector<16xi32>
      tpu.vector_store_idx %arg8[%parallel_loop3A_90], %parallel_loop3A_82 : memref<40960xf32, #tpu.memory_space<vmem>>[vector<16xi32>], vector<16xf32>,
      %parallel_loop3A_91 = arith.constant 30720 : i32
      %parallel_loop3A_92 = arith.addi %parallel_loop3A_91, %parallel_loop3A_54 : i32
      %parallel_loop3A_93 = arith.index_cast %parallel_loop3A_92 : i32 to index
      %parallel_loop3A_94 = tpu.vector_load %arg7[%parallel_loop3A_93] {strides = array<i32>} : memref<40960xf32, #tpu.memory_space<vmem>>, vector<16xf32>,
      %parallel_loop3A_95 = vector.broadcast %parallel_loop3A_54 : i32 to vector<16xi32>
      %parallel_loop3A_96 = arith.addi %parallel_loop3A_95, %iota3A : vector<16xi32>
      %parallel_loop3A_97 = arith.constant 4 : i32
      %parallel_loop3A_98 = vector.broadcast %parallel_loop3A_97 : i32 to vector<16xi32>
      %parallel_loop3A_99 = arith.muli %parallel_loop3A_96, %parallel_loop3A_98 : vector<16xi32>
      %parallel_loop3A_100 = arith.constant 3 : i32
      %parallel_loop3A_101 = vector.broadcast %parallel_loop3A_100 : i32 to vector<16xi32>
      %parallel_loop3A_102 = arith.addi %parallel_loop3A_99, %parallel_loop3A_101 : vector<16xi32>
      tpu.vector_store_idx %arg8[%parallel_loop3A_102], %parallel_loop3A_94 : memref<40960xf32, #tpu.memory_space<vmem>>[vector<16xi32>], vector<16xf32>,
    } {sc.loop_unroll_factor = 4 : i64, sc.parallel_access}
    %dma_start3A = arith.constant 0 : i32
    %dma_start3A_13 = tpu.memref_slice %arg3[%dma_start3A] : memref<163840xi32, #tpu.memory_space<hbm>> -> memref<2048xi32, #tpu.memory_space<hbm>>
    %dma_start3A_14 = arith.constant 0 : i32
    %dma_start3A_15 = tpu.memref_slice %arg3[%dma_start3A_14] : memref<163840xi32, #tpu.memory_space<hbm>> -> memref<2048xi32, #tpu.memory_space<hbm>>
    tpu.enqueue_dma source(%dma_start3A_15 : memref<2048xi32, #tpu.memory_space<hbm>>) target(%arg10 : memref<2048xi32, #tpu.memory_space<vmem>>) target_semaphore(%arg13 : memref<!tpu.dma_semaphore, #tpu.memory_space<semaphore_mem>>)
    %scan3A = arith.constant 0 : i32
    %scan3A_16 = arith.constant 0 : i32
    %scan3A_17 = arith.constant 40 : i32
    %scan3A_18 = arith.addi %scan3A_16, %scan3A_17 : i32
    %scan3A_19 = arith.constant 1 : i32
    %scan3A_20 = scf.for %scan3A_52 = %scan3A_16 to %scan3A_18 step %scan3A_19 iter_args(%scan3A_53 = %scan3A) -> (i32)  : i32 {
      %mul3A_54 = arith.constant 2 : i32
      %mul3A_55 = arith.muli %mul3A_54, %scan3A_52 : i32
      %add3A_56 = arith.constant 1 : i32
      %add3A_57 = arith.addi %mul3A_55, %add3A_56 : i32
      %mul3A_58 = arith.constant 2048 : i32
      %mul3A_59 = arith.muli %add3A_57, %mul3A_58 : i32
      %dma_start3A_60 = tpu.memref_slice %arg3[%mul3A_59] : memref<163840xi32, #tpu.memory_space<hbm>> -> memref<2048xi32, #tpu.memory_space<hbm>>
      %dma_start3A_61 = tpu.memref_slice %arg3[%mul3A_59] : memref<163840xi32, #tpu.memory_space<hbm>> -> memref<2048xi32, #tpu.memory_space<hbm>>
      tpu.enqueue_dma source(%dma_start3A_61 : memref<2048xi32, #tpu.memory_space<hbm>>) target(%arg11 : memref<2048xi32, #tpu.memory_space<vmem>>) target_semaphore(%arg14 : memref<!tpu.dma_semaphore, #tpu.memory_space<semaphore_mem>>)
      %dma_wait3A = arith.constant 0 : i32
      %dma_wait3A_62 = tpu.memref_slice %arg3[%dma_wait3A] : memref<163840xi32, #tpu.memory_space<hbm>> -> memref<2048xi32, #tpu.memory_space<hbm>>
      %dma_wait3A_63 = arith.constant 0 : i32
      %dma_wait3A_64 = tpu.memref_slice %arg3[%dma_wait3A_63] : memref<163840xi32, #tpu.memory_space<hbm>> -> memref<2048xi32, #tpu.memory_space<hbm>>
      tpu.wait_dma2 semaphore(%arg13 : memref<!tpu.dma_semaphore, #tpu.memory_space<semaphore_mem>>) src(%dma_wait3A_64 : memref<2048xi32, #tpu.memory_space<hbm>>) dst(%arg10 : memref<2048xi32, #tpu.memory_space<vmem>>)
      %parallel_loop3A_65 = arith.constant 0 : i32
      %parallel_loop3A_66 = arith.constant 128 : i32
      %parallel_loop3A_67 = arith.constant 1 : i32
      scf.for %parallel_loop3A_80 = %parallel_loop3A_65 to %parallel_loop3A_66 step %parallel_loop3A_67  : i32 {
        %parallel_loop3A_81 = arith.constant 16 : i32
        %parallel_loop3A_82 = arith.muli %parallel_loop3A_80, %parallel_loop3A_81 : i32
        %parallel_loop3A_83 = arith.index_cast %parallel_loop3A_82 : i32 to index
        %parallel_loop3A_84 = tpu.vector_load %arg10[%parallel_loop3A_83] {strides = array<i32>} : memref<2048xi32, #tpu.memory_space<vmem>>, vector<16xi32>,
        %parallel_loop3A_85 = arith.constant 0 : i32
        %parallel_loop3A_86 = vector.broadcast %parallel_loop3A_85 : i32 to vector<16xi32>
        %parallel_loop3A_87 = arith.addi %shift_right_logical3A_4, %parallel_loop3A_86 : vector<16xi32>
        %parallel_loop3A_88 = vector.shape_cast %parallel_loop3A_87 : vector<16xi32> to vector<16x1xi32>
        %parallel_loop3A_89 = vector.shape_cast %parallel_loop3A_88 : vector<16x1xi32> to vector<16xi32>
        %parallel_loop3A_90 = tpu.dynamic_gather %parallel_loop3A_84[%parallel_loop3A_89] in [0] : vector<16xi32>, vector<16xi32> -> vector<16xi32>
        %parallel_loop3A_91 = arith.constant 16383 : i32
        %parallel_loop3A_92 = vector.broadcast %parallel_loop3A_91 : i32 to vector<16xi32>
        %parallel_loop3A_93 = arith.andi %parallel_loop3A_90, %parallel_loop3A_92 : vector<16xi32>
        %parallel_loop3A_94 = arith.constant 14 : i32
        %parallel_loop3A_95 = vector.broadcast %parallel_loop3A_94 : i32 to vector<16xi32>
        %parallel_loop3A_96 = arith.shrui %parallel_loop3A_90, %parallel_loop3A_95 : vector<16xi32>
        %parallel_loop3A_97 = arith.constant 3 : i32
        %parallel_loop3A_98 = vector.broadcast %parallel_loop3A_97 : i32 to vector<16xi32>
        %parallel_loop3A_99 = arith.andi %parallel_loop3A_96, %parallel_loop3A_98 : vector<16xi32>
        %parallel_loop3A_100 = arith.constant 16 : i32
        %parallel_loop3A_101 = vector.broadcast %parallel_loop3A_100 : i32 to vector<16xi32>
        %parallel_loop3A_102 = arith.shrui %parallel_loop3A_90, %parallel_loop3A_101 : vector<16xi32>
        %parallel_loop3A_103 = tpu.vector_load_idx %arg12[%parallel_loop3A_99] : memref<16xf32, #tpu.memory_space<vmem>>[vector<16xi32>], vector<16xf32>,
        %parallel_loop3A_104 = arith.constant 4 : i32
        %parallel_loop3A_105 = vector.broadcast %parallel_loop3A_104 : i32 to vector<16xi32>
        %parallel_loop3A_106 = arith.muli %parallel_loop3A_93, %parallel_loop3A_105 : vector<16xi32>
        %parallel_loop3A_107 = arith.addi %parallel_loop3A_106, %and3A_2 : vector<16xi32>
        %parallel_loop3A_108 = tpu.vector_load_idx %arg8[%parallel_loop3A_107] : memref<40960xf32, #tpu.memory_space<vmem>>[vector<16xi32>], vector<16xf32>,
        %parallel_loop3A_109 = arith.mulf %parallel_loop3A_108, %parallel_loop3A_103 : vector<16xf32>
        %parallel_loop3A_110 = arith.constant 4 : i32
        %parallel_loop3A_111 = vector.broadcast %parallel_loop3A_110 : i32 to vector<16xi32>
        %parallel_loop3A_112 = arith.muli %parallel_loop3A_102, %parallel_loop3A_111 : vector<16xi32>
        %parallel_loop3A_113 = arith.addi %parallel_loop3A_112, %and3A_2 : vector<16xi32>
        tpu.vector_store_idx %arg9[%parallel_loop3A_113], %parallel_loop3A_109 {add = true} : memref<40960xf32, #tpu.memory_space<vmem>>[vector<16xi32>], vector<16xf32>,
        %parallel_loop3A_114 = arith.constant 4 : i32
        %parallel_loop3A_115 = vector.broadcast %parallel_loop3A_114 : i32 to vector<16xi32>
        %parallel_loop3A_116 = arith.addi %shift_right_logical3A_4, %parallel_loop3A_115 : vector<16xi32>
        %parallel_loop3A_117 = vector.shape_cast %parallel_loop3A_116 : vector<16xi32> to vector<16x1xi32>
        %parallel_loop3A_118 = vector.shape_cast %parallel_loop3A_117 : vector<16x1xi32> to vector<16xi32>
        %parallel_loop3A_119 = tpu.dynamic_gather %parallel_loop3A_84[%parallel_loop3A_118] in [0] : vector<16xi32>, vector<16xi32> -> vector<16xi32>
        %parallel_loop3A_120 = arith.constant 16383 : i32
        %parallel_loop3A_121 = vector.broadcast %parallel_loop3A_120 : i32 to vector<16xi32>
        %parallel_loop3A_122 = arith.andi %parallel_loop3A_119, %parallel_loop3A_121 : vector<16xi32>
        %parallel_loop3A_123 = arith.constant 14 : i32
        %parallel_loop3A_124 = vector.broadcast %parallel_loop3A_123 : i32 to vector<16xi32>
        %parallel_loop3A_125 = arith.shrui %parallel_loop3A_119, %parallel_loop3A_124 : vector<16xi32>
        %parallel_loop3A_126 = arith.constant 3 : i32
        %parallel_loop3A_127 = vector.broadcast %parallel_loop3A_126 : i32 to vector<16xi32>
        %parallel_loop3A_128 = arith.andi %parallel_loop3A_125, %parallel_loop3A_127 : vector<16xi32>
        %parallel_loop3A_129 = arith.constant 16 : i32
        %parallel_loop3A_130 = vector.broadcast %parallel_loop3A_129 : i32 to vector<16xi32>
        %parallel_loop3A_131 = arith.shrui %parallel_loop3A_119, %parallel_loop3A_130 : vector<16xi32>
        %parallel_loop3A_132 = tpu.vector_load_idx %arg12[%parallel_loop3A_128] : memref<16xf32, #tpu.memory_space<vmem>>[vector<16xi32>], vector<16xf32>,
        %parallel_loop3A_133 = arith.constant 4 : i32
        %parallel_loop3A_134 = vector.broadcast %parallel_loop3A_133 : i32 to vector<16xi32>
        %parallel_loop3A_135 = arith.muli %parallel_loop3A_122, %parallel_loop3A_134 : vector<16xi32>
        %parallel_loop3A_136 = arith.addi %parallel_loop3A_135, %and3A_2 : vector<16xi32>
        %parallel_loop3A_137 = tpu.vector_load_idx %arg8[%parallel_loop3A_136] : memref<40960xf32, #tpu.memory_space<vmem>>[vector<16xi32>], vector<16xf32>,
        %parallel_loop3A_138 = arith.mulf %parallel_loop3A_137, %parallel_loop3A_132 : vector<16xf32>
        %parallel_loop3A_139 = arith.constant 4 : i32
        %parallel_loop3A_140 = vector.broadcast %parallel_loop3A_139 : i32 to vector<16xi32>
        %parallel_loop3A_141 = arith.muli %parallel_loop3A_131, %parallel_loop3A_140 : vector<16xi32>
        %parallel_loop3A_142 = arith.addi %parallel_loop3A_141, %and3A_2 : vector<16xi32>
        tpu.vector_store_idx %arg9[%parallel_loop3A_142], %parallel_loop3A_138 {add = true} : memref<40960xf32, #tpu.memory_space<vmem>>[vector<16xi32>], vector<16xf32>,
        %parallel_loop3A_143 = arith.constant 8 : i32
        %parallel_loop3A_144 = vector.broadcast %parallel_loop3A_143 : i32 to vector<16xi32>
        %parallel_loop3A_145 = arith.addi %shift_right_logical3A_4, %parallel_loop3A_144 : vector<16xi32>
        %parallel_loop3A_146 = vector.shape_cast %parallel_loop3A_145 : vector<16xi32> to vector<16x1xi32>
        %parallel_loop3A_147 = vector.shape_cast %parallel_loop3A_146 : vector<16x1xi32> to vector<16xi32>
        %parallel_loop3A_148 = tpu.dynamic_gather %parallel_loop3A_84[%parallel_loop3A_147] in [0] : vector<16xi32>, vector<16xi32> -> vector<16xi32>
        %parallel_loop3A_149 = arith.constant 16383 : i32
        %parallel_loop3A_150 = vector.broadcast %parallel_loop3A_149 : i32 to vector<16xi32>
        %parallel_loop3A_151 = arith.andi %parallel_loop3A_148, %parallel_loop3A_150 : vector<16xi32>
        %parallel_loop3A_152 = arith.constant 14 : i32
        %parallel_loop3A_153 = vector.broadcast %parallel_loop3A_152 : i32 to vector<16xi32>
        %parallel_loop3A_154 = arith.shrui %parallel_loop3A_148, %parallel_loop3A_153 : vector<16xi32>
        %parallel_loop3A_155 = arith.constant 3 : i32
        %parallel_loop3A_156 = vector.broadcast %parallel_loop3A_155 : i32 to vector<16xi32>
        %parallel_loop3A_157 = arith.andi %parallel_loop3A_154, %parallel_loop3A_156 : vector<16xi32>
        %parallel_loop3A_158 = arith.constant 16 : i32
        %parallel_loop3A_159 = vector.broadcast %parallel_loop3A_158 : i32 to vector<16xi32>
        %parallel_loop3A_160 = arith.shrui %parallel_loop3A_148, %parallel_loop3A_159 : vector<16xi32>
        %parallel_loop3A_161 = tpu.vector_load_idx %arg12[%parallel_loop3A_157] : memref<16xf32, #tpu.memory_space<vmem>>[vector<16xi32>], vector<16xf32>,
        %parallel_loop3A_162 = arith.constant 4 : i32
        %parallel_loop3A_163 = vector.broadcast %parallel_loop3A_162 : i32 to vector<16xi32>
        %parallel_loop3A_164 = arith.muli %parallel_loop3A_151, %parallel_loop3A_163 : vector<16xi32>
        %parallel_loop3A_165 = arith.addi %parallel_loop3A_164, %and3A_2 : vector<16xi32>
        %parallel_loop3A_166 = tpu.vector_load_idx %arg8[%parallel_loop3A_165] : memref<40960xf32, #tpu.memory_space<vmem>>[vector<16xi32>], vector<16xf32>,
        %parallel_loop3A_167 = arith.mulf %parallel_loop3A_166, %parallel_loop3A_161 : vector<16xf32>
        %parallel_loop3A_168 = arith.constant 4 : i32
        %parallel_loop3A_169 = vector.broadcast %parallel_loop3A_168 : i32 to vector<16xi32>
        %parallel_loop3A_170 = arith.muli %parallel_loop3A_160, %parallel_loop3A_169 : vector<16xi32>
        %parallel_loop3A_171 = arith.addi %parallel_loop3A_170, %and3A_2 : vector<16xi32>
        tpu.vector_store_idx %arg9[%parallel_loop3A_171], %parallel_loop3A_167 {add = true} : memref<40960xf32, #tpu.memory_space<vmem>>[vector<16xi32>], vector<16xf32>,
        %parallel_loop3A_172 = arith.constant 12 : i32
        %parallel_loop3A_173 = vector.broadcast %parallel_loop3A_172 : i32 to vector<16xi32>
        %parallel_loop3A_174 = arith.addi %shift_right_logical3A_4, %parallel_loop3A_173 : vector<16xi32>
        %parallel_loop3A_175 = vector.shape_cast %parallel_loop3A_174 : vector<16xi32> to vector<16x1xi32>
        %parallel_loop3A_176 = vector.shape_cast %parallel_loop3A_175 : vector<16x1xi32> to vector<16xi32>
        %parallel_loop3A_177 = tpu.dynamic_gather %parallel_loop3A_84[%parallel_loop3A_176] in [0] : vector<16xi32>, vector<16xi32> -> vector<16xi32>
        %parallel_loop3A_178 = arith.constant 16383 : i32
        %parallel_loop3A_179 = vector.broadcast %parallel_loop3A_178 : i32 to vector<16xi32>
        %parallel_loop3A_180 = arith.andi %parallel_loop3A_177, %parallel_loop3A_179 : vector<16xi32>
        %parallel_loop3A_181 = arith.constant 14 : i32
        %parallel_loop3A_182 = vector.broadcast %parallel_loop3A_181 : i32 to vector<16xi32>
        %parallel_loop3A_183 = arith.shrui %parallel_loop3A_177, %parallel_loop3A_182 : vector<16xi32>
        %parallel_loop3A_184 = arith.constant 3 : i32
        %parallel_loop3A_185 = vector.broadcast %parallel_loop3A_184 : i32 to vector<16xi32>
        %parallel_loop3A_186 = arith.andi %parallel_loop3A_183, %parallel_loop3A_185 : vector<16xi32>
        %parallel_loop3A_187 = arith.constant 16 : i32
        %parallel_loop3A_188 = vector.broadcast %parallel_loop3A_187 : i32 to vector<16xi32>
        %parallel_loop3A_189 = arith.shrui %parallel_loop3A_177, %parallel_loop3A_188 : vector<16xi32>
        %parallel_loop3A_190 = tpu.vector_load_idx %arg12[%parallel_loop3A_186] : memref<16xf32, #tpu.memory_space<vmem>>[vector<16xi32>], vector<16xf32>,
        %parallel_loop3A_191 = arith.constant 4 : i32
        %parallel_loop3A_192 = vector.broadcast %parallel_loop3A_191 : i32 to vector<16xi32>
        %parallel_loop3A_193 = arith.muli %parallel_loop3A_180, %parallel_loop3A_192 : vector<16xi32>
        %parallel_loop3A_194 = arith.addi %parallel_loop3A_193, %and3A_2 : vector<16xi32>
        %parallel_loop3A_195 = tpu.vector_load_idx %arg8[%parallel_loop3A_194] : memref<40960xf32, #tpu.memory_space<vmem>>[vector<16xi32>], vector<16xf32>,
        %parallel_loop3A_196 = arith.mulf %parallel_loop3A_195, %parallel_loop3A_190 : vector<16xf32>
        %parallel_loop3A_197 = arith.constant 4 : i32
        %parallel_loop3A_198 = vector.broadcast %parallel_loop3A_197 : i32 to vector<16xi32>
        %parallel_loop3A_199 = arith.muli %parallel_loop3A_189, %parallel_loop3A_198 : vector<16xi32>
        %parallel_loop3A_200 = arith.addi %parallel_loop3A_199, %and3A_2 : vector<16xi32>
        tpu.vector_store_idx %arg9[%parallel_loop3A_200], %parallel_loop3A_196 {add = true} : memref<40960xf32, #tpu.memory_space<vmem>>[vector<16xi32>], vector<16xf32>,
      } {sc.loop_unroll_factor = 4 : i64, sc.parallel_access}
      %add3A_68 = arith.constant 2 : i32
      %add3A_69 = arith.addi %mul3A_55, %add3A_68 : i32
      %lt3A = arith.constant 80 : i32
      %lt3A_70 = arith.cmpi slt, %add3A_69, %lt3A : i32
      %convert_element_type3A = arith.extui %lt3A_70 : i1 to i32
      %cond3A = arith.constant 0 : i32
      %cond3A_71 = arith.cmpi ne, %convert_element_type3A, %cond3A : i32
      scf.if %cond3A_71 {
        %add3A_80 = arith.constant 2 : i32
        %add3A_81 = arith.addi %mul3A_55, %add3A_80 : i32
        %mul3A_82 = arith.constant 2048 : i32
        %mul3A_83 = arith.muli %add3A_81, %mul3A_82 : i32
        %dma_start3A_84 = tpu.memref_slice %arg3[%mul3A_83] : memref<163840xi32, #tpu.memory_space<hbm>> -> memref<2048xi32, #tpu.memory_space<hbm>>
        %dma_start3A_85 = tpu.memref_slice %arg3[%mul3A_83] : memref<163840xi32, #tpu.memory_space<hbm>> -> memref<2048xi32, #tpu.memory_space<hbm>>
        tpu.enqueue_dma source(%dma_start3A_85 : memref<2048xi32, #tpu.memory_space<hbm>>) target(%arg10 : memref<2048xi32, #tpu.memory_space<vmem>>) target_semaphore(%arg13 : memref<!tpu.dma_semaphore, #tpu.memory_space<semaphore_mem>>)
      } else {
      }
      %dma_wait3A_72 = arith.constant 0 : i32
      %dma_wait3A_73 = tpu.memref_slice %arg3[%dma_wait3A_72] : memref<163840xi32, #tpu.memory_space<hbm>> -> memref<2048xi32, #tpu.memory_space<hbm>>
      %dma_wait3A_74 = arith.constant 0 : i32
      %dma_wait3A_75 = tpu.memref_slice %arg3[%dma_wait3A_74] : memref<163840xi32, #tpu.memory_space<hbm>> -> memref<2048xi32, #tpu.memory_space<hbm>>
      tpu.wait_dma2 semaphore(%arg14 : memref<!tpu.dma_semaphore, #tpu.memory_space<semaphore_mem>>) src(%dma_wait3A_75 : memref<2048xi32, #tpu.memory_space<hbm>>) dst(%arg11 : memref<2048xi32, #tpu.memory_space<vmem>>)
      %parallel_loop3A_76 = arith.constant 0 : i32
      %parallel_loop3A_77 = arith.constant 128 : i32
      %parallel_loop3A_78 = arith.constant 1 : i32
      scf.for %parallel_loop3A_80 = %parallel_loop3A_76 to %parallel_loop3A_77 step %parallel_loop3A_78  : i32 {
        %parallel_loop3A_81 = arith.constant 16 : i32
        %parallel_loop3A_82 = arith.muli %parallel_loop3A_80, %parallel_loop3A_81 : i32
        %parallel_loop3A_83 = arith.index_cast %parallel_loop3A_82 : i32 to index
        %parallel_loop3A_84 = tpu.vector_load %arg11[%parallel_loop3A_83] {strides = array<i32>} : memref<2048xi32, #tpu.memory_space<vmem>>, vector<16xi32>,
        %parallel_loop3A_85 = arith.constant 0 : i32
        %parallel_loop3A_86 = vector.broadcast %parallel_loop3A_85 : i32 to vector<16xi32>
        %parallel_loop3A_87 = arith.addi %shift_right_logical3A_4, %parallel_loop3A_86 : vector<16xi32>
        %parallel_loop3A_88 = vector.shape_cast %parallel_loop3A_87 : vector<16xi32> to vector<16x1xi32>
        %parallel_loop3A_89 = vector.shape_cast %parallel_loop3A_88 : vector<16x1xi32> to vector<16xi32>
        %parallel_loop3A_90 = tpu.dynamic_gather %parallel_loop3A_84[%parallel_loop3A_89] in [0] : vector<16xi32>, vector<16xi32> -> vector<16xi32>
        %parallel_loop3A_91 = arith.constant 16383 : i32
        %parallel_loop3A_92 = vector.broadcast %parallel_loop3A_91 : i32 to vector<16xi32>
        %parallel_loop3A_93 = arith.andi %parallel_loop3A_90, %parallel_loop3A_92 : vector<16xi32>
        %parallel_loop3A_94 = arith.constant 14 : i32
        %parallel_loop3A_95 = vector.broadcast %parallel_loop3A_94 : i32 to vector<16xi32>
        %parallel_loop3A_96 = arith.shrui %parallel_loop3A_90, %parallel_loop3A_95 : vector<16xi32>
        %parallel_loop3A_97 = arith.constant 3 : i32
        %parallel_loop3A_98 = vector.broadcast %parallel_loop3A_97 : i32 to vector<16xi32>
        %parallel_loop3A_99 = arith.andi %parallel_loop3A_96, %parallel_loop3A_98 : vector<16xi32>
        %parallel_loop3A_100 = arith.constant 16 : i32
        %parallel_loop3A_101 = vector.broadcast %parallel_loop3A_100 : i32 to vector<16xi32>
        %parallel_loop3A_102 = arith.shrui %parallel_loop3A_90, %parallel_loop3A_101 : vector<16xi32>
        %parallel_loop3A_103 = tpu.vector_load_idx %arg12[%parallel_loop3A_99] : memref<16xf32, #tpu.memory_space<vmem>>[vector<16xi32>], vector<16xf32>,
        %parallel_loop3A_104 = arith.constant 4 : i32
        %parallel_loop3A_105 = vector.broadcast %parallel_loop3A_104 : i32 to vector<16xi32>
        %parallel_loop3A_106 = arith.muli %parallel_loop3A_93, %parallel_loop3A_105 : vector<16xi32>
        %parallel_loop3A_107 = arith.addi %parallel_loop3A_106, %and3A_2 : vector<16xi32>
        %parallel_loop3A_108 = tpu.vector_load_idx %arg8[%parallel_loop3A_107] : memref<40960xf32, #tpu.memory_space<vmem>>[vector<16xi32>], vector<16xf32>,
        %parallel_loop3A_109 = arith.mulf %parallel_loop3A_108, %parallel_loop3A_103 : vector<16xf32>
        %parallel_loop3A_110 = arith.constant 4 : i32
        %parallel_loop3A_111 = vector.broadcast %parallel_loop3A_110 : i32 to vector<16xi32>
        %parallel_loop3A_112 = arith.muli %parallel_loop3A_102, %parallel_loop3A_111 : vector<16xi32>
        %parallel_loop3A_113 = arith.addi %parallel_loop3A_112, %and3A_2 : vector<16xi32>
        tpu.vector_store_idx %arg9[%parallel_loop3A_113], %parallel_loop3A_109 {add = true} : memref<40960xf32, #tpu.memory_space<vmem>>[vector<16xi32>], vector<16xf32>,
        %parallel_loop3A_114 = arith.constant 4 : i32
        %parallel_loop3A_115 = vector.broadcast %parallel_loop3A_114 : i32 to vector<16xi32>
        %parallel_loop3A_116 = arith.addi %shift_right_logical3A_4, %parallel_loop3A_115 : vector<16xi32>
        %parallel_loop3A_117 = vector.shape_cast %parallel_loop3A_116 : vector<16xi32> to vector<16x1xi32>
        %parallel_loop3A_118 = vector.shape_cast %parallel_loop3A_117 : vector<16x1xi32> to vector<16xi32>
        %parallel_loop3A_119 = tpu.dynamic_gather %parallel_loop3A_84[%parallel_loop3A_118] in [0] : vector<16xi32>, vector<16xi32> -> vector<16xi32>
        %parallel_loop3A_120 = arith.constant 16383 : i32
        %parallel_loop3A_121 = vector.broadcast %parallel_loop3A_120 : i32 to vector<16xi32>
        %parallel_loop3A_122 = arith.andi %parallel_loop3A_119, %parallel_loop3A_121 : vector<16xi32>
        %parallel_loop3A_123 = arith.constant 14 : i32
        %parallel_loop3A_124 = vector.broadcast %parallel_loop3A_123 : i32 to vector<16xi32>
        %parallel_loop3A_125 = arith.shrui %parallel_loop3A_119, %parallel_loop3A_124 : vector<16xi32>
        %parallel_loop3A_126 = arith.constant 3 : i32
        %parallel_loop3A_127 = vector.broadcast %parallel_loop3A_126 : i32 to vector<16xi32>
        %parallel_loop3A_128 = arith.andi %parallel_loop3A_125, %parallel_loop3A_127 : vector<16xi32>
        %parallel_loop3A_129 = arith.constant 16 : i32
        %parallel_loop3A_130 = vector.broadcast %parallel_loop3A_129 : i32 to vector<16xi32>
        %parallel_loop3A_131 = arith.shrui %parallel_loop3A_119, %parallel_loop3A_130 : vector<16xi32>
        %parallel_loop3A_132 = tpu.vector_load_idx %arg12[%parallel_loop3A_128] : memref<16xf32, #tpu.memory_space<vmem>>[vector<16xi32>], vector<16xf32>,
        %parallel_loop3A_133 = arith.constant 4 : i32
        %parallel_loop3A_134 = vector.broadcast %parallel_loop3A_133 : i32 to vector<16xi32>
        %parallel_loop3A_135 = arith.muli %parallel_loop3A_122, %parallel_loop3A_134 : vector<16xi32>
        %parallel_loop3A_136 = arith.addi %parallel_loop3A_135, %and3A_2 : vector<16xi32>
        %parallel_loop3A_137 = tpu.vector_load_idx %arg8[%parallel_loop3A_136] : memref<40960xf32, #tpu.memory_space<vmem>>[vector<16xi32>], vector<16xf32>,
        %parallel_loop3A_138 = arith.mulf %parallel_loop3A_137, %parallel_loop3A_132 : vector<16xf32>
        %parallel_loop3A_139 = arith.constant 4 : i32
        %parallel_loop3A_140 = vector.broadcast %parallel_loop3A_139 : i32 to vector<16xi32>
        %parallel_loop3A_141 = arith.muli %parallel_loop3A_131, %parallel_loop3A_140 : vector<16xi32>
        %parallel_loop3A_142 = arith.addi %parallel_loop3A_141, %and3A_2 : vector<16xi32>
        tpu.vector_store_idx %arg9[%parallel_loop3A_142], %parallel_loop3A_138 {add = true} : memref<40960xf32, #tpu.memory_space<vmem>>[vector<16xi32>], vector<16xf32>,
        %parallel_loop3A_143 = arith.constant 8 : i32
        %parallel_loop3A_144 = vector.broadcast %parallel_loop3A_143 : i32 to vector<16xi32>
        %parallel_loop3A_145 = arith.addi %shift_right_logical3A_4, %parallel_loop3A_144 : vector<16xi32>
        %parallel_loop3A_146 = vector.shape_cast %parallel_loop3A_145 : vector<16xi32> to vector<16x1xi32>
        %parallel_loop3A_147 = vector.shape_cast %parallel_loop3A_146 : vector<16x1xi32> to vector<16xi32>
        %parallel_loop3A_148 = tpu.dynamic_gather %parallel_loop3A_84[%parallel_loop3A_147] in [0] : vector<16xi32>, vector<16xi32> -> vector<16xi32>
        %parallel_loop3A_149 = arith.constant 16383 : i32
        %parallel_loop3A_150 = vector.broadcast %parallel_loop3A_149 : i32 to vector<16xi32>
        %parallel_loop3A_151 = arith.andi %parallel_loop3A_148, %parallel_loop3A_150 : vector<16xi32>
        %parallel_loop3A_152 = arith.constant 14 : i32
        %parallel_loop3A_153 = vector.broadcast %parallel_loop3A_152 : i32 to vector<16xi32>
        %parallel_loop3A_154 = arith.shrui %parallel_loop3A_148, %parallel_loop3A_153 : vector<16xi32>
        %parallel_loop3A_155 = arith.constant 3 : i32
        %parallel_loop3A_156 = vector.broadcast %parallel_loop3A_155 : i32 to vector<16xi32>
        %parallel_loop3A_157 = arith.andi %parallel_loop3A_154, %parallel_loop3A_156 : vector<16xi32>
        %parallel_loop3A_158 = arith.constant 16 : i32
        %parallel_loop3A_159 = vector.broadcast %parallel_loop3A_158 : i32 to vector<16xi32>
        %parallel_loop3A_160 = arith.shrui %parallel_loop3A_148, %parallel_loop3A_159 : vector<16xi32>
        %parallel_loop3A_161 = tpu.vector_load_idx %arg12[%parallel_loop3A_157] : memref<16xf32, #tpu.memory_space<vmem>>[vector<16xi32>], vector<16xf32>,
        %parallel_loop3A_162 = arith.constant 4 : i32
        %parallel_loop3A_163 = vector.broadcast %parallel_loop3A_162 : i32 to vector<16xi32>
        %parallel_loop3A_164 = arith.muli %parallel_loop3A_151, %parallel_loop3A_163 : vector<16xi32>
        %parallel_loop3A_165 = arith.addi %parallel_loop3A_164, %and3A_2 : vector<16xi32>
        %parallel_loop3A_166 = tpu.vector_load_idx %arg8[%parallel_loop3A_165] : memref<40960xf32, #tpu.memory_space<vmem>>[vector<16xi32>], vector<16xf32>,
        %parallel_loop3A_167 = arith.mulf %parallel_loop3A_166, %parallel_loop3A_161 : vector<16xf32>
        %parallel_loop3A_168 = arith.constant 4 : i32
        %parallel_loop3A_169 = vector.broadcast %parallel_loop3A_168 : i32 to vector<16xi32>
        %parallel_loop3A_170 = arith.muli %parallel_loop3A_160, %parallel_loop3A_169 : vector<16xi32>
        %parallel_loop3A_171 = arith.addi %parallel_loop3A_170, %and3A_2 : vector<16xi32>
        tpu.vector_store_idx %arg9[%parallel_loop3A_171], %parallel_loop3A_167 {add = true} : memref<40960xf32, #tpu.memory_space<vmem>>[vector<16xi32>], vector<16xf32>,
        %parallel_loop3A_172 = arith.constant 12 : i32
        %parallel_loop3A_173 = vector.broadcast %parallel_loop3A_172 : i32 to vector<16xi32>
        %parallel_loop3A_174 = arith.addi %shift_right_logical3A_4, %parallel_loop3A_173 : vector<16xi32>
        %parallel_loop3A_175 = vector.shape_cast %parallel_loop3A_174 : vector<16xi32> to vector<16x1xi32>
        %parallel_loop3A_176 = vector.shape_cast %parallel_loop3A_175 : vector<16x1xi32> to vector<16xi32>
        %parallel_loop3A_177 = tpu.dynamic_gather %parallel_loop3A_84[%parallel_loop3A_176] in [0] : vector<16xi32>, vector<16xi32> -> vector<16xi32>
        %parallel_loop3A_178 = arith.constant 16383 : i32
        %parallel_loop3A_179 = vector.broadcast %parallel_loop3A_178 : i32 to vector<16xi32>
        %parallel_loop3A_180 = arith.andi %parallel_loop3A_177, %parallel_loop3A_179 : vector<16xi32>
        %parallel_loop3A_181 = arith.constant 14 : i32
        %parallel_loop3A_182 = vector.broadcast %parallel_loop3A_181 : i32 to vector<16xi32>
        %parallel_loop3A_183 = arith.shrui %parallel_loop3A_177, %parallel_loop3A_182 : vector<16xi32>
        %parallel_loop3A_184 = arith.constant 3 : i32
        %parallel_loop3A_185 = vector.broadcast %parallel_loop3A_184 : i32 to vector<16xi32>
        %parallel_loop3A_186 = arith.andi %parallel_loop3A_183, %parallel_loop3A_185 : vector<16xi32>
        %parallel_loop3A_187 = arith.constant 16 : i32
        %parallel_loop3A_188 = vector.broadcast %parallel_loop3A_187 : i32 to vector<16xi32>
        %parallel_loop3A_189 = arith.shrui %parallel_loop3A_177, %parallel_loop3A_188 : vector<16xi32>
        %parallel_loop3A_190 = tpu.vector_load_idx %arg12[%parallel_loop3A_186] : memref<16xf32, #tpu.memory_space<vmem>>[vector<16xi32>], vector<16xf32>,
        %parallel_loop3A_191 = arith.constant 4 : i32
        %parallel_loop3A_192 = vector.broadcast %parallel_loop3A_191 : i32 to vector<16xi32>
        %parallel_loop3A_193 = arith.muli %parallel_loop3A_180, %parallel_loop3A_192 : vector<16xi32>
        %parallel_loop3A_194 = arith.addi %parallel_loop3A_193, %and3A_2 : vector<16xi32>
        %parallel_loop3A_195 = tpu.vector_load_idx %arg8[%parallel_loop3A_194] : memref<40960xf32, #tpu.memory_space<vmem>>[vector<16xi32>], vector<16xf32>,
        %parallel_loop3A_196 = arith.mulf %parallel_loop3A_195, %parallel_loop3A_190 : vector<16xf32>
        %parallel_loop3A_197 = arith.constant 4 : i32
        %parallel_loop3A_198 = vector.broadcast %parallel_loop3A_197 : i32 to vector<16xi32>
        %parallel_loop3A_199 = arith.muli %parallel_loop3A_189, %parallel_loop3A_198 : vector<16xi32>
        %parallel_loop3A_200 = arith.addi %parallel_loop3A_199, %and3A_2 : vector<16xi32>
        tpu.vector_store_idx %arg9[%parallel_loop3A_200], %parallel_loop3A_196 {add = true} : memref<40960xf32, #tpu.memory_space<vmem>>[vector<16xi32>], vector<16xf32>,
      } {sc.loop_unroll_factor = 4 : i64, sc.parallel_access}
      %scan3A_79 = arith.constant 0 : i32
      scf.yield %scan3A_79 : i32
    }
    %scan3A_21 = arith.constant 40 : i32
    %parallel_loop3A_22 = arith.constant 0 : i32
    %parallel_loop3A_23 = arith.constant 640 : i32
    %parallel_loop3A_24 = arith.constant 1 : i32
    scf.for %parallel_loop3A_52 = %parallel_loop3A_22 to %parallel_loop3A_23 step %parallel_loop3A_24  : i32 {
      %parallel_loop3A_53 = arith.constant 16 : i32
      %parallel_loop3A_54 = arith.muli %parallel_loop3A_52, %parallel_loop3A_53 : i32
      %parallel_loop3A_55 = vector.broadcast %parallel_loop3A_54 : i32 to vector<16xi32>
      %parallel_loop3A_56 = arith.addi %parallel_loop3A_55, %iota3A : vector<16xi32>
      %parallel_loop3A_57 = arith.constant 4 : i32
      %parallel_loop3A_58 = vector.broadcast %parallel_loop3A_57 : i32 to vector<16xi32>
      %parallel_loop3A_59 = arith.muli %parallel_loop3A_56, %parallel_loop3A_58 : vector<16xi32>
      %parallel_loop3A_60 = arith.constant 0 : i32
      %parallel_loop3A_61 = vector.broadcast %parallel_loop3A_60 : i32 to vector<16xi32>
      %parallel_loop3A_62 = arith.addi %parallel_loop3A_59, %parallel_loop3A_61 : vector<16xi32>
      %parallel_loop3A_63 = tpu.vector_load_idx %arg9[%parallel_loop3A_62] : memref<40960xf32, #tpu.memory_space<vmem>>[vector<16xi32>], vector<16xf32>,
      %parallel_loop3A_64 = arith.constant 0 : i32
      %parallel_loop3A_65 = arith.addi %parallel_loop3A_64, %parallel_loop3A_54 : i32
      %parallel_loop3A_66 = arith.index_cast %parallel_loop3A_65 : i32 to index
      %parallel_loop3A_67 = tpu.vector_load %arg7[%parallel_loop3A_66] {strides = array<i32>} : memref<40960xf32, #tpu.memory_space<vmem>>, vector<16xf32>,
      tpu.vector_store %arg7[%parallel_loop3A_66], %parallel_loop3A_63 {strides = array<i32>} : memref<40960xf32, #tpu.memory_space<vmem>>, vector<16xf32>,
      %parallel_loop3A_68 = vector.broadcast %parallel_loop3A_54 : i32 to vector<16xi32>
      %parallel_loop3A_69 = arith.addi %parallel_loop3A_68, %iota3A : vector<16xi32>
      %parallel_loop3A_70 = arith.constant 4 : i32
      %parallel_loop3A_71 = vector.broadcast %parallel_loop3A_70 : i32 to vector<16xi32>
      %parallel_loop3A_72 = arith.muli %parallel_loop3A_69, %parallel_loop3A_71 : vector<16xi32>
      %parallel_loop3A_73 = arith.constant 1 : i32
      %parallel_loop3A_74 = vector.broadcast %parallel_loop3A_73 : i32 to vector<16xi32>
      %parallel_loop3A_75 = arith.addi %parallel_loop3A_72, %parallel_loop3A_74 : vector<16xi32>
      %parallel_loop3A_76 = tpu.vector_load_idx %arg9[%parallel_loop3A_75] : memref<40960xf32, #tpu.memory_space<vmem>>[vector<16xi32>], vector<16xf32>,
      %parallel_loop3A_77 = arith.constant 10240 : i32
      %parallel_loop3A_78 = arith.addi %parallel_loop3A_77, %parallel_loop3A_54 : i32
      %parallel_loop3A_79 = arith.index_cast %parallel_loop3A_78 : i32 to index
      %parallel_loop3A_80 = tpu.vector_load %arg7[%parallel_loop3A_79] {strides = array<i32>} : memref<40960xf32, #tpu.memory_space<vmem>>, vector<16xf32>,
      tpu.vector_store %arg7[%parallel_loop3A_79], %parallel_loop3A_76 {strides = array<i32>} : memref<40960xf32, #tpu.memory_space<vmem>>, vector<16xf32>,
      %parallel_loop3A_81 = vector.broadcast %parallel_loop3A_54 : i32 to vector<16xi32>
      %parallel_loop3A_82 = arith.addi %parallel_loop3A_81, %iota3A : vector<16xi32>
      %parallel_loop3A_83 = arith.constant 4 : i32
      %parallel_loop3A_84 = vector.broadcast %parallel_loop3A_83 : i32 to vector<16xi32>
      %parallel_loop3A_85 = arith.muli %parallel_loop3A_82, %parallel_loop3A_84 : vector<16xi32>
      %parallel_loop3A_86 = arith.constant 2 : i32
      %parallel_loop3A_87 = vector.broadcast %parallel_loop3A_86 : i32 to vector<16xi32>
      %parallel_loop3A_88 = arith.addi %parallel_loop3A_85, %parallel_loop3A_87 : vector<16xi32>
      %parallel_loop3A_89 = tpu.vector_load_idx %arg9[%parallel_loop3A_88] : memref<40960xf32, #tpu.memory_space<vmem>>[vector<16xi32>], vector<16xf32>,
      %parallel_loop3A_90 = arith.constant 20480 : i32
      %parallel_loop3A_91 = arith.addi %parallel_loop3A_90, %parallel_loop3A_54 : i32
      %parallel_loop3A_92 = arith.index_cast %parallel_loop3A_91 : i32 to index
      %parallel_loop3A_93 = tpu.vector_load %arg7[%parallel_loop3A_92] {strides = array<i32>} : memref<40960xf32, #tpu.memory_space<vmem>>, vector<16xf32>,
      tpu.vector_store %arg7[%parallel_loop3A_92], %parallel_loop3A_89 {strides = array<i32>} : memref<40960xf32, #tpu.memory_space<vmem>>, vector<16xf32>,
      %parallel_loop3A_94 = vector.broadcast %parallel_loop3A_54 : i32 to vector<16xi32>
      %parallel_loop3A_95 = arith.addi %parallel_loop3A_94, %iota3A : vector<16xi32>
      %parallel_loop3A_96 = arith.constant 4 : i32
      %parallel_loop3A_97 = vector.broadcast %parallel_loop3A_96 : i32 to vector<16xi32>
      %parallel_loop3A_98 = arith.muli %parallel_loop3A_95, %parallel_loop3A_97 : vector<16xi32>
      %parallel_loop3A_99 = arith.constant 3 : i32
      %parallel_loop3A_100 = vector.broadcast %parallel_loop3A_99 : i32 to vector<16xi32>
      %parallel_loop3A_101 = arith.addi %parallel_loop3A_98, %parallel_loop3A_100 : vector<16xi32>
      %parallel_loop3A_102 = tpu.vector_load_idx %arg9[%parallel_loop3A_101] : memref<40960xf32, #tpu.memory_space<vmem>>[vector<16xi32>], vector<16xf32>,
      %parallel_loop3A_103 = arith.constant 30720 : i32
      %parallel_loop3A_104 = arith.addi %parallel_loop3A_103, %parallel_loop3A_54 : i32
      %parallel_loop3A_105 = arith.index_cast %parallel_loop3A_104 : i32 to index
      %parallel_loop3A_106 = tpu.vector_load %arg7[%parallel_loop3A_105] {strides = array<i32>} : memref<40960xf32, #tpu.memory_space<vmem>>, vector<16xf32>,
      tpu.vector_store %arg7[%parallel_loop3A_105], %parallel_loop3A_102 {strides = array<i32>} : memref<40960xf32, #tpu.memory_space<vmem>>, vector<16xf32>,
    } {sc.loop_unroll_factor = 4 : i64, sc.parallel_access}
    %mul3A_25 = arith.constant 10240 : i32
    %mul3A_26 = arith.muli %add3A_8, %mul3A_25 : i32
    "tpu.region"() ({
      %run_scoped3A = tpu.sem_alloc : memref<!tpu.dma_semaphore, #tpu.memory_space<semaphore_mem>>
      %dma_start3A_52 = tpu.memref_slice %arg6[%mul3A_26] : memref<2621440xf32, #tpu.memory_space<hbm>> -> memref<40960xf32, #tpu.memory_space<hbm>>
      %dma_start3A_53 = tpu.memref_slice %arg6[%mul3A_26] : memref<2621440xf32, #tpu.memory_space<hbm>> -> memref<40960xf32, #tpu.memory_space<hbm>>
      tpu.enqueue_dma source(%arg7 : memref<40960xf32, #tpu.memory_space<vmem>>) target(%dma_start3A_53 : memref<40960xf32, #tpu.memory_space<hbm>>) target_semaphore(%run_scoped3A : memref<!tpu.dma_semaphore, #tpu.memory_space<semaphore_mem>>)
      %dma_wait3A = tpu.memref_slice %arg6[%mul3A_26] : memref<2621440xf32, #tpu.memory_space<hbm>> -> memref<40960xf32, #tpu.memory_space<hbm>>
      %dma_wait3A_54 = tpu.memref_slice %arg6[%mul3A_26] : memref<2621440xf32, #tpu.memory_space<hbm>> -> memref<40960xf32, #tpu.memory_space<hbm>>
      tpu.wait_dma2 semaphore(%run_scoped3A : memref<!tpu.dma_semaphore, #tpu.memory_space<semaphore_mem>>) src(%arg7 : memref<40960xf32, #tpu.memory_space<vmem>>) dst(%dma_wait3A_54 : memref<40960xf32, #tpu.memory_space<hbm>>)
      tpu.yield
    }) : () -> ()
    %mul3A_27 = arith.constant 4 : i32
    %mul3A_28 = arith.muli %add3A, %mul3A_27 : i32
    %add3A_29 = arith.constant 128 : i32
    %add3A_30 = arith.addi %add3A_29, %mul3A_28 : i32
    %mul3A_31 = arith.constant 10240 : i32
    %mul3A_32 = arith.muli %add3A_30, %mul3A_31 : i32
    "tpu.region"() ({
      %run_scoped3A = tpu.sem_alloc : memref<!tpu.dma_semaphore, #tpu.memory_space<semaphore_mem>>
      %dma_start3A_52 = tpu.memref_slice %arg2[%mul3A_32] : memref<2621440xf32, #tpu.memory_space<hbm>> -> memref<40960xf32, #tpu.memory_space<hbm>>
      %dma_start3A_53 = tpu.memref_slice %arg2[%mul3A_32] : memref<2621440xf32, #tpu.memory_space<hbm>> -> memref<40960xf32, #tpu.memory_space<hbm>>
      tpu.enqueue_dma source(%dma_start3A_53 : memref<40960xf32, #tpu.memory_space<hbm>>) target(%arg7 : memref<40960xf32, #tpu.memory_space<vmem>>) target_semaphore(%run_scoped3A : memref<!tpu.dma_semaphore, #tpu.memory_space<semaphore_mem>>)
      %dma_wait3A = tpu.memref_slice %arg2[%mul3A_32] : memref<2621440xf32, #tpu.memory_space<hbm>> -> memref<40960xf32, #tpu.memory_space<hbm>>
      %dma_wait3A_54 = tpu.memref_slice %arg2[%mul3A_32] : memref<2621440xf32, #tpu.memory_space<hbm>> -> memref<40960xf32, #tpu.memory_space<hbm>>
      tpu.wait_dma2 semaphore(%run_scoped3A : memref<!tpu.dma_semaphore, #tpu.memory_space<semaphore_mem>>) src(%dma_wait3A_54 : memref<40960xf32, #tpu.memory_space<hbm>>) dst(%arg7 : memref<40960xf32, #tpu.memory_space<vmem>>)
      tpu.yield
    }) : () -> ()
    "tpu.region"() ({
      %run_scoped3A = tpu.sem_alloc : memref<!tpu.dma_semaphore, #tpu.memory_space<semaphore_mem>>
      tpu.enqueue_dma source(%arg5 : memref<40960xf32, #tpu.memory_space<hbm>>) target(%arg9 : memref<40960xf32, #tpu.memory_space<vmem>>) target_semaphore(%run_scoped3A : memref<!tpu.dma_semaphore, #tpu.memory_space<semaphore_mem>>)
      tpu.wait_dma2 semaphore(%run_scoped3A : memref<!tpu.dma_semaphore, #tpu.memory_space<semaphore_mem>>) src(%arg5 : memref<40960xf32, #tpu.memory_space<hbm>>) dst(%arg9 : memref<40960xf32, #tpu.memory_space<vmem>>)
      tpu.yield
    }) : () -> ()
    %parallel_loop3A_33 = arith.constant 0 : i32
    %parallel_loop3A_34 = arith.constant 640 : i32
    %parallel_loop3A_35 = arith.constant 1 : i32
    scf.for %parallel_loop3A_52 = %parallel_loop3A_33 to %parallel_loop3A_34 step %parallel_loop3A_35  : i32 {
      %parallel_loop3A_53 = arith.constant 16 : i32
      %parallel_loop3A_54 = arith.muli %parallel_loop3A_52, %parallel_loop3A_53 : i32
      %parallel_loop3A_55 = arith.constant 0 : i32
      %parallel_loop3A_56 = arith.addi %parallel_loop3A_55, %parallel_loop3A_54 : i32
      %parallel_loop3A_57 = arith.index_cast %parallel_loop3A_56 : i32 to index
      %parallel_loop3A_58 = tpu.vector_load %arg7[%parallel_loop3A_57] {strides = array<i32>} : memref<40960xf32, #tpu.memory_space<vmem>>, vector<16xf32>,
      %parallel_loop3A_59 = vector.broadcast %parallel_loop3A_54 : i32 to vector<16xi32>
      %parallel_loop3A_60 = arith.addi %parallel_loop3A_59, %iota3A : vector<16xi32>
      %parallel_loop3A_61 = arith.constant 4 : i32
      %parallel_loop3A_62 = vector.broadcast %parallel_loop3A_61 : i32 to vector<16xi32>
      %parallel_loop3A_63 = arith.muli %parallel_loop3A_60, %parallel_loop3A_62 : vector<16xi32>
      %parallel_loop3A_64 = arith.constant 0 : i32
      %parallel_loop3A_65 = vector.broadcast %parallel_loop3A_64 : i32 to vector<16xi32>
      %parallel_loop3A_66 = arith.addi %parallel_loop3A_63, %parallel_loop3A_65 : vector<16xi32>
      tpu.vector_store_idx %arg8[%parallel_loop3A_66], %parallel_loop3A_58 : memref<40960xf32, #tpu.memory_space<vmem>>[vector<16xi32>], vector<16xf32>,
      %parallel_loop3A_67 = arith.constant 10240 : i32
      %parallel_loop3A_68 = arith.addi %parallel_loop3A_67, %parallel_loop3A_54 : i32
      %parallel_loop3A_69 = arith.index_cast %parallel_loop3A_68 : i32 to index
      %parallel_loop3A_70 = tpu.vector_load %arg7[%parallel_loop3A_69] {strides = array<i32>} : memref<40960xf32, #tpu.memory_space<vmem>>, vector<16xf32>,
      %parallel_loop3A_71 = vector.broadcast %parallel_loop3A_54 : i32 to vector<16xi32>
      %parallel_loop3A_72 = arith.addi %parallel_loop3A_71, %iota3A : vector<16xi32>
      %parallel_loop3A_73 = arith.constant 4 : i32
      %parallel_loop3A_74 = vector.broadcast %parallel_loop3A_73 : i32 to vector<16xi32>
      %parallel_loop3A_75 = arith.muli %parallel_loop3A_72, %parallel_loop3A_74 : vector<16xi32>
      %parallel_loop3A_76 = arith.constant 1 : i32
      %parallel_loop3A_77 = vector.broadcast %parallel_loop3A_76 : i32 to vector<16xi32>
      %parallel_loop3A_78 = arith.addi %parallel_loop3A_75, %parallel_loop3A_77 : vector<16xi32>
      tpu.vector_store_idx %arg8[%parallel_loop3A_78], %parallel_loop3A_70 : memref<40960xf32, #tpu.memory_space<vmem>>[vector<16xi32>], vector<16xf32>,
      %parallel_loop3A_79 = arith.constant 20480 : i32
      %parallel_loop3A_80 = arith.addi %parallel_loop3A_79, %parallel_loop3A_54 : i32
      %parallel_loop3A_81 = arith.index_cast %parallel_loop3A_80 : i32 to index
      %parallel_loop3A_82 = tpu.vector_load %arg7[%parallel_loop3A_81] {strides = array<i32>} : memref<40960xf32, #tpu.memory_space<vmem>>, vector<16xf32>,
      %parallel_loop3A_83 = vector.broadcast %parallel_loop3A_54 : i32 to vector<16xi32>
      %parallel_loop3A_84 = arith.addi %parallel_loop3A_83, %iota3A : vector<16xi32>
      %parallel_loop3A_85 = arith.constant 4 : i32
      %parallel_loop3A_86 = vector.broadcast %parallel_loop3A_85 : i32 to vector<16xi32>
      %parallel_loop3A_87 = arith.muli %parallel_loop3A_84, %parallel_loop3A_86 : vector<16xi32>
      %parallel_loop3A_88 = arith.constant 2 : i32
      %parallel_loop3A_89 = vector.broadcast %parallel_loop3A_88 : i32 to vector<16xi32>
      %parallel_loop3A_90 = arith.addi %parallel_loop3A_87, %parallel_loop3A_89 : vector<16xi32>
      tpu.vector_store_idx %arg8[%parallel_loop3A_90], %parallel_loop3A_82 : memref<40960xf32, #tpu.memory_space<vmem>>[vector<16xi32>], vector<16xf32>,
      %parallel_loop3A_91 = arith.constant 30720 : i32
      %parallel_loop3A_92 = arith.addi %parallel_loop3A_91, %parallel_loop3A_54 : i32
      %parallel_loop3A_93 = arith.index_cast %parallel_loop3A_92 : i32 to index
      %parallel_loop3A_94 = tpu.vector_load %arg7[%parallel_loop3A_93] {strides = array<i32>} : memref<40960xf32, #tpu.memory_space<vmem>>, vector<16xf32>,
      %parallel_loop3A_95 = vector.broadcast %parallel_loop3A_54 : i32 to vector<16xi32>
      %parallel_loop3A_96 = arith.addi %parallel_loop3A_95, %iota3A : vector<16xi32>
      %parallel_loop3A_97 = arith.constant 4 : i32
      %parallel_loop3A_98 = vector.broadcast %parallel_loop3A_97 : i32 to vector<16xi32>
      %parallel_loop3A_99 = arith.muli %parallel_loop3A_96, %parallel_loop3A_98 : vector<16xi32>
      %parallel_loop3A_100 = arith.constant 3 : i32
      %parallel_loop3A_101 = vector.broadcast %parallel_loop3A_100 : i32 to vector<16xi32>
      %parallel_loop3A_102 = arith.addi %parallel_loop3A_99, %parallel_loop3A_101 : vector<16xi32>
      tpu.vector_store_idx %arg8[%parallel_loop3A_102], %parallel_loop3A_94 : memref<40960xf32, #tpu.memory_space<vmem>>[vector<16xi32>], vector<16xf32>,
    } {sc.loop_unroll_factor = 4 : i64, sc.parallel_access}
    %dma_start3A_36 = arith.constant 0 : i32
    %dma_start3A_37 = tpu.memref_slice %arg3[%dma_start3A_36] : memref<163840xi32, #tpu.memory_space<hbm>> -> memref<2048xi32, #tpu.memory_space<hbm>>
    %dma_start3A_38 = arith.constant 0 : i32
    %dma_start3A_39 = tpu.memref_slice %arg3[%dma_start3A_38] : memref<163840xi32, #tpu.memory_space<hbm>> -> memref<2048xi32, #tpu.memory_space<hbm>>
    tpu.enqueue_dma source(%dma_start3A_39 : memref<2048xi32, #tpu.memory_space<hbm>>) target(%arg10 : memref<2048xi32, #tpu.memory_space<vmem>>) target_semaphore(%arg13 : memref<!tpu.dma_semaphore, #tpu.memory_space<semaphore_mem>>)
    %scan3A_40 = arith.constant 0 : i32
    %scan3A_41 = arith.constant 0 : i32
    %scan3A_42 = arith.constant 40 : i32
    %scan3A_43 = arith.addi %scan3A_41, %scan3A_42 : i32
    %scan3A_44 = arith.constant 1 : i32
    %scan3A_45 = scf.for %scan3A_52 = %scan3A_41 to %scan3A_43 step %scan3A_44 iter_args(%scan3A_53 = %scan3A_40) -> (i32)  : i32 {
      %mul3A_54 = arith.constant 2 : i32
      %mul3A_55 = arith.muli %mul3A_54, %scan3A_52 : i32
      %add3A_56 = arith.constant 1 : i32
      %add3A_57 = arith.addi %mul3A_55, %add3A_56 : i32
      %mul3A_58 = arith.constant 2048 : i32
      %mul3A_59 = arith.muli %add3A_57, %mul3A_58 : i32
      %dma_start3A_60 = tpu.memref_slice %arg3[%mul3A_59] : memref<163840xi32, #tpu.memory_space<hbm>> -> memref<2048xi32, #tpu.memory_space<hbm>>
      %dma_start3A_61 = tpu.memref_slice %arg3[%mul3A_59] : memref<163840xi32, #tpu.memory_space<hbm>> -> memref<2048xi32, #tpu.memory_space<hbm>>
      tpu.enqueue_dma source(%dma_start3A_61 : memref<2048xi32, #tpu.memory_space<hbm>>) target(%arg11 : memref<2048xi32, #tpu.memory_space<vmem>>) target_semaphore(%arg14 : memref<!tpu.dma_semaphore, #tpu.memory_space<semaphore_mem>>)
      %dma_wait3A = arith.constant 0 : i32
      %dma_wait3A_62 = tpu.memref_slice %arg3[%dma_wait3A] : memref<163840xi32, #tpu.memory_space<hbm>> -> memref<2048xi32, #tpu.memory_space<hbm>>
      %dma_wait3A_63 = arith.constant 0 : i32
      %dma_wait3A_64 = tpu.memref_slice %arg3[%dma_wait3A_63] : memref<163840xi32, #tpu.memory_space<hbm>> -> memref<2048xi32, #tpu.memory_space<hbm>>
      tpu.wait_dma2 semaphore(%arg13 : memref<!tpu.dma_semaphore, #tpu.memory_space<semaphore_mem>>) src(%dma_wait3A_64 : memref<2048xi32, #tpu.memory_space<hbm>>) dst(%arg10 : memref<2048xi32, #tpu.memory_space<vmem>>)
      %parallel_loop3A_65 = arith.constant 0 : i32
      %parallel_loop3A_66 = arith.constant 128 : i32
      %parallel_loop3A_67 = arith.constant 1 : i32
      scf.for %parallel_loop3A_80 = %parallel_loop3A_65 to %parallel_loop3A_66 step %parallel_loop3A_67  : i32 {
        %parallel_loop3A_81 = arith.constant 16 : i32
        %parallel_loop3A_82 = arith.muli %parallel_loop3A_80, %parallel_loop3A_81 : i32
        %parallel_loop3A_83 = arith.index_cast %parallel_loop3A_82 : i32 to index
        %parallel_loop3A_84 = tpu.vector_load %arg10[%parallel_loop3A_83] {strides = array<i32>} : memref<2048xi32, #tpu.memory_space<vmem>>, vector<16xi32>,
        %parallel_loop3A_85 = arith.constant 0 : i32
        %parallel_loop3A_86 = vector.broadcast %parallel_loop3A_85 : i32 to vector<16xi32>
        %parallel_loop3A_87 = arith.addi %shift_right_logical3A_4, %parallel_loop3A_86 : vector<16xi32>
        %parallel_loop3A_88 = vector.shape_cast %parallel_loop3A_87 : vector<16xi32> to vector<16x1xi32>
        %parallel_loop3A_89 = vector.shape_cast %parallel_loop3A_88 : vector<16x1xi32> to vector<16xi32>
        %parallel_loop3A_90 = tpu.dynamic_gather %parallel_loop3A_84[%parallel_loop3A_89] in [0] : vector<16xi32>, vector<16xi32> -> vector<16xi32>
        %parallel_loop3A_91 = arith.constant 16383 : i32
        %parallel_loop3A_92 = vector.broadcast %parallel_loop3A_91 : i32 to vector<16xi32>
        %parallel_loop3A_93 = arith.andi %parallel_loop3A_90, %parallel_loop3A_92 : vector<16xi32>
        %parallel_loop3A_94 = arith.constant 14 : i32
        %parallel_loop3A_95 = vector.broadcast %parallel_loop3A_94 : i32 to vector<16xi32>
        %parallel_loop3A_96 = arith.shrui %parallel_loop3A_90, %parallel_loop3A_95 : vector<16xi32>
        %parallel_loop3A_97 = arith.constant 3 : i32
        %parallel_loop3A_98 = vector.broadcast %parallel_loop3A_97 : i32 to vector<16xi32>
        %parallel_loop3A_99 = arith.andi %parallel_loop3A_96, %parallel_loop3A_98 : vector<16xi32>
        %parallel_loop3A_100 = arith.constant 16 : i32
        %parallel_loop3A_101 = vector.broadcast %parallel_loop3A_100 : i32 to vector<16xi32>
        %parallel_loop3A_102 = arith.shrui %parallel_loop3A_90, %parallel_loop3A_101 : vector<16xi32>
        %parallel_loop3A_103 = tpu.vector_load_idx %arg12[%parallel_loop3A_99] : memref<16xf32, #tpu.memory_space<vmem>>[vector<16xi32>], vector<16xf32>,
        %parallel_loop3A_104 = arith.constant 4 : i32
        %parallel_loop3A_105 = vector.broadcast %parallel_loop3A_104 : i32 to vector<16xi32>
        %parallel_loop3A_106 = arith.muli %parallel_loop3A_93, %parallel_loop3A_105 : vector<16xi32>
        %parallel_loop3A_107 = arith.addi %parallel_loop3A_106, %and3A_2 : vector<16xi32>
        %parallel_loop3A_108 = tpu.vector_load_idx %arg8[%parallel_loop3A_107] : memref<40960xf32, #tpu.memory_space<vmem>>[vector<16xi32>], vector<16xf32>,
        %parallel_loop3A_109 = arith.mulf %parallel_loop3A_108, %parallel_loop3A_103 : vector<16xf32>
        %parallel_loop3A_110 = arith.constant 4 : i32
        %parallel_loop3A_111 = vector.broadcast %parallel_loop3A_110 : i32 to vector<16xi32>
        %parallel_loop3A_112 = arith.muli %parallel_loop3A_102, %parallel_loop3A_111 : vector<16xi32>
        %parallel_loop3A_113 = arith.addi %parallel_loop3A_112, %and3A_2 : vector<16xi32>
        tpu.vector_store_idx %arg9[%parallel_loop3A_113], %parallel_loop3A_109 {add = true} : memref<40960xf32, #tpu.memory_space<vmem>>[vector<16xi32>], vector<16xf32>,
        %parallel_loop3A_114 = arith.constant 4 : i32
        %parallel_loop3A_115 = vector.broadcast %parallel_loop3A_114 : i32 to vector<16xi32>
        %parallel_loop3A_116 = arith.addi %shift_right_logical3A_4, %parallel_loop3A_115 : vector<16xi32>
        %parallel_loop3A_117 = vector.shape_cast %parallel_loop3A_116 : vector<16xi32> to vector<16x1xi32>
        %parallel_loop3A_118 = vector.shape_cast %parallel_loop3A_117 : vector<16x1xi32> to vector<16xi32>
        %parallel_loop3A_119 = tpu.dynamic_gather %parallel_loop3A_84[%parallel_loop3A_118] in [0] : vector<16xi32>, vector<16xi32> -> vector<16xi32>
        %parallel_loop3A_120 = arith.constant 16383 : i32
        %parallel_loop3A_121 = vector.broadcast %parallel_loop3A_120 : i32 to vector<16xi32>
        %parallel_loop3A_122 = arith.andi %parallel_loop3A_119, %parallel_loop3A_121 : vector<16xi32>
        %parallel_loop3A_123 = arith.constant 14 : i32
        %parallel_loop3A_124 = vector.broadcast %parallel_loop3A_123 : i32 to vector<16xi32>
        %parallel_loop3A_125 = arith.shrui %parallel_loop3A_119, %parallel_loop3A_124 : vector<16xi32>
        %parallel_loop3A_126 = arith.constant 3 : i32
        %parallel_loop3A_127 = vector.broadcast %parallel_loop3A_126 : i32 to vector<16xi32>
        %parallel_loop3A_128 = arith.andi %parallel_loop3A_125, %parallel_loop3A_127 : vector<16xi32>
        %parallel_loop3A_129 = arith.constant 16 : i32
        %parallel_loop3A_130 = vector.broadcast %parallel_loop3A_129 : i32 to vector<16xi32>
        %parallel_loop3A_131 = arith.shrui %parallel_loop3A_119, %parallel_loop3A_130 : vector<16xi32>
        %parallel_loop3A_132 = tpu.vector_load_idx %arg12[%parallel_loop3A_128] : memref<16xf32, #tpu.memory_space<vmem>>[vector<16xi32>], vector<16xf32>,
        %parallel_loop3A_133 = arith.constant 4 : i32
        %parallel_loop3A_134 = vector.broadcast %parallel_loop3A_133 : i32 to vector<16xi32>
        %parallel_loop3A_135 = arith.muli %parallel_loop3A_122, %parallel_loop3A_134 : vector<16xi32>
        %parallel_loop3A_136 = arith.addi %parallel_loop3A_135, %and3A_2 : vector<16xi32>
        %parallel_loop3A_137 = tpu.vector_load_idx %arg8[%parallel_loop3A_136] : memref<40960xf32, #tpu.memory_space<vmem>>[vector<16xi32>], vector<16xf32>,
        %parallel_loop3A_138 = arith.mulf %parallel_loop3A_137, %parallel_loop3A_132 : vector<16xf32>
        %parallel_loop3A_139 = arith.constant 4 : i32
        %parallel_loop3A_140 = vector.broadcast %parallel_loop3A_139 : i32 to vector<16xi32>
        %parallel_loop3A_141 = arith.muli %parallel_loop3A_131, %parallel_loop3A_140 : vector<16xi32>
        %parallel_loop3A_142 = arith.addi %parallel_loop3A_141, %and3A_2 : vector<16xi32>
        tpu.vector_store_idx %arg9[%parallel_loop3A_142], %parallel_loop3A_138 {add = true} : memref<40960xf32, #tpu.memory_space<vmem>>[vector<16xi32>], vector<16xf32>,
        %parallel_loop3A_143 = arith.constant 8 : i32
        %parallel_loop3A_144 = vector.broadcast %parallel_loop3A_143 : i32 to vector<16xi32>
        %parallel_loop3A_145 = arith.addi %shift_right_logical3A_4, %parallel_loop3A_144 : vector<16xi32>
        %parallel_loop3A_146 = vector.shape_cast %parallel_loop3A_145 : vector<16xi32> to vector<16x1xi32>
        %parallel_loop3A_147 = vector.shape_cast %parallel_loop3A_146 : vector<16x1xi32> to vector<16xi32>
        %parallel_loop3A_148 = tpu.dynamic_gather %parallel_loop3A_84[%parallel_loop3A_147] in [0] : vector<16xi32>, vector<16xi32> -> vector<16xi32>
        %parallel_loop3A_149 = arith.constant 16383 : i32
        %parallel_loop3A_150 = vector.broadcast %parallel_loop3A_149 : i32 to vector<16xi32>
        %parallel_loop3A_151 = arith.andi %parallel_loop3A_148, %parallel_loop3A_150 : vector<16xi32>
        %parallel_loop3A_152 = arith.constant 14 : i32
        %parallel_loop3A_153 = vector.broadcast %parallel_loop3A_152 : i32 to vector<16xi32>
        %parallel_loop3A_154 = arith.shrui %parallel_loop3A_148, %parallel_loop3A_153 : vector<16xi32>
        %parallel_loop3A_155 = arith.constant 3 : i32
        %parallel_loop3A_156 = vector.broadcast %parallel_loop3A_155 : i32 to vector<16xi32>
        %parallel_loop3A_157 = arith.andi %parallel_loop3A_154, %parallel_loop3A_156 : vector<16xi32>
        %parallel_loop3A_158 = arith.constant 16 : i32
        %parallel_loop3A_159 = vector.broadcast %parallel_loop3A_158 : i32 to vector<16xi32>
        %parallel_loop3A_160 = arith.shrui %parallel_loop3A_148, %parallel_loop3A_159 : vector<16xi32>
        %parallel_loop3A_161 = tpu.vector_load_idx %arg12[%parallel_loop3A_157] : memref<16xf32, #tpu.memory_space<vmem>>[vector<16xi32>], vector<16xf32>,
        %parallel_loop3A_162 = arith.constant 4 : i32
        %parallel_loop3A_163 = vector.broadcast %parallel_loop3A_162 : i32 to vector<16xi32>
        %parallel_loop3A_164 = arith.muli %parallel_loop3A_151, %parallel_loop3A_163 : vector<16xi32>
        %parallel_loop3A_165 = arith.addi %parallel_loop3A_164, %and3A_2 : vector<16xi32>
        %parallel_loop3A_166 = tpu.vector_load_idx %arg8[%parallel_loop3A_165] : memref<40960xf32, #tpu.memory_space<vmem>>[vector<16xi32>], vector<16xf32>,
        %parallel_loop3A_167 = arith.mulf %parallel_loop3A_166, %parallel_loop3A_161 : vector<16xf32>
        %parallel_loop3A_168 = arith.constant 4 : i32
        %parallel_loop3A_169 = vector.broadcast %parallel_loop3A_168 : i32 to vector<16xi32>
        %parallel_loop3A_170 = arith.muli %parallel_loop3A_160, %parallel_loop3A_169 : vector<16xi32>
        %parallel_loop3A_171 = arith.addi %parallel_loop3A_170, %and3A_2 : vector<16xi32>
        tpu.vector_store_idx %arg9[%parallel_loop3A_171], %parallel_loop3A_167 {add = true} : memref<40960xf32, #tpu.memory_space<vmem>>[vector<16xi32>], vector<16xf32>,
        %parallel_loop3A_172 = arith.constant 12 : i32
        %parallel_loop3A_173 = vector.broadcast %parallel_loop3A_172 : i32 to vector<16xi32>
        %parallel_loop3A_174 = arith.addi %shift_right_logical3A_4, %parallel_loop3A_173 : vector<16xi32>
        %parallel_loop3A_175 = vector.shape_cast %parallel_loop3A_174 : vector<16xi32> to vector<16x1xi32>
        %parallel_loop3A_176 = vector.shape_cast %parallel_loop3A_175 : vector<16x1xi32> to vector<16xi32>
        %parallel_loop3A_177 = tpu.dynamic_gather %parallel_loop3A_84[%parallel_loop3A_176] in [0] : vector<16xi32>, vector<16xi32> -> vector<16xi32>
        %parallel_loop3A_178 = arith.constant 16383 : i32
        %parallel_loop3A_179 = vector.broadcast %parallel_loop3A_178 : i32 to vector<16xi32>
        %parallel_loop3A_180 = arith.andi %parallel_loop3A_177, %parallel_loop3A_179 : vector<16xi32>
        %parallel_loop3A_181 = arith.constant 14 : i32
        %parallel_loop3A_182 = vector.broadcast %parallel_loop3A_181 : i32 to vector<16xi32>
        %parallel_loop3A_183 = arith.shrui %parallel_loop3A_177, %parallel_loop3A_182 : vector<16xi32>
        %parallel_loop3A_184 = arith.constant 3 : i32
        %parallel_loop3A_185 = vector.broadcast %parallel_loop3A_184 : i32 to vector<16xi32>
        %parallel_loop3A_186 = arith.andi %parallel_loop3A_183, %parallel_loop3A_185 : vector<16xi32>
        %parallel_loop3A_187 = arith.constant 16 : i32
        %parallel_loop3A_188 = vector.broadcast %parallel_loop3A_187 : i32 to vector<16xi32>
        %parallel_loop3A_189 = arith.shrui %parallel_loop3A_177, %parallel_loop3A_188 : vector<16xi32>
        %parallel_loop3A_190 = tpu.vector_load_idx %arg12[%parallel_loop3A_186] : memref<16xf32, #tpu.memory_space<vmem>>[vector<16xi32>], vector<16xf32>,
        %parallel_loop3A_191 = arith.constant 4 : i32
        %parallel_loop3A_192 = vector.broadcast %parallel_loop3A_191 : i32 to vector<16xi32>
        %parallel_loop3A_193 = arith.muli %parallel_loop3A_180, %parallel_loop3A_192 : vector<16xi32>
        %parallel_loop3A_194 = arith.addi %parallel_loop3A_193, %and3A_2 : vector<16xi32>
        %parallel_loop3A_195 = tpu.vector_load_idx %arg8[%parallel_loop3A_194] : memref<40960xf32, #tpu.memory_space<vmem>>[vector<16xi32>], vector<16xf32>,
        %parallel_loop3A_196 = arith.mulf %parallel_loop3A_195, %parallel_loop3A_190 : vector<16xf32>
        %parallel_loop3A_197 = arith.constant 4 : i32
        %parallel_loop3A_198 = vector.broadcast %parallel_loop3A_197 : i32 to vector<16xi32>
        %parallel_loop3A_199 = arith.muli %parallel_loop3A_189, %parallel_loop3A_198 : vector<16xi32>
        %parallel_loop3A_200 = arith.addi %parallel_loop3A_199, %and3A_2 : vector<16xi32>
        tpu.vector_store_idx %arg9[%parallel_loop3A_200], %parallel_loop3A_196 {add = true} : memref<40960xf32, #tpu.memory_space<vmem>>[vector<16xi32>], vector<16xf32>,
      } {sc.loop_unroll_factor = 4 : i64, sc.parallel_access}
      %add3A_68 = arith.constant 2 : i32
      %add3A_69 = arith.addi %mul3A_55, %add3A_68 : i32
      %lt3A = arith.constant 80 : i32
      %lt3A_70 = arith.cmpi slt, %add3A_69, %lt3A : i32
      %convert_element_type3A = arith.extui %lt3A_70 : i1 to i32
      %cond3A = arith.constant 0 : i32
      %cond3A_71 = arith.cmpi ne, %convert_element_type3A, %cond3A : i32
      scf.if %cond3A_71 {
        %add3A_80 = arith.constant 2 : i32
        %add3A_81 = arith.addi %mul3A_55, %add3A_80 : i32
        %mul3A_82 = arith.constant 2048 : i32
        %mul3A_83 = arith.muli %add3A_81, %mul3A_82 : i32
        %dma_start3A_84 = tpu.memref_slice %arg3[%mul3A_83] : memref<163840xi32, #tpu.memory_space<hbm>> -> memref<2048xi32, #tpu.memory_space<hbm>>
        %dma_start3A_85 = tpu.memref_slice %arg3[%mul3A_83] : memref<163840xi32, #tpu.memory_space<hbm>> -> memref<2048xi32, #tpu.memory_space<hbm>>
        tpu.enqueue_dma source(%dma_start3A_85 : memref<2048xi32, #tpu.memory_space<hbm>>) target(%arg10 : memref<2048xi32, #tpu.memory_space<vmem>>) target_semaphore(%arg13 : memref<!tpu.dma_semaphore, #tpu.memory_space<semaphore_mem>>)
      } else {
      }
      %dma_wait3A_72 = arith.constant 0 : i32
      %dma_wait3A_73 = tpu.memref_slice %arg3[%dma_wait3A_72] : memref<163840xi32, #tpu.memory_space<hbm>> -> memref<2048xi32, #tpu.memory_space<hbm>>
      %dma_wait3A_74 = arith.constant 0 : i32
      %dma_wait3A_75 = tpu.memref_slice %arg3[%dma_wait3A_74] : memref<163840xi32, #tpu.memory_space<hbm>> -> memref<2048xi32, #tpu.memory_space<hbm>>
      tpu.wait_dma2 semaphore(%arg14 : memref<!tpu.dma_semaphore, #tpu.memory_space<semaphore_mem>>) src(%dma_wait3A_75 : memref<2048xi32, #tpu.memory_space<hbm>>) dst(%arg11 : memref<2048xi32, #tpu.memory_space<vmem>>)
      %parallel_loop3A_76 = arith.constant 0 : i32
      %parallel_loop3A_77 = arith.constant 128 : i32
      %parallel_loop3A_78 = arith.constant 1 : i32
      scf.for %parallel_loop3A_80 = %parallel_loop3A_76 to %parallel_loop3A_77 step %parallel_loop3A_78  : i32 {
        %parallel_loop3A_81 = arith.constant 16 : i32
        %parallel_loop3A_82 = arith.muli %parallel_loop3A_80, %parallel_loop3A_81 : i32
        %parallel_loop3A_83 = arith.index_cast %parallel_loop3A_82 : i32 to index
        %parallel_loop3A_84 = tpu.vector_load %arg11[%parallel_loop3A_83] {strides = array<i32>} : memref<2048xi32, #tpu.memory_space<vmem>>, vector<16xi32>,
        %parallel_loop3A_85 = arith.constant 0 : i32
        %parallel_loop3A_86 = vector.broadcast %parallel_loop3A_85 : i32 to vector<16xi32>
        %parallel_loop3A_87 = arith.addi %shift_right_logical3A_4, %parallel_loop3A_86 : vector<16xi32>
        %parallel_loop3A_88 = vector.shape_cast %parallel_loop3A_87 : vector<16xi32> to vector<16x1xi32>
        %parallel_loop3A_89 = vector.shape_cast %parallel_loop3A_88 : vector<16x1xi32> to vector<16xi32>
        %parallel_loop3A_90 = tpu.dynamic_gather %parallel_loop3A_84[%parallel_loop3A_89] in [0] : vector<16xi32>, vector<16xi32> -> vector<16xi32>
        %parallel_loop3A_91 = arith.constant 16383 : i32
        %parallel_loop3A_92 = vector.broadcast %parallel_loop3A_91 : i32 to vector<16xi32>
        %parallel_loop3A_93 = arith.andi %parallel_loop3A_90, %parallel_loop3A_92 : vector<16xi32>
        %parallel_loop3A_94 = arith.constant 14 : i32
        %parallel_loop3A_95 = vector.broadcast %parallel_loop3A_94 : i32 to vector<16xi32>
        %parallel_loop3A_96 = arith.shrui %parallel_loop3A_90, %parallel_loop3A_95 : vector<16xi32>
        %parallel_loop3A_97 = arith.constant 3 : i32
        %parallel_loop3A_98 = vector.broadcast %parallel_loop3A_97 : i32 to vector<16xi32>
        %parallel_loop3A_99 = arith.andi %parallel_loop3A_96, %parallel_loop3A_98 : vector<16xi32>
        %parallel_loop3A_100 = arith.constant 16 : i32
        %parallel_loop3A_101 = vector.broadcast %parallel_loop3A_100 : i32 to vector<16xi32>
        %parallel_loop3A_102 = arith.shrui %parallel_loop3A_90, %parallel_loop3A_101 : vector<16xi32>
        %parallel_loop3A_103 = tpu.vector_load_idx %arg12[%parallel_loop3A_99] : memref<16xf32, #tpu.memory_space<vmem>>[vector<16xi32>], vector<16xf32>,
        %parallel_loop3A_104 = arith.constant 4 : i32
        %parallel_loop3A_105 = vector.broadcast %parallel_loop3A_104 : i32 to vector<16xi32>
        %parallel_loop3A_106 = arith.muli %parallel_loop3A_93, %parallel_loop3A_105 : vector<16xi32>
        %parallel_loop3A_107 = arith.addi %parallel_loop3A_106, %and3A_2 : vector<16xi32>
        %parallel_loop3A_108 = tpu.vector_load_idx %arg8[%parallel_loop3A_107] : memref<40960xf32, #tpu.memory_space<vmem>>[vector<16xi32>], vector<16xf32>,
        %parallel_loop3A_109 = arith.mulf %parallel_loop3A_108, %parallel_loop3A_103 : vector<16xf32>
        %parallel_loop3A_110 = arith.constant 4 : i32
        %parallel_loop3A_111 = vector.broadcast %parallel_loop3A_110 : i32 to vector<16xi32>
        %parallel_loop3A_112 = arith.muli %parallel_loop3A_102, %parallel_loop3A_111 : vector<16xi32>
        %parallel_loop3A_113 = arith.addi %parallel_loop3A_112, %and3A_2 : vector<16xi32>
        tpu.vector_store_idx %arg9[%parallel_loop3A_113], %parallel_loop3A_109 {add = true} : memref<40960xf32, #tpu.memory_space<vmem>>[vector<16xi32>], vector<16xf32>,
        %parallel_loop3A_114 = arith.constant 4 : i32
        %parallel_loop3A_115 = vector.broadcast %parallel_loop3A_114 : i32 to vector<16xi32>
        %parallel_loop3A_116 = arith.addi %shift_right_logical3A_4, %parallel_loop3A_115 : vector<16xi32>
        %parallel_loop3A_117 = vector.shape_cast %parallel_loop3A_116 : vector<16xi32> to vector<16x1xi32>
        %parallel_loop3A_118 = vector.shape_cast %parallel_loop3A_117 : vector<16x1xi32> to vector<16xi32>
        %parallel_loop3A_119 = tpu.dynamic_gather %parallel_loop3A_84[%parallel_loop3A_118] in [0] : vector<16xi32>, vector<16xi32> -> vector<16xi32>
        %parallel_loop3A_120 = arith.constant 16383 : i32
        %parallel_loop3A_121 = vector.broadcast %parallel_loop3A_120 : i32 to vector<16xi32>
        %parallel_loop3A_122 = arith.andi %parallel_loop3A_119, %parallel_loop3A_121 : vector<16xi32>
        %parallel_loop3A_123 = arith.constant 14 : i32
        %parallel_loop3A_124 = vector.broadcast %parallel_loop3A_123 : i32 to vector<16xi32>
        %parallel_loop3A_125 = arith.shrui %parallel_loop3A_119, %parallel_loop3A_124 : vector<16xi32>
        %parallel_loop3A_126 = arith.constant 3 : i32
        %parallel_loop3A_127 = vector.broadcast %parallel_loop3A_126 : i32 to vector<16xi32>
        %parallel_loop3A_128 = arith.andi %parallel_loop3A_125, %parallel_loop3A_127 : vector<16xi32>
        %parallel_loop3A_129 = arith.constant 16 : i32
        %parallel_loop3A_130 = vector.broadcast %parallel_loop3A_129 : i32 to vector<16xi32>
        %parallel_loop3A_131 = arith.shrui %parallel_loop3A_119, %parallel_loop3A_130 : vector<16xi32>
        %parallel_loop3A_132 = tpu.vector_load_idx %arg12[%parallel_loop3A_128] : memref<16xf32, #tpu.memory_space<vmem>>[vector<16xi32>], vector<16xf32>,
        %parallel_loop3A_133 = arith.constant 4 : i32
        %parallel_loop3A_134 = vector.broadcast %parallel_loop3A_133 : i32 to vector<16xi32>
        %parallel_loop3A_135 = arith.muli %parallel_loop3A_122, %parallel_loop3A_134 : vector<16xi32>
        %parallel_loop3A_136 = arith.addi %parallel_loop3A_135, %and3A_2 : vector<16xi32>
        %parallel_loop3A_137 = tpu.vector_load_idx %arg8[%parallel_loop3A_136] : memref<40960xf32, #tpu.memory_space<vmem>>[vector<16xi32>], vector<16xf32>,
        %parallel_loop3A_138 = arith.mulf %parallel_loop3A_137, %parallel_loop3A_132 : vector<16xf32>
        %parallel_loop3A_139 = arith.constant 4 : i32
        %parallel_loop3A_140 = vector.broadcast %parallel_loop3A_139 : i32 to vector<16xi32>
        %parallel_loop3A_141 = arith.muli %parallel_loop3A_131, %parallel_loop3A_140 : vector<16xi32>
        %parallel_loop3A_142 = arith.addi %parallel_loop3A_141, %and3A_2 : vector<16xi32>
        tpu.vector_store_idx %arg9[%parallel_loop3A_142], %parallel_loop3A_138 {add = true} : memref<40960xf32, #tpu.memory_space<vmem>>[vector<16xi32>], vector<16xf32>,
        %parallel_loop3A_143 = arith.constant 8 : i32
        %parallel_loop3A_144 = vector.broadcast %parallel_loop3A_143 : i32 to vector<16xi32>
        %parallel_loop3A_145 = arith.addi %shift_right_logical3A_4, %parallel_loop3A_144 : vector<16xi32>
        %parallel_loop3A_146 = vector.shape_cast %parallel_loop3A_145 : vector<16xi32> to vector<16x1xi32>
        %parallel_loop3A_147 = vector.shape_cast %parallel_loop3A_146 : vector<16x1xi32> to vector<16xi32>
        %parallel_loop3A_148 = tpu.dynamic_gather %parallel_loop3A_84[%parallel_loop3A_147] in [0] : vector<16xi32>, vector<16xi32> -> vector<16xi32>
        %parallel_loop3A_149 = arith.constant 16383 : i32
        %parallel_loop3A_150 = vector.broadcast %parallel_loop3A_149 : i32 to vector<16xi32>
        %parallel_loop3A_151 = arith.andi %parallel_loop3A_148, %parallel_loop3A_150 : vector<16xi32>
        %parallel_loop3A_152 = arith.constant 14 : i32
        %parallel_loop3A_153 = vector.broadcast %parallel_loop3A_152 : i32 to vector<16xi32>
        %parallel_loop3A_154 = arith.shrui %parallel_loop3A_148, %parallel_loop3A_153 : vector<16xi32>
        %parallel_loop3A_155 = arith.constant 3 : i32
        %parallel_loop3A_156 = vector.broadcast %parallel_loop3A_155 : i32 to vector<16xi32>
        %parallel_loop3A_157 = arith.andi %parallel_loop3A_154, %parallel_loop3A_156 : vector<16xi32>
        %parallel_loop3A_158 = arith.constant 16 : i32
        %parallel_loop3A_159 = vector.broadcast %parallel_loop3A_158 : i32 to vector<16xi32>
        %parallel_loop3A_160 = arith.shrui %parallel_loop3A_148, %parallel_loop3A_159 : vector<16xi32>
        %parallel_loop3A_161 = tpu.vector_load_idx %arg12[%parallel_loop3A_157] : memref<16xf32, #tpu.memory_space<vmem>>[vector<16xi32>], vector<16xf32>,
        %parallel_loop3A_162 = arith.constant 4 : i32
        %parallel_loop3A_163 = vector.broadcast %parallel_loop3A_162 : i32 to vector<16xi32>
        %parallel_loop3A_164 = arith.muli %parallel_loop3A_151, %parallel_loop3A_163 : vector<16xi32>
        %parallel_loop3A_165 = arith.addi %parallel_loop3A_164, %and3A_2 : vector<16xi32>
        %parallel_loop3A_166 = tpu.vector_load_idx %arg8[%parallel_loop3A_165] : memref<40960xf32, #tpu.memory_space<vmem>>[vector<16xi32>], vector<16xf32>,
        %parallel_loop3A_167 = arith.mulf %parallel_loop3A_166, %parallel_loop3A_161 : vector<16xf32>
        %parallel_loop3A_168 = arith.constant 4 : i32
        %parallel_loop3A_169 = vector.broadcast %parallel_loop3A_168 : i32 to vector<16xi32>
        %parallel_loop3A_170 = arith.muli %parallel_loop3A_160, %parallel_loop3A_169 : vector<16xi32>
        %parallel_loop3A_171 = arith.addi %parallel_loop3A_170, %and3A_2 : vector<16xi32>
        tpu.vector_store_idx %arg9[%parallel_loop3A_171], %parallel_loop3A_167 {add = true} : memref<40960xf32, #tpu.memory_space<vmem>>[vector<16xi32>], vector<16xf32>,
        %parallel_loop3A_172 = arith.constant 12 : i32
        %parallel_loop3A_173 = vector.broadcast %parallel_loop3A_172 : i32 to vector<16xi32>
        %parallel_loop3A_174 = arith.addi %shift_right_logical3A_4, %parallel_loop3A_173 : vector<16xi32>
        %parallel_loop3A_175 = vector.shape_cast %parallel_loop3A_174 : vector<16xi32> to vector<16x1xi32>
        %parallel_loop3A_176 = vector.shape_cast %parallel_loop3A_175 : vector<16x1xi32> to vector<16xi32>
        %parallel_loop3A_177 = tpu.dynamic_gather %parallel_loop3A_84[%parallel_loop3A_176] in [0] : vector<16xi32>, vector<16xi32> -> vector<16xi32>
        %parallel_loop3A_178 = arith.constant 16383 : i32
        %parallel_loop3A_179 = vector.broadcast %parallel_loop3A_178 : i32 to vector<16xi32>
        %parallel_loop3A_180 = arith.andi %parallel_loop3A_177, %parallel_loop3A_179 : vector<16xi32>
        %parallel_loop3A_181 = arith.constant 14 : i32
        %parallel_loop3A_182 = vector.broadcast %parallel_loop3A_181 : i32 to vector<16xi32>
        %parallel_loop3A_183 = arith.shrui %parallel_loop3A_177, %parallel_loop3A_182 : vector<16xi32>
        %parallel_loop3A_184 = arith.constant 3 : i32
        %parallel_loop3A_185 = vector.broadcast %parallel_loop3A_184 : i32 to vector<16xi32>
        %parallel_loop3A_186 = arith.andi %parallel_loop3A_183, %parallel_loop3A_185 : vector<16xi32>
        %parallel_loop3A_187 = arith.constant 16 : i32
        %parallel_loop3A_188 = vector.broadcast %parallel_loop3A_187 : i32 to vector<16xi32>
        %parallel_loop3A_189 = arith.shrui %parallel_loop3A_177, %parallel_loop3A_188 : vector<16xi32>
        %parallel_loop3A_190 = tpu.vector_load_idx %arg12[%parallel_loop3A_186] : memref<16xf32, #tpu.memory_space<vmem>>[vector<16xi32>], vector<16xf32>,
        %parallel_loop3A_191 = arith.constant 4 : i32
        %parallel_loop3A_192 = vector.broadcast %parallel_loop3A_191 : i32 to vector<16xi32>
        %parallel_loop3A_193 = arith.muli %parallel_loop3A_180, %parallel_loop3A_192 : vector<16xi32>
        %parallel_loop3A_194 = arith.addi %parallel_loop3A_193, %and3A_2 : vector<16xi32>
        %parallel_loop3A_195 = tpu.vector_load_idx %arg8[%parallel_loop3A_194] : memref<40960xf32, #tpu.memory_space<vmem>>[vector<16xi32>], vector<16xf32>,
        %parallel_loop3A_196 = arith.mulf %parallel_loop3A_195, %parallel_loop3A_190 : vector<16xf32>
        %parallel_loop3A_197 = arith.constant 4 : i32
        %parallel_loop3A_198 = vector.broadcast %parallel_loop3A_197 : i32 to vector<16xi32>
        %parallel_loop3A_199 = arith.muli %parallel_loop3A_189, %parallel_loop3A_198 : vector<16xi32>
        %parallel_loop3A_200 = arith.addi %parallel_loop3A_199, %and3A_2 : vector<16xi32>
        tpu.vector_store_idx %arg9[%parallel_loop3A_200], %parallel_loop3A_196 {add = true} : memref<40960xf32, #tpu.memory_space<vmem>>[vector<16xi32>], vector<16xf32>,
      } {sc.loop_unroll_factor = 4 : i64, sc.parallel_access}
      %scan3A_79 = arith.constant 0 : i32
      scf.yield %scan3A_79 : i32
    }
    %scan3A_46 = arith.constant 40 : i32
    %parallel_loop3A_47 = arith.constant 0 : i32
    %parallel_loop3A_48 = arith.constant 640 : i32
    %parallel_loop3A_49 = arith.constant 1 : i32
    scf.for %parallel_loop3A_52 = %parallel_loop3A_47 to %parallel_loop3A_48 step %parallel_loop3A_49  : i32 {
      %parallel_loop3A_53 = arith.constant 16 : i32
      %parallel_loop3A_54 = arith.muli %parallel_loop3A_52, %parallel_loop3A_53 : i32
      %parallel_loop3A_55 = vector.broadcast %parallel_loop3A_54 : i32 to vector<16xi32>
      %parallel_loop3A_56 = arith.addi %parallel_loop3A_55, %iota3A : vector<16xi32>
      %parallel_loop3A_57 = arith.constant 4 : i32
      %parallel_loop3A_58 = vector.broadcast %parallel_loop3A_57 : i32 to vector<16xi32>
      %parallel_loop3A_59 = arith.muli %parallel_loop3A_56, %parallel_loop3A_58 : vector<16xi32>
      %parallel_loop3A_60 = arith.constant 0 : i32
      %parallel_loop3A_61 = vector.broadcast %parallel_loop3A_60 : i32 to vector<16xi32>
      %parallel_loop3A_62 = arith.addi %parallel_loop3A_59, %parallel_loop3A_61 : vector<16xi32>
      %parallel_loop3A_63 = tpu.vector_load_idx %arg9[%parallel_loop3A_62] : memref<40960xf32, #tpu.memory_space<vmem>>[vector<16xi32>], vector<16xf32>,
      %parallel_loop3A_64 = arith.constant 0 : i32
      %parallel_loop3A_65 = arith.addi %parallel_loop3A_64, %parallel_loop3A_54 : i32
      %parallel_loop3A_66 = arith.index_cast %parallel_loop3A_65 : i32 to index
      %parallel_loop3A_67 = tpu.vector_load %arg7[%parallel_loop3A_66] {strides = array<i32>} : memref<40960xf32, #tpu.memory_space<vmem>>, vector<16xf32>,
      tpu.vector_store %arg7[%parallel_loop3A_66], %parallel_loop3A_63 {strides = array<i32>} : memref<40960xf32, #tpu.memory_space<vmem>>, vector<16xf32>,
      %parallel_loop3A_68 = vector.broadcast %parallel_loop3A_54 : i32 to vector<16xi32>
      %parallel_loop3A_69 = arith.addi %parallel_loop3A_68, %iota3A : vector<16xi32>
      %parallel_loop3A_70 = arith.constant 4 : i32
      %parallel_loop3A_71 = vector.broadcast %parallel_loop3A_70 : i32 to vector<16xi32>
      %parallel_loop3A_72 = arith.muli %parallel_loop3A_69, %parallel_loop3A_71 : vector<16xi32>
      %parallel_loop3A_73 = arith.constant 1 : i32
      %parallel_loop3A_74 = vector.broadcast %parallel_loop3A_73 : i32 to vector<16xi32>
      %parallel_loop3A_75 = arith.addi %parallel_loop3A_72, %parallel_loop3A_74 : vector<16xi32>
      %parallel_loop3A_76 = tpu.vector_load_idx %arg9[%parallel_loop3A_75] : memref<40960xf32, #tpu.memory_space<vmem>>[vector<16xi32>], vector<16xf32>,
      %parallel_loop3A_77 = arith.constant 10240 : i32
      %parallel_loop3A_78 = arith.addi %parallel_loop3A_77, %parallel_loop3A_54 : i32
      %parallel_loop3A_79 = arith.index_cast %parallel_loop3A_78 : i32 to index
      %parallel_loop3A_80 = tpu.vector_load %arg7[%parallel_loop3A_79] {strides = array<i32>} : memref<40960xf32, #tpu.memory_space<vmem>>, vector<16xf32>,
      tpu.vector_store %arg7[%parallel_loop3A_79], %parallel_loop3A_76 {strides = array<i32>} : memref<40960xf32, #tpu.memory_space<vmem>>, vector<16xf32>,
      %parallel_loop3A_81 = vector.broadcast %parallel_loop3A_54 : i32 to vector<16xi32>
      %parallel_loop3A_82 = arith.addi %parallel_loop3A_81, %iota3A : vector<16xi32>
      %parallel_loop3A_83 = arith.constant 4 : i32
      %parallel_loop3A_84 = vector.broadcast %parallel_loop3A_83 : i32 to vector<16xi32>
      %parallel_loop3A_85 = arith.muli %parallel_loop3A_82, %parallel_loop3A_84 : vector<16xi32>
      %parallel_loop3A_86 = arith.constant 2 : i32
      %parallel_loop3A_87 = vector.broadcast %parallel_loop3A_86 : i32 to vector<16xi32>
      %parallel_loop3A_88 = arith.addi %parallel_loop3A_85, %parallel_loop3A_87 : vector<16xi32>
      %parallel_loop3A_89 = tpu.vector_load_idx %arg9[%parallel_loop3A_88] : memref<40960xf32, #tpu.memory_space<vmem>>[vector<16xi32>], vector<16xf32>,
      %parallel_loop3A_90 = arith.constant 20480 : i32
      %parallel_loop3A_91 = arith.addi %parallel_loop3A_90, %parallel_loop3A_54 : i32
      %parallel_loop3A_92 = arith.index_cast %parallel_loop3A_91 : i32 to index
      %parallel_loop3A_93 = tpu.vector_load %arg7[%parallel_loop3A_92] {strides = array<i32>} : memref<40960xf32, #tpu.memory_space<vmem>>, vector<16xf32>,
      tpu.vector_store %arg7[%parallel_loop3A_92], %parallel_loop3A_89 {strides = array<i32>} : memref<40960xf32, #tpu.memory_space<vmem>>, vector<16xf32>,
      %parallel_loop3A_94 = vector.broadcast %parallel_loop3A_54 : i32 to vector<16xi32>
      %parallel_loop3A_95 = arith.addi %parallel_loop3A_94, %iota3A : vector<16xi32>
      %parallel_loop3A_96 = arith.constant 4 : i32
      %parallel_loop3A_97 = vector.broadcast %parallel_loop3A_96 : i32 to vector<16xi32>
      %parallel_loop3A_98 = arith.muli %parallel_loop3A_95, %parallel_loop3A_97 : vector<16xi32>
      %parallel_loop3A_99 = arith.constant 3 : i32
      %parallel_loop3A_100 = vector.broadcast %parallel_loop3A_99 : i32 to vector<16xi32>
      %parallel_loop3A_101 = arith.addi %parallel_loop3A_98, %parallel_loop3A_100 : vector<16xi32>
      %parallel_loop3A_102 = tpu.vector_load_idx %arg9[%parallel_loop3A_101] : memref<40960xf32, #tpu.memory_space<vmem>>[vector<16xi32>], vector<16xf32>,
      %parallel_loop3A_103 = arith.constant 30720 : i32
      %parallel_loop3A_104 = arith.addi %parallel_loop3A_103, %parallel_loop3A_54 : i32
      %parallel_loop3A_105 = arith.index_cast %parallel_loop3A_104 : i32 to index
      %parallel_loop3A_106 = tpu.vector_load %arg7[%parallel_loop3A_105] {strides = array<i32>} : memref<40960xf32, #tpu.memory_space<vmem>>, vector<16xf32>,
      tpu.vector_store %arg7[%parallel_loop3A_105], %parallel_loop3A_102 {strides = array<i32>} : memref<40960xf32, #tpu.memory_space<vmem>>, vector<16xf32>,
    } {sc.loop_unroll_factor = 4 : i64, sc.parallel_access}
    %mul3A_50 = arith.constant 10240 : i32
    %mul3A_51 = arith.muli %add3A_30, %mul3A_50 : i32
    "tpu.region"() ({
      %run_scoped3A = tpu.sem_alloc : memref<!tpu.dma_semaphore, #tpu.memory_space<semaphore_mem>>
      %dma_start3A_52 = tpu.memref_slice %arg6[%mul3A_51] : memref<2621440xf32, #tpu.memory_space<hbm>> -> memref<40960xf32, #tpu.memory_space<hbm>>
      %dma_start3A_53 = tpu.memref_slice %arg6[%mul3A_51] : memref<2621440xf32, #tpu.memory_space<hbm>> -> memref<40960xf32, #tpu.memory_space<hbm>>
      tpu.enqueue_dma source(%arg7 : memref<40960xf32, #tpu.memory_space<vmem>>) target(%dma_start3A_53 : memref<40960xf32, #tpu.memory_space<hbm>>) target_semaphore(%run_scoped3A : memref<!tpu.dma_semaphore, #tpu.memory_space<semaphore_mem>>)
      %dma_wait3A = tpu.memref_slice %arg6[%mul3A_51] : memref<2621440xf32, #tpu.memory_space<hbm>> -> memref<40960xf32, #tpu.memory_space<hbm>>
      %dma_wait3A_54 = tpu.memref_slice %arg6[%mul3A_51] : memref<2621440xf32, #tpu.memory_space<hbm>> -> memref<40960xf32, #tpu.memory_space<hbm>>
      tpu.wait_dma2 semaphore(%run_scoped3A : memref<!tpu.dma_semaphore, #tpu.memory_space<semaphore_mem>>) src(%arg7 : memref<40960xf32, #tpu.memory_space<vmem>>) dst(%dma_wait3A_54 : memref<40960xf32, #tpu.memory_space<hbm>>)
      tpu.yield
    }) : () -> ()
    return
  }
}

module attributes {stable_mosaic.version = 14 : i64} {
  func.func @_pack_body(%arg0: i32, %arg1: memref<16x1024xi32, #tpu.memory_space<vmem>>, %arg2: memref<16x1024xi32, #tpu.memory_space<vmem>>, %arg3: memref<16x1024xi32, #tpu.memory_space<vmem>>, %arg4: memref<16x1024xi32, #tpu.memory_space<vmem>>) attributes {dimension_semantics = [#tpu.dimension_semantics<arbitrary>], iteration_bounds = array<i64: 10>, scalar_prefetch = 0 : i64, scratch_operands = 0 : i64, tpu.core_type = #tpu.core_type<tc>, window_params = [{transform_indices = @transform_0, window_bounds = array<i64: 16, 1024>}, {transform_indices = @transform_1, window_bounds = array<i64: 16, 1024>}, {transform_indices = @transform_2, window_bounds = array<i64: 16, 1024>}, {transform_indices = @transform_3, window_bounds = array<i64: 16, 1024>}]} {
    %get3A = arith.constant 0 : index
    %get3A_0 = arith.constant 0 : index
    %get3A_1 = vector.load %arg1[%get3A, %get3A_0] : memref<16x1024xi32, #tpu.memory_space<vmem>>, vector<16x1024xi32>
    %get3A_2 = arith.constant 0 : index
    %get3A_3 = arith.constant 0 : index
    %get3A_4 = vector.load %arg2[%get3A_2, %get3A_3] : memref<16x1024xi32, #tpu.memory_space<vmem>>, vector<16x1024xi32>
    %mul3A = arith.constant 16384 : i32
    %mul3A_5 = vector.broadcast %mul3A : i32 to vector<16x1024xi32>
    %mul3A_6 = arith.muli %get3A_4, %mul3A_5 : vector<16x1024xi32>
    %add3A = arith.addi %get3A_1, %mul3A_6 : vector<16x1024xi32>
    %get3A_7 = arith.constant 0 : index
    %get3A_8 = arith.constant 0 : index
    %get3A_9 = vector.load %arg3[%get3A_7, %get3A_8] : memref<16x1024xi32, #tpu.memory_space<vmem>>, vector<16x1024xi32>
    %mul3A_10 = arith.constant 65536 : i32
    %mul3A_11 = vector.broadcast %mul3A_10 : i32 to vector<16x1024xi32>
    %mul3A_12 = arith.muli %get3A_9, %mul3A_11 : vector<16x1024xi32>
    %add3A_13 = arith.addi %add3A, %mul3A_12 : vector<16x1024xi32>
    %swap3A = arith.constant 0 : index
    %swap3A_14 = arith.constant 0 : index
    %swap3A_15 = vector.load %arg4[%swap3A, %swap3A_14] : memref<16x1024xi32, #tpu.memory_space<vmem>>, vector<16x1024xi32>
    tpu.vector_store %arg4[%swap3A, %swap3A_14], %add3A_13 {strides = array<i32>} : memref<16x1024xi32, #tpu.memory_space<vmem>>, vector<16x1024xi32>,
    return
  }
  func.func @transform_0(%arg0: i32) -> (i32, i32) {
    %c0_i32 = arith.constant 0 : i32
    %c0_i32_0 = arith.constant 0 : i32
    return %arg0, %c0_i32 : i32, i32
  }
  func.func @transform_1(%arg0: i32) -> (i32, i32) {
    %c0_i32 = arith.constant 0 : i32
    %c0_i32_0 = arith.constant 0 : i32
    return %arg0, %c0_i32 : i32, i32
  }
  func.func @transform_2(%arg0: i32) -> (i32, i32) {
    %c0_i32 = arith.constant 0 : i32
    %c0_i32_0 = arith.constant 0 : i32
    return %arg0, %c0_i32 : i32, i32
  }
  func.func @transform_3(%arg0: i32) -> (i32, i32) {
    %c0_i32 = arith.constant 0 : i32
    %c0_i32_0 = arith.constant 0 : i32
    return %arg0, %c0_i32 : i32, i32
  }
}

module attributes {stable_mosaic.version = 14 : i64} {
  func.func @_xt_body(%arg0: i32, %arg1: memref<1024x256xf32, #tpu.memory_space<vmem>>, %arg2: memref<1024x32xf32, #tpu.memory_space<vmem>>, %arg3: memref<256x1024xf32, #tpu.memory_space<vmem>>) attributes {dimension_semantics = [#tpu.dimension_semantics<arbitrary>], iteration_bounds = array<i64: 10>, scalar_prefetch = 0 : i64, scratch_operands = 0 : i64, tpu.core_type = #tpu.core_type<tc>, window_params = [{transform_indices = @transform_0, window_bounds = array<i64: 1024, 256>}, {transform_indices = @transform_1, window_bounds = array<i64: 1024, 32>}, {transform_indices = @transform_2, window_bounds = array<i64: 256, 1024>}]} {
    %get3A = arith.constant 0 : index
    %get3A_0 = arith.constant 0 : index
    %get3A_1 = vector.load %arg2[%get3A, %get3A_0] : memref<1024x32xf32, #tpu.memory_space<vmem>>, vector<1024x32xf32>
    %reduce_sum3A = arith.constant dense<0.000000e+00> : vector<1024xf32>
    %reduce_sum3A_2 = vector.multi_reduction <add>, %get3A_1, %reduce_sum3A [1] : vector<1024x32xf32> to vector<1024xf32>
    %gt3A = arith.constant 0.000000e+00 : f32
    %gt3A_3 = vector.broadcast %gt3A : f32 to vector<1024xf32>
    %gt3A_4 = arith.cmpf ogt, %reduce_sum3A_2, %gt3A_3 : vector<1024xf32>
    %jit3A = arith.constant 1.000000e+00 : f32
    %broadcast_in_dim3A = vector.broadcast %jit3A : f32 to vector<1024xf32>
    %select_n3A = arith.select %gt3A_4, %reduce_sum3A_2, %broadcast_in_dim3A : vector<1024xi1>, vector<1024xf32>
    %rsqrt3A = math.rsqrt %select_n3A : vector<1024xf32>
    %jit3A_5 = arith.constant 0.000000e+00 : f32
    %broadcast_in_dim3A_6 = vector.broadcast %jit3A_5 : f32 to vector<1024xf32>
    %select_n3A_7 = arith.select %gt3A_4, %rsqrt3A, %broadcast_in_dim3A_6 : vector<1024xi1>, vector<1024xf32>
    %broadcast_in_dim3A_8 = vector.shape_cast %select_n3A_7 : vector<1024xf32> to vector<1024x1xf32>
    %get3A_9 = arith.constant 0 : index
    %get3A_10 = arith.constant 0 : index
    %get3A_11 = vector.load %arg1[%get3A_9, %get3A_10] : memref<1024x256xf32, #tpu.memory_space<vmem>>, vector<1024x256xf32>
    %mul3A = vector.broadcast %broadcast_in_dim3A_8 : vector<1024x1xf32> to vector<1024x256xf32>
    %mul3A_12 = arith.mulf %mul3A, %get3A_11 : vector<1024x256xf32>
    %transpose3A = tpu.transpose %mul3A_12, [1, 0] : vector<1024x256xf32> -> vector<256x1024xf32>
    %swap3A = arith.constant 0 : index
    %swap3A_13 = arith.constant 0 : index
    %swap3A_14 = vector.load %arg3[%swap3A, %swap3A_13] : memref<256x1024xf32, #tpu.memory_space<vmem>>, vector<256x1024xf32>
    tpu.vector_store %arg3[%swap3A, %swap3A_13], %transpose3A {strides = array<i32>} : memref<256x1024xf32, #tpu.memory_space<vmem>>, vector<256x1024xf32>,
    return
  }
  func.func @transform_0(%arg0: i32) -> (i32, i32) {
    %c0_i32 = arith.constant 0 : i32
    %c0_i32_0 = arith.constant 0 : i32
    return %arg0, %c0_i32 : i32, i32
  }
  func.func @transform_1(%arg0: i32) -> (i32, i32) {
    %c0_i32 = arith.constant 0 : i32
    %c0_i32_0 = arith.constant 0 : i32
    return %arg0, %c0_i32 : i32, i32
  }
  func.func @transform_2(%arg0: i32) -> (i32, i32) {
    %c0_i32 = arith.constant 0 : i32
    %c0_i32_0 = arith.constant 0 : i32
    return %c0_i32, %arg0 : i32, i32
  }
}

module attributes {stable_mosaic.version = 14 : i64} {
  func.func @_out_body(%arg0: i32, %arg1: memref<256x1024xf32, #tpu.memory_space<vmem>>, %arg2: memref<1024x256xf32, #tpu.memory_space<vmem>>, %arg3: memref<1024x32xf32, #tpu.memory_space<vmem>>, %arg4: memref<256x256xf32, #tpu.memory_space<vmem>>, %arg5: memref<1024x256xf32, #tpu.memory_space<vmem>>) attributes {dimension_semantics = [#tpu.dimension_semantics<arbitrary>], iteration_bounds = array<i64: 10>, scalar_prefetch = 0 : i64, scratch_operands = 0 : i64, tpu.core_type = #tpu.core_type<tc>, window_params = [{transform_indices = @transform_0, window_bounds = array<i64: 256, 1024>}, {transform_indices = @transform_1, window_bounds = array<i64: 1024, 256>}, {transform_indices = @transform_2, window_bounds = array<i64: 1024, 32>}, {pipeline_mode = #tpu.pipeline_mode<synchronous>, transform_indices = @transform_3, window_bounds = array<i64: 256, 256>}, {transform_indices = @transform_4, window_bounds = array<i64: 1024, 256>}]} {
    %get3A = arith.constant 0 : index
    %get3A_0 = arith.constant 0 : index
    %get3A_1 = vector.load %arg3[%get3A, %get3A_0] : memref<1024x32xf32, #tpu.memory_space<vmem>>, vector<1024x32xf32>
    %reduce_sum3A = arith.constant dense<0.000000e+00> : vector<1024xf32>
    %reduce_sum3A_2 = vector.multi_reduction <add>, %get3A_1, %reduce_sum3A [1] : vector<1024x32xf32> to vector<1024xf32>
    %gt3A = arith.constant 0.000000e+00 : f32
    %gt3A_3 = vector.broadcast %gt3A : f32 to vector<1024xf32>
    %gt3A_4 = arith.cmpf ogt, %reduce_sum3A_2, %gt3A_3 : vector<1024xf32>
    %jit3A = arith.constant 1.000000e+00 : f32
    %broadcast_in_dim3A = vector.broadcast %jit3A : f32 to vector<1024xf32>
    %select_n3A = arith.select %gt3A_4, %reduce_sum3A_2, %broadcast_in_dim3A : vector<1024xi1>, vector<1024xf32>
    %rsqrt3A = math.rsqrt %select_n3A : vector<1024xf32>
    %jit3A_5 = arith.constant 0.000000e+00 : f32
    %broadcast_in_dim3A_6 = vector.broadcast %jit3A_5 : f32 to vector<1024xf32>
    %select_n3A_7 = arith.select %gt3A_4, %rsqrt3A, %broadcast_in_dim3A_6 : vector<1024xi1>, vector<1024xf32>
    %broadcast_in_dim3A_8 = vector.shape_cast %select_n3A_7 : vector<1024xf32> to vector<1024x1xf32>
    %get3A_9 = arith.constant 0 : index
    %get3A_10 = arith.constant 0 : index
    %get3A_11 = vector.load %arg1[%get3A_9, %get3A_10] : memref<256x1024xf32, #tpu.memory_space<vmem>>, vector<256x1024xf32>
    %transpose3A = tpu.transpose %get3A_11, [1, 0] : vector<256x1024xf32> -> vector<1024x256xf32>
    %mul3A = vector.broadcast %broadcast_in_dim3A_8 : vector<1024x1xf32> to vector<1024x256xf32>
    %mul3A_12 = arith.mulf %mul3A, %transpose3A : vector<1024x256xf32>
    %mul3A_13 = arith.constant 0.899999976 : f32
    %mul3A_14 = vector.broadcast %mul3A_13 : f32 to vector<1024x256xf32>
    %mul3A_15 = arith.mulf %mul3A_14, %mul3A_12 : vector<1024x256xf32>
    %get3A_16 = arith.constant 0 : index
    %get3A_17 = arith.constant 0 : index
    %get3A_18 = vector.load %arg2[%get3A_16, %get3A_17] : memref<1024x256xf32, #tpu.memory_space<vmem>>, vector<1024x256xf32>
    %mul3A_19 = arith.constant 1.000000e-01 : f32
    %mul3A_20 = vector.broadcast %mul3A_19 : f32 to vector<1024x256xf32>
    %mul3A_21 = arith.mulf %mul3A_20, %get3A_18 : vector<1024x256xf32>
    %add3A = arith.addf %mul3A_15, %mul3A_21 : vector<1024x256xf32>
    %mul3A_22 = arith.constant 5.000000e-01 : f32
    %mul3A_23 = vector.broadcast %mul3A_22 : f32 to vector<1024x256xf32>
    %mul3A_24 = arith.mulf %mul3A_23, %add3A : vector<1024x256xf32>
    %get3A_25 = arith.constant 0 : index
    %get3A_26 = arith.constant 0 : index
    %get3A_27 = vector.load %arg4[%get3A_25, %get3A_26] : memref<256x256xf32, #tpu.memory_space<vmem>>, vector<256x256xf32>
    %dot_general3A = arith.constant dense<0.000000e+00> : vector<1024x256xf32>
    %dot_general3A_28 = tpu.matmul %add3A, %get3A_27, %dot_general3A {dimension_numbers = #tpu.dot_dimension_numbers<[1], [0], [0], [1], [0, 0, 1, 1], [], []>, transpose_lhs_hint = false} : vector<1024x256xf32>, vector<256x256xf32>, vector<1024x256xf32> -> vector<1024x256xf32>
    %mul3A_29 = arith.constant 5.000000e-01 : f32
    %mul3A_30 = vector.broadcast %mul3A_29 : f32 to vector<1024x256xf32>
    %mul3A_31 = arith.mulf %mul3A_30, %dot_general3A_28 : vector<1024x256xf32>
    %add3A_32 = arith.addf %mul3A_24, %mul3A_31 : vector<1024x256xf32>
    %swap3A = arith.constant 0 : index
    %swap3A_33 = arith.constant 0 : index
    %swap3A_34 = vector.load %arg5[%swap3A, %swap3A_33] : memref<1024x256xf32, #tpu.memory_space<vmem>>, vector<1024x256xf32>
    tpu.vector_store %arg5[%swap3A, %swap3A_33], %add3A_32 {strides = array<i32>} : memref<1024x256xf32, #tpu.memory_space<vmem>>, vector<1024x256xf32>,
    return
  }
  func.func @transform_0(%arg0: i32) -> (i32, i32) {
    %c0_i32 = arith.constant 0 : i32
    %c0_i32_0 = arith.constant 0 : i32
    return %c0_i32, %arg0 : i32, i32
  }
  func.func @transform_1(%arg0: i32) -> (i32, i32) {
    %c0_i32 = arith.constant 0 : i32
    %c0_i32_0 = arith.constant 0 : i32
    return %arg0, %c0_i32 : i32, i32
  }
  func.func @transform_2(%arg0: i32) -> (i32, i32) {
    %c0_i32 = arith.constant 0 : i32
    %c0_i32_0 = arith.constant 0 : i32
    return %arg0, %c0_i32 : i32, i32
  }
  func.func @transform_3(%arg0: i32) -> (i32, i32) {
    %c0_i32 = arith.constant 0 : i32
    %c0_i32_0 = arith.constant 0 : i32
    %c0_i32_1 = arith.constant 0 : i32
    return %c0_i32, %c0_i32_0 : i32, i32
  }
  func.func @transform_4(%arg0: i32) -> (i32, i32) {
    %c0_i32 = arith.constant 0 : i32
    %c0_i32_0 = arith.constant 0 : i32
    return %arg0, %c0_i32 : i32, i32
  }
}

</mosaic_0001>

<sc_bundles>
// kernel: kernel.10.cloned.1.call-start
scs
__scs_entry_jumppad:
0x0: {  	(pc) =	sbr.rel $0x88, $3  }
0x1: {  	(tag) =	ssettag $0x0;
	lr =	simm.s32 $0x1  }
0x2: {  	[smem:$0x3F9B] =	sst lr;
	_ =	strace $0xD0000000  }
0x3: {  	_ = 	snop  }
0x4: {  	_ = 	snop  }
0x5: {  	_ = 	snop  }
0x6: {  	_ = 	snop  }
0x7: {  	_ = 	snop  }
__scs_overlays_trampoline_lowered:
0x8: {  	[smem:$0x3FAA] =	sst s0  }
0x9: {  	[smem:$0x3FAB] =	sst s1  }
0xa: {  	[smem:$0x3FAC] =	sst s2  }
0xb: {  	[smem:$0x3FAD] =	sst s3  }
0xc: {  	[smem:$0x3FAE] =	sst s4  }
0xd: {  	[smem:$0x3FAF] =	sst s5  }
0xe: {  	[smem:$0x3FB0] =	sst s6  }
0xf: {  	[smem:$0x3FB1] =	sst s7  }
0x10: {  	[smem:$0x3FB2] =	sst s8  }
0x11: {  	[smem:$0x3FB3] =	sst s9;
	s0 =	simm.s32 @!p0 $0x0  }
0x12: {  	s1 =	sld [smem:$0x3F99];
	s0 =	simm.s32 @p0 $0x1  }
0x13: {  	[smem:$0x3FB4] =	sst s0;
	s0 =	simm.s32 @!p1 $0x0  }
0x14: {  	s2 =	sld [smem:$0x3F98];
	s0 =	simm.s32 @p1 $0x1  }
0x15: {  	[smem:$0x3FB5] =	sst s0;
	s0 =	simm.s32 @!p2 $0x0  }
0x16: {  	s3 =	sld [smem:$0x3FDB];
	s0 =	simm.s32 @p2 $0x1  }
0x17: {  	s4 =	simm.s32 $0x1BF5;
	[smem:$0x3FB7] =	sst s0  }
0x18: {  	s0 =	sld [smem:$0x3F9A];
	_ =	swait.ge [sflag:s4], $0x0  }
0x19: {  	s7 =	sld [smem:$0x3F9B]  }
0x1a: {  	s8 =	sadd.s32 $0xFFFFE003, lr  }
0x1b: {  	s9 =	sadd.s32 $0xFFFFFEF7, lr;
	s5 =	simm.s32 $0xFFFFFFFF;
	p2 =	slt.u32 s8, $0xFFFFF086  }
0x1c: {  	p1 =	slt.u32 s9, $0xF7A;
	s5 =	simm.s32 @!p2 $0x0  }
0x1d: {  	s5 =	simm.s32 @p1 $0x1;
	p0 =	seq.s32 s7, s2  }
0x1e: {  	s7 =	smul.u32 @!p0 $0xF7A, s2;
	p2 =	seq.s32 @!p0 s5, $0x0  }
0x1f: {  	s9 =	smul.u32 $0xF7A, s1;
	s8 =	simm.s32 @!p0 $0x1BF5;
	p2 =	por !p2, p0  }
0x20: {  	[sflag:s8] =	ssyncset.s32 @!p0 $0xFFFFF086;
	s6 =	sadd.s32 @!p0 s3, s7;
	s7 =	simm.s32 @!p0 $0x108  }
0x21: {  	s3 =	sadd.s32 s3, s9;
	s6 =	sadd.s32 @!p0 $0x88, s6;
	s7 =	simm.s32 @p2 $0x1082  }
0x22: {  	[simem:s7], [sflag:s8] =	dma.local @!p0 [hbm:s6], $0xF7A  }
0x23: {  	s9 =	sor.u32 $0xD0000000, s2;
	s6 =	simm.s32 $0x108;
	_ =	swait.ge @!p0 [sflag:s8], $0x0  }
0x24: {  	s3 =	sadd.s32 $0x88, s3;
	s6 =	simm.s32 @!p1 $0x1082;
	[sflag:s4] =	ssyncset.s32 $0xFFFFF086  }
0x25: {  	[simem:s6], [sflag:s4] =	dma.local [hbm:s3], $0xF7A  }
0x26: {  	[smem:$0x3F9B] =	sst s1;
	(tag) =	ssettag s2;
	_ =	strace s9  }
0x27: {  	s1 =	sld [smem:$0x3FAB]  }
0x28: {  	s2 =	sld [smem:$0x3FAC]  }
0x29: {  	s4 =	sld [smem:$0x3FAE]  }
0x2a: {  	p0 =	seq.s32 s5, $0x0;
	s5 =	sld [smem:$0x3FAF]  }
0x2b: {  	s6 =	sld [smem:$0x3FB0]  }
0x2c: {  	s7 =	sld [smem:$0x3FB1]  }
0x2d: {  	s3 =	simm.s32 $0x108;
	s8 =	sld [smem:$0x3FB2]  }
0x2e: {  	s3 =	simm.s32 @!p0 $0x1082;
	s9 =	sld [smem:$0x3FB3]  }
0x2f: {  	lr =	sadd.s32 s0, s3;
	s0 =	sld [smem:$0x3FAA]  }
0x30: {  	s3 =	sld [smem:$0x3FAD]  }
0x31: {  	[smem:$0x3FB6] =	sst s10  }
0x32: {  	s10 =	sld [smem:$0x3FB4];
	_ =	sdelay $0x3  }
0x33: {  	p0 =	seq.s32 s10, $0x1;
	s10 =	sld [smem:$0x3FB6];
	_ =	sdelay $0x3  }
0x34: {  	[smem:$0x3FB6] =	sst s10  }
0x35: {  	s10 =	sld [smem:$0x3FB5];
	_ =	sdelay $0x3  }
0x36: {  	p1 =	seq.s32 s10, $0x1;
	s10 =	sld [smem:$0x3FB6];
	_ =	sdelay $0x3  }
0x37: {  	[smem:$0x3FB6] =	sst s10  }
0x38: {  	s10 =	sld [smem:$0x3FB7]  }
0x39: {  	_ = 	snop;
	(pc) =	sbr.ind lr, $3  }
0x3a: {  	_ = 	snop  }
0x3b: {  	_ = 	snop  }
0x3c: {  	p2 =	seq.s32 s10, $0x1;
	s10 =	sld [smem:$0x3FB6]  }
0x3d: {  	_ =	shalt  }
0x3e: {  	_ =	shalt  }
0x3f: {  	_ =	shalt  }
0x40: {  	_ =	shalt  }
0x41: {  	_ =	shalt  }
0x42: {  	_ =	shalt  }
0x43: {  	_ =	shalt  }
0x44: {  	_ =	shalt  }
0x45: {  	_ =	shalt  }
0x46: {  	_ =	shalt  }
0x47: {  	_ =	shalt  }
0x48: {  	_ =	shalt  }
0x49: {  	_ =	shalt  }
0x4a: {  	_ =	shalt  }
0x4b: {  	_ =	shalt  }
0x4c: {  	_ =	shalt  }
0x4d: {  	_ =	shalt  }
0x4e: {  	_ =	shalt  }
0x4f: {  	_ =	shalt  }
0x50: {  	_ =	shalt  }
0x51: {  	_ =	shalt  }
0x52: {  	_ =	shalt  }
0x53: {  	_ =	shalt  }
0x54: {  	_ =	shalt  }
0x55: {  	_ =	shalt  }
0x56: {  	_ =	shalt  }
0x57: {  	_ =	shalt  }
0x58: {  	_ =	shalt  }
0x59: {  	_ =	shalt  }
0x5a: {  	_ =	shalt  }
0x5b: {  	_ =	shalt  }
0x5c: {  	_ =	shalt  }
0x5d: {  	_ =	shalt  }
0x5e: {  	_ =	shalt  }
0x5f: {  	_ =	shalt  }
0x60: {  	_ =	shalt  }
0x61: {  	_ =	shalt  }
0x62: {  	_ =	shalt  }
0x63: {  	_ =	shalt  }
0x64: {  	_ =	shalt  }
0x65: {  	_ =	shalt  }
0x66: {  	_ =	shalt  }
0x67: {  	_ =	shalt  }
0x68: {  	_ =	shalt  }
0x69: {  	_ =	shalt  }
0x6a: {  	_ =	shalt  }
0x6b: {  	_ =	shalt  }
0x6c: {  	_ =	shalt  }
0x6d: {  	_ =	shalt  }
0x6e: {  	_ =	shalt  }
0x6f: {  	_ =	shalt  }
0x70: {  	_ =	shalt  }
0x71: {  	_ =	shalt  }
0x72: {  	_ =	shalt  }
0x73: {  	_ =	shalt  }
0x74: {  	_ =	shalt  }
0x75: {  	_ =	shalt  }
0x76: {  	_ =	shalt  }
0x77: {  	_ =	shalt  }
0x78: {  	_ =	shalt  }
0x79: {  	_ =	shalt  }
0x7a: {  	_ =	shalt  }
0x7b: {  	_ =	shalt  }
0x7c: {  	_ =	shalt  }
0x7d: {  	_ =	shalt  }
0x7e: {  	_ =	shalt  }
0x7f: {  	_ =	shalt  }
0x80: {  	_ =	shalt  }
0x81: {  	_ =	shalt  }
0x82: {  	_ =	shalt  }
0x83: {  	_ =	shalt  }
0x84: {  	_ =	shalt  }
0x85: {  	_ =	shalt  }
0x86: {  	_ =	shalt  }
0x87: {  	_ =	shalt  }
.Lfunc_end0:
.L_simem_size_0:
called_computation.1_lowered:
.L_overlay_start_0:
0x88: {  	s2 =	sld [smem:$0x3FD9]  }
0x89: {  	s3 =	sld [smem:$0x3FFE];
	_ =	sdelay $0x1  }
0x8a: {  	s1 =	srdreg.scid  }
0x8b: {  	s0 =	sand.u32 $0x1, s1  }
0x8c: {  	s17 =	sshll.u32 s0, $0xA;
	s2 =	sadd.s32 s3, s2  }
0x8d: {  	s2 =	sadd.s32 s2, s17  }
0x8e: {  	[smem:$0x3FC2] =	sst s2  }
0x8f: {  	_ = 	snop  }
0x90: {  	s2 =	sld [smem:$0x3FD0];
	(tm) =	ssettm $0x1  }
0x91: {  	s18 =	sld [smem:$0x3FFB];
	_ =	sdelay $0x3  }
0x92: {  	_ =	strace s18  }
0x93: {  	s3 =	sld [smem:$0x3FFC];
	_ =	sdelay $0x3  }
0x94: {  	_ =	strace s3  }
0x95: {  	s3 =	sld [smem:$0x3FFD];
	_ =	sdelay $0x3  }
0x96: {  	_ =	strace s3  }
0x97: {  	_ =	strace $0x8FFFFFFF  }
0x98: {  	s19 =	sld [smem:$0x3FDB];
	_ =	sdelay $0x1  }
0x99: {  	s4 =	simm.s32 $_scs_section_size  }
0x9a: {  	s5 =	simm.s32 $_size__tile_overlayer_lowered;
	s6 =	simm.s32 $_tile_overlayer_lowered  }
0x9b: {  	s22 =	simm.s32 $0x1BFF;
	s21 =	sshll.u32 s6, $0x1;
	s3 =	sadd.s32 s4, s19  }
0x9c: {  	s7 =	simm.s32 $0x0;
	s20 =	sshll.u32 s5, $0x1;
	s5 =	sadd.s32 s21, s3  }
0x9d: {  	[timem:s7], [sflag:s22] =	dma.local [hbm:s5], s20  }
0x9e: {  	_ =	swait.ge [sflag:s22], s20  }
0x9f: {  	s4 =	ssub.s32 $0x0, s20;
	[sflag:s22] =	ssyncset.done $0x0  }
0xa0: {  	[sflag:s22] =	ssyncadd.s32 s4;
	_ =	sdelay $0x1  }
0xa1: {  	s23 =	simm.s32 $0x1B8B  }
0xa2: {  	_ =	swait.ge [sflag:s23], $0x1  }
0xa3: {  	[sflag:s23] =	ssyncset.done $0x0  }
0xa4: {  	s25 =	simm.s32 $0x1B8E;
	s24 =	sld [smem:$0x3FFE];
	[sflag:s23] =	ssyncadd.s32 $0xFFFFFFFF  }
0xa5: {  	s26 =	simm.s32 $execute0_lowered;
	[smem:$0x3FD2] =	sst s25  }
0xa6: {  	s5 =	sshll.u32 s26, $0x1;
	_ =	strace $0x80000049;
	[dreg:$0x1] =	wrdreg $0xFFFFFFFF  }
0xa7: {  	s28 =	simm.s32 $_size_execute0_lowered;
	s3 =	sadd.s32 s3, s5;
	[dreg:$0x0] =	wrdreg $0x0  }
0xa8: {  	s5 =	sshll.u32 s28, $0x1;
	[dreg:$0x2] =	wrdreg s3  }
0xa9: {  	[dreg:$0x3] =	wrdreg s5  }
0xaa: {  	[dreg:$0x4] =	wrdreg $0xC0  }
0xab: {  	_ =	task [dreg:s7], $0x5FFFF  }
0xac: {  	[dreg:$0x1] =	wrdreg $0xFFFFFFFF  }
0xad: {  	[dreg:$0x0] =	wrdreg $0x60  }
0xae: {  	[dreg:$0x2] =	wrdreg s24  }
0xaf: {  	[dreg:$0x3] =	wrdreg s2  }
0xb0: {  	[dreg:$0x4] =	wrdreg $0x9  }
0xb1: {  	_ =	task.clear_ibuf [dreg:s7], $0x5FFFF;
	_ =	strace $0x90000049  }
0xb2: {  	s29 =	simm.s32 $0x9;
	_ =	strace $0x8000004B  }
0xb3: {  	_ =	swait.ge [sflag:s29], $0x1  }
0xb4: {  	[sflag:s29] =	ssyncadd.s32 $0xFFFFFFFF  }
0xb5: {  	_ =	strace $0x9000004B  }
0xb6: {  	_ =	sfence  }
0xb7: {  	s30 =	sld [smem:$0x0];
	_ =	sdelay $0x2  }
0xb8: {  	s31 =	sshll.u32 s1, $0xD;
	s1 =	sshrl.u32 s1, $0x2  }
0xb9: {  	s3 =	sand.u32 $0x4000, s31;
	s1 =	sadd.s32 s1, s30  }
0xba: {  	s0 =	sor.u32 s3, s0;
	s1 =	sshll.u32 s1, $0x11  }
0xbb: {  	s0 =	sor.u32 s1, s0  }
0xbc: {  	s0 =	sadd.s32 $0x8F2B, s0  }
0xbd: {  	[sflag:s0] =	ssyncadd.remote.s32 $0x1  }
0xbe: {  	_ =	sfence.sel $0xFFFF  }
0xbf: {  	[dreg:$0x0] =	wrdreg $0xFFFFFFFF;
	(pc) =	sbr.abs _section_cstart, $3  }
0xc0: {  	[dreg:$0x1] =	wrdreg $0xFFFFFFFF  }
0xc1: {  	_ =	task.clear_ibuf [dreg:s7], $0x2FFFF;
	_ =	strace $0x9FFFFFFF  }
0xc2: {  	(tm) =	ssettm $0x7FFFFFFF  }
0xc3: {  	_ =	shalt  }
tec
execute0_lowered:
.L_overlay_start_1:
0x0: {  	(tag) =	ssettag $0x1  }
0x1: {  	s8 =	rddreg [dreg:$0x0]  }
0x2: {  	s1 =	rddreg [dreg:$0x1]  }
0x3: {  	s2 =	srdreg.scid;
	s0 =	rddreg [dreg:$0x2];
	s3 =	simm.s32 $0x0  }
0x4: {  	s14 =	simm.s32 $0x3;
	s15 =	simm.s32 $0x14000;
	s16 =	simm.s32 $0xA000  }
0x5: {  	s17 =	simm.s32 $0x1E000;
	s18 =	simm.s32 $0x1E800;
	s19 =	simm.s32 $0x1  }
0x6: {  	s20 =	simm.s32 $0x2;
	s21 =	simm.s32 $0x0;
	s4 =	sand.u32 $0x1, s2  }
0x7: {  	[smem:$0x7FF] =	sst s3;
	s2 =	stileid.u32;
	s5 =	sshll.u32 s4, $0x4  }
0x8: {  	s10 =	sadd.s32 $0x61600, s8;
	s12 =	sadd.s32 $0x11600, s8;
	s5 =	sor.u32 s2, s5  }
0x9: {  	_ =	strace $0x8000004A;
	s6 =	ssub.s32 $0x2, s4;
	s11 =	smul.u32 $0xA000, s5  }
0xa: {  	s4 =	sadd.s32 $0xC600, s8;
	s7 =	sshrl.u32 s6, $0x1;
	s9 =	smul.u32 $0x1400, s5  }
0xb: {  	s5 =	sadd.s32 $0x1E00, s8;
	s13 =	ssub.s32 s6, s7;
	s11 =	sshrl.u32 s11, $0x3  }
0xc: {  	v2 =	vlaneseq.u32;
	s7 =	sadd.s32 $0xC700, s8;
	s8 =	sadd.s32 $0xC800, s8;
	s11 =	sadd.s32 $0x28000, s11  }
0xd: {  	v0 =	vmul.u32 $0x4, v2;
	v1 =	vshrl.u32 v2, $0x2;
	v2 =	vand.u32 $0x3, v2;
	s6 =	sadd.s32 s10, s9;
	s9 =	sadd.s32 s12, s9;
	s10 =	sadd.s32 s10, s11  }
0xe: {  	v3 =	vor.u32 $0x4, v1;
	v4 =	vor.u32 $0x8, v1;
	v5 =	vor.u32 $0xC, v1;
	s11 =	sadd.s32 s12, s11;
	s12 =	smax.u32 s13, $0x1;
	s13 =	simm.s32 $0x1F000  }
.LBB2_1:
0xf: {  	[tilespmem:s13], [sflag:$0x3] =	stream.linear.gather [hbm4b:s5+s3], $0x80, $0x38;
	[tilespmem:$0x1F080] =	vst v63  }
0x10: {  	_ =	swait.ge [sflag:s14], $0x80  }
0x11: {  	[sflag:s14] =	ssyncset.done $0x0  }
0x12: {  	[sflag:s14] =	ssyncadd.s32 $0xFFFFFF80  }
0x13: {  	[tilespmem:s3], [sflag:$0x3] =	stream.linear.gather [hbm4b:s6+s3], $0xA000, $0x38;
	[tilespmem:$0x1F080] =	vst v63  }
0x14: {  	_ =	swait.ge [sflag:s14], $0xA000  }
0x15: {  	[sflag:s14] =	ssyncset.done $0x0  }
0x16: {  	[sflag:s14] =	ssyncadd.s32 $0xFFFF6000  }
0x17: {  	[tilespmem:s15], [sflag:$0x3] =	stream.linear.gather [hbm4b:s1+s3], $0xA000, $0x38;
	[tilespmem:$0x1F080] =	vst v63  }
0x18: {  	s22 =	simm.s32 $0x20;
	_ =	swait.ge [sflag:s14], $0xA000  }
0x19: {  	v6 =	vmov s22;
	[sflag:s14] =	ssyncset.done $0x0  }
0x1a: {  	s23 =	simm.s32 $0x0;
	s22 =	simm.s32 $0x7830;
	v6 =	vshll.u32 v6, $0x2;
	[sflag:s14] =	ssyncadd.s32 $0xFFFF6000  }
0x1b: {  	s24 =	simm.s32 $0x10;
	v7 =	vmov s23;
	v9 =	vor.u32 v0, v6;
	v8 =	vld [tilespmem:s22+$0xFFFF87F0]  }
0x1c: {  	v7 =	vshll.u32 v7, $0x2;
	v6 =	vmov s24  }
0x1d: {  	v7 =	vor.u32 v0, v7;
	v6 =	vshll.u32 v6, $0x2;
	v10 =	vld [tilespmem:s22+$0xFFFF87D0]  }
0x1e: {  	v11 =	vor.u32 v0, v6;
	v6 =	vld [tilespmem:s22+$0xFFFF87E0]  }
0x1f: {  	s29 =	simm.s32 $0x30  }
0x20: {  	v12 =	vmov s29;
	[tilespmem:v9+s16+$0x0] =	vst.idx.msk $0xffff, v8  }
0x21: {  	v13 =	vor.u32 $0x1, v9;
	v8 =	vshll.u32 v12, $0x2;
	v12 =	vld [tilespmem:s22+$0xFFFFAFF0]  }
0x22: {  	s25 =	sand.u32 $0x3FC0, s23;
	[tilespmem:v7+s16+$0x0] =	vst.idx.msk $0xffff, v10;
	v14 =	vor.u32 v0, v8;
	v8 =	vld [tilespmem:s22+$0xFFFF8800]  }
0x23: {  	v10 =	vor.u32 $0x1, v7;
	[tilespmem:v11+s16+$0x0] =	vst.idx.msk $0xffff, v6;
	v15 =	vld [tilespmem:s25+$0x2800]  }
0x24: {  	v6 =	vor.u32 $0x1, v11;
	v16 =	vld [tilespmem:s22+$0xFFFFAFE0];
	_ =	sdelay $0x1  }
0x25: {  	[tilespmem:v13+s16+$0x0] =	vst.idx.msk $0xffff, v12  }
0x26: {  	[tilespmem:v14+s16+$0x0] =	vst.idx.msk $0xffff, v8;
	v12 =	vor.u32 $0x2, v9;
	v8 =	vld [tilespmem:s22+$0xFFFFD7F0]  }
0x27: {  	s30 =	simm.s32 $0x60;
	v13 =	vor.u32 $0x1, v14;
	[tilespmem:v10+s16+$0x0] =	vst.idx.msk $0xffff, v15;
	v17 =	vld [tilespmem:s22+$0xFFFFB000]  }
0x28: {  	s31 =	simm.s32 $0x40;
	v18 =	vmov s30;
	v10 =	vor.u32 $0x2, v7;
	[tilespmem:v6+s16+$0x0] =	vst.idx.msk $0xffff, v16;
	v15 =	vld [tilespmem:s25+$0x5000]  }
0x29: {  	s23 =	simm.s32 $0x7870;
	v18 =	vshll.u32 v18, $0x2;
	v16 =	vor.u32 $0x2, v11;
	v6 =	vmov s31;
	v19 =	vld [tilespmem:s22+$0xFFFFD7E0]  }
0x2a: {  	s26 =	simm.s32 $0x50;
	v21 =	vld [tilespmem:s23+$0xFFFF87F0];
	v20 =	vshll.u32 v6, $0x2;
	v6 =	vor.u32 v0, v18  }
0x2b: {  	s28 =	simm.s32 $0x70;
	v22 =	vld [tilespmem:s23+$0xFFFF87D0];
	v18 =	vmov s26;
	v23 =	vor.u32 v0, v20;
	[tilespmem:v12+s16+$0x0] =	vst.idx.msk $0xffff, v8  }
0x2c: {  	v9 =	vor.u32 $0x3, v9;
	v8 =	vmov s28;
	v12 =	vshll.u32 v18, $0x2;
	[tilespmem:v13+s16+$0x0] =	vst.idx.msk $0xffff, v17;
	v13 =	vld [tilespmem:s22+$0xFFFFFFF0]  }
0x2d: {  	[tilespmem:v10+s16+$0x0] =	vst.idx.msk $0xffff, v15;
	v10 =	vld [tilespmem:s23+$0xFFFF87E0];
	v8 =	vshll.u32 v8, $0x2;
	v12 =	vor.u32 v0, v12  }
0x2e: {  	v15 =	vld [tilespmem:s23+$0xFFFF8800];
	[tilespmem:v16+s16+$0x0] =	vst.idx.msk $0xffff, v19;
	v24 =	vor.u32 v0, v8  }
0x2f: {  	v17 =	vor.u32 $0x2, v14;
	[tilespmem:v6+s16+$0x0] =	vst.idx.msk $0xffff, v21;
	v18 =	vld [tilespmem:s22+$0xFFFFD800]  }
0x30: {  	s24 =	sand.u32 $0x3FC0, s31;
	v25 =	vor.u32 $0x1, v6;
	[tilespmem:v23+s16+$0x0] =	vst.idx.msk $0xffff, v22;
	v21 =	vld [tilespmem:s23+$0xFFFFAFF0]  }
0x31: {  	v26 =	vor.u32 $0x1, v23;
	v27 =	vld [tilespmem:s24+$0x2800];
	[tilespmem:v9+s16+$0x0] =	vst.idx.msk $0xffff, v13  }
0x32: {  	v19 =	vld [tilespmem:s25+$0x7800];
	v8 =	vor.u32 $0x3, v7;
	[tilespmem:v12+s16+$0x0] =	vst.idx.msk $0xffff, v10  }
0x33: {  	v7 =	vor.u32 $0x3, v14;
	v16 =	vor.u32 $0x1, v12;
	v22 =	vld [tilespmem:s23+$0xFFFFAFE0];
	[tilespmem:v24+s16+$0x0] =	vst.idx.msk $0xffff, v15  }
0x34: {  	v14 =	vor.u32 $0x3, v12;
	v10 =	vor.u32 $0x3, v11;
	[tilespmem:v17+s16+$0x0] =	vst.idx.msk $0xffff, v18;
	v15 =	vor.u32 $0x1, v24;
	v20 =	vld [tilespmem:s23+$0xFFFFB000]  }
0x35: {  	v13 =	vor.u32 $0x2, v23;
	v11 =	vor.u32 $0x2, v12;
	v9 =	vor.u32 $0x2, v24;
	[tilespmem:v25+s16+$0x0] =	vst.idx.msk $0xffff, v21;
	v18 =	vld [tilespmem:s22+$0xFFFFFFE0]  }
0x36: {  	s26 =	simm.s32 $0xB0;
	s25 =	simm.s32 $0x4;
	v17 =	vor.u32 $0x3, v23;
	v12 =	vor.u32 $0x3, v24;
	v23 =	vor.u32 $0x2, v6;
	[tilespmem:v26+s16+$0x0] =	vst.idx.msk $0xffff, v27;
	v21 =	vld [tilespmem:s23+$0xFFFFD7F0]  }
.LBB2_2:
0x37: {  	s28 =	sadd.s32 $0xFFFFFFE0, s26;
	s29 =	sadd.s32 $0xFFFFFFF0, s26;
	v24 =	vmov s26;
	s25 =	sadd.s32 $0x4, s25;
	v25 =	vld [tilespmem:s24+$0x5000];
	[tilespmem:v8+s16+$0x0] =	vst.idx.msk $0xffff, v19;
	v8 =	vmov v17  }
0x38: {  	s30 =	sadd.s32 $0xFFFFFFD0, s26;
	v17 =	vmov s28;
	v19 =	vmov s29;
	v24 =	vshll.u32 v24, $0x2;
	p0 =	slt.u32 s25, $0x27C;
	[tilespmem:v16+s16+$0x0] =	vst.idx.msk $0xffff, v22;
	v22 =	vld [tilespmem:s22+$0x0];
	s22 =	smov.u32 s23  }
0x39: {  	v16 =	vmov s30;
	s28 =	sand.u32 $0x3FC0, s30;
	s23 =	sadd.s32 $0x40, s23;
	v17 =	vshll.u32 v17, $0x2;
	v19 =	vshll.u32 v19, $0x2;
	v26 =	vld [tilespmem:s22+$0xFFFFD7E0];
	[tilespmem:v15+s16+$0x0] =	vst.idx.msk $0xffff, v20  }
0x3a: {  	v15 =	vshll.u32 v16, $0x2;
	v20 =	vor.u32 v0, v17;
	v27 =	vld [tilespmem:s23+$0xFFFF87F0];
	v19 =	vor.u32 v0, v19;
	[tilespmem:v10+s16+$0x0] =	vst.idx.msk $0xffff, v18  }
0x3b: {  	v24 =	vor.u32 v0, v24;
	v28 =	vor.u32 v0, v15;
	v18 =	vld [tilespmem:s23+$0xFFFF87D0];
	v16 =	vor.u32 $0x1, v20;
	[tilespmem:v23+s16+$0x0] =	vst.idx.msk $0xffff, v21  }
0x3c: {  	v15 =	vor.u32 $0x1, v24;
	v10 =	vmovc v14;
	v21 =	vor.u32 $0x1, v28;
	[tilespmem:v13+s16+$0x0] =	vst.idx.msk $0xffff, v25;
	v23 =	vld [tilespmem:s22+$0xFFFFFFF0];
	v25 =	vor.u32 $0x3, v6;
	v6 =	vmovc v19  }
0x3d: {  	v31 =	vor.u32 $0x2, v24;
	v30 =	vor.u32 $0x2, v20;
	v13 =	vor.u32 $0x2, v28;
	v29 =	vld [tilespmem:s23+$0xFFFF87E0];
	[tilespmem:v7+s16+$0x0] =	vst.idx.msk $0xffff, v22;
	v7 =	vmovc v12  }
0x3e: {  	v17 =	vor.u32 $0x3, v28;
	v14 =	vor.u32 $0x3, v20;
	v12 =	vor.u32 $0x3, v24;
	v32 =	vld [tilespmem:s23+$0xFFFF8800];
	[tilespmem:v11+s16+$0x0] =	vst.idx.msk $0xffff, v26;
	v11 =	vmovc v30  }
0x3f: {  	[tilespmem:v19+s16+$0x0] =	vst.idx.msk $0xffff, v27;
	v26 =	vld [tilespmem:s22+$0xFFFFD800]  }
0x40: {  	v27 =	vor.u32 $0x1, v6;
	[tilespmem:v28+s16+$0x0] =	vst.idx.msk $0xffff, v18;
	v18 =	vld [tilespmem:s23+$0xFFFFAFF0]  }
0x41: {  	v28 =	vld [tilespmem:s28+$0x2800];
	[tilespmem:v25+s16+$0x0] =	vst.idx.msk $0xffff, v23  }
.Ltmp0:
0x42: {  	[tilespmem:v20+s16+$0x0] =	vst.idx.msk $0xffff, v29;
	v19 =	vld [tilespmem:s24+$0x7800];
	s24 =	smov.u32 s28;
	(pc) =	sbr.rel @p0 .LBB2_2-.Ltmp0, $4  }
0x43: {  	v22 =	vld [tilespmem:s23+$0xFFFFAFE0];
	[tilespmem:v24+s16+$0x0] =	vst.idx.msk $0xffff, v32  }
0x44: {  	v20 =	vld [tilespmem:s23+$0xFFFFB000];
	[tilespmem:v9+s16+$0x0] =	vst.idx.msk $0xffff, v26;
	v9 =	vmov v31  }
0x45: {  	[tilespmem:v27+s16+$0x0] =	vst.idx.msk $0xffff, v18;
	v18 =	vld [tilespmem:s22+$0xFFFFFFE0]  }
0x46: {  	s26 =	sadd.s32 $0x40, s26;
	v23 =	vor.u32 $0x2, v6;
	[tilespmem:v21+s16+$0x0] =	vst.idx.msk $0xffff, v28;
	v21 =	vld [tilespmem:s23+$0xFFFFD7F0]  }
0x47: {  	_ =	sdelay $0x3  }
0x48: {  	v24 =	vld [tilespmem:s24+$0x5000];
	[tilespmem:v16+s16+$0x0] =	vst.idx.msk $0xffff, v22  }
0x49: {  	v16 =	vld [tilespmem:s23+$0xFFFFD7E0];
	[tilespmem:v15+s16+$0x0] =	vst.idx.msk $0xffff, v20  }
0x4a: {  	v15 =	vld [tilespmem:s23+$0xFFFFD800]  }
0x4b: {  	[tilespmem:v8+s16+$0x0] =	vst.idx.msk $0xffff, v19  }
0x4c: {  	v59 =	vld [tilespmem:s22+$0x0];
	[tilespmem:v23+s16+$0x0] =	vst.idx.msk $0xffff, v21  }
0x4d: {  	v6 =	vor.u32 $0x3, v6;
	[tilespmem:v13+s16+$0x0] =	vst.idx.msk $0xffff, v24;
	v60 =	vld [tilespmem:s23+$0xFFFFFFF0]  }
0x4e: {  	v61 =	vld [tilespmem:s24+$0x7800];
	[tilespmem:v11+s16+$0x0] =	vst.idx.msk $0xffff, v16  }
0x4f: {  	[tilespmem:v9+s16+$0x0] =	vst.idx.msk $0xffff, v15;
	v62 =	vld [tilespmem:s23+$0xFFFFFFE0]  }
0x50: {  	[tilespmem:v10+s16+$0x0] =	vst.idx.msk $0xffff, v18;
	v63 =	vld [tilespmem:s23+$0x0]  }
0x51: {  	[tilespmem:v7+s16+$0x0] =	vst.idx.msk $0xffff, v59  }
0x52: {  	[tilespmem:v6+s16+$0x0] =	vst.idx.msk $0xffff, v60  }
0x53: {  	[tilespmem:v17+s16+$0x0] =	vst.idx.msk $0xffff, v61  }
0x54: {  	[tilespmem:v14+s16+$0x0] =	vst.idx.msk $0xffff, v62  }
0x55: {  	s22 =	simm.s32 $0x0;
	[tilespmem:v12+s16+$0x0] =	vst.idx.msk $0xffff, v63  }
0x56: {  	[tilespmem:s17], [sflag:$0x1] =	stream.linear.gather [hbm4b:s4+s22], $0x800, $0x38;
	[tilespmem:$0x1F080] =	vst v63  }
.LBB2_4:
0x57: {  	s23 =	sshll.u32 s22, $0x9  }
0x58: {  	s24 =	sadd.s32 s23, s7  }
0x59: {  	[tilespmem:s18], [sflag:$0x2] =	stream.linear.gather [hbm4b:s24+s3], $0x800, $0x38;
	[tilespmem:$0x1F080] =	vst v63  }
0x5a: {  	_ =	swait.ge [sflag:s19], $0x800  }
0x5b: {  	[sflag:s19] =	ssyncset.done $0x0  }
0x5c: {  	s29 =	simm.s32 $0x1E020;
	[sflag:s19] =	ssyncadd.s32 $0xFFFFF800  }
0x5d: {  	v8 =	vld [tilespmem:s29+$0x10]  }
0x5e: {  	v9 =	vld [tilespmem:s29+$0xFFFFFFE0]  }
0x5f: {  	v6 =	vld [tilespmem:s29+$0x0];
	_ =	sdelay $0x2  }
0x60: {  	v10 =	vperm.xlane v8, v1  }
0x61: {  	v14 =	vperm.xlane v9, v1  }
0x62: {  	v7 =	vld [tilespmem:s29+$0xFFFFFFF0];
	v12 =	vperm.xlane v6, v1;
	v13 =	vshrl.u32 v10, $0xE;
	v10 =	vshll.u32 v10, $0x2  }
0x63: {  	v19 =	vshll.u32 v14, $0x2;
	v14 =	vshrl.u32 v14, $0xE;
	v15 =	vand.u32 $0x3, v13  }
0x64: {  	v18 =	vshll.u32 v12, $0x2;
	v12 =	vshrl.u32 v12, $0xE;
	v20 =	vand.u32 $0x3, v14  }
0x65: {  	v10 =	vor.u32 v2, v10;
	v24 =	vand.u32 $0x3, v12  }
0x66: {  	v19 =	vor.u32 v2, v19;
	v10 =	vand.u32 $0xFFFF, v10  }
0x67: {  	v11 =	vperm.xlane v7, v1;
	v18 =	vor.u32 v2, v18;
	v19 =	vand.u32 $0xFFFF, v19  }
0x68: {  	v18 =	vand.u32 $0xFFFF, v18;
	v15 =	vld.idx.msk [tilespmem:v15+s13+$0x0], $0xffff  }
0x69: {  	v17 =	vshll.u32 v11, $0x2;
	v11 =	vshrl.u32 v11, $0xE;
	v20 =	vld.idx.msk [tilespmem:v20+s13+$0x0], $0xffff  }
0x6a: {  	v22 =	vperm.xlane v8, v3;
	v17 =	vor.u32 v2, v17;
	v21 =	vand.u32 $0x3, v11;
	v24 =	vld.idx.msk [tilespmem:v24+s13+$0x0], $0xffff  }
0x6b: {  	v16 =	vperm.xlane v7, v3;
	v23 =	vperm.xlane v9, v3;
	v17 =	vand.u32 $0xFFFF, v17;
	v10 =	vld.idx.msk [tilespmem:v10+s16+$0x0], $0xffff  }
0x6c: {  	v26 =	vperm.xlane v6, v3;
	v25 =	vshrl.u32 v22, $0xE;
	v13 =	vand.u32 $0x3FFFC, v13;
	v19 =	vld.idx.msk [tilespmem:v19+s16+$0x0], $0xffff  }
0x6d: {  	v22 =	vshll.u32 v22, $0x2;
	v28 =	vshll.u32 v23, $0x2;
	v13 =	vor.u32 v2, v13;
	v18 =	vld.idx.msk [tilespmem:v18+s16+$0x0], $0xffff  }
0x6e: {  	v29 =	vshll.u32 v26, $0x2;
	v27 =	vand.u32 $0x3, v25;
	v22 =	vor.u32 v2, v22  }
0x6f: {  	v14 =	vand.u32 $0x3FFFC, v14;
	v11 =	vand.u32 $0x3FFFC, v11;
	v22 =	vand.u32 $0xFFFF, v22;
	v21 =	vld.idx.msk [tilespmem:v21+s13+$0x0], $0xffff  }
0x70: {  	v12 =	vand.u32 $0x3FFFC, v12;
	v14 =	vor.u32 v2, v14;
	v17 =	vld.idx.msk [tilespmem:v17+s16+$0x0], $0xffff;
	v10 =	vmul.f32 v10, v15  }
0x71: {  	v23 =	vshrl.u32 v23, $0xE;
	v11 =	vor.u32 v2, v11;
	v12 =	vor.u32 v2, v12  }
0x72: {  	v15 =	vshll.u32 v16, $0x2;
	v19 =	vmul.f32 v19, v20;
	v18 =	vmul.f32 v18, v24;
	[tilespmem:v13+s15+$0x0] =	vst.idx.add.f32.msk $0xffff, v10  }
0x73: {  	v10 =	vor.u32 v2, v28;
	v13 =	vor.u32 v2, v15;
	v15 =	vld.idx.msk [tilespmem:v27+s13+$0x0], $0xffff;
	v27 =	vand.u32 $0x3, v23  }
0x74: {  	v28 =	vor.u32 v2, v29;
	v29 =	vperm.xlane v8, v4;
	v22 =	vld.idx.msk [tilespmem:v22+s16+$0x0], $0xffff;
	v10 =	vand.u32 $0xFFFF, v10  }
0x75: {  	v20 =	vand.u32 $0x3FFFC, v25;
	[tilespmem:v14+s15+$0x0] =	vst.idx.add.f32.msk $0xffff, v19;
	v14 =	vmul.f32 v17, v21;
	v13 =	vand.u32 $0xFFFF, v13  }
0x76: {  	v20 =	vor.u32 v2, v20;
	[tilespmem:v12+s15+$0x0] =	vst.idx.add.f32.msk $0xffff, v18;
	v25 =	vshrl.u32 v29, $0xE;
	v29 =	vshll.u32 v29, $0x2  }
0x77: {  	[tilespmem:v11+s15+$0x0] =	vst.idx.add.f32.msk $0xffff, v14;
	v17 =	vand.u32 $0x3, v25;
	v19 =	vor.u32 v2, v29  }
0x78: {  	v16 =	vshrl.u32 v16, $0xE;
	v21 =	vshrl.u32 v26, $0xE;
	v19 =	vand.u32 $0xFFFF, v19;
	v26 =	vld.idx.msk [tilespmem:v27+s13+$0x0], $0xffff  }
0x79: {  	v8 =	vperm.xlane v8, v5;
	v14 =	vand.u32 $0x3, v21;
	v11 =	vmul.f32 v22, v15;
	v10 =	vld.idx.msk [tilespmem:v10+s16+$0x0], $0xffff  }
0x7a: {  	v27 =	vand.u32 $0xFFFF, v28;
	v28 =	vand.u32 $0x3, v16;
	v22 =	vperm.xlane v9, v4;
	v13 =	vld.idx.msk [tilespmem:v13+s16+$0x0], $0xffff  }
0x7b: {  	v29 =	vperm.xlane v6, v4;
	v25 =	vand.u32 $0x3FFFC, v25;
	v15 =	vand.u32 $0x3FFFC, v23;
	[tilespmem:v20+s15+$0x0] =	vst.idx.add.f32.msk $0xffff, v11  }
0x7c: {  	v15 =	vor.u32 v2, v15;
	v11 =	vshll.u32 v22, $0x2;
	v22 =	vshrl.u32 v22, $0xE;
	v17 =	vld.idx.msk [tilespmem:v17+s13+$0x0], $0xffff  }
0x7d: {  	v25 =	vor.u32 v2, v25;
	v19 =	vld.idx.msk [tilespmem:v19+s16+$0x0], $0xffff;
	v11 =	vor.u32 v2, v11;
	v12 =	vand.u32 $0x3, v22  }
0x7e: {  	v24 =	vshll.u32 v29, $0x2;
	v29 =	vshrl.u32 v29, $0xE;
	v14 =	vld.idx.msk [tilespmem:v14+s13+$0x0], $0xffff;
	v11 =	vand.u32 $0xFFFF, v11  }
0x7f: {  	v23 =	vperm.xlane v7, v4;
	v16 =	vand.u32 $0x3FFFC, v16;
	v18 =	vld.idx.msk [tilespmem:v28+s13+$0x0], $0xffff;
	v10 =	vmul.f32 v10, v26  }
0x80: {  	v16 =	vor.u32 v2, v16;
	v28 =	vshrl.u32 v8, $0xE;
	v8 =	vshll.u32 v8, $0x2;
	v27 =	vld.idx.msk [tilespmem:v27+s16+$0x0], $0xffff  }
0x81: {  	v20 =	vand.u32 $0x3FFFC, v21;
	v26 =	vand.u32 $0x3, v28;
	v8 =	vor.u32 v2, v8;
	[tilespmem:v15+s15+$0x0] =	vst.idx.add.f32.msk $0xffff, v10  }
0x82: {  	v21 =	vshll.u32 v23, $0x2;
	v8 =	vand.u32 $0xFFFF, v8;
	v10 =	vmul.f32 v19, v17;
	v19 =	vld.idx.msk [tilespmem:v12+s13+$0x0], $0xffff  }
0x83: {  	v23 =	vshrl.u32 v23, $0xE;
	v21 =	vor.u32 v2, v21;
	v20 =	vor.u32 v2, v20;
	v30 =	vld.idx.msk [tilespmem:v11+s16+$0x0], $0xffff  }
0x84: {  	s30 =	simm.s32 $0x1E060;
	v17 =	vand.u32 $0xFFFF, v21;
	v12 =	vand.u32 $0x3, v23;
	v21 =	vand.u32 $0x3FFFC, v23;
	[tilespmem:v25+s15+$0x0] =	vst.idx.add.f32.msk $0xffff, v10  }
0x85: {  	v23 =	vand.u32 $0x3FFFC, v29;
	v10 =	vand.u32 $0x3, v29;
	v29 =	vor.u32 v2, v21;
	v21 =	vld [tilespmem:s30+$0x10]  }
0x86: {  	v9 =	vperm.xlane v9, v5;
	v15 =	vor.u32 v2, v24;
	v13 =	vmul.f32 v13, v18;
	v18 =	vld.idx.msk [tilespmem:v26+s13+$0x0], $0xffff  }
0x87: {  	v6 =	vperm.xlane v6, v5;
	v7 =	vperm.xlane v7, v5;
	v24 =	vand.u32 $0xFFFF, v15;
	v8 =	vld.idx.msk [tilespmem:v8+s16+$0x0], $0xffff  }
0x88: {  	v15 =	vand.u32 $0x3FFFC, v22;
	v22 =	vshll.u32 v9, $0x2;
	v14 =	vmul.f32 v27, v14;
	[tilespmem:v16+s15+$0x0] =	vst.idx.add.f32.msk $0xffff, v13  }
0x89: {  	v25 =	vshll.u32 v7, $0x2;
	v13 =	vor.u32 v2, v23;
	v23 =	vshrl.u32 v7, $0xE;
	v7 =	vld [tilespmem:s30+$0xFFFFFFF0]  }
0x8a: {  	v9 =	vshrl.u32 v9, $0xE;
	v11 =	vor.u32 v2, v22;
	v16 =	vshll.u32 v6, $0x2;
	[tilespmem:v20+s15+$0x0] =	vst.idx.add.f32.msk $0xffff, v14  }
0x8b: {  	v26 =	vor.u32 v2, v15;
	v22 =	vld.idx.msk [tilespmem:v12+s13+$0x0], $0xffff;
	v15 =	vor.u32 v2, v16;
	v16 =	vand.u32 $0x3FFFC, v28  }
0x8c: {  	v32 =	vand.u32 $0x3, v9;
	v12 =	vor.u32 v2, v25;
	v25 =	vld.idx.msk [tilespmem:v17+s16+$0x0], $0xffff;
	v27 =	vor.u32 v2, v16  }
0x8d: {  	v6 =	vshrl.u32 v6, $0xE;
	v28 =	vand.u32 $0xFFFF, v11;
	v31 =	vand.u32 $0xFFFF, v12;
	v12 =	vld [tilespmem:s30+$0xFFFFFFE0]  }
0x8e: {  	v33 =	vand.u32 $0x3, v23;
	v17 =	vand.u32 $0x3FFFC, v9;
	v11 =	vld [tilespmem:s30+$0x0];
	v20 =	vmul.f32 v30, v19  }
0x8f: {  	v14 =	vand.u32 $0x3FFFC, v23;
	v19 =	vperm.xlane v21, v1;
	v9 =	vld.idx.msk [tilespmem:v10+s13+$0x0], $0xffff;
	v8 =	vmul.f32 v8, v18  }
0x90: {  	v16 =	vand.u32 $0xFFFF, v15;
	[tilespmem:v26+s15+$0x0] =	vst.idx.add.f32.msk $0xffff, v20;
	v18 =	vor.u32 v2, v17;
	v17 =	vor.u32 v2, v14  }
0x91: {  	v10 =	vshll.u32 v19, $0x2;
	v20 =	vperm.xlane v7, v1;
	[tilespmem:v27+s15+$0x0] =	vst.idx.add.f32.msk $0xffff, v8;
	v8 =	vmul.f32 v25, v22  }
0x92: {  	v10 =	vor.u32 v2, v10;
	v22 =	vshrl.u32 v19, $0xE;
	v19 =	vld.idx.msk [tilespmem:v24+s16+$0x0], $0xffff;
	v14 =	vperm.xlane v12, v1  }
0x93: {  	v24 =	vperm.xlane v11, v1;
	v25 =	vand.u32 $0xFFFF, v10;
	v27 =	vshll.u32 v20, $0x2;
	[tilespmem:v29+s15+$0x0] =	vst.idx.add.f32.msk $0xffff, v8  }
0x94: {  	v61 =	vshrl.u32 v20, $0xE;
	v23 =	vand.u32 $0x3, v22;
	v10 =	vshll.u32 v14, $0x2;
	v8 =	vld.idx.msk [tilespmem:v32+s13+$0x0], $0xffff  }
0x95: {  	v62 =	vand.u32 $0x3, v61;
	v29 =	vshll.u32 v24, $0x2;
	v30 =	vor.u32 v2, v10;
	v10 =	vld.idx.msk [tilespmem:v28+s16+$0x0], $0xffff  }
0x96: {  	v28 =	vor.u32 v2, v29;
	v20 =	vld.idx.msk [tilespmem:v31+s16+$0x0], $0xffff;
	v29 =	vand.u32 $0xFFFF, v30;
	v30 =	vshrl.u32 v14, $0xE  }
0x97: {  	v15 =	vand.u32 $0x3, v6;
	v27 =	vor.u32 v2, v27;
	v14 =	vld.idx.msk [tilespmem:v33+s13+$0x0], $0xffff;
	v34 =	vand.u32 $0x3, v30  }
0x98: {  	v6 =	vand.u32 $0x3FFFC, v6;
	v27 =	vand.u32 $0xFFFF, v27;
	v24 =	vshrl.u32 v24, $0xE;
	v25 =	vld.idx.msk [tilespmem:v25+s16+$0x0], $0xffff  }
0x99: {  	v6 =	vor.u32 v2, v6;
	v35 =	vperm.xlane v21, v3;
	v38 =	vand.u32 $0x3, v24;
	v23 =	vld.idx.msk [tilespmem:v23+s13+$0x0], $0xffff  }
0x9a: {  	v36 =	vperm.xlane v12, v3;
	v22 =	vand.u32 $0x3FFFC, v22;
	v28 =	vand.u32 $0xFFFF, v28;
	v33 =	vld.idx.msk [tilespmem:v62+s13+$0x0], $0xffff  }
0x9b: {  	v22 =	vor.u32 v2, v22;
	v31 =	vshrl.u32 v35, $0xE;
	v35 =	vshll.u32 v35, $0x2;
	v29 =	vld.idx.msk [tilespmem:v29+s16+$0x0], $0xffff  }
0x9c: {  	v37 =	vand.u32 $0x3, v31;
	v35 =	vor.u32 v2, v35;
	v30 =	vand.u32 $0x3FFFC, v30;
	v34 =	vld.idx.msk [tilespmem:v34+s13+$0x0], $0xffff  }
0x9d: {  	v26 =	vperm.xlane v7, v3;
	v35 =	vand.u32 $0xFFFF, v35;
	v30 =	vor.u32 v2, v30;
	v27 =	vld.idx.msk [tilespmem:v27+s16+$0x0], $0xffff  }
0x9e: {  	v46 =	vld.idx.msk [tilespmem:v38+s13+$0x0], $0xffff;
	v23 =	vmul.f32 v25, v23;
	v25 =	vshll.u32 v36, $0x2;
	v36 =	vshrl.u32 v36, $0xE  }
0x9f: {  	v40 =	vshll.u32 v26, $0x2;
	v32 =	vand.u32 $0x3FFFC, v61;
	v28 =	vld.idx.msk [tilespmem:v28+s16+$0x0], $0xffff;
	v63 =	vand.u32 $0x3, v36  }
0xa0: {  	v24 =	vand.u32 $0x3FFFC, v24;
	v25 =	vor.u32 v2, v25;
	[tilespmem:v22+s15+$0x0] =	vst.idx.add.f32.msk $0xffff, v23;
	v22 =	vor.u32 v2, v32  }
0xa1: {  	v23 =	vor.u32 v2, v24;
	v25 =	vand.u32 $0xFFFF, v25;
	v24 =	vld.idx.msk [tilespmem:v37+s13+$0x0], $0xffff;
	v29 =	vmul.f32 v29, v34  }
0xa2: {  	v45 =	vperm.xlane v21, v4;
	v21 =	vperm.xlane v21, v5;
	v44 =	vor.u32 v2, v40;
	v35 =	vld.idx.msk [tilespmem:v35+s16+$0x0], $0xffff  }
0xa3: {  	v31 =	vand.u32 $0x3FFFC, v31;
	v27 =	vmul.f32 v27, v33;
	v37 =	vand.u32 $0xFFFF, v44;
	[tilespmem:v30+s15+$0x0] =	vst.idx.add.f32.msk $0xffff, v29  }
0xa4: {  	v47 =	vshrl.u32 v45, $0xE;
	v40 =	vshll.u32 v45, $0x2;
	v31 =	vor.u32 v2, v31;
	v32 =	vld.idx.msk [tilespmem:v63+s13+$0x0], $0xffff  }
0xa5: {  	v28 =	vmul.f32 v28, v46;
	v29 =	vand.u32 $0x3, v47;
	v30 =	vor.u32 v2, v40;
	[tilespmem:v22+s15+$0x0] =	vst.idx.add.f32.msk $0xffff, v27  }
0xa6: {  	v39 =	vperm.xlane v11, v3;
	v26 =	vshrl.u32 v26, $0xE;
	v30 =	vand.u32 $0xFFFF, v30;
	v25 =	vld.idx.msk [tilespmem:v25+s16+$0x0], $0xffff  }
0xa7: {  	v52 =	vperm.xlane v7, v4;
	v27 =	vand.u32 $0x3, v26;
	[tilespmem:v23+s15+$0x0] =	vst.idx.add.f32.msk $0xffff, v28;
	v22 =	vmul.f32 v35, v24  }
0xa8: {  	v55 =	vshrl.u32 v21, $0xE;
	v41 =	vshll.u32 v39, $0x2;
	v39 =	vshrl.u32 v39, $0xE;
	v37 =	vld.idx.msk [tilespmem:v37+s16+$0x0], $0xffff  }
0xa9: {  	v51 =	vperm.xlane v12, v4;
	v48 =	vor.u32 v2, v41;
	v49 =	vand.u32 $0x3, v39;
	[tilespmem:v31+s15+$0x0] =	vst.idx.add.f32.msk $0xffff, v22  }
0xaa: {  	v21 =	vshll.u32 v21, $0x2;
	v50 =	vand.u32 $0x3FFFC, v36;
	v24 =	vand.u32 $0xFFFF, v48;
	v29 =	vld.idx.msk [tilespmem:v29+s13+$0x0], $0xffff  }
0xab: {  	v59 =	vperm.xlane v7, v5;
	v36 =	vshrl.u32 v51, $0xE;
	v35 =	vor.u32 v2, v50;
	v30 =	vld.idx.msk [tilespmem:v30+s16+$0x0], $0xffff  }
0xac: {  	v57 =	vand.u32 $0x3, v55;
	v23 =	vand.u32 $0x3, v36;
	v28 =	vand.u32 $0x3FFFC, v47;
	v27 =	vld.idx.msk [tilespmem:v27+s13+$0x0], $0xffff  }
0xad: {  	v28 =	vor.u32 v2, v28;
	v22 =	vand.u32 $0x3FFFC, v26;
	v31 =	vshll.u32 v51, $0x2  }
0xae: {  	v56 =	vld.idx.msk [tilespmem:v49+s13+$0x0], $0xffff;
	v22 =	vor.u32 v2, v22;
	v31 =	vor.u32 v2, v31;
	v25 =	vmul.f32 v25, v32  }
0xaf: {  	v21 =	vor.u32 v2, v21;
	v54 =	vshll.u32 v52, $0x2;
	v31 =	vand.u32 $0xFFFF, v31;
	v24 =	vld.idx.msk [tilespmem:v24+s16+$0x0], $0xffff  }
0xb0: {  	v21 =	vand.u32 $0xFFFF, v21;
	v26 =	vperm.xlane v11, v4;
	[tilespmem:v35+s15+$0x0] =	vst.idx.add.f32.msk $0xffff, v25;
	v25 =	vmul.f32 v30, v29  }
0xb1: {  	v12 =	vperm.xlane v12, v5;
	v53 =	vand.u32 $0x3FFFC, v39;
	v35 =	vld.idx.msk [tilespmem:v23+s13+$0x0], $0xffff;
	v27 =	vmul.f32 v37, v27  }
0xb2: {  	v39 =	vor.u32 v2, v54;
	v34 =	vor.u32 v2, v53;
	v58 =	vshll.u32 v26, $0x2;
	[tilespmem:v28+s15+$0x0] =	vst.idx.add.f32.msk $0xffff, v25  }
0xb3: {  	v23 =	vshrl.u32 v26, $0xE;
	v26 =	vand.u32 $0xFFFF, v39;
	v29 =	vshrl.u32 v52, $0xE;
	[tilespmem:v22+s15+$0x0] =	vst.idx.add.f32.msk $0xffff, v27  }
0xb4: {  	v62 =	vshrl.u32 v59, $0xE;
	v7 =	vand.u32 $0x3FFFC, v29;
	v25 =	vand.u32 $0x3, v29;
	v29 =	vld.idx.msk [tilespmem:v31+s16+$0x0], $0xffff  }
0xb5: {  	v36 =	vand.u32 $0x3FFFC, v36;
	v47 =	vand.u32 $0x3, v62;
	v22 =	vmul.f32 v24, v56;
	v33 =	vld.idx.msk [tilespmem:v57+s13+$0x0], $0xffff  }
0xb6: {  	v11 =	vperm.xlane v11, v5;
	v28 =	vand.u32 $0x3, v23;
	v24 =	vshll.u32 v12, $0x2;
	v21 =	vld.idx.msk [tilespmem:v21+s16+$0x0], $0xffff  }
0xb7: {  	v23 =	vand.u32 $0x3FFFC, v23;
	v27 =	vmul.f32 v19, v9;
	v60 =	vor.u32 v2, v7;
	[tilespmem:v34+s15+$0x0] =	vst.idx.add.f32.msk $0xffff, v22  }
0xb8: {  	s31 =	simm.s32 $0x1E0A0;
	v7 =	vor.u32 v2, v23;
	v23 =	vand.u32 $0x3FFFC, v55;
	v22 =	vor.u32 v2, v24;
	v24 =	vld.idx.msk [tilespmem:v26+s16+$0x0], $0xffff  }
0xb9: {  	v48 =	vmul.f32 v10, v8;
	v8 =	vand.u32 $0x3FFFC, v62;
	v63 =	vor.u32 v2, v23;
	v23 =	vld [tilespmem:s31+$0x0]  }
0xba: {  	v9 =	vshll.u32 v59, $0x2;
	v19 =	vshll.u32 v11, $0x2;
	v31 =	vor.u32 v2, v36;
	[tilespmem:v13+s15+$0x0] =	vst.idx.add.f32.msk $0xffff, v27  }
0xbb: {  	v9 =	vor.u32 v2, v9;
	v26 =	vor.u32 v2, v19;
	v44 =	vand.u32 $0xFFFF, v22;
	v22 =	vld [tilespmem:s31+$0xFFFFFFF0]  }
0xbc: {  	v12 =	vshrl.u32 v12, $0xE;
	v45 =	vand.u32 $0xFFFF, v9;
	v9 =	vand.u32 $0xFFFF, v26;
	v26 =	vld [tilespmem:s31+$0xFFFFFFE0]  }
0xbd: {  	v30 =	vor.u32 v2, v58;
	v36 =	vmul.f32 v20, v14;
	v46 =	vand.u32 $0x3, v12;
	v61 =	vld.idx.msk [tilespmem:v25+s13+$0x0], $0xffff  }
0xbe: {  	v19 =	vld.idx.msk [tilespmem:v28+s13+$0x0], $0xffff;
	v28 =	vshrl.u32 v11, $0xE;
	v11 =	vand.u32 $0x3FFFC, v12;
	v14 =	vmul.f32 v29, v35  }
0xbf: {  	v25 =	vld [tilespmem:s31+$0x10];
	v12 =	vmul.f32 v21, v33;
	v10 =	vor.u32 v2, v11;
	v20 =	vand.u32 $0x3FFFC, v28  }
0xc0: {  	v11 =	vor.u32 v2, v8;
	v8 =	vor.u32 v2, v20;
	v29 =	vperm.xlane v23, v1  }
0xc1: {  	v30 =	vand.u32 $0xFFFF, v30;
	[tilespmem:v31+s15+$0x0] =	vst.idx.add.f32.msk $0xffff, v14;
	v43 =	vperm.xlane v23, v3;
	v14 =	vperm.xlane v22, v1  }
0xc2: {  	[tilespmem:v63+s15+$0x0] =	vst.idx.add.f32.msk $0xffff, v12;
	v12 =	vand.u32 $0x3, v28;
	v28 =	vperm.xlane v22, v3;
	v27 =	vperm.xlane v26, v1  }
0xc3: {  	[tilespmem:v18+s15+$0x0] =	vst.idx.add.f32.msk $0xffff, v48;
	v56 =	vperm.xlane v26, v3;
	v48 =	vperm.xlane v26, v4;
	v50 =	vshll.u32 v29, $0x2  }
0xc4: {  	[tilespmem:v17+s15+$0x0] =	vst.idx.add.f32.msk $0xffff, v36;
	v29 =	vshrl.u32 v29, $0xE;
	v20 =	vmul.f32 v24, v61;
	v21 =	vperm.xlane v25, v1  }
0xc5: {  	v15 =	vld.idx.msk [tilespmem:v15+s13+$0x0], $0xffff;
	v49 =	vshll.u32 v14, $0x2;
	v52 =	vshll.u32 v27, $0x2;
	v34 =	vor.u32 v2, v50  }
0xc6: {  	v24 =	vld.idx.msk [tilespmem:v30+s16+$0x0], $0xffff;
	v27 =	vshrl.u32 v27, $0xE;
	v53 =	vshrl.u32 v14, $0xE;
	v42 =	vand.u32 $0x3, v29  }
0xc7: {  	v29 =	vand.u32 $0x3FFFC, v29;
	[tilespmem:v60+s15+$0x0] =	vst.idx.add.f32.msk $0xffff, v20;
	v30 =	vshrl.u32 v21, $0xE;
	v20 =	vshll.u32 v21, $0x2  }
0xc8: {  	v16 =	vld.idx.msk [tilespmem:v16+s16+$0x0], $0xffff;
	v58 =	vshll.u32 v28, $0x2;
	v31 =	vand.u32 $0x3, v30;
	v13 =	vor.u32 v2, v20  }
0xc9: {  	v41 =	vshrl.u32 v56, $0xE;
	v28 =	vshrl.u32 v28, $0xE;
	v21 =	vld.idx.msk [tilespmem:v44+s16+$0x0], $0xffff;
	v51 =	vand.u32 $0xFFFF, v13  }
0xca: {  	v32 =	vor.u32 v2, v49;
	v37 =	vor.u32 v2, v52;
	v54 =	vand.u32 $0x3, v27;
	v20 =	vld.idx.msk [tilespmem:v46+s13+$0x0], $0xffff  }
0xcb: {  	v55 =	vand.u32 $0x3, v53;
	v34 =	vand.u32 $0xFFFF, v34;
	v27 =	vand.u32 $0x3FFFC, v27;
	v14 =	vld.idx.msk [tilespmem:v45+s16+$0x0], $0xffff  }
0xcc: {  	v38 =	vand.u32 $0x3FFFC, v53;
	v29 =	vor.u32 v2, v29;
	v63 =	vand.u32 $0x3, v41;
	v13 =	vld.idx.msk [tilespmem:v47+s13+$0x0], $0xffff  }
0xcd: {  	v52 =	vand.u32 $0x3, v28;
	v41 =	vand.u32 $0x3FFFC, v41;
	v49 =	vperm.xlane v25, v4;
	v31 =	vld.idx.msk [tilespmem:v31+s13+$0x0], $0xffff  }
0xce: {  	v28 =	vand.u32 $0x3FFFC, v28;
	v37 =	vand.u32 $0xFFFF, v37;
	v44 =	vperm.xlane v25, v3;
	v35 =	vld.idx.msk [tilespmem:v51+s16+$0x0], $0xffff  }
0xcf: {  	v32 =	vand.u32 $0xFFFF, v32;
	v27 =	vor.u32 v2, v27;
	v30 =	vand.u32 $0x3FFFC, v30;
	v42 =	vld.idx.msk [tilespmem:v42+s13+$0x0], $0xffff  }
0xd0: {  	v18 =	vor.u32 v2, v30;
	v30 =	vshrl.u32 v44, $0xE;
	v57 =	vshll.u32 v44, $0x2;
	v34 =	vld.idx.msk [tilespmem:v34+s16+$0x0], $0xffff  }
0xd1: {  	v38 =	vor.u32 v2, v38;
	v46 =	vand.u32 $0x3, v30;
	v33 =	vor.u32 v2, v57;
	v59 =	vld.idx.msk [tilespmem:v54+s13+$0x0], $0xffff  }
0xd2: {  	v41 =	vor.u32 v2, v41;
	v45 =	vshll.u32 v56, $0x2;
	v33 =	vand.u32 $0xFFFF, v33;
	v40 =	vld.idx.msk [tilespmem:v55+s13+$0x0], $0xffff  }
0xd3: {  	v47 =	vshll.u32 v43, $0x2;
	v43 =	vshrl.u32 v43, $0xE;
	v37 =	vld.idx.msk [tilespmem:v37+s16+$0x0], $0xffff;
	v31 =	vmul.f32 v35, v31  }
0xd4: {  	v28 =	vor.u32 v2, v28;
	v60 =	vor.u32 v2, v45;
	v53 =	vand.u32 $0x3, v43;
	v32 =	vld.idx.msk [tilespmem:v32+s16+$0x0], $0xffff  }
0xd5: {  	v44 =	vor.u32 v2, v58;
	v61 =	vor.u32 v2, v47;
	[tilespmem:v18+s15+$0x0] =	vst.idx.add.f32.msk $0xffff, v31  }
0xd6: {  	v30 =	vand.u32 $0x3FFFC, v30;
	v39 =	vand.u32 $0xFFFF, v61;
	v34 =	vmul.f32 v34, v42;
	v62 =	vld.idx.msk [tilespmem:v46+s13+$0x0], $0xffff  }
0xd7: {  	v54 =	vperm.xlane v22, v4;
	v17 =	vor.u32 v2, v30;
	v30 =	vshrl.u32 v49, $0xE;
	v33 =	vld.idx.msk [tilespmem:v33+s16+$0x0], $0xffff  }
0xd8: {  	v55 =	vshll.u32 v49, $0x2;
	[tilespmem:v29+s15+$0x0] =	vst.idx.add.f32.msk $0xffff, v34;
	v35 =	vmul.f32 v37, v59;
	v18 =	vand.u32 $0xFFFF, v60  }
0xd9: {  	v22 =	vperm.xlane v22, v5;
	v56 =	vand.u32 $0x3, v30;
	v57 =	vor.u32 v2, v55;
	v53 =	vld.idx.msk [tilespmem:v53+s13+$0x0], $0xffff  }
0xda: {  	v30 =	vand.u32 $0x3FFFC, v30;
	v61 =	vshll.u32 v54, $0x2;
	[tilespmem:v27+s15+$0x0] =	vst.idx.add.f32.msk $0xffff, v35;
	v27 =	vmul.f32 v32, v40  }
0xdb: {  	v30 =	vor.u32 v2, v30;
	v45 =	vor.u32 v2, v61;
	v35 =	vand.u32 $0xFFFF, v57;
	v58 =	vld.idx.msk [tilespmem:v63+s13+$0x0], $0xffff  }
0xdc: {  	v29 =	vperm.xlane v25, v5;
	v37 =	vshrl.u32 v54, $0xE;
	[tilespmem:v38+s15+$0x0] =	vst.idx.add.f32.msk $0xffff, v27;
	v33 =	vmul.f32 v33, v62  }
0xdd: {  	v59 =	vperm.xlane v23, v4;
	v55 =	vand.u32 $0x3, v37;
	v31 =	vand.u32 $0xFFFF, v44;
	v18 =	vld.idx.msk [tilespmem:v18+s16+$0x0], $0xffff  }
0xde: {  	v60 =	vshll.u32 v48, $0x2;
	v44 =	vand.u32 $0xFFFF, v45;
	v57 =	vperm.xlane v26, v5;
	[tilespmem:v17+s15+$0x0] =	vst.idx.add.f32.msk $0xffff, v33  }
0xdf: {  	v63 =	vshrl.u32 v48, $0xE;
	v48 =	vshrl.u32 v59, $0xE;
	v27 =	vand.u32 $0x3FFFC, v43;
	v32 =	vld.idx.msk [tilespmem:v56+s13+$0x0], $0xffff  }
0xe0: {  	v50 =	vand.u32 $0x3, v63;
	v27 =	vor.u32 v2, v27;
	v17 =	vor.u32 v2, v60;
	v35 =	vld.idx.msk [tilespmem:v35+s16+$0x0], $0xffff  }
0xe1: {  	v51 =	vld.idx.msk [tilespmem:v52+s13+$0x0], $0xffff;
	v52 =	vshrl.u32 v29, $0xE;
	v29 =	vshll.u32 v29, $0x2;
	v17 =	vand.u32 $0xFFFF, v17  }
0xe2: {  	v39 =	vld.idx.msk [tilespmem:v39+s16+$0x0], $0xffff;
	v54 =	vand.u32 $0x3, v52;
	v62 =	vshll.u32 v59, $0x2;
	v18 =	vmul.f32 v18, v58  }
0xe3: {  	v29 =	vor.u32 v2, v29;
	v31 =	vld.idx.msk [tilespmem:v31+s16+$0x0], $0xffff;
	v59 =	vperm.xlane v23, v5;
	v49 =	vor.u32 v2, v62  }
0xe4: {  	v29 =	vand.u32 $0xFFFF, v29;
	v23 =	vshll.u32 v57, $0x2;
	v25 =	vand.u32 $0xFFFF, v49;
	[tilespmem:v41+s15+$0x0] =	vst.idx.add.f32.msk $0xffff, v18  }
0xe5: {  	v60 =	vand.u32 $0x3FFFC, v48;
	v61 =	vshll.u32 v59, $0x2;
	v26 =	vld.idx.msk [tilespmem:v50+s13+$0x0], $0xffff;
	v32 =	vmul.f32 v35, v32  }
0xe6: {  	v56 =	vand.u32 $0x3, v48;
	v58 =	vand.u32 $0x3FFFC, v37;
	v18 =	vand.u32 $0x3FFFC, v63;
	v40 =	vld.idx.msk [tilespmem:v17+s16+$0x0], $0xffff  }
0xe7: {  	v33 =	vor.u32 v2, v58;
	v63 =	vshrl.u32 v57, $0xE;
	v34 =	vor.u32 v2, v18;
	[tilespmem:v30+s15+$0x0] =	vst.idx.add.f32.msk $0xffff, v32  }
0xe8: {  	v30 =	vmul.f32 v24, v19;
	v19 =	vmul.f32 v31, v51;
	v24 =	vshll.u32 v22, $0x2;
	v62 =	vld.idx.msk [tilespmem:v54+s13+$0x0], $0xffff  }
0xe9: {  	v31 =	vor.u32 v2, v60;
	v32 =	vmul.f32 v21, v20;
	v18 =	vld.idx.msk [tilespmem:v29+s16+$0x0], $0xffff;
	v29 =	vor.u32 v2, v23  }
0xea: {  	v17 =	vor.u32 v2, v24;
	v24 =	vor.u32 v2, v61;
	[tilespmem:v28+s15+$0x0] =	vst.idx.add.f32.msk $0xffff, v19;
	v28 =	vand.u32 $0x3FFFC, v52  }
0xeb: {  	v23 =	vshrl.u32 v22, $0xE;
	v19 =	vmul.f32 v39, v53;
	v42 =	vor.u32 v2, v28;
	v41 =	vld.idx.msk [tilespmem:v55+s13+$0x0], $0xffff  }
0xec: {  	v22 =	vshrl.u32 v59, $0xE;
	v37 =	vand.u32 $0xFFFF, v29;
	v36 =	vand.u32 $0xFFFF, v17;
	v43 =	vld.idx.msk [tilespmem:v44+s16+$0x0], $0xffff  }
0xed: {  	v29 =	vand.u32 $0xFFFF, v24;
	v39 =	vand.u32 $0x3, v63;
	v38 =	vand.u32 $0x3, v23;
	[tilespmem:v27+s15+$0x0] =	vst.idx.add.f32.msk $0xffff, v19  }
0xee: {  	s25 =	simm.s32 $0x1E0E0;
	s24 =	simm.s32 $0x8;
	v35 =	vand.u32 $0x3, v22;
	v44 =	vand.u32 $0x3FFFC, v63;
	v17 =	vld.idx.msk [tilespmem:v56+s13+$0x0], $0xffff;
	v45 =	vmul.f32 v18, v62  }
.LBB2_5:
0xef: {  	v24 =	vld [tilespmem:s25+$0x10];
	v18 =	vand.u32 $0x3FFFC, v23;
	v28 =	vmul.f32 v14, v13;
	v27 =	vmul.f32 v16, v15  }
0xf0: {  	v13 =	vmul.f32 v40, v26;
	v40 =	vor.u32 v2, v44;
	v14 =	vand.u32 $0x3FFFC, v22;
	[tilespmem:v42+s15+$0x0] =	vst.idx.add.f32.msk $0xffff, v45  }
0xf1: {  	v42 =	vor.u32 v2, v18;
	v26 =	vor.u32 v2, v14;
	v20 =	vld [tilespmem:s25+$0xFFFFFFF0]  }
0xf2: {  	v21 =	vld [tilespmem:s25+$0x0]  }
0xf3: {  	s24 =	sadd.s32 $0x4, s24;
	v14 =	vmul.f32 v43, v41;
	v23 =	vld [tilespmem:s25+$0xFFFFFFE0]  }
0xf4: {  	p0 =	slt.u32 s24, $0x7C;
	v22 =	vld.idx.msk [tilespmem:v25+s16+$0x0], $0xffff  }
0xf5: {  	v15 =	vperm.xlane v24, v1;
	[tilespmem:v34+s15+$0x0] =	vst.idx.add.f32.msk $0xffff, v13  }
0xf6: {  	v16 =	vperm.xlane v20, v1;
	v25 =	vperm.xlane v20, v3;
	[tilespmem:v33+s15+$0x0] =	vst.idx.add.f32.msk $0xffff, v14  }
0xf7: {  	v34 =	vshrl.u32 v15, $0xE;
	v13 =	vshll.u32 v15, $0x2;
	v33 =	vperm.xlane v21, v1;
	[tilespmem:v7+s15+$0x0] =	vst.idx.add.f32.msk $0xffff, v30;
	v7 =	vmovc v31  }
0xf8: {  	v30 =	vand.u32 $0x3, v34;
	v13 =	vor.u32 v2, v13;
	v14 =	vperm.xlane v23, v1;
	v18 =	vld.idx.msk [tilespmem:v39+s13+$0x0], $0xffff  }
0xf9: {  	v15 =	vshll.u32 v16, $0x2;
	v39 =	vand.u32 $0xFFFF, v13;
	v31 =	vshll.u32 v33, $0x2;
	v19 =	vld.idx.msk [tilespmem:v37+s16+$0x0], $0xffff  }
0xfa: {  	v15 =	vor.u32 v2, v15;
	v37 =	vshll.u32 v14, $0x2;
	v31 =	vor.u32 v2, v31;
	v13 =	vld.idx.msk [tilespmem:v38+s13+$0x0], $0xffff  }
0xfb: {  	v16 =	vshrl.u32 v16, $0xE;
	v38 =	vshrl.u32 v14, $0xE;
	v37 =	vor.u32 v2, v37;
	v14 =	vld.idx.msk [tilespmem:v36+s16+$0x0], $0xffff  }
0xfc: {  	v33 =	vshrl.u32 v33, $0xE;
	v36 =	vand.u32 $0xFFFF, v37;
	v37 =	vand.u32 $0xFFFF, v15;
	v15 =	vld.idx.msk [tilespmem:v12+s13+$0x0], $0xffff;
	v12 =	vmovc v35  }
0xfd: {  	v41 =	vand.u32 $0x3, v16;
	v31 =	vand.u32 $0xFFFF, v31;
	v35 =	vand.u32 $0x3, v38;
	v30 =	vld.idx.msk [tilespmem:v30+s13+$0x0], $0xffff  }
0xfe: {  	v45 =	vperm.xlane v21, v3;
	v43 =	vperm.xlane v23, v3;
	v44 =	vand.u32 $0x3, v33;
	v39 =	vld.idx.msk [tilespmem:v39+s16+$0x0], $0xffff  }
0xff: {  	v47 =	vperm.xlane v24, v3;
	v46 =	vand.u32 $0x3FFFC, v16;
	v38 =	vand.u32 $0x3FFFC, v38;
	v16 =	vld.idx.msk [tilespmem:v9+s16+$0x0], $0xffff;
	v9 =	vmovc v29  }
0x100: {  	v34 =	vand.u32 $0x3FFFC, v34;
	v33 =	vand.u32 $0x3FFFC, v33;
	v29 =	vshll.u32 v43, $0x2;
	[tilespmem:v10+s15+$0x0] =	vst.idx.add.f32.msk $0xffff, v32;
	v10 =	vmovc v40  }
0x101: {  	v34 =	vor.u32 v2, v34;
	v40 =	vshll.u32 v47, $0x2;
	v32 =	vld.idx.msk [tilespmem:v36+s16+$0x0], $0xffff;
	v36 =	vshrl.u32 v47, $0xE  }
0x102: {  	v47 =	vshll.u32 v25, $0x2;
	v40 =	vor.u32 v2, v40;
	v37 =	vld.idx.msk [tilespmem:v37+s16+$0x0], $0xffff;
	v48 =	vand.u32 $0x3, v36  }
0x103: {  	v49 =	vshll.u32 v45, $0x2;
	v38 =	vor.u32 v2, v38;
	v40 =	vand.u32 $0xFFFF, v40;
	v31 =	vld.idx.msk [tilespmem:v31+s16+$0x0], $0xffff  }
0x104: {  	v46 =	vor.u32 v2, v46;
	v33 =	vor.u32 v2, v33;
	v30 =	vmul.f32 v39, v30;
	v35 =	vld.idx.msk [tilespmem:v35+s13+$0x0], $0xffff  }
0x105: {  	v29 =	vor.u32 v2, v29;
	v39 =	vld.idx.msk [tilespmem:v41+s13+$0x0], $0xffff;
	v41 =	vor.u32 v2, v47;
	v47 =	vor.u32 v2, v49  }
0x106: {  	v45 =	vshrl.u32 v45, $0xE;
	v43 =	vshrl.u32 v43, $0xE;
	v25 =	vshrl.u32 v25, $0xE;
	[tilespmem:v34+s15+$0x0] =	vst.idx.add.f32.msk $0xffff, v30  }
0x107: {  	v29 =	vand.u32 $0xFFFF, v29;
	v30 =	vand.u32 $0xFFFF, v41;
	v34 =	vand.u32 $0xFFFF, v47;
	v41 =	vld.idx.msk [tilespmem:v48+s13+$0x0], $0xffff  }
0x108: {  	v49 =	vand.u32 $0x3, v45;
	v47 =	vand.u32 $0x3, v43;
	v48 =	vand.u32 $0x3, v25;
	v40 =	vld.idx.msk [tilespmem:v40+s16+$0x0], $0xffff  }
0x109: {  	v51 =	vperm.xlane v24, v4;
	v50 =	vperm.xlane v23, v4;
	v43 =	vand.u32 $0x3FFFC, v43;
	v44 =	vld.idx.msk [tilespmem:v44+s13+$0x0], $0xffff  }
0x10a: {  	v36 =	vand.u32 $0x3FFFC, v36;
	v32 =	vmul.f32 v32, v35;
	v35 =	vperm.xlane v20, v4;
	[tilespmem:v11+s15+$0x0] =	vst.idx.add.f32.msk $0xffff, v28  }
0x10b: {  	v28 =	vor.u32 v2, v36;
	v36 =	vshrl.u32 v51, $0xE;
	v51 =	vshll.u32 v51, $0x2;
	v11 =	vmovc v42;
	[tilespmem:v6+s15+$0x0] =	vst.idx.add.f32.msk $0xffff, v27  }
0x10c: {  	v27 =	vmul.f32 v37, v39;
	v42 =	vor.u32 v2, v51;
	[tilespmem:v38+s15+$0x0] =	vst.idx.add.f32.msk $0xffff, v32;
	v32 =	vand.u32 $0x3, v36  }
0x10d: {  	v25 =	vand.u32 $0x3FFFC, v25;
	v6 =	vmovc v8;
	v8 =	vmovc v26;
	v38 =	vperm.xlane v21, v4;
	v39 =	vand.u32 $0xFFFF, v42;
	v37 =	vld.idx.msk [tilespmem:v47+s13+$0x0], $0xffff  }
0x10e: {  	v26 =	vshll.u32 v50, $0x2;
	v40 =	vmul.f32 v40, v41;
	[tilespmem:v46+s15+$0x0] =	vst.idx.add.f32.msk $0xffff, v27;
	v27 =	vand.u32 $0x3FFFC, v45  }
0x10f: {  	v41 =	vshll.u32 v35, $0x2;
	v31 =	vmul.f32 v31, v44;
	v42 =	vshll.u32 v38, $0x2;
	v29 =	vld.idx.msk [tilespmem:v29+s16+$0x0], $0xffff  }
0x110: {  	v43 =	vor.u32 v2, v43;
	v44 =	vshrl.u32 v50, $0xE;
	v45 =	vor.u32 v2, v25;
	[tilespmem:v28+s15+$0x0] =	vst.idx.add.f32.msk $0xffff, v40  }
0x111: {  	v25 =	vor.u32 v2, v26;
	v26 =	vor.u32 v2, v41;
	v27 =	vor.u32 v2, v27;
	v28 =	vld.idx.msk [tilespmem:v32+s13+$0x0], $0xffff  }
0x112: {  	v32 =	vshrl.u32 v35, $0xE;
	v35 =	vshrl.u32 v38, $0xE;
	v38 =	vor.u32 v2, v42;
	v39 =	vld.idx.msk [tilespmem:v39+s16+$0x0], $0xffff  }
0x113: {  	v24 =	vperm.xlane v24, v5;
	v46 =	vand.u32 $0xFFFF, v26;
	v40 =	vand.u32 $0xFFFF, v25;
	[tilespmem:v33+s15+$0x0] =	vst.idx.add.f32.msk $0xffff, v31  }
0x114: {  	v26 =	vand.u32 $0x3, v44;
	v25 =	vand.u32 $0xFFFF, v38;
	v33 =	vand.u32 $0x3FFFC, v36;
	v31 =	vld.idx.msk [tilespmem:v48+s13+$0x0], $0xffff  }
0x115: {  	v38 =	vshrl.u32 v24, $0xE;
	v24 =	vshll.u32 v24, $0x2;
	v36 =	vld.idx.msk [tilespmem:v30+s16+$0x0], $0xffff;
	v30 =	vor.u32 v2, v33  }
0x116: {  	v24 =	vor.u32 v2, v24;
	v29 =	vmul.f32 v29, v37;
	v33 =	vand.u32 $0x3, v38;
	v37 =	vld.idx.msk [tilespmem:v49+s13+$0x0], $0xffff  }
0x117: {  	v41 =	vand.u32 $0x3, v32;
	v47 =	vand.u32 $0x3, v35;
	v24 =	vand.u32 $0xFFFF, v24;
	v42 =	vld.idx.msk [tilespmem:v34+s16+$0x0], $0xffff  }
0x118: {  	v23 =	vperm.xlane v23, v5;
	v28 =	vmul.f32 v39, v28;
	[tilespmem:v43+s15+$0x0] =	vst.idx.add.f32.msk $0xffff, v29;
	v29 =	vand.u32 $0x3FFFC, v44  }
0x119: {  	v20 =	vperm.xlane v20, v5;
	v21 =	vperm.xlane v21, v5;
	v32 =	vand.u32 $0x3FFFC, v32;
	v26 =	vld.idx.msk [tilespmem:v26+s13+$0x0], $0xffff  }
0x11a: {  	v35 =	vand.u32 $0x3FFFC, v35;
	v39 =	vshll.u32 v23, $0x2;
	[tilespmem:v30+s15+$0x0] =	vst.idx.add.f32.msk $0xffff, v28;
	v30 =	vmul.f32 v22, v17  }
0x11b: {  	v17 =	vmul.f32 v36, v31;
	v22 =	vshll.u32 v20, $0x2;
	v28 =	vshll.u32 v21, $0x2;
	v48 =	vld.idx.msk [tilespmem:v33+s13+$0x0], $0xffff  }
0x11c: {  	v34 =	vor.u32 v2, v29;
	v31 =	vor.u32 v2, v35;
	v33 =	vor.u32 v2, v32;
	v24 =	vld.idx.msk [tilespmem:v24+s16+$0x0], $0xffff  }
0x11d: {  	v29 =	vor.u32 v2, v39;
	v32 =	vshrl.u32 v23, $0xE;
	[tilespmem:v45+s15+$0x0] =	vst.idx.add.f32.msk $0xffff, v17;
	v17 =	vmul.f32 v42, v37  }
.Ltmp1:
0x11e: {  	v36 =	vand.u32 $0x3FFFC, v38;
	v35 =	vor.u32 v2, v22;
	v28 =	vor.u32 v2, v28;
	v40 =	vld.idx.msk [tilespmem:v40+s16+$0x0], $0xffff;
	(pc) =	sbr.rel @p0 .LBB2_5-.Ltmp1, $4  }
0x11f: {  	v23 =	vshrl.u32 v20, $0xE;
	v22 =	vshrl.u32 v21, $0xE;
	v42 =	vor.u32 v2, v36;
	[tilespmem:v27+s15+$0x0] =	vst.idx.add.f32.msk $0xffff, v17  }
0x120: {  	v37 =	vand.u32 $0xFFFF, v29;
	v36 =	vand.u32 $0xFFFF, v35;
	v29 =	vand.u32 $0xFFFF, v28;
	v41 =	vld.idx.msk [tilespmem:v41+s13+$0x0], $0xffff  }
0x121: {  	v39 =	vand.u32 $0x3, v32;
	v38 =	vand.u32 $0x3, v23;
	v35 =	vand.u32 $0x3, v22;
	v43 =	vld.idx.msk [tilespmem:v46+s16+$0x0], $0xffff  }
0x122: {  	s25 =	sadd.s32 $0x40, s25;
	v44 =	vand.u32 $0x3FFFC, v32;
	v32 =	vmul.f32 v19, v18;
	v45 =	vmul.f32 v24, v48;
	v17 =	vld.idx.msk [tilespmem:v47+s13+$0x0], $0xffff  }
0x123: {  	_ =	sdelay $0x3  }
0x124: {  	v20 =	vld.idx.msk [tilespmem:v25+s16+$0x0], $0xffff  }
0x125: {  	[tilespmem:v7+s15+$0x0] =	vst.idx.add.f32.msk $0xffff, v30  }
0x126: {  	[tilespmem:v42+s15+$0x0] =	vst.idx.add.f32.msk $0xffff, v45  }
0x127: {  	v18 =	vmul.f32 v40, v26;
	v12 =	vld.idx.msk [tilespmem:v12+s13+$0x0], $0xffff  }
0x128: {  	v9 =	vld.idx.msk [tilespmem:v9+s16+$0x0], $0xffff  }
0x129: {  	[tilespmem:v34+s15+$0x0] =	vst.idx.add.f32.msk $0xffff, v18  }
0x12a: {  	v19 =	vmul.f32 v43, v41;
	v7 =	vld.idx.msk [tilespmem:v39+s13+$0x0], $0xffff  }
0x12b: {  	v18 =	vld.idx.msk [tilespmem:v37+s16+$0x0], $0xffff  }
0x12c: {  	[tilespmem:v33+s15+$0x0] =	vst.idx.add.f32.msk $0xffff, v19  }
0x12d: {  	v17 =	vmul.f32 v20, v17;
	v19 =	vld.idx.msk [tilespmem:v38+s13+$0x0], $0xffff  }
0x12e: {  	v21 =	vld.idx.msk [tilespmem:v36+s16+$0x0], $0xffff  }
0x12f: {  	[tilespmem:v31+s15+$0x0] =	vst.idx.add.f32.msk $0xffff, v17  }
0x130: {  	v17 =	vand.u32 $0x3FFFC, v23;
	v23 =	vld.idx.msk [tilespmem:v35+s13+$0x0], $0xffff  }
0x131: {  	v13 =	vmul.f32 v14, v13;
	v14 =	vor.u32 v2, v17;
	v17 =	vld.idx.msk [tilespmem:v29+s16+$0x0], $0xffff  }
0x132: {  	v15 =	vmul.f32 v16, v15;
	v16 =	vand.u32 $0x3FFFC, v22;
	[tilespmem:v10+s15+$0x0] =	vst.idx.add.f32.msk $0xffff, v32;
	v20 =	vor.u32 v2, v44  }
0x133: {  	v10 =	vor.u32 v2, v16;
	[tilespmem:v11+s15+$0x0] =	vst.idx.add.f32.msk $0xffff, v13;
	v9 =	vmul.f32 v9, v12  }
0x134: {  	[tilespmem:v6+s15+$0x0] =	vst.idx.add.f32.msk $0xffff, v15;
	v6 =	vmul.f32 v21, v19  }
0x135: {  	v7 =	vmul.f32 v18, v7;
	[tilespmem:v8+s15+$0x0] =	vst.idx.add.f32.msk $0xffff, v9  }
0x136: {  	[tilespmem:v14+s15+$0x0] =	vst.idx.add.f32.msk $0xffff, v6;
	v6 =	vmul.f32 v17, v23  }
0x137: {  	p0 =	seq.s32 s22, $0x27;
	[tilespmem:v20+s15+$0x0] =	vst.idx.add.f32.msk $0xffff, v7  }
0x138: {  	s23 =	sadd.s32 @!p0 s23, s8;
	s24 =	simm.s32 @!p0 $0x0;
	s25 =	simm.s32 @!p0 $0x1E000;
	[tilespmem:v10+s15+$0x0] =	vst.idx.add.f32.msk $0xffff, v6  }
0x139: {  	[tilespmem:s25], [sflag:$0x1] =	stream.linear.gather @!p0 [hbm4b:s23+s24], $0x800, $0x38;
	[tilespmem:$0x1F080] =	vst v63  }
0x13a: {  	_ =	swait.ge [sflag:s20], $0x800  }
0x13b: {  	[sflag:s20] =	ssyncset.done $0x0  }
0x13c: {  	s29 =	simm.s32 $0x1E820;
	[sflag:s20] =	ssyncadd.s32 $0xFFFFF800  }
0x13d: {  	v8 =	vld [tilespmem:s29+$0x10]  }
0x13e: {  	v9 =	vld [tilespmem:s29+$0xFFFFFFE0]  }
0x13f: {  	v6 =	vld [tilespmem:s29+$0x0];
	_ =	sdelay $0x2  }
0x140: {  	v10 =	vperm.xlane v8, v1  }
0x141: {  	v14 =	vperm.xlane v9, v1  }
0x142: {  	v7 =	vld [tilespmem:s29+$0xFFFFFFF0];
	v12 =	vperm.xlane v6, v1;
	v13 =	vshrl.u32 v10, $0xE;
	v10 =	vshll.u32 v10, $0x2  }
0x143: {  	v19 =	vshll.u32 v14, $0x2;
	v14 =	vshrl.u32 v14, $0xE;
	v15 =	vand.u32 $0x3, v13  }
0x144: {  	v18 =	vshll.u32 v12, $0x2;
	v12 =	vshrl.u32 v12, $0xE;
	v20 =	vand.u32 $0x3, v14  }
0x145: {  	v10 =	vor.u32 v2, v10;
	v24 =	vand.u32 $0x3, v12  }
0x146: {  	v19 =	vor.u32 v2, v19;
	v10 =	vand.u32 $0xFFFF, v10  }
0x147: {  	v11 =	vperm.xlane v7, v1;
	v18 =	vor.u32 v2, v18;
	v19 =	vand.u32 $0xFFFF, v19  }
0x148: {  	v18 =	vand.u32 $0xFFFF, v18;
	v15 =	vld.idx.msk [tilespmem:v15+s13+$0x0], $0xffff  }
0x149: {  	v16 =	vperm.xlane v7, v3;
	v17 =	vshll.u32 v11, $0x2;
	v11 =	vshrl.u32 v11, $0xE;
	v20 =	vld.idx.msk [tilespmem:v20+s13+$0x0], $0xffff  }
0x14a: {  	v22 =	vperm.xlane v8, v3;
	v17 =	vor.u32 v2, v17;
	v21 =	vand.u32 $0x3, v11;
	v24 =	vld.idx.msk [tilespmem:v24+s13+$0x0], $0xffff  }
0x14b: {  	v23 =	vperm.xlane v9, v3;
	v26 =	vperm.xlane v6, v3;
	v17 =	vand.u32 $0xFFFF, v17;
	v10 =	vld.idx.msk [tilespmem:v10+s16+$0x0], $0xffff  }
0x14c: {  	v25 =	vshrl.u32 v22, $0xE;
	v22 =	vshll.u32 v22, $0x2;
	v13 =	vand.u32 $0x3FFFC, v13;
	v19 =	vld.idx.msk [tilespmem:v19+s16+$0x0], $0xffff  }
0x14d: {  	v28 =	vshll.u32 v23, $0x2;
	v14 =	vand.u32 $0x3FFFC, v14;
	v13 =	vor.u32 v2, v13;
	v18 =	vld.idx.msk [tilespmem:v18+s16+$0x0], $0xffff  }
0x14e: {  	v29 =	vshll.u32 v26, $0x2;
	v23 =	vshrl.u32 v23, $0xE;
	v14 =	vor.u32 v2, v14  }
0x14f: {  	v27 =	vand.u32 $0x3, v25;
	v22 =	vor.u32 v2, v22;
	v11 =	vand.u32 $0x3FFFC, v11;
	v21 =	vld.idx.msk [tilespmem:v21+s13+$0x0], $0xffff  }
0x150: {  	v12 =	vand.u32 $0x3FFFC, v12;
	v22 =	vand.u32 $0xFFFF, v22;
	v17 =	vld.idx.msk [tilespmem:v17+s16+$0x0], $0xffff;
	v10 =	vmul.f32 v10, v15  }
0x151: {  	v11 =	vor.u32 v2, v11;
	v12 =	vor.u32 v2, v12;
	v19 =	vmul.f32 v19, v20  }
0x152: {  	v15 =	vshll.u32 v16, $0x2;
	v20 =	vand.u32 $0x3FFFC, v25;
	v18 =	vmul.f32 v18, v24;
	[tilespmem:v13+s15+$0x0] =	vst.idx.add.f32.msk $0xffff, v10  }
0x153: {  	v16 =	vshrl.u32 v16, $0xE;
	v20 =	vor.u32 v2, v20;
	v10 =	vor.u32 v2, v28;
	[tilespmem:v14+s15+$0x0] =	vst.idx.add.f32.msk $0xffff, v19  }
0x154: {  	v13 =	vor.u32 v2, v15;
	v28 =	vor.u32 v2, v29;
	v15 =	vld.idx.msk [tilespmem:v27+s13+$0x0], $0xffff;
	v27 =	vand.u32 $0x3, v23  }
0x155: {  	v29 =	vperm.xlane v8, v4;
	v14 =	vmul.f32 v17, v21;
	v22 =	vld.idx.msk [tilespmem:v22+s16+$0x0], $0xffff;
	v10 =	vand.u32 $0xFFFF, v10  }
0x156: {  	v21 =	vshrl.u32 v26, $0xE;
	v8 =	vperm.xlane v8, v5;
	v13 =	vand.u32 $0xFFFF, v13  }
0x157: {  	v25 =	vshrl.u32 v29, $0xE;
	v29 =	vshll.u32 v29, $0x2;
	[tilespmem:v11+s15+$0x0] =	vst.idx.add.f32.msk $0xffff, v14;
	v14 =	vand.u32 $0x3, v21  }
0x158: {  	[tilespmem:v12+s15+$0x0] =	vst.idx.add.f32.msk $0xffff, v18;
	v17 =	vand.u32 $0x3, v25;
	v19 =	vor.u32 v2, v29;
	v29 =	vperm.xlane v6, v4  }
0x159: {  	v25 =	vand.u32 $0x3FFFC, v25;
	v6 =	vperm.xlane v6, v5;
	v19 =	vand.u32 $0xFFFF, v19;
	v26 =	vld.idx.msk [tilespmem:v27+s13+$0x0], $0xffff  }
0x15a: {  	v25 =	vor.u32 v2, v25;
	v24 =	vshll.u32 v29, $0x2;
	v11 =	vmul.f32 v22, v15;
	v10 =	vld.idx.msk [tilespmem:v10+s16+$0x0], $0xffff  }
0x15b: {  	v27 =	vand.u32 $0xFFFF, v28;
	v28 =	vand.u32 $0x3, v16;
	v22 =	vperm.xlane v9, v4;
	v13 =	vld.idx.msk [tilespmem:v13+s16+$0x0], $0xffff  }
0x15c: {  	v29 =	vshrl.u32 v29, $0xE;
	v15 =	vand.u32 $0x3FFFC, v23;
	v23 =	vperm.xlane v7, v4;
	[tilespmem:v20+s15+$0x0] =	vst.idx.add.f32.msk $0xffff, v11  }
0x15d: {  	v15 =	vor.u32 v2, v15;
	v11 =	vshll.u32 v22, $0x2;
	v22 =	vshrl.u32 v22, $0xE;
	v17 =	vld.idx.msk [tilespmem:v17+s13+$0x0], $0xffff  }
0x15e: {  	v16 =	vand.u32 $0x3FFFC, v16;
	v19 =	vld.idx.msk [tilespmem:v19+s16+$0x0], $0xffff;
	v11 =	vor.u32 v2, v11;
	v12 =	vand.u32 $0x3, v22  }
0x15f: {  	v9 =	vperm.xlane v9, v5;
	v7 =	vperm.xlane v7, v5;
	v14 =	vld.idx.msk [tilespmem:v14+s13+$0x0], $0xffff;
	v11 =	vand.u32 $0xFFFF, v11  }
0x160: {  	v16 =	vor.u32 v2, v16;
	v20 =	vand.u32 $0x3FFFC, v21;
	v18 =	vld.idx.msk [tilespmem:v28+s13+$0x0], $0xffff;
	v10 =	vmul.f32 v10, v26  }
0x161: {  	v21 =	vshll.u32 v23, $0x2;
	v28 =	vshrl.u32 v8, $0xE;
	v8 =	vshll.u32 v8, $0x2;
	v27 =	vld.idx.msk [tilespmem:v27+s16+$0x0], $0xffff  }
0x162: {  	v21 =	vor.u32 v2, v21;
	v26 =	vand.u32 $0x3, v28;
	v8 =	vor.u32 v2, v8;
	[tilespmem:v15+s15+$0x0] =	vst.idx.add.f32.msk $0xffff, v10  }
0x163: {  	v8 =	vand.u32 $0xFFFF, v8;
	v15 =	vor.u32 v2, v24;
	v10 =	vmul.f32 v19, v17;
	v19 =	vld.idx.msk [tilespmem:v12+s13+$0x0], $0xffff  }
0x164: {  	v23 =	vshrl.u32 v23, $0xE;
	v17 =	vand.u32 $0xFFFF, v21;
	v24 =	vand.u32 $0xFFFF, v15;
	v30 =	vld.idx.msk [tilespmem:v11+s16+$0x0], $0xffff  }
0x165: {  	s30 =	simm.s32 $0x1E860;
	v12 =	vand.u32 $0x3, v23;
	v15 =	vand.u32 $0x3FFFC, v22;
	v21 =	vand.u32 $0x3FFFC, v23;
	[tilespmem:v25+s15+$0x0] =	vst.idx.add.f32.msk $0xffff, v10  }
0x166: {  	v23 =	vand.u32 $0x3FFFC, v29;
	v10 =	vand.u32 $0x3, v29;
	v29 =	vor.u32 v2, v21;
	v21 =	vld [tilespmem:s30+$0x10]  }
0x167: {  	v22 =	vshll.u32 v9, $0x2;
	v9 =	vshrl.u32 v9, $0xE;
	v13 =	vmul.f32 v13, v18;
	v18 =	vld.idx.msk [tilespmem:v26+s13+$0x0], $0xffff  }
0x168: {  	v20 =	vor.u32 v2, v20;
	v11 =	vor.u32 v2, v22;
	v47 =	vand.u32 $0x3, v9;
	v8 =	vld.idx.msk [tilespmem:v8+s16+$0x0], $0xffff  }
0x169: {  	v25 =	vshll.u32 v7, $0x2;
	v14 =	vmul.f32 v27, v14;
	v26 =	vor.u32 v2, v15;
	[tilespmem:v16+s15+$0x0] =	vst.idx.add.f32.msk $0xffff, v13  }
0x16a: {  	v16 =	vshll.u32 v6, $0x2;
	v13 =	vor.u32 v2, v23;
	v23 =	vshrl.u32 v7, $0xE;
	v7 =	vld [tilespmem:s30+$0xFFFFFFF0]  }
0x16b: {  	v6 =	vshrl.u32 v6, $0xE;
	v22 =	vld.idx.msk [tilespmem:v12+s13+$0x0], $0xffff;
	v12 =	vor.u32 v2, v25;
	v15 =	vor.u32 v2, v16  }
0x16c: {  	v16 =	vand.u32 $0x3FFFC, v28;
	v25 =	vld.idx.msk [tilespmem:v17+s16+$0x0], $0xffff;
	v28 =	vand.u32 $0xFFFF, v11;
	v17 =	vand.u32 $0x3FFFC, v9  }
0x16d: {  	[tilespmem:v20+s15+$0x0] =	vst.idx.add.f32.msk $0xffff, v14;
	v14 =	vand.u32 $0x3FFFC, v23;
	v27 =	vor.u32 v2, v16;
	v31 =	vand.u32 $0xFFFF, v12  }
0x16e: {  	v16 =	vand.u32 $0xFFFF, v15;
	v12 =	vld [tilespmem:s30+$0xFFFFFFE0];
	v15 =	vand.u32 $0x3, v6;
	v20 =	vmul.f32 v30, v19  }
0x16f: {  	v11 =	vld [tilespmem:s30+$0x0];
	v6 =	vand.u32 $0x3FFFC, v6;
	v19 =	vperm.xlane v21, v1;
	v51 =	vperm.xlane v21, v3  }
0x170: {  	v9 =	vld.idx.msk [tilespmem:v10+s13+$0x0], $0xffff;
	v6 =	vor.u32 v2, v6;
	v61 =	vperm.xlane v21, v4;
	v8 =	vmul.f32 v8, v18  }
0x171: {  	v48 =	vand.u32 $0x3, v23;
	[tilespmem:v26+s15+$0x0] =	vst.idx.add.f32.msk $0xffff, v20;
	v18 =	vor.u32 v2, v17;
	v17 =	vor.u32 v2, v14  }
0x172: {  	v10 =	vshll.u32 v19, $0x2;
	v20 =	vperm.xlane v7, v1;
	[tilespmem:v27+s15+$0x0] =	vst.idx.add.f32.msk $0xffff, v8;
	v8 =	vmul.f32 v25, v22  }
0x173: {  	v10 =	vor.u32 v2, v10;
	v22 =	vshrl.u32 v19, $0xE;
	v19 =	vld.idx.msk [tilespmem:v24+s16+$0x0], $0xffff;
	v14 =	vperm.xlane v12, v1  }
0x174: {  	v24 =	vperm.xlane v11, v1;
	v25 =	vand.u32 $0xFFFF, v10;
	v27 =	vshll.u32 v20, $0x2;
	[tilespmem:v29+s15+$0x0] =	vst.idx.add.f32.msk $0xffff, v8  }
0x175: {  	v49 =	vshrl.u32 v20, $0xE;
	v23 =	vand.u32 $0x3, v22;
	v10 =	vshll.u32 v14, $0x2;
	v8 =	vld.idx.msk [tilespmem:v47+s13+$0x0], $0xffff  }
0x176: {  	v52 =	vand.u32 $0x3, v49;
	v29 =	vshll.u32 v24, $0x2;
	v30 =	vor.u32 v2, v10;
	v10 =	vld.idx.msk [tilespmem:v28+s16+$0x0], $0xffff  }
0x177: {  	v28 =	vor.u32 v2, v29;
	v20 =	vld.idx.msk [tilespmem:v31+s16+$0x0], $0xffff;
	v29 =	vand.u32 $0xFFFF, v30;
	v30 =	vshrl.u32 v14, $0xE  }
0x178: {  	v21 =	vperm.xlane v21, v5;
	v27 =	vor.u32 v2, v27;
	v14 =	vld.idx.msk [tilespmem:v48+s13+$0x0], $0xffff;
	v50 =	vand.u32 $0x3, v30  }
0x179: {  	v26 =	vperm.xlane v7, v3;
	v27 =	vand.u32 $0xFFFF, v27;
	v24 =	vshrl.u32 v24, $0xE;
	v25 =	vld.idx.msk [tilespmem:v25+s16+$0x0], $0xffff  }
0x17a: {  	v35 =	vshll.u32 v51, $0x2;
	v63 =	vshrl.u32 v61, $0xE;
	v55 =	vand.u32 $0x3, v24;
	v23 =	vld.idx.msk [tilespmem:v23+s13+$0x0], $0xffff  }
0x17b: {  	v40 =	vshll.u32 v61, $0x2;
	v22 =	vand.u32 $0x3FFFC, v22;
	v28 =	vand.u32 $0xFFFF, v28;
	v33 =	vld.idx.msk [tilespmem:v52+s13+$0x0], $0xffff  }
0x17c: {  	v35 =	vor.u32 v2, v35;
	v22 =	vor.u32 v2, v22;
	v31 =	vshrl.u32 v51, $0xE;
	v29 =	vld.idx.msk [tilespmem:v29+s16+$0x0], $0xffff  }
0x17d: {  	v56 =	vperm.xlane v11, v3;
	v53 =	vperm.xlane v12, v3;
	v54 =	vand.u32 $0x3, v31;
	v34 =	vld.idx.msk [tilespmem:v50+s13+$0x0], $0xffff  }
0x17e: {  	v35 =	vand.u32 $0xFFFF, v35;
	v57 =	vshll.u32 v26, $0x2;
	v30 =	vand.u32 $0x3FFFC, v30;
	v27 =	vld.idx.msk [tilespmem:v27+s16+$0x0], $0xffff  }
0x17f: {  	v36 =	vshrl.u32 v53, $0xE;
	v30 =	vor.u32 v2, v30;
	v62 =	vld.idx.msk [tilespmem:v55+s13+$0x0], $0xffff;
	v23 =	vmul.f32 v25, v23  }
0x180: {  	v32 =	vand.u32 $0x3FFFC, v49;
	v59 =	vand.u32 $0x3, v36;
	v28 =	vld.idx.msk [tilespmem:v28+s16+$0x0], $0xffff;
	v25 =	vshll.u32 v53, $0x2  }
0x181: {  	v24 =	vand.u32 $0x3FFFC, v24;
	v25 =	vor.u32 v2, v25;
	[tilespmem:v22+s15+$0x0] =	vst.idx.add.f32.msk $0xffff, v23;
	v22 =	vor.u32 v2, v32  }
0x182: {  	v23 =	vor.u32 v2, v24;
	v25 =	vand.u32 $0xFFFF, v25;
	v24 =	vld.idx.msk [tilespmem:v54+s13+$0x0], $0xffff;
	v29 =	vmul.f32 v29, v34  }
0x183: {  	v26 =	vshrl.u32 v26, $0xE;
	v46 =	vperm.xlane v12, v4;
	v60 =	vor.u32 v2, v57;
	v35 =	vld.idx.msk [tilespmem:v35+s16+$0x0], $0xffff  }
0x184: {  	v37 =	vand.u32 $0xFFFF, v60;
	v31 =	vand.u32 $0x3FFFC, v31;
	v27 =	vmul.f32 v27, v33;
	[tilespmem:v30+s15+$0x0] =	vst.idx.add.f32.msk $0xffff, v29  }
0x185: {  	v12 =	vperm.xlane v12, v5;
	v58 =	vshll.u32 v56, $0x2;
	v31 =	vor.u32 v2, v31;
	v32 =	vld.idx.msk [tilespmem:v59+s13+$0x0], $0xffff  }
0x186: {  	v28 =	vmul.f32 v28, v62;
	v29 =	vand.u32 $0x3, v63;
	v30 =	vor.u32 v2, v40;
	[tilespmem:v22+s15+$0x0] =	vst.idx.add.f32.msk $0xffff, v27  }
0x187: {  	v39 =	vshrl.u32 v56, $0xE;
	v47 =	vperm.xlane v7, v4;
	v30 =	vand.u32 $0xFFFF, v30;
	v25 =	vld.idx.msk [tilespmem:v25+s16+$0x0], $0xffff  }
0x188: {  	v43 =	vor.u32 v2, v58;
	v27 =	vand.u32 $0x3, v26;
	[tilespmem:v23+s15+$0x0] =	vst.idx.add.f32.msk $0xffff, v28;
	v22 =	vmul.f32 v35, v24  }
0x189: {  	v44 =	vand.u32 $0x3, v39;
	v45 =	vand.u32 $0x3FFFC, v36;
	v49 =	vshll.u32 v47, $0x2;
	v37 =	vld.idx.msk [tilespmem:v37+s16+$0x0], $0xffff  }
0x18a: {  	v36 =	vshrl.u32 v46, $0xE;
	v48 =	vand.u32 $0x3FFFC, v39;
	v39 =	vor.u32 v2, v49;
	[tilespmem:v31+s15+$0x0] =	vst.idx.add.f32.msk $0xffff, v22  }
0x18b: {  	v50 =	vshrl.u32 v21, $0xE;
	v21 =	vshll.u32 v21, $0x2;
	v24 =	vand.u32 $0xFFFF, v43;
	v29 =	vld.idx.msk [tilespmem:v29+s13+$0x0], $0xffff  }
0x18c: {  	v28 =	vand.u32 $0x3FFFC, v63;
	v63 =	vmul.f32 v10, v8;
	v35 =	vor.u32 v2, v45;
	v30 =	vld.idx.msk [tilespmem:v30+s16+$0x0], $0xffff  }
0x18d: {  	v21 =	vor.u32 v2, v21;
	v54 =	vperm.xlane v7, v5;
	v23 =	vand.u32 $0x3, v36;
	v27 =	vld.idx.msk [tilespmem:v27+s13+$0x0], $0xffff  }
0x18e: {  	v28 =	vor.u32 v2, v28;
	[tilespmem:v18+s15+$0x0] =	vst.idx.add.f32.msk $0xffff, v63;
	v22 =	vand.u32 $0x3FFFC, v26;
	v31 =	vshll.u32 v46, $0x2  }
0x18f: {  	v51 =	vld.idx.msk [tilespmem:v44+s13+$0x0], $0xffff;
	v22 =	vor.u32 v2, v22;
	v31 =	vor.u32 v2, v31;
	v25 =	vmul.f32 v25, v32  }
0x190: {  	v52 =	vand.u32 $0x3, v50;
	v21 =	vand.u32 $0xFFFF, v21;
	v31 =	vand.u32 $0xFFFF, v31;
	v24 =	vld.idx.msk [tilespmem:v24+s16+$0x0], $0xffff  }
0x191: {  	v57 =	vshrl.u32 v54, $0xE;
	v26 =	vperm.xlane v11, v4;
	[tilespmem:v35+s15+$0x0] =	vst.idx.add.f32.msk $0xffff, v25;
	v25 =	vmul.f32 v30, v29  }
0x192: {  	v34 =	vor.u32 v2, v48;
	v62 =	vand.u32 $0x3, v57;
	v35 =	vld.idx.msk [tilespmem:v23+s13+$0x0], $0xffff;
	v27 =	vmul.f32 v37, v27  }
0x193: {  	v36 =	vand.u32 $0x3FFFC, v36;
	v8 =	vand.u32 $0x3FFFC, v57;
	v53 =	vshll.u32 v26, $0x2;
	[tilespmem:v28+s15+$0x0] =	vst.idx.add.f32.msk $0xffff, v25  }
0x194: {  	v23 =	vshrl.u32 v26, $0xE;
	v26 =	vand.u32 $0xFFFF, v39;
	v29 =	vshrl.u32 v47, $0xE;
	[tilespmem:v22+s15+$0x0] =	vst.idx.add.f32.msk $0xffff, v27  }
0x195: {  	v11 =	vperm.xlane v11, v5;
	v7 =	vand.u32 $0x3FFFC, v29;
	v25 =	vand.u32 $0x3, v29;
	v29 =	vld.idx.msk [tilespmem:v31+s16+$0x0], $0xffff  }
0x196: {  	v30 =	vor.u32 v2, v53;
	v28 =	vand.u32 $0x3, v23;
	v22 =	vmul.f32 v24, v51;
	v33 =	vld.idx.msk [tilespmem:v52+s13+$0x0], $0xffff  }
0x197: {  	v24 =	vshll.u32 v12, $0x2;
	v23 =	vand.u32 $0x3FFFC, v23;
	v27 =	vmul.f32 v19, v9;
	v21 =	vld.idx.msk [tilespmem:v21+s16+$0x0], $0xffff  }
0x198: {  	v9 =	vshll.u32 v54, $0x2;
	v19 =	vshll.u32 v11, $0x2;
	v55 =	vor.u32 v2, v7;
	[tilespmem:v34+s15+$0x0] =	vst.idx.add.f32.msk $0xffff, v22  }
0x199: {  	s31 =	simm.s32 $0x1E8A0;
	v7 =	vor.u32 v2, v23;
	v23 =	vand.u32 $0x3FFFC, v50;
	v22 =	vor.u32 v2, v24;
	v24 =	vld.idx.msk [tilespmem:v26+s16+$0x0], $0xffff  }
0x19a: {  	v31 =	vor.u32 v2, v36;
	v12 =	vshrl.u32 v12, $0xE;
	v58 =	vor.u32 v2, v23;
	v23 =	vld [tilespmem:s31+$0x0]  }
0x19b: {  	v9 =	vor.u32 v2, v9;
	v26 =	vor.u32 v2, v19;
	v59 =	vand.u32 $0xFFFF, v22;
	v22 =	vld [tilespmem:s31+$0xFFFFFFF0]  }
0x19c: {  	v36 =	vmul.f32 v20, v14;
	v60 =	vand.u32 $0xFFFF, v9;
	v9 =	vand.u32 $0xFFFF, v26;
	v26 =	vld [tilespmem:s31+$0xFFFFFFE0]  }
0x19d: {  	v61 =	vand.u32 $0x3, v12;
	v19 =	vld.idx.msk [tilespmem:v28+s13+$0x0], $0xffff;
	v28 =	vshrl.u32 v11, $0xE;
	v11 =	vand.u32 $0x3FFFC, v12  }
0x19e: {  	v56 =	vld.idx.msk [tilespmem:v25+s13+$0x0], $0xffff;
	v14 =	vmul.f32 v29, v35;
	v12 =	vmul.f32 v21, v33;
	v20 =	vand.u32 $0x3FFFC, v28  }
0x19f: {  	v25 =	vld [tilespmem:s31+$0x10];
	v10 =	vor.u32 v2, v11;
	v11 =	vor.u32 v2, v8;
	v8 =	vor.u32 v2, v20  }
0x1a0: {  	v30 =	vand.u32 $0xFFFF, v30;
	[tilespmem:v31+s15+$0x0] =	vst.idx.add.f32.msk $0xffff, v14;
	v29 =	vperm.xlane v23, v1;
	v54 =	vperm.xlane v23, v3  }
0x1a1: {  	[tilespmem:v58+s15+$0x0] =	vst.idx.add.f32.msk $0xffff, v12;
	v12 =	vand.u32 $0x3, v28;
	v14 =	vperm.xlane v22, v1;
	v28 =	vperm.xlane v22, v3  }
0x1a2: {  	[tilespmem:v13+s15+$0x0] =	vst.idx.add.f32.msk $0xffff, v27;
	v27 =	vperm.xlane v26, v1;
	v53 =	vperm.xlane v26, v3;
	v47 =	vshll.u32 v29, $0x2  }
0x1a3: {  	[tilespmem:v17+s15+$0x0] =	vst.idx.add.f32.msk $0xffff, v36;
	v29 =	vshrl.u32 v29, $0xE;
	v43 =	vshrl.u32 v54, $0xE;
	v20 =	vmul.f32 v24, v56  }
0x1a4: {  	v15 =	vld.idx.msk [tilespmem:v15+s13+$0x0], $0xffff;
	v21 =	vperm.xlane v25, v1;
	v46 =	vshll.u32 v14, $0x2;
	v49 =	vshll.u32 v27, $0x2  }
0x1a5: {  	v24 =	vld.idx.msk [tilespmem:v30+s16+$0x0], $0xffff;
	v34 =	vor.u32 v2, v47;
	v27 =	vshrl.u32 v27, $0xE;
	v50 =	vshrl.u32 v14, $0xE  }
0x1a6: {  	v42 =	vand.u32 $0x3, v29;
	[tilespmem:v55+s15+$0x0] =	vst.idx.add.f32.msk $0xffff, v20;
	v30 =	vshrl.u32 v21, $0xE;
	v20 =	vshll.u32 v21, $0x2  }
0x1a7: {  	v16 =	vld.idx.msk [tilespmem:v16+s16+$0x0], $0xffff;
	v56 =	vshll.u32 v53, $0x2;
	v31 =	vand.u32 $0x3, v30;
	v13 =	vor.u32 v2, v20  }
0x1a8: {  	v29 =	vand.u32 $0x3FFFC, v29;
	v58 =	vshll.u32 v28, $0x2;
	v21 =	vld.idx.msk [tilespmem:v59+s16+$0x0], $0xffff;
	v48 =	vand.u32 $0xFFFF, v13  }
0x1a9: {  	v47 =	vshll.u32 v54, $0x2;
	v41 =	vshrl.u32 v53, $0xE;
	v28 =	vshrl.u32 v28, $0xE;
	v20 =	vld.idx.msk [tilespmem:v61+s13+$0x0], $0xffff  }
0x1aa: {  	v53 =	vand.u32 $0x3, v43;
	v54 =	vperm.xlane v22, v4;
	v34 =	vand.u32 $0xFFFF, v34;
	v14 =	vld.idx.msk [tilespmem:v60+s16+$0x0], $0xffff  }
0x1ab: {  	v22 =	vperm.xlane v22, v5;
	v32 =	vor.u32 v2, v46;
	v51 =	vand.u32 $0x3, v27;
	v13 =	vld.idx.msk [tilespmem:v62+s13+$0x0], $0xffff  }
0x1ac: {  	v37 =	vor.u32 v2, v49;
	v52 =	vand.u32 $0x3, v50;
	v27 =	vand.u32 $0x3FFFC, v27;
	v31 =	vld.idx.msk [tilespmem:v31+s13+$0x0], $0xffff  }
0x1ad: {  	v38 =	vand.u32 $0x3FFFC, v50;
	v37 =	vand.u32 $0xFFFF, v37;
	v55 =	vperm.xlane v25, v3;
	v35 =	vld.idx.msk [tilespmem:v48+s16+$0x0], $0xffff  }
0x1ae: {  	v29 =	vor.u32 v2, v29;
	v32 =	vand.u32 $0xFFFF, v32;
	v30 =	vand.u32 $0x3FFFC, v30;
	v42 =	vld.idx.msk [tilespmem:v42+s13+$0x0], $0xffff  }
0x1af: {  	v18 =	vor.u32 v2, v30;
	v30 =	vshrl.u32 v55, $0xE;
	v57 =	vshll.u32 v55, $0x2;
	v34 =	vld.idx.msk [tilespmem:v34+s16+$0x0], $0xffff  }
0x1b0: {  	v44 =	vor.u32 v2, v58;
	v46 =	vand.u32 $0x3, v30;
	v33 =	vor.u32 v2, v57;
	v59 =	vld.idx.msk [tilespmem:v51+s13+$0x0], $0xffff  }
0x1b1: {  	v63 =	vand.u32 $0x3, v41;
	v41 =	vand.u32 $0x3FFFC, v41;
	v33 =	vand.u32 $0xFFFF, v33;
	v40 =	vld.idx.msk [tilespmem:v52+s13+$0x0], $0xffff  }
0x1b2: {  	v49 =	vperm.xlane v25, v4;
	v27 =	vor.u32 v2, v27;
	v37 =	vld.idx.msk [tilespmem:v37+s16+$0x0], $0xffff;
	v31 =	vmul.f32 v35, v31  }
0x1b3: {  	v38 =	vor.u32 v2, v38;
	v41 =	vor.u32 v2, v41;
	v61 =	vor.u32 v2, v47;
	v32 =	vld.idx.msk [tilespmem:v32+s16+$0x0], $0xffff  }
0x1b4: {  	v60 =	vor.u32 v2, v56;
	v39 =	vand.u32 $0xFFFF, v61;
	v55 =	vshll.u32 v49, $0x2;
	[tilespmem:v18+s15+$0x0] =	vst.idx.add.f32.msk $0xffff, v31  }
0x1b5: {  	v61 =	vshll.u32 v54, $0x2;
	v30 =	vand.u32 $0x3FFFC, v30;
	v34 =	vmul.f32 v34, v42;
	v62 =	vld.idx.msk [tilespmem:v46+s13+$0x0], $0xffff  }
0x1b6: {  	v57 =	vor.u32 v2, v55;
	v45 =	vor.u32 v2, v61;
	v17 =	vor.u32 v2, v30;
	v33 =	vld.idx.msk [tilespmem:v33+s16+$0x0], $0xffff  }
0x1b7: {  	v30 =	vshrl.u32 v49, $0xE;
	[tilespmem:v29+s15+$0x0] =	vst.idx.add.f32.msk $0xffff, v34;
	v35 =	vmul.f32 v37, v59;
	v18 =	vand.u32 $0xFFFF, v60  }
0x1b8: {  	v52 =	vand.u32 $0x3, v28;
	v28 =	vand.u32 $0x3FFFC, v28;
	v56 =	vand.u32 $0x3, v30;
	v53 =	vld.idx.msk [tilespmem:v53+s13+$0x0], $0xffff  }
0x1b9: {  	v28 =	vor.u32 v2, v28;
	v30 =	vand.u32 $0x3FFFC, v30;
	[tilespmem:v27+s15+$0x0] =	vst.idx.add.f32.msk $0xffff, v35;
	v27 =	vmul.f32 v32, v40  }
0x1ba: {  	v30 =	vor.u32 v2, v30;
	v48 =	vperm.xlane v26, v4;
	v35 =	vand.u32 $0xFFFF, v57;
	v58 =	vld.idx.msk [tilespmem:v63+s13+$0x0], $0xffff  }
0x1bb: {  	v29 =	vperm.xlane v25, v5;
	v37 =	vshrl.u32 v54, $0xE;
	[tilespmem:v38+s15+$0x0] =	vst.idx.add.f32.msk $0xffff, v27;
	v33 =	vmul.f32 v33, v62  }
0x1bc: {  	v59 =	vperm.xlane v23, v4;
	v55 =	vand.u32 $0x3, v37;
	v31 =	vand.u32 $0xFFFF, v44;
	v18 =	vld.idx.msk [tilespmem:v18+s16+$0x0], $0xffff  }
0x1bd: {  	v60 =	vshll.u32 v48, $0x2;
	v44 =	vand.u32 $0xFFFF, v45;
	v57 =	vperm.xlane v26, v5;
	[tilespmem:v17+s15+$0x0] =	vst.idx.add.f32.msk $0xffff, v33  }
0x1be: {  	v63 =	vshrl.u32 v48, $0xE;
	v48 =	vshrl.u32 v59, $0xE;
	v27 =	vand.u32 $0x3FFFC, v43;
	v32 =	vld.idx.msk [tilespmem:v56+s13+$0x0], $0xffff  }
0x1bf: {  	v50 =	vand.u32 $0x3, v63;
	v27 =	vor.u32 v2, v27;
	v17 =	vor.u32 v2, v60;
	v35 =	vld.idx.msk [tilespmem:v35+s16+$0x0], $0xffff  }
0x1c0: {  	v51 =	vld.idx.msk [tilespmem:v52+s13+$0x0], $0xffff;
	v52 =	vshrl.u32 v29, $0xE;
	v29 =	vshll.u32 v29, $0x2;
	v17 =	vand.u32 $0xFFFF, v17  }
0x1c1: {  	v39 =	vld.idx.msk [tilespmem:v39+s16+$0x0], $0xffff;
	v54 =	vand.u32 $0x3, v52;
	v62 =	vshll.u32 v59, $0x2;
	v18 =	vmul.f32 v18, v58  }
0x1c2: {  	v29 =	vor.u32 v2, v29;
	v31 =	vld.idx.msk [tilespmem:v31+s16+$0x0], $0xffff;
	v59 =	vperm.xlane v23, v5;
	v49 =	vor.u32 v2, v62  }
0x1c3: {  	v29 =	vand.u32 $0xFFFF, v29;
	v23 =	vshll.u32 v57, $0x2;
	v25 =	vand.u32 $0xFFFF, v49;
	[tilespmem:v41+s15+$0x0] =	vst.idx.add.f32.msk $0xffff, v18  }
0x1c4: {  	v60 =	vand.u32 $0x3FFFC, v48;
	v61 =	vshll.u32 v59, $0x2;
	v26 =	vld.idx.msk [tilespmem:v50+s13+$0x0], $0xffff;
	v32 =	vmul.f32 v35, v32  }
0x1c5: {  	v56 =	vand.u32 $0x3, v48;
	v58 =	vand.u32 $0x3FFFC, v37;
	v18 =	vand.u32 $0x3FFFC, v63;
	v40 =	vld.idx.msk [tilespmem:v17+s16+$0x0], $0xffff  }
0x1c6: {  	v33 =	vor.u32 v2, v58;
	v63 =	vshrl.u32 v57, $0xE;
	v34 =	vor.u32 v2, v18;
	[tilespmem:v30+s15+$0x0] =	vst.idx.add.f32.msk $0xffff, v32  }
0x1c7: {  	v30 =	vmul.f32 v24, v19;
	v19 =	vmul.f32 v31, v51;
	v24 =	vshll.u32 v22, $0x2;
	v62 =	vld.idx.msk [tilespmem:v54+s13+$0x0], $0xffff  }
0x1c8: {  	v31 =	vor.u32 v2, v60;
	v32 =	vmul.f32 v21, v20;
	v18 =	vld.idx.msk [tilespmem:v29+s16+$0x0], $0xffff;
	v29 =	vor.u32 v2, v23  }
0x1c9: {  	v17 =	vor.u32 v2, v24;
	v24 =	vor.u32 v2, v61;
	[tilespmem:v28+s15+$0x0] =	vst.idx.add.f32.msk $0xffff, v19;
	v28 =	vand.u32 $0x3FFFC, v52  }
0x1ca: {  	v23 =	vshrl.u32 v22, $0xE;
	v19 =	vmul.f32 v39, v53;
	v42 =	vor.u32 v2, v28;
	v41 =	vld.idx.msk [tilespmem:v55+s13+$0x0], $0xffff  }
0x1cb: {  	v22 =	vshrl.u32 v59, $0xE;
	v37 =	vand.u32 $0xFFFF, v29;
	v36 =	vand.u32 $0xFFFF, v17;
	v43 =	vld.idx.msk [tilespmem:v44+s16+$0x0], $0xffff  }
0x1cc: {  	v29 =	vand.u32 $0xFFFF, v24;
	v39 =	vand.u32 $0x3, v63;
	v38 =	vand.u32 $0x3, v23;
	[tilespmem:v27+s15+$0x0] =	vst.idx.add.f32.msk $0xffff, v19  }
0x1cd: {  	s23 =	simm.s32 $0x8;
	s24 =	simm.s32 $0x1E8E0;
	v35 =	vand.u32 $0x3, v22;
	v44 =	vand.u32 $0x3FFFC, v63;
	v17 =	vld.idx.msk [tilespmem:v56+s13+$0x0], $0xffff;
	v45 =	vmul.f32 v18, v62  }
.LBB2_7:
0x1ce: {  	v24 =	vld [tilespmem:s24+$0x10];
	v18 =	vand.u32 $0x3FFFC, v23;
	v28 =	vmul.f32 v14, v13;
	v27 =	vmul.f32 v16, v15  }
0x1cf: {  	v13 =	vmul.f32 v40, v26;
	v40 =	vor.u32 v2, v44;
	v14 =	vand.u32 $0x3FFFC, v22;
	[tilespmem:v42+s15+$0x0] =	vst.idx.add.f32.msk $0xffff, v45  }
0x1d0: {  	v42 =	vor.u32 v2, v18;
	v26 =	vor.u32 v2, v14;
	v20 =	vld [tilespmem:s24+$0xFFFFFFF0]  }
0x1d1: {  	v21 =	vld [tilespmem:s24+$0x0]  }
0x1d2: {  	s23 =	sadd.s32 $0x4, s23;
	v14 =	vmul.f32 v43, v41;
	v23 =	vld [tilespmem:s24+$0xFFFFFFE0]  }
0x1d3: {  	p0 =	slt.u32 s23, $0x7C;
	v22 =	vld.idx.msk [tilespmem:v25+s16+$0x0], $0xffff  }
0x1d4: {  	v15 =	vperm.xlane v24, v1;
	[tilespmem:v34+s15+$0x0] =	vst.idx.add.f32.msk $0xffff, v13  }
0x1d5: {  	v16 =	vperm.xlane v20, v1;
	v25 =	vperm.xlane v20, v3;
	[tilespmem:v33+s15+$0x0] =	vst.idx.add.f32.msk $0xffff, v14  }
0x1d6: {  	v34 =	vshrl.u32 v15, $0xE;
	v13 =	vshll.u32 v15, $0x2;
	v33 =	vperm.xlane v21, v1;
	[tilespmem:v7+s15+$0x0] =	vst.idx.add.f32.msk $0xffff, v30;
	v7 =	vmovc v31  }
0x1d7: {  	v30 =	vand.u32 $0x3, v34;
	v13 =	vor.u32 v2, v13;
	v14 =	vperm.xlane v23, v1;
	v18 =	vld.idx.msk [tilespmem:v39+s13+$0x0], $0xffff  }
0x1d8: {  	v15 =	vshll.u32 v16, $0x2;
	v39 =	vand.u32 $0xFFFF, v13;
	v31 =	vshll.u32 v33, $0x2;
	v19 =	vld.idx.msk [tilespmem:v37+s16+$0x0], $0xffff  }
0x1d9: {  	v15 =	vor.u32 v2, v15;
	v37 =	vshll.u32 v14, $0x2;
	v31 =	vor.u32 v2, v31;
	v13 =	vld.idx.msk [tilespmem:v38+s13+$0x0], $0xffff  }
0x1da: {  	v16 =	vshrl.u32 v16, $0xE;
	v38 =	vshrl.u32 v14, $0xE;
	v37 =	vor.u32 v2, v37;
	v14 =	vld.idx.msk [tilespmem:v36+s16+$0x0], $0xffff  }
0x1db: {  	v33 =	vshrl.u32 v33, $0xE;
	v36 =	vand.u32 $0xFFFF, v37;
	v37 =	vand.u32 $0xFFFF, v15;
	v15 =	vld.idx.msk [tilespmem:v12+s13+$0x0], $0xffff;
	v12 =	vmovc v35  }
0x1dc: {  	v41 =	vand.u32 $0x3, v16;
	v31 =	vand.u32 $0xFFFF, v31;
	v35 =	vand.u32 $0x3, v38;
	v30 =	vld.idx.msk [tilespmem:v30+s13+$0x0], $0xffff  }
0x1dd: {  	v45 =	vperm.xlane v21, v3;
	v43 =	vperm.xlane v23, v3;
	v44 =	vand.u32 $0x3, v33;
	v39 =	vld.idx.msk [tilespmem:v39+s16+$0x0], $0xffff  }
0x1de: {  	v47 =	vperm.xlane v24, v3;
	v46 =	vand.u32 $0x3FFFC, v16;
	v38 =	vand.u32 $0x3FFFC, v38;
	v16 =	vld.idx.msk [tilespmem:v9+s16+$0x0], $0xffff;
	v9 =	vmovc v29  }
0x1df: {  	v34 =	vand.u32 $0x3FFFC, v34;
	v33 =	vand.u32 $0x3FFFC, v33;
	v29 =	vshll.u32 v43, $0x2;
	[tilespmem:v10+s15+$0x0] =	vst.idx.add.f32.msk $0xffff, v32;
	v10 =	vmovc v40  }
0x1e0: {  	v34 =	vor.u32 v2, v34;
	v40 =	vshll.u32 v47, $0x2;
	v32 =	vld.idx.msk [tilespmem:v36+s16+$0x0], $0xffff;
	v36 =	vshrl.u32 v47, $0xE  }
0x1e1: {  	v47 =	vshll.u32 v25, $0x2;
	v40 =	vor.u32 v2, v40;
	v37 =	vld.idx.msk [tilespmem:v37+s16+$0x0], $0xffff;
	v48 =	vand.u32 $0x3, v36  }
0x1e2: {  	v49 =	vshll.u32 v45, $0x2;
	v38 =	vor.u32 v2, v38;
	v40 =	vand.u32 $0xFFFF, v40;
	v31 =	vld.idx.msk [tilespmem:v31+s16+$0x0], $0xffff  }
0x1e3: {  	v46 =	vor.u32 v2, v46;
	v33 =	vor.u32 v2, v33;
	v30 =	vmul.f32 v39, v30;
	v35 =	vld.idx.msk [tilespmem:v35+s13+$0x0], $0xffff  }
0x1e4: {  	v29 =	vor.u32 v2, v29;
	v39 =	vld.idx.msk [tilespmem:v41+s13+$0x0], $0xffff;
	v41 =	vor.u32 v2, v47;
	v47 =	vor.u32 v2, v49  }
0x1e5: {  	v45 =	vshrl.u32 v45, $0xE;
	v43 =	vshrl.u32 v43, $0xE;
	v25 =	vshrl.u32 v25, $0xE;
	[tilespmem:v34+s15+$0x0] =	vst.idx.add.f32.msk $0xffff, v30  }
0x1e6: {  	v29 =	vand.u32 $0xFFFF, v29;
	v30 =	vand.u32 $0xFFFF, v41;
	v34 =	vand.u32 $0xFFFF, v47;
	v41 =	vld.idx.msk [tilespmem:v48+s13+$0x0], $0xffff  }
0x1e7: {  	v49 =	vand.u32 $0x3, v45;
	v47 =	vand.u32 $0x3, v43;
	v48 =	vand.u32 $0x3, v25;
	v40 =	vld.idx.msk [tilespmem:v40+s16+$0x0], $0xffff  }
0x1e8: {  	v51 =	vperm.xlane v24, v4;
	v50 =	vperm.xlane v23, v4;
	v43 =	vand.u32 $0x3FFFC, v43;
	v44 =	vld.idx.msk [tilespmem:v44+s13+$0x0], $0xffff  }
0x1e9: {  	v36 =	vand.u32 $0x3FFFC, v36;
	v32 =	vmul.f32 v32, v35;
	v35 =	vperm.xlane v20, v4;
	[tilespmem:v11+s15+$0x0] =	vst.idx.add.f32.msk $0xffff, v28  }
0x1ea: {  	v28 =	vor.u32 v2, v36;
	v36 =	vshrl.u32 v51, $0xE;
	v51 =	vshll.u32 v51, $0x2;
	v11 =	vmovc v42;
	[tilespmem:v6+s15+$0x0] =	vst.idx.add.f32.msk $0xffff, v27  }
0x1eb: {  	v27 =	vmul.f32 v37, v39;
	v42 =	vor.u32 v2, v51;
	[tilespmem:v38+s15+$0x0] =	vst.idx.add.f32.msk $0xffff, v32;
	v32 =	vand.u32 $0x3, v36  }
0x1ec: {  	v25 =	vand.u32 $0x3FFFC, v25;
	v6 =	vmovc v8;
	v8 =	vmovc v26;
	v38 =	vperm.xlane v21, v4;
	v39 =	vand.u32 $0xFFFF, v42;
	v37 =	vld.idx.msk [tilespmem:v47+s13+$0x0], $0xffff  }
0x1ed: {  	v26 =	vshll.u32 v50, $0x2;
	v40 =	vmul.f32 v40, v41;
	[tilespmem:v46+s15+$0x0] =	vst.idx.add.f32.msk $0xffff, v27;
	v27 =	vand.u32 $0x3FFFC, v45  }
0x1ee: {  	v41 =	vshll.u32 v35, $0x2;
	v31 =	vmul.f32 v31, v44;
	v42 =	vshll.u32 v38, $0x2;
	v29 =	vld.idx.msk [tilespmem:v29+s16+$0x0], $0xffff  }
0x1ef: {  	v43 =	vor.u32 v2, v43;
	v44 =	vshrl.u32 v50, $0xE;
	v45 =	vor.u32 v2, v25;
	[tilespmem:v28+s15+$0x0] =	vst.idx.add.f32.msk $0xffff, v40  }
0x1f0: {  	v25 =	vor.u32 v2, v26;
	v26 =	vor.u32 v2, v41;
	v27 =	vor.u32 v2, v27;
	v28 =	vld.idx.msk [tilespmem:v32+s13+$0x0], $0xffff  }
0x1f1: {  	v32 =	vshrl.u32 v35, $0xE;
	v35 =	vshrl.u32 v38, $0xE;
	v38 =	vor.u32 v2, v42;
	v39 =	vld.idx.msk [tilespmem:v39+s16+$0x0], $0xffff  }
0x1f2: {  	v24 =	vperm.xlane v24, v5;
	v46 =	vand.u32 $0xFFFF, v26;
	v40 =	vand.u32 $0xFFFF, v25;
	[tilespmem:v33+s15+$0x0] =	vst.idx.add.f32.msk $0xffff, v31  }
0x1f3: {  	v26 =	vand.u32 $0x3, v44;
	v25 =	vand.u32 $0xFFFF, v38;
	v33 =	vand.u32 $0x3FFFC, v36;
	v31 =	vld.idx.msk [tilespmem:v48+s13+$0x0], $0xffff  }
0x1f4: {  	v38 =	vshrl.u32 v24, $0xE;
	v24 =	vshll.u32 v24, $0x2;
	v36 =	vld.idx.msk [tilespmem:v30+s16+$0x0], $0xffff;
	v30 =	vor.u32 v2, v33  }
0x1f5: {  	v24 =	vor.u32 v2, v24;
	v29 =	vmul.f32 v29, v37;
	v33 =	vand.u32 $0x3, v38;
	v37 =	vld.idx.msk [tilespmem:v49+s13+$0x0], $0xffff  }
0x1f6: {  	v41 =	vand.u32 $0x3, v32;
	v47 =	vand.u32 $0x3, v35;
	v24 =	vand.u32 $0xFFFF, v24;
	v42 =	vld.idx.msk [tilespmem:v34+s16+$0x0], $0xffff  }
0x1f7: {  	v23 =	vperm.xlane v23, v5;
	v28 =	vmul.f32 v39, v28;
	[tilespmem:v43+s15+$0x0] =	vst.idx.add.f32.msk $0xffff, v29;
	v29 =	vand.u32 $0x3FFFC, v44  }
0x1f8: {  	v20 =	vperm.xlane v20, v5;
	v21 =	vperm.xlane v21, v5;
	v32 =	vand.u32 $0x3FFFC, v32;
	v26 =	vld.idx.msk [tilespmem:v26+s13+$0x0], $0xffff  }
0x1f9: {  	v35 =	vand.u32 $0x3FFFC, v35;
	v39 =	vshll.u32 v23, $0x2;
	[tilespmem:v30+s15+$0x0] =	vst.idx.add.f32.msk $0xffff, v28;
	v30 =	vmul.f32 v22, v17  }
0x1fa: {  	v17 =	vmul.f32 v36, v31;
	v22 =	vshll.u32 v20, $0x2;
	v28 =	vshll.u32 v21, $0x2;
	v48 =	vld.idx.msk [tilespmem:v33+s13+$0x0], $0xffff  }
0x1fb: {  	v34 =	vor.u32 v2, v29;
	v31 =	vor.u32 v2, v35;
	v33 =	vor.u32 v2, v32;
	v24 =	vld.idx.msk [tilespmem:v24+s16+$0x0], $0xffff  }
0x1fc: {  	v29 =	vor.u32 v2, v39;
	v32 =	vshrl.u32 v23, $0xE;
	[tilespmem:v45+s15+$0x0] =	vst.idx.add.f32.msk $0xffff, v17;
	v17 =	vmul.f32 v42, v37  }
.Ltmp2:
0x1fd: {  	v36 =	vand.u32 $0x3FFFC, v38;
	v35 =	vor.u32 v2, v22;
	v28 =	vor.u32 v2, v28;
	v40 =	vld.idx.msk [tilespmem:v40+s16+$0x0], $0xffff;
	(pc) =	sbr.rel @p0 .LBB2_7-.Ltmp2, $4  }
0x1fe: {  	v23 =	vshrl.u32 v20, $0xE;
	v22 =	vshrl.u32 v21, $0xE;
	v42 =	vor.u32 v2, v36;
	[tilespmem:v27+s15+$0x0] =	vst.idx.add.f32.msk $0xffff, v17  }
0x1ff: {  	v37 =	vand.u32 $0xFFFF, v29;
	v36 =	vand.u32 $0xFFFF, v35;
	v29 =	vand.u32 $0xFFFF, v28;
	v41 =	vld.idx.msk [tilespmem:v41+s13+$0x0], $0xffff  }
0x200: {  	v39 =	vand.u32 $0x3, v32;
	v38 =	vand.u32 $0x3, v23;
	v35 =	vand.u32 $0x3, v22;
	v43 =	vld.idx.msk [tilespmem:v46+s16+$0x0], $0xffff  }
0x201: {  	s24 =	sadd.s32 $0x40, s24;
	v44 =	vand.u32 $0x3FFFC, v32;
	v32 =	vmul.f32 v19, v18;
	v45 =	vmul.f32 v24, v48;
	v17 =	vld.idx.msk [tilespmem:v47+s13+$0x0], $0xffff  }
0x202: {  	_ =	sdelay $0x3  }
0x203: {  	v20 =	vld.idx.msk [tilespmem:v25+s16+$0x0], $0xffff  }
0x204: {  	[tilespmem:v7+s15+$0x0] =	vst.idx.add.f32.msk $0xffff, v30  }
0x205: {  	[tilespmem:v42+s15+$0x0] =	vst.idx.add.f32.msk $0xffff, v45  }
0x206: {  	v18 =	vmul.f32 v40, v26;
	v12 =	vld.idx.msk [tilespmem:v12+s13+$0x0], $0xffff  }
0x207: {  	v9 =	vld.idx.msk [tilespmem:v9+s16+$0x0], $0xffff  }
0x208: {  	[tilespmem:v34+s15+$0x0] =	vst.idx.add.f32.msk $0xffff, v18  }
0x209: {  	v19 =	vmul.f32 v43, v41;
	v7 =	vld.idx.msk [tilespmem:v39+s13+$0x0], $0xffff  }
0x20a: {  	v18 =	vld.idx.msk [tilespmem:v37+s16+$0x0], $0xffff  }
0x20b: {  	[tilespmem:v33+s15+$0x0] =	vst.idx.add.f32.msk $0xffff, v19  }
0x20c: {  	v17 =	vmul.f32 v20, v17;
	v19 =	vld.idx.msk [tilespmem:v38+s13+$0x0], $0xffff  }
0x20d: {  	v21 =	vld.idx.msk [tilespmem:v36+s16+$0x0], $0xffff  }
0x20e: {  	[tilespmem:v31+s15+$0x0] =	vst.idx.add.f32.msk $0xffff, v17  }
0x20f: {  	v57 =	vand.u32 $0x3FFFC, v23;
	v59 =	vld.idx.msk [tilespmem:v35+s13+$0x0], $0xffff  }
0x210: {  	v13 =	vmul.f32 v14, v13;
	v60 =	vor.u32 v2, v57;
	v61 =	vld.idx.msk [tilespmem:v29+s16+$0x0], $0xffff  }
0x211: {  	v58 =	vor.u32 v2, v44;
	v15 =	vmul.f32 v16, v15;
	v62 =	vand.u32 $0x3FFFC, v22;
	s22 =	sadd.s32 $0x1, s22;
	[tilespmem:v10+s15+$0x0] =	vst.idx.add.f32.msk $0xffff, v32  }
0x212: {  	v63 =	vor.u32 v2, v62;
	p0 =	sne.s32 s22, $0x28;
	[tilespmem:v11+s15+$0x0] =	vst.idx.add.f32.msk $0xffff, v13;
	v9 =	vmul.f32 v9, v12  }
.Ltmp3:
0x213: {  	[tilespmem:v6+s15+$0x0] =	vst.idx.add.f32.msk $0xffff, v15;
	v6 =	vmul.f32 v21, v19;
	(pc) =	sbr.rel @p0 .LBB2_4-.Ltmp3, $4  }
0x214: {  	v7 =	vmul.f32 v18, v7;
	[tilespmem:v8+s15+$0x0] =	vst.idx.add.f32.msk $0xffff, v9  }
0x215: {  	[tilespmem:v60+s15+$0x0] =	vst.idx.add.f32.msk $0xffff, v6;
	v6 =	vmul.f32 v61, v59  }
0x216: {  	[tilespmem:v58+s15+$0x0] =	vst.idx.add.f32.msk $0xffff, v7  }
0x217: {  	[tilespmem:v63+s15+$0x0] =	vst.idx.add.f32.msk $0xffff, v6  }
0x218: {  	s23 =	simm.s32 $0x0  }
0x219: {  	v6 =	vmov s23  }
0x21a: {  	v6 =	vshll.u32 v6, $0x2  }
0x21b: {  	v7 =	vor.u32 v0, v6  }
0x21c: {  	s22 =	simm.s32 $0x10  }
0x21d: {  	v6 =	vmov s22  }
0x21e: {  	s26 =	simm.s32 $0x30;
	v6 =	vshll.u32 v6, $0x2  }
0x21f: {  	s24 =	simm.s32 $0x20;
	v11 =	vor.u32 v0, v6;
	v6 =	vmov s26  }
0x220: {  	v10 =	vmov s24;
	v6 =	vshll.u32 v6, $0x2;
	v8 =	vld.idx.msk [tilespmem:v7+s15+$0x0], $0xffff  }
0x221: {  	s25 =	simm.s32 $0x40;
	v9 =	vor.u32 $0x1, v7;
	v12 =	vor.u32 v0, v6;
	v6 =	vshll.u32 v10, $0x2  }
0x222: {  	s30 =	simm.s32 $0x50;
	v13 =	vor.u32 v0, v6;
	v6 =	vmov s25  }
0x223: {  	v16 =	vmov s30;
	v6 =	vshll.u32 v6, $0x2  }
0x224: {  	s22 =	simm.s32 $0x7830;
	v17 =	vor.u32 v0, v6;
	v6 =	vshll.u32 v16, $0x2  }
0x225: {  	v6 =	vor.u32 v0, v6;
	[tilespmem:s22+$0xFFFF87D0] =	vst v8  }
0x226: {  	v8 =	vld.idx.msk [tilespmem:v9+s15+$0x0], $0xffff  }
0x227: {  	v10 =	vor.u32 $0x2, v7;
	v9 =	vld.idx.msk [tilespmem:v11+s15+$0x0], $0xffff  }
0x228: {  	v15 =	vld.idx.msk [tilespmem:v12+s15+$0x0], $0xffff  }
0x229: {  	v18 =	vor.u32 $0x1, v12;
	v16 =	vld.idx.msk [tilespmem:v13+s15+$0x0], $0xffff  }
0x22a: {  	s26 =	sand.u32 $0x3FC0, s23;
	v14 =	vor.u32 $0x1, v11;
	v20 =	vld.idx.msk [tilespmem:v6+s15+$0x0], $0xffff  }
0x22b: {  	s31 =	simm.s32 $0x70;
	v21 =	vor.u32 $0x1, v6;
	[tilespmem:s26+$0x2800] =	vst v8  }
0x22c: {  	[tilespmem:s22+$0xFFFF87E0] =	vst v9;
	v9 =	vmov s31;
	v8 =	vld.idx.msk [tilespmem:v10+s15+$0x0], $0xffff;
	v10 =	vor.u32 $0x1, v13  }
0x22d: {  	v19 =	vor.u32 $0x3, v7;
	[tilespmem:s22+$0xFFFF8800] =	vst v15;
	v15 =	vld.idx.msk [tilespmem:v17+s15+$0x0], $0xffff;
	v9 =	vshll.u32 v9, $0x2  }
0x22e: {  	s23 =	simm.s32 $0x7870;
	[tilespmem:s22+$0xFFFF87F0] =	vst v16;
	v7 =	vor.u32 v0, v9;
	v9 =	vld.idx.msk [tilespmem:v18+s15+$0x0], $0xffff  }
0x22f: {  	v16 =	vor.u32 $0x2, v12;
	v14 =	vld.idx.msk [tilespmem:v14+s15+$0x0], $0xffff;
	[tilespmem:s23+$0xFFFF87E0] =	vst v20  }
0x230: {  	s24 =	simm.s32 $0x60;
	v18 =	vor.u32 $0x1, v17;
	v20 =	vld.idx.msk [tilespmem:v21+s15+$0x0], $0xffff  }
0x231: {  	v22 =	vor.u32 $0x2, v11;
	[tilespmem:s26+$0x5000] =	vst v8;
	v10 =	vld.idx.msk [tilespmem:v10+s15+$0x0], $0xffff;
	v8 =	vmov s24  }
0x232: {  	v23 =	vor.u32 $0x2, v13;
	[tilespmem:s23+$0xFFFF87D0] =	vst v15;
	v19 =	vld.idx.msk [tilespmem:v19+s15+$0x0], $0xffff;
	v8 =	vshll.u32 v8, $0x2  }
0x233: {  	v15 =	vld.idx.msk [tilespmem:v7+s15+$0x0], $0xffff;
	[tilespmem:s22+$0xFFFFB000] =	vst v9;
	v8 =	vor.u32 v0, v8  }
0x234: {  	v24 =	vor.u32 $0x1, v7;
	v16 =	vld.idx.msk [tilespmem:v16+s15+$0x0], $0xffff  }
0x235: {  	v12 =	vor.u32 $0x3, v12;
	s24 =	simm.s32 $0x80;
	[tilespmem:s22+$0xFFFFAFE0] =	vst v14;
	v18 =	vld.idx.msk [tilespmem:v18+s15+$0x0], $0xffff  }
0x236: {  	s28 =	simm.s32 $0x90;
	v14 =	vor.u32 $0x2, v17;
	v9 =	vmov s24;
	v22 =	vld.idx.msk [tilespmem:v22+s15+$0x0], $0xffff;
	[tilespmem:s22+$0xFFFFAFF0] =	vst v10  }
0x237: {  	v11 =	vor.u32 $0x3, v11;
	v21 =	vmov s28;
	v9 =	vshll.u32 v9, $0x2;
	[tilespmem:s26+$0x7800] =	vst v19;
	v19 =	vld.idx.msk [tilespmem:v23+s15+$0x0], $0xffff  }
0x238: {  	v10 =	vor.u32 v0, v9;
	v9 =	vshll.u32 v21, $0x2;
	[tilespmem:s23+$0xFFFF8800] =	vst v15;
	v21 =	vld.idx.msk [tilespmem:v8+s15+$0x0], $0xffff  }
0x239: {  	v9 =	vor.u32 v0, v9;
	s26 =	sand.u32 $0x3FC0, s25;
	v15 =	vld.idx.msk [tilespmem:v24+s15+$0x0], $0xffff;
	[tilespmem:s22+$0xFFFFD800] =	vst v16  }
0x23a: {  	s30 =	simm.s32 $0xB0;
	v13 =	vor.u32 $0x3, v13;
	[tilespmem:s26+$0x2800] =	vst v18;
	v23 =	vld.idx.msk [tilespmem:v12+s15+$0x0], $0xffff  }
0x23b: {  	[tilespmem:s22+$0xFFFFD7E0] =	vst v22;
	v16 =	vmov s30;
	v18 =	vor.u32 $0x1, v8;
	v14 =	vld.idx.msk [tilespmem:v14+s15+$0x0], $0xffff  }
0x23c: {  	[tilespmem:s23+$0xFFFFAFE0] =	vst v20;
	v20 =	vld.idx.msk [tilespmem:v11+s15+$0x0], $0xffff;
	v12 =	vshll.u32 v16, $0x2;
	v16 =	vor.u32 $0x3, v17  }
0x23d: {  	v12 =	vor.u32 v0, v12;
	v63 =	vld.idx.msk [tilespmem:v10+s15+$0x0], $0xffff;
	[tilespmem:s22+$0xFFFFD7F0] =	vst v19  }
0x23e: {  	v26 =	vor.u32 $0x1, v10;
	v25 =	vld.idx.msk [tilespmem:v9+s15+$0x0], $0xffff;
	[tilespmem:s23+$0xFFFF87F0] =	vst v21  }
0x23f: {  	v19 =	vld.idx.msk [tilespmem:v13+s15+$0x0], $0xffff;
	[tilespmem:s22+$0x0] =	vst v23;
	v23 =	vor.u32 $0x2, v7  }
0x240: {  	s31 =	simm.s32 $0xA0;
	v22 =	vor.u32 $0x1, v9;
	[tilespmem:s26+$0x5000] =	vst v14;
	v18 =	vld.idx.msk [tilespmem:v18+s15+$0x0], $0xffff  }
0x241: {  	s25 =	simm.s32 $0x78B0;
	v11 =	vmov s31;
	[tilespmem:s23+$0xFFFFB000] =	vst v15;
	v21 =	vor.u32 $0x2, v6;
	v14 =	vld.idx.msk [tilespmem:v16+s15+$0x0], $0xffff  }
0x242: {  	v11 =	vshll.u32 v11, $0x2;
	v17 =	vld.idx.msk [tilespmem:v12+s15+$0x0], $0xffff;
	v16 =	vor.u32 $0x2, v8;
	[tilespmem:s25+$0xFFFF87D0] =	vst v63  }
0x243: {  	s29 =	simm.s32 $0xF0;
	s28 =	simm.s32 $0x8;
	v11 =	vor.u32 v0, v11;
	v13 =	vor.u32 $0x1, v12;
	v15 =	vld.idx.msk [tilespmem:v26+s15+$0x0], $0xffff;
	[tilespmem:s25+$0xFFFF87E0] =	vst v25  }
.LBB2_10:
0x244: {  	s30 =	sadd.s32 $0xFFFFFFD0, s29;
	s28 =	sadd.s32 $0x4, s28;
	v23 =	vld.idx.msk [tilespmem:v23+s15+$0x0], $0xffff;
	[tilespmem:s22+$0xFFFFFFE0] =	vst v20  }
0x245: {  	s31 =	sadd.s32 $0xFFFFFFE0, s29;
	v24 =	vor.u32 $0x2, v10;
	v20 =	vmov s30;
	p0 =	slt.u32 s28, $0x27C;
	v22 =	vld.idx.msk [tilespmem:v22+s15+$0x0], $0xffff;
	[tilespmem:s22+$0xFFFFFFF0] =	vst v19;
	s22 =	smov.u32 s23  }
0x246: {  	s23 =	smov.u32 s25;
	v19 =	vshll.u32 v20, $0x2;
	v20 =	vmov s31;
	s31 =	sadd.s32 $0xFFFFFFF0, s29;
	v21 =	vld.idx.msk [tilespmem:v21+s15+$0x0], $0xffff;
	[tilespmem:s22+$0xFFFFAFF0] =	vst v18;
	v18 =	vor.u32 $0x3, v7;
	v7 =	vmovc v12  }
0x247: {  	v12 =	vor.u32 v0, v19;
	v19 =	vshll.u32 v20, $0x2;
	v20 =	vmov s31;
	[tilespmem:s26+$0x7800] =	vst v14;
	v14 =	vld.idx.msk [tilespmem:v16+s15+$0x0], $0xffff  }
0x248: {  	s26 =	sand.u32 $0x3FC0, s24;
	s24 =	smov.u32 s30;
	v16 =	vor.u32 v0, v19;
	v19 =	vshll.u32 v20, $0x2;
	v20 =	vld.idx.msk [tilespmem:v11+s15+$0x0], $0xffff;
	[tilespmem:s25+$0xFFFF8800] =	vst v17  }
0x249: {  	v25 =	vor.u32 $0x3, v8;
	v17 =	vor.u32 v0, v19;
	[tilespmem:s26+$0x2800] =	vst v15;
	v15 =	vld.idx.msk [tilespmem:v13+s15+$0x0], $0xffff;
	v19 =	vor.u32 $0x3, v6;
	v6 =	vmovc v9  }
0x24a: {  	v8 =	vmov v11;
	v9 =	vmov v16;
	v24 =	vld.idx.msk [tilespmem:v24+s15+$0x0], $0xffff;
	[tilespmem:s22+$0xFFFFD800] =	vst v23;
	v11 =	vmov v17  }
0x24b: {  	v13 =	vmov s29;
	v17 =	vor.u32 $0x1, v8;
	[tilespmem:s25+$0xFFFFAFE0] =	vst v22;
	v26 =	vld.idx.msk [tilespmem:v18+s15+$0x0], $0xffff  }
0x24c: {  	v28 =	vor.u32 $0x3, v10;
	v10 =	vmov v12;
	v13 =	vshll.u32 v13, $0x2;
	v27 =	vld.idx.msk [tilespmem:v12+s15+$0x0], $0xffff;
	[tilespmem:s22+$0xFFFFD7E0] =	vst v21  }
0x24d: {  	v12 =	vor.u32 v0, v13;
	v29 =	vld.idx.msk [tilespmem:v16+s15+$0x0], $0xffff;
	[tilespmem:s22+$0xFFFFD7F0] =	vst v14  }
0x24e: {  	v30 =	vor.u32 $0x1, v10;
	v13 =	vor.u32 $0x1, v12;
	[tilespmem:s25+$0xFFFF87F0] =	vst v20;
	v20 =	vld.idx.msk [tilespmem:v19+s15+$0x0], $0xffff  }
.Ltmp4:
0x24f: {  	v23 =	vor.u32 $0x2, v7;
	[tilespmem:s25+$0xFFFFB000] =	vst v15;
	v19 =	vld.idx.msk [tilespmem:v25+s15+$0x0], $0xffff;
	(pc) =	sbr.rel @p0 .LBB2_10-.Ltmp4, $4  }
0x250: {  	v22 =	vor.u32 $0x1, v9;
	[tilespmem:s26+$0x5000] =	vst v24;
	v18 =	vld.idx.msk [tilespmem:v17+s15+$0x0], $0xffff  }
0x251: {  	v21 =	vor.u32 $0x2, v6;
	s25 =	sadd.s32 $0x40, s25;
	v14 =	vld.idx.msk [tilespmem:v28+s15+$0x0], $0xffff;
	[tilespmem:s22+$0x0] =	vst v26  }
0x252: {  	v16 =	vor.u32 $0x2, v8;
	[tilespmem:s25+$0xFFFF87D0] =	vst v27;
	v17 =	vld.idx.msk [tilespmem:v12+s15+$0x0], $0xffff  }
0x253: {  	s29 =	sadd.s32 $0x40, s29;
	v15 =	vld.idx.msk [tilespmem:v30+s15+$0x0], $0xffff;
	[tilespmem:s25+$0xFFFF87E0] =	vst v29  }
0x254: {  	_ =	sdelay $0x3  }
0x255: {  	[tilespmem:s22+$0xFFFFFFE0] =	vst v20;
	v20 =	vld.idx.msk [tilespmem:v11+s15+$0x0], $0xffff  }
0x256: {  	[tilespmem:s22+$0xFFFFFFF0] =	vst v19;
	v19 =	vor.u32 $0x1, v11  }
0x257: {  	v23 =	vld.idx.msk [tilespmem:v23+s15+$0x0], $0xffff;
	[tilespmem:s23+$0xFFFFAFF0] =	vst v18  }
0x258: {  	v22 =	vld.idx.msk [tilespmem:v22+s15+$0x0], $0xffff;
	v18 =	vor.u32 $0x2, v10;
	[tilespmem:s25+$0xFFFF8800] =	vst v17  }
0x259: {  	v7 =	vor.u32 $0x3, v7;
	[tilespmem:s26+$0x7800] =	vst v14;
	v13 =	vld.idx.msk [tilespmem:v13+s15+$0x0], $0xffff  }
0x25a: {  	s31 =	sand.u32 $0x3FC0, s24;
	v14 =	vld.idx.msk [tilespmem:v21+s15+$0x0], $0xffff;
	v17 =	vor.u32 $0x2, v12;
	[tilespmem:s25+$0xFFFF87F0] =	vst v20  }
0x25b: {  	[tilespmem:s31+$0x2800] =	vst v15;
	v15 =	vld.idx.msk [tilespmem:v19+s15+$0x0], $0xffff;
	v19 =	vor.u32 $0x2, v9  }
0x25c: {  	v16 =	vld.idx.msk [tilespmem:v16+s15+$0x0], $0xffff;
	[tilespmem:s23+$0xFFFFD800] =	vst v23;
	v20 =	vor.u32 $0x2, v11  }
0x25d: {  	v6 =	vor.u32 $0x3, v6;
	[tilespmem:s25+$0xFFFFAFE0] =	vst v22;
	v18 =	vld.idx.msk [tilespmem:v18+s15+$0x0], $0xffff  }
0x25e: {  	v8 =	vor.u32 $0x3, v8;
	v7 =	vld.idx.msk [tilespmem:v7+s15+$0x0], $0xffff;
	[tilespmem:s25+$0xFFFFB000] =	vst v13  }
0x25f: {  	v10 =	vor.u32 $0x3, v10;
	[tilespmem:s23+$0xFFFFD7E0] =	vst v14;
	v13 =	vld.idx.msk [tilespmem:v17+s15+$0x0], $0xffff  }
0x260: {  	v12 =	vor.u32 $0x3, v12;
	v14 =	vld.idx.msk [tilespmem:v19+s15+$0x0], $0xffff;
	[tilespmem:s25+$0xFFFFAFF0] =	vst v15  }
0x261: {  	v9 =	vor.u32 $0x3, v9;
	[tilespmem:s23+$0xFFFFD7F0] =	vst v16;
	v15 =	vld.idx.msk [tilespmem:v20+s15+$0x0], $0xffff  }
0x262: {  	v11 =	vor.u32 $0x3, v11;
	v6 =	vld.idx.msk [tilespmem:v6+s15+$0x0], $0xffff;
	[tilespmem:s31+$0x5000] =	vst v18  }
0x263: {  	v8 =	vld.idx.msk [tilespmem:v8+s15+$0x0], $0xffff;
	[tilespmem:s23+$0x0] =	vst v7  }
0x264: {  	v7 =	vld.idx.msk [tilespmem:v10+s15+$0x0], $0xffff;
	[tilespmem:s25+$0xFFFFD800] =	vst v13  }
0x265: {  	v10 =	vld.idx.msk [tilespmem:v12+s15+$0x0], $0xffff;
	[tilespmem:s25+$0xFFFFD7E0] =	vst v14  }
0x266: {  	[tilespmem:s25+$0xFFFFD7F0] =	vst v15;
	v9 =	vld.idx.msk [tilespmem:v9+s15+$0x0], $0xffff  }
0x267: {  	[tilespmem:s23+$0xFFFFFFE0] =	vst v6;
	v6 =	vld.idx.msk [tilespmem:v11+s15+$0x0], $0xffff  }
0x268: {  	[tilespmem:s23+$0xFFFFFFF0] =	vst v8  }
0x269: {  	[tilespmem:s31+$0x7800] =	vst v7  }
0x26a: {  	[tilespmem:s25+$0x0] =	vst v10  }
0x26b: {  	[tilespmem:s25+$0xFFFFFFE0] =	vst v9  }
0x26c: {  	[tilespmem:s25+$0xFFFFFFF0] =	vst v6  }
0x26d: {  	[hbm4b:s9+s3] =	stream.linear.scatter [tilespmem:s3], [sflag:$0x3], $0xA000, $0x38;
	[tilespmem:$0x1F080] =	vst v63  }
0x26e: {  	_ =	swait.ge [sflag:s14], $0xA000  }
0x26f: {  	[sflag:s14] =	ssyncset.done $0x0  }
0x270: {  	[sflag:s14] =	ssyncadd.s32 $0xFFFF6000  }
0x271: {  	[tilespmem:s3], [sflag:$0x3] =	stream.linear.gather [hbm4b:s10+s3], $0xA000, $0x38;
	[tilespmem:$0x1F080] =	vst v63  }
0x272: {  	_ =	swait.ge [sflag:s14], $0xA000  }
0x273: {  	[sflag:s14] =	ssyncset.done $0x0  }
0x274: {  	[sflag:s14] =	ssyncadd.s32 $0xFFFF6000  }
0x275: {  	[tilespmem:s15], [sflag:$0x3] =	stream.linear.gather [hbm4b:s1+s3], $0xA000, $0x38;
	[tilespmem:$0x1F080] =	vst v63  }
0x276: {  	s24 =	simm.s32 $0x20;
	_ =	swait.ge [sflag:s14], $0xA000  }
0x277: {  	v6 =	vmov s24;
	[sflag:s14] =	ssyncset.done $0x0  }
0x278: {  	s22 =	simm.s32 $0x7830;
	s25 =	simm.s32 $0x0;
	v6 =	vshll.u32 v6, $0x2;
	[sflag:s14] =	ssyncadd.s32 $0xFFFF6000  }
0x279: {  	s26 =	simm.s32 $0x10;
	v7 =	vmov s25;
	v9 =	vor.u32 v0, v6;
	v8 =	vld [tilespmem:s22+$0xFFFF87F0]  }
0x27a: {  	v6 =	vmov s26;
	v7 =	vshll.u32 v7, $0x2  }
0x27b: {  	v6 =	vshll.u32 v6, $0x2;
	v7 =	vor.u32 v0, v7;
	v10 =	vld [tilespmem:s22+$0xFFFF87D0]  }
0x27c: {  	v11 =	vor.u32 v0, v6;
	v6 =	vld [tilespmem:s22+$0xFFFF87E0]  }
0x27d: {  	s28 =	simm.s32 $0x30  }
0x27e: {  	v12 =	vmov s28;
	[tilespmem:v9+s16+$0x0] =	vst.idx.msk $0xffff, v8  }
0x27f: {  	v13 =	vor.u32 $0x1, v9;
	v8 =	vshll.u32 v12, $0x2;
	v12 =	vld [tilespmem:s22+$0xFFFFAFF0]  }
0x280: {  	s25 =	sand.u32 $0x3FC0, s25;
	[tilespmem:v7+s16+$0x0] =	vst.idx.msk $0xffff, v10;
	v14 =	vor.u32 v0, v8;
	v8 =	vld [tilespmem:s22+$0xFFFF8800]  }
0x281: {  	v10 =	vor.u32 $0x1, v7;
	[tilespmem:v11+s16+$0x0] =	vst.idx.msk $0xffff, v6;
	v15 =	vld [tilespmem:s25+$0x2800]  }
0x282: {  	v6 =	vor.u32 $0x1, v11;
	v16 =	vld [tilespmem:s22+$0xFFFFAFE0];
	_ =	sdelay $0x1  }
0x283: {  	[tilespmem:v13+s16+$0x0] =	vst.idx.msk $0xffff, v12  }
0x284: {  	[tilespmem:v14+s16+$0x0] =	vst.idx.msk $0xffff, v8;
	v12 =	vor.u32 $0x2, v9;
	v8 =	vld [tilespmem:s22+$0xFFFFD7F0]  }
0x285: {  	s29 =	simm.s32 $0x60;
	v13 =	vor.u32 $0x1, v14;
	[tilespmem:v10+s16+$0x0] =	vst.idx.msk $0xffff, v15;
	v17 =	vld [tilespmem:s22+$0xFFFFB000]  }
0x286: {  	s30 =	simm.s32 $0x40;
	v18 =	vmov s29;
	v10 =	vor.u32 $0x2, v7;
	[tilespmem:v6+s16+$0x0] =	vst.idx.msk $0xffff, v16;
	v15 =	vld [tilespmem:s25+$0x5000]  }
0x287: {  	v18 =	vshll.u32 v18, $0x2;
	s23 =	simm.s32 $0x7870;
	v16 =	vor.u32 $0x2, v11;
	v6 =	vmov s30;
	v19 =	vld [tilespmem:s22+$0xFFFFD7E0]  }
0x288: {  	s31 =	simm.s32 $0x50;
	v21 =	vld [tilespmem:s23+$0xFFFF87F0];
	v20 =	vshll.u32 v6, $0x2;
	v6 =	vor.u32 v0, v18  }
0x289: {  	s28 =	simm.s32 $0x70;
	v22 =	vld [tilespmem:s23+$0xFFFF87D0];
	v18 =	vmov s31;
	v23 =	vor.u32 v0, v20;
	[tilespmem:v12+s16+$0x0] =	vst.idx.msk $0xffff, v8  }
0x28a: {  	v9 =	vor.u32 $0x3, v9;
	v8 =	vmov s28;
	v12 =	vshll.u32 v18, $0x2;
	[tilespmem:v13+s16+$0x0] =	vst.idx.msk $0xffff, v17;
	v13 =	vld [tilespmem:s22+$0xFFFFFFF0]  }
0x28b: {  	[tilespmem:v10+s16+$0x0] =	vst.idx.msk $0xffff, v15;
	v10 =	vld [tilespmem:s23+$0xFFFF87E0];
	v8 =	vshll.u32 v8, $0x2;
	v12 =	vor.u32 v0, v12  }
0x28c: {  	v15 =	vld [tilespmem:s23+$0xFFFF8800];
	[tilespmem:v16+s16+$0x0] =	vst.idx.msk $0xffff, v19;
	v24 =	vor.u32 v0, v8  }
0x28d: {  	v17 =	vor.u32 $0x2, v14;
	[tilespmem:v6+s16+$0x0] =	vst.idx.msk $0xffff, v21;
	v18 =	vld [tilespmem:s22+$0xFFFFD800]  }
0x28e: {  	s24 =	sand.u32 $0x3FC0, s30;
	v25 =	vor.u32 $0x1, v6;
	[tilespmem:v23+s16+$0x0] =	vst.idx.msk $0xffff, v22;
	v21 =	vld [tilespmem:s23+$0xFFFFAFF0]  }
0x28f: {  	v26 =	vor.u32 $0x1, v23;
	v27 =	vld [tilespmem:s24+$0x2800];
	[tilespmem:v9+s16+$0x0] =	vst.idx.msk $0xffff, v13  }
0x290: {  	v19 =	vld [tilespmem:s25+$0x7800];
	v8 =	vor.u32 $0x3, v7;
	[tilespmem:v12+s16+$0x0] =	vst.idx.msk $0xffff, v10  }
0x291: {  	v7 =	vor.u32 $0x3, v14;
	v16 =	vor.u32 $0x1, v12;
	v22 =	vld [tilespmem:s23+$0xFFFFAFE0];
	[tilespmem:v24+s16+$0x0] =	vst.idx.msk $0xffff, v15  }
0x292: {  	v14 =	vor.u32 $0x3, v12;
	v10 =	vor.u32 $0x3, v11;
	[tilespmem:v17+s16+$0x0] =	vst.idx.msk $0xffff, v18;
	v15 =	vor.u32 $0x1, v24;
	v20 =	vld [tilespmem:s23+$0xFFFFB000]  }
0x293: {  	v13 =	vor.u32 $0x2, v23;
	v11 =	vor.u32 $0x2, v12;
	v9 =	vor.u32 $0x2, v24;
	[tilespmem:v25+s16+$0x0] =	vst.idx.msk $0xffff, v21;
	v18 =	vld [tilespmem:s22+$0xFFFFFFE0]  }
0x294: {  	s26 =	simm.s32 $0xB0;
	s25 =	simm.s32 $0x4;
	v17 =	vor.u32 $0x3, v23;
	v12 =	vor.u32 $0x3, v24;
	v23 =	vor.u32 $0x2, v6;
	[tilespmem:v26+s16+$0x0] =	vst.idx.msk $0xffff, v27;
	v21 =	vld [tilespmem:s23+$0xFFFFD7F0]  }
.LBB2_12:
0x295: {  	s28 =	sadd.s32 $0xFFFFFFE0, s26;
	s29 =	sadd.s32 $0xFFFFFFF0, s26;
	v24 =	vmov s26;
	s25 =	sadd.s32 $0x4, s25;
	v25 =	vld [tilespmem:s24+$0x5000];
	[tilespmem:v8+s16+$0x0] =	vst.idx.msk $0xffff, v19;
	v8 =	vmov v17  }
0x296: {  	s30 =	sadd.s32 $0xFFFFFFD0, s26;
	v17 =	vmov s28;
	v19 =	vmov s29;
	v24 =	vshll.u32 v24, $0x2;
	p0 =	slt.u32 s25, $0x27C;
	[tilespmem:v16+s16+$0x0] =	vst.idx.msk $0xffff, v22;
	v22 =	vld [tilespmem:s22+$0x0];
	s22 =	smov.u32 s23  }
0x297: {  	v16 =	vmov s30;
	s28 =	sand.u32 $0x3FC0, s30;
	s23 =	sadd.s32 $0x40, s23;
	v17 =	vshll.u32 v17, $0x2;
	v19 =	vshll.u32 v19, $0x2;
	v26 =	vld [tilespmem:s22+$0xFFFFD7E0];
	[tilespmem:v15+s16+$0x0] =	vst.idx.msk $0xffff, v20  }
0x298: {  	v15 =	vshll.u32 v16, $0x2;
	v20 =	vor.u32 v0, v17;
	v27 =	vld [tilespmem:s23+$0xFFFF87F0];
	v19 =	vor.u32 v0, v19;
	[tilespmem:v10+s16+$0x0] =	vst.idx.msk $0xffff, v18  }
0x299: {  	v24 =	vor.u32 v0, v24;
	v28 =	vor.u32 v0, v15;
	v18 =	vld [tilespmem:s23+$0xFFFF87D0];
	v16 =	vor.u32 $0x1, v20;
	[tilespmem:v23+s16+$0x0] =	vst.idx.msk $0xffff, v21  }
0x29a: {  	v15 =	vor.u32 $0x1, v24;
	v10 =	vmovc v14;
	v21 =	vor.u32 $0x1, v28;
	[tilespmem:v13+s16+$0x0] =	vst.idx.msk $0xffff, v25;
	v23 =	vld [tilespmem:s22+$0xFFFFFFF0];
	v25 =	vor.u32 $0x3, v6;
	v6 =	vmovc v19  }
0x29b: {  	v31 =	vor.u32 $0x2, v24;
	v30 =	vor.u32 $0x2, v20;
	v13 =	vor.u32 $0x2, v28;
	v29 =	vld [tilespmem:s23+$0xFFFF87E0];
	[tilespmem:v7+s16+$0x0] =	vst.idx.msk $0xffff, v22;
	v7 =	vmovc v12  }
0x29c: {  	v17 =	vor.u32 $0x3, v28;
	v14 =	vor.u32 $0x3, v20;
	v12 =	vor.u32 $0x3, v24;
	v32 =	vld [tilespmem:s23+$0xFFFF8800];
	[tilespmem:v11+s16+$0x0] =	vst.idx.msk $0xffff, v26;
	v11 =	vmovc v30  }
0x29d: {  	[tilespmem:v19+s16+$0x0] =	vst.idx.msk $0xffff, v27;
	v26 =	vld [tilespmem:s22+$0xFFFFD800]  }
0x29e: {  	v27 =	vor.u32 $0x1, v6;
	[tilespmem:v28+s16+$0x0] =	vst.idx.msk $0xffff, v18;
	v18 =	vld [tilespmem:s23+$0xFFFFAFF0]  }
0x29f: {  	v28 =	vld [tilespmem:s28+$0x2800];
	[tilespmem:v25+s16+$0x0] =	vst.idx.msk $0xffff, v23  }
.Ltmp5:
0x2a0: {  	[tilespmem:v20+s16+$0x0] =	vst.idx.msk $0xffff, v29;
	v19 =	vld [tilespmem:s24+$0x7800];
	s24 =	smov.u32 s28;
	(pc) =	sbr.rel @p0 .LBB2_12-.Ltmp5, $4  }
0x2a1: {  	v22 =	vld [tilespmem:s23+$0xFFFFAFE0];
	[tilespmem:v24+s16+$0x0] =	vst.idx.msk $0xffff, v32  }
0x2a2: {  	v20 =	vld [tilespmem:s23+$0xFFFFB000];
	[tilespmem:v9+s16+$0x0] =	vst.idx.msk $0xffff, v26;
	v9 =	vmov v31  }
0x2a3: {  	[tilespmem:v27+s16+$0x0] =	vst.idx.msk $0xffff, v18;
	v18 =	vld [tilespmem:s22+$0xFFFFFFE0]  }
0x2a4: {  	s26 =	sadd.s32 $0x40, s26;
	v23 =	vor.u32 $0x2, v6;
	[tilespmem:v21+s16+$0x0] =	vst.idx.msk $0xffff, v28;
	v21 =	vld [tilespmem:s23+$0xFFFFD7F0]  }
0x2a5: {  	_ =	sdelay $0x3  }
0x2a6: {  	v24 =	vld [tilespmem:s24+$0x5000];
	[tilespmem:v16+s16+$0x0] =	vst.idx.msk $0xffff, v22  }
0x2a7: {  	v16 =	vld [tilespmem:s23+$0xFFFFD7E0];
	[tilespmem:v15+s16+$0x0] =	vst.idx.msk $0xffff, v20  }
0x2a8: {  	v15 =	vld [tilespmem:s23+$0xFFFFD800]  }
0x2a9: {  	[tilespmem:v8+s16+$0x0] =	vst.idx.msk $0xffff, v19  }
0x2aa: {  	v59 =	vld [tilespmem:s22+$0x0];
	[tilespmem:v23+s16+$0x0] =	vst.idx.msk $0xffff, v21  }
0x2ab: {  	v6 =	vor.u32 $0x3, v6;
	[tilespmem:v13+s16+$0x0] =	vst.idx.msk $0xffff, v24;
	v60 =	vld [tilespmem:s23+$0xFFFFFFF0]  }
0x2ac: {  	v61 =	vld [tilespmem:s24+$0x7800];
	[tilespmem:v11+s16+$0x0] =	vst.idx.msk $0xffff, v16  }
0x2ad: {  	[tilespmem:v9+s16+$0x0] =	vst.idx.msk $0xffff, v15;
	v62 =	vld [tilespmem:s23+$0xFFFFFFE0]  }
0x2ae: {  	[tilespmem:v10+s16+$0x0] =	vst.idx.msk $0xffff, v18;
	v63 =	vld [tilespmem:s23+$0x0]  }
0x2af: {  	[tilespmem:v7+s16+$0x0] =	vst.idx.msk $0xffff, v59  }
0x2b0: {  	[tilespmem:v6+s16+$0x0] =	vst.idx.msk $0xffff, v60  }
0x2b1: {  	[tilespmem:v17+s16+$0x0] =	vst.idx.msk $0xffff, v61  }
0x2b2: {  	[tilespmem:v14+s16+$0x0] =	vst.idx.msk $0xffff, v62  }
0x2b3: {  	s22 =	simm.s32 $0x0;
	[tilespmem:v12+s16+$0x0] =	vst.idx.msk $0xffff, v63  }
0x2b4: {  	[tilespmem:s17], [sflag:$0x1] =	stream.linear.gather [hbm4b:s4+s22], $0x800, $0x38;
	[tilespmem:$0x1F080] =	vst v63  }
.LBB2_14:
0x2b5: {  	s23 =	sshll.u32 s22, $0x9  }
0x2b6: {  	s24 =	sadd.s32 s23, s7  }
0x2b7: {  	[tilespmem:s18], [sflag:$0x2] =	stream.linear.gather [hbm4b:s24+s3], $0x800, $0x38;
	[tilespmem:$0x1F080] =	vst v63  }
0x2b8: {  	_ =	swait.ge [sflag:s19], $0x800  }
0x2b9: {  	[sflag:s19] =	ssyncset.done $0x0  }
0x2ba: {  	s29 =	simm.s32 $0x1E020;
	[sflag:s19] =	ssyncadd.s32 $0xFFFFF800  }
0x2bb: {  	v8 =	vld [tilespmem:s29+$0x10]  }
0x2bc: {  	v9 =	vld [tilespmem:s29+$0xFFFFFFE0]  }
0x2bd: {  	v6 =	vld [tilespmem:s29+$0x0];
	_ =	sdelay $0x2  }
0x2be: {  	v10 =	vperm.xlane v8, v1  }
0x2bf: {  	v14 =	vperm.xlane v9, v1  }
0x2c0: {  	v7 =	vld [tilespmem:s29+$0xFFFFFFF0];
	v12 =	vperm.xlane v6, v1;
	v13 =	vshrl.u32 v10, $0xE;
	v10 =	vshll.u32 v10, $0x2  }
0x2c1: {  	v19 =	vshll.u32 v14, $0x2;
	v14 =	vshrl.u32 v14, $0xE;
	v15 =	vand.u32 $0x3, v13  }
0x2c2: {  	v18 =	vshll.u32 v12, $0x2;
	v12 =	vshrl.u32 v12, $0xE;
	v20 =	vand.u32 $0x3, v14  }
0x2c3: {  	v10 =	vor.u32 v2, v10;
	v24 =	vand.u32 $0x3, v12  }
0x2c4: {  	v19 =	vor.u32 v2, v19;
	v10 =	vand.u32 $0xFFFF, v10  }
0x2c5: {  	v11 =	vperm.xlane v7, v1;
	v18 =	vor.u32 v2, v18;
	v19 =	vand.u32 $0xFFFF, v19  }
0x2c6: {  	v18 =	vand.u32 $0xFFFF, v18;
	v15 =	vld.idx.msk [tilespmem:v15+s13+$0x0], $0xffff  }
0x2c7: {  	v17 =	vshll.u32 v11, $0x2;
	v11 =	vshrl.u32 v11, $0xE;
	v20 =	vld.idx.msk [tilespmem:v20+s13+$0x0], $0xffff  }
0x2c8: {  	v22 =	vperm.xlane v8, v3;
	v17 =	vor.u32 v2, v17;
	v21 =	vand.u32 $0x3, v11;
	v24 =	vld.idx.msk [tilespmem:v24+s13+$0x0], $0xffff  }
0x2c9: {  	v16 =	vperm.xlane v7, v3;
	v23 =	vperm.xlane v9, v3;
	v17 =	vand.u32 $0xFFFF, v17;
	v10 =	vld.idx.msk [tilespmem:v10+s16+$0x0], $0xffff  }
0x2ca: {  	v26 =	vperm.xlane v6, v3;
	v25 =	vshrl.u32 v22, $0xE;
	v13 =	vand.u32 $0x3FFFC, v13;
	v19 =	vld.idx.msk [tilespmem:v19+s16+$0x0], $0xffff  }
0x2cb: {  	v22 =	vshll.u32 v22, $0x2;
	v28 =	vshll.u32 v23, $0x2;
	v13 =	vor.u32 v2, v13;
	v18 =	vld.idx.msk [tilespmem:v18+s16+$0x0], $0xffff  }
0x2cc: {  	v29 =	vshll.u32 v26, $0x2;
	v27 =	vand.u32 $0x3, v25;
	v22 =	vor.u32 v2, v22  }
0x2cd: {  	v14 =	vand.u32 $0x3FFFC, v14;
	v11 =	vand.u32 $0x3FFFC, v11;
	v22 =	vand.u32 $0xFFFF, v22;
	v21 =	vld.idx.msk [tilespmem:v21+s13+$0x0], $0xffff  }
0x2ce: {  	v12 =	vand.u32 $0x3FFFC, v12;
	v14 =	vor.u32 v2, v14;
	v17 =	vld.idx.msk [tilespmem:v17+s16+$0x0], $0xffff;
	v10 =	vmul.f32 v10, v15  }
0x2cf: {  	v23 =	vshrl.u32 v23, $0xE;
	v11 =	vor.u32 v2, v11;
	v12 =	vor.u32 v2, v12  }
0x2d0: {  	v15 =	vshll.u32 v16, $0x2;
	v19 =	vmul.f32 v19, v20;
	v18 =	vmul.f32 v18, v24;
	[tilespmem:v13+s15+$0x0] =	vst.idx.add.f32.msk $0xffff, v10  }
0x2d1: {  	v10 =	vor.u32 v2, v28;
	v13 =	vor.u32 v2, v15;
	v15 =	vld.idx.msk [tilespmem:v27+s13+$0x0], $0xffff;
	v27 =	vand.u32 $0x3, v23  }
0x2d2: {  	v28 =	vor.u32 v2, v29;
	v29 =	vperm.xlane v8, v4;
	v22 =	vld.idx.msk [tilespmem:v22+s16+$0x0], $0xffff;
	v10 =	vand.u32 $0xFFFF, v10  }
0x2d3: {  	v20 =	vand.u32 $0x3FFFC, v25;
	[tilespmem:v14+s15+$0x0] =	vst.idx.add.f32.msk $0xffff, v19;
	v14 =	vmul.f32 v17, v21;
	v13 =	vand.u32 $0xFFFF, v13  }
0x2d4: {  	v20 =	vor.u32 v2, v20;
	[tilespmem:v12+s15+$0x0] =	vst.idx.add.f32.msk $0xffff, v18;
	v25 =	vshrl.u32 v29, $0xE;
	v29 =	vshll.u32 v29, $0x2  }
0x2d5: {  	[tilespmem:v11+s15+$0x0] =	vst.idx.add.f32.msk $0xffff, v14;
	v17 =	vand.u32 $0x3, v25;
	v19 =	vor.u32 v2, v29  }
0x2d6: {  	v16 =	vshrl.u32 v16, $0xE;
	v21 =	vshrl.u32 v26, $0xE;
	v19 =	vand.u32 $0xFFFF, v19;
	v26 =	vld.idx.msk [tilespmem:v27+s13+$0x0], $0xffff  }
0x2d7: {  	v8 =	vperm.xlane v8, v5;
	v14 =	vand.u32 $0x3, v21;
	v11 =	vmul.f32 v22, v15;
	v10 =	vld.idx.msk [tilespmem:v10+s16+$0x0], $0xffff  }
0x2d8: {  	v27 =	vand.u32 $0xFFFF, v28;
	v28 =	vand.u32 $0x3, v16;
	v22 =	vperm.xlane v9, v4;
	v13 =	vld.idx.msk [tilespmem:v13+s16+$0x0], $0xffff  }
0x2d9: {  	v29 =	vperm.xlane v6, v4;
	v25 =	vand.u32 $0x3FFFC, v25;
	v15 =	vand.u32 $0x3FFFC, v23;
	[tilespmem:v20+s15+$0x0] =	vst.idx.add.f32.msk $0xffff, v11  }
0x2da: {  	v15 =	vor.u32 v2, v15;
	v11 =	vshll.u32 v22, $0x2;
	v22 =	vshrl.u32 v22, $0xE;
	v17 =	vld.idx.msk [tilespmem:v17+s13+$0x0], $0xffff  }
0x2db: {  	v25 =	vor.u32 v2, v25;
	v19 =	vld.idx.msk [tilespmem:v19+s16+$0x0], $0xffff;
	v11 =	vor.u32 v2, v11;
	v12 =	vand.u32 $0x3, v22  }
0x2dc: {  	v24 =	vshll.u32 v29, $0x2;
	v29 =	vshrl.u32 v29, $0xE;
	v14 =	vld.idx.msk [tilespmem:v14+s13+$0x0], $0xffff;
	v11 =	vand.u32 $0xFFFF, v11  }
0x2dd: {  	v23 =	vperm.xlane v7, v4;
	v16 =	vand.u32 $0x3FFFC, v16;
	v18 =	vld.idx.msk [tilespmem:v28+s13+$0x0], $0xffff;
	v10 =	vmul.f32 v10, v26  }
0x2de: {  	v16 =	vor.u32 v2, v16;
	v28 =	vshrl.u32 v8, $0xE;
	v8 =	vshll.u32 v8, $0x2;
	v27 =	vld.idx.msk [tilespmem:v27+s16+$0x0], $0xffff  }
0x2df: {  	v20 =	vand.u32 $0x3FFFC, v21;
	v26 =	vand.u32 $0x3, v28;
	v8 =	vor.u32 v2, v8;
	[tilespmem:v15+s15+$0x0] =	vst.idx.add.f32.msk $0xffff, v10  }
0x2e0: {  	v21 =	vshll.u32 v23, $0x2;
	v8 =	vand.u32 $0xFFFF, v8;
	v10 =	vmul.f32 v19, v17;
	v19 =	vld.idx.msk [tilespmem:v12+s13+$0x0], $0xffff  }
0x2e1: {  	v23 =	vshrl.u32 v23, $0xE;
	v21 =	vor.u32 v2, v21;
	v20 =	vor.u32 v2, v20;
	v30 =	vld.idx.msk [tilespmem:v11+s16+$0x0], $0xffff  }
0x2e2: {  	s30 =	simm.s32 $0x1E060;
	v17 =	vand.u32 $0xFFFF, v21;
	v12 =	vand.u32 $0x3, v23;
	v21 =	vand.u32 $0x3FFFC, v23;
	[tilespmem:v25+s15+$0x0] =	vst.idx.add.f32.msk $0xffff, v10  }
0x2e3: {  	v23 =	vand.u32 $0x3FFFC, v29;
	v10 =	vand.u32 $0x3, v29;
	v29 =	vor.u32 v2, v21;
	v21 =	vld [tilespmem:s30+$0x10]  }
0x2e4: {  	v9 =	vperm.xlane v9, v5;
	v15 =	vor.u32 v2, v24;
	v13 =	vmul.f32 v13, v18;
	v18 =	vld.idx.msk [tilespmem:v26+s13+$0x0], $0xffff  }
0x2e5: {  	v6 =	vperm.xlane v6, v5;
	v7 =	vperm.xlane v7, v5;
	v24 =	vand.u32 $0xFFFF, v15;
	v8 =	vld.idx.msk [tilespmem:v8+s16+$0x0], $0xffff  }
0x2e6: {  	v15 =	vand.u32 $0x3FFFC, v22;
	v22 =	vshll.u32 v9, $0x2;
	v14 =	vmul.f32 v27, v14;
	[tilespmem:v16+s15+$0x0] =	vst.idx.add.f32.msk $0xffff, v13  }
0x2e7: {  	v25 =	vshll.u32 v7, $0x2;
	v13 =	vor.u32 v2, v23;
	v23 =	vshrl.u32 v7, $0xE;
	v7 =	vld [tilespmem:s30+$0xFFFFFFF0]  }
0x2e8: {  	v9 =	vshrl.u32 v9, $0xE;
	v11 =	vor.u32 v2, v22;
	v16 =	vshll.u32 v6, $0x2;
	[tilespmem:v20+s15+$0x0] =	vst.idx.add.f32.msk $0xffff, v14  }
0x2e9: {  	v26 =	vor.u32 v2, v15;
	v22 =	vld.idx.msk [tilespmem:v12+s13+$0x0], $0xffff;
	v15 =	vor.u32 v2, v16;
	v16 =	vand.u32 $0x3FFFC, v28  }
0x2ea: {  	v32 =	vand.u32 $0x3, v9;
	v12 =	vor.u32 v2, v25;
	v25 =	vld.idx.msk [tilespmem:v17+s16+$0x0], $0xffff;
	v27 =	vor.u32 v2, v16  }
0x2eb: {  	v6 =	vshrl.u32 v6, $0xE;
	v28 =	vand.u32 $0xFFFF, v11;
	v31 =	vand.u32 $0xFFFF, v12;
	v12 =	vld [tilespmem:s30+$0xFFFFFFE0]  }
0x2ec: {  	v33 =	vand.u32 $0x3, v23;
	v17 =	vand.u32 $0x3FFFC, v9;
	v11 =	vld [tilespmem:s30+$0x0];
	v20 =	vmul.f32 v30, v19  }
0x2ed: {  	v14 =	vand.u32 $0x3FFFC, v23;
	v19 =	vperm.xlane v21, v1;
	v9 =	vld.idx.msk [tilespmem:v10+s13+$0x0], $0xffff;
	v8 =	vmul.f32 v8, v18  }
0x2ee: {  	v16 =	vand.u32 $0xFFFF, v15;
	[tilespmem:v26+s15+$0x0] =	vst.idx.add.f32.msk $0xffff, v20;
	v18 =	vor.u32 v2, v17;
	v17 =	vor.u32 v2, v14  }
0x2ef: {  	v10 =	vshll.u32 v19, $0x2;
	v20 =	vperm.xlane v7, v1;
	[tilespmem:v27+s15+$0x0] =	vst.idx.add.f32.msk $0xffff, v8;
	v8 =	vmul.f32 v25, v22  }
0x2f0: {  	v10 =	vor.u32 v2, v10;
	v22 =	vshrl.u32 v19, $0xE;
	v19 =	vld.idx.msk [tilespmem:v24+s16+$0x0], $0xffff;
	v14 =	vperm.xlane v12, v1  }
0x2f1: {  	v24 =	vperm.xlane v11, v1;
	v25 =	vand.u32 $0xFFFF, v10;
	v27 =	vshll.u32 v20, $0x2;
	[tilespmem:v29+s15+$0x0] =	vst.idx.add.f32.msk $0xffff, v8  }
0x2f2: {  	v61 =	vshrl.u32 v20, $0xE;
	v23 =	vand.u32 $0x3, v22;
	v10 =	vshll.u32 v14, $0x2;
	v8 =	vld.idx.msk [tilespmem:v32+s13+$0x0], $0xffff  }
0x2f3: {  	v62 =	vand.u32 $0x3, v61;
	v29 =	vshll.u32 v24, $0x2;
	v30 =	vor.u32 v2, v10;
	v10 =	vld.idx.msk [tilespmem:v28+s16+$0x0], $0xffff  }
0x2f4: {  	v28 =	vor.u32 v2, v29;
	v20 =	vld.idx.msk [tilespmem:v31+s16+$0x0], $0xffff;
	v29 =	vand.u32 $0xFFFF, v30;
	v30 =	vshrl.u32 v14, $0xE  }
0x2f5: {  	v15 =	vand.u32 $0x3, v6;
	v27 =	vor.u32 v2, v27;
	v14 =	vld.idx.msk [tilespmem:v33+s13+$0x0], $0xffff;
	v34 =	vand.u32 $0x3, v30  }
0x2f6: {  	v6 =	vand.u32 $0x3FFFC, v6;
	v27 =	vand.u32 $0xFFFF, v27;
	v24 =	vshrl.u32 v24, $0xE;
	v25 =	vld.idx.msk [tilespmem:v25+s16+$0x0], $0xffff  }
0x2f7: {  	v6 =	vor.u32 v2, v6;
	v35 =	vperm.xlane v21, v3;
	v38 =	vand.u32 $0x3, v24;
	v23 =	vld.idx.msk [tilespmem:v23+s13+$0x0], $0xffff  }
0x2f8: {  	v36 =	vperm.xlane v12, v3;
	v22 =	vand.u32 $0x3FFFC, v22;
	v28 =	vand.u32 $0xFFFF, v28;
	v33 =	vld.idx.msk [tilespmem:v62+s13+$0x0], $0xffff  }
0x2f9: {  	v22 =	vor.u32 v2, v22;
	v31 =	vshrl.u32 v35, $0xE;
	v35 =	vshll.u32 v35, $0x2;
	v29 =	vld.idx.msk [tilespmem:v29+s16+$0x0], $0xffff  }
0x2fa: {  	v37 =	vand.u32 $0x3, v31;
	v35 =	vor.u32 v2, v35;
	v30 =	vand.u32 $0x3FFFC, v30;
	v34 =	vld.idx.msk [tilespmem:v34+s13+$0x0], $0xffff  }
0x2fb: {  	v26 =	vperm.xlane v7, v3;
	v35 =	vand.u32 $0xFFFF, v35;
	v30 =	vor.u32 v2, v30;
	v27 =	vld.idx.msk [tilespmem:v27+s16+$0x0], $0xffff  }
0x2fc: {  	v46 =	vld.idx.msk [tilespmem:v38+s13+$0x0], $0xffff;
	v23 =	vmul.f32 v25, v23;
	v25 =	vshll.u32 v36, $0x2;
	v36 =	vshrl.u32 v36, $0xE  }
0x2fd: {  	v40 =	vshll.u32 v26, $0x2;
	v32 =	vand.u32 $0x3FFFC, v61;
	v28 =	vld.idx.msk [tilespmem:v28+s16+$0x0], $0xffff;
	v63 =	vand.u32 $0x3, v36  }
0x2fe: {  	v24 =	vand.u32 $0x3FFFC, v24;
	v25 =	vor.u32 v2, v25;
	[tilespmem:v22+s15+$0x0] =	vst.idx.add.f32.msk $0xffff, v23;
	v22 =	vor.u32 v2, v32  }
0x2ff: {  	v23 =	vor.u32 v2, v24;
	v25 =	vand.u32 $0xFFFF, v25;
	v24 =	vld.idx.msk [tilespmem:v37+s13+$0x0], $0xffff;
	v29 =	vmul.f32 v29, v34  }
0x300: {  	v45 =	vperm.xlane v21, v4;
	v21 =	vperm.xlane v21, v5;
	v44 =	vor.u32 v2, v40;
	v35 =	vld.idx.msk [tilespmem:v35+s16+$0x0], $0xffff  }
0x301: {  	v31 =	vand.u32 $0x3FFFC, v31;
	v27 =	vmul.f32 v27, v33;
	v37 =	vand.u32 $0xFFFF, v44;
	[tilespmem:v30+s15+$0x0] =	vst.idx.add.f32.msk $0xffff, v29  }
0x302: {  	v47 =	vshrl.u32 v45, $0xE;
	v40 =	vshll.u32 v45, $0x2;
	v31 =	vor.u32 v2, v31;
	v32 =	vld.idx.msk [tilespmem:v63+s13+$0x0], $0xffff  }
0x303: {  	v28 =	vmul.f32 v28, v46;
	v29 =	vand.u32 $0x3, v47;
	v30 =	vor.u32 v2, v40;
	[tilespmem:v22+s15+$0x0] =	vst.idx.add.f32.msk $0xffff, v27  }
0x304: {  	v39 =	vperm.xlane v11, v3;
	v26 =	vshrl.u32 v26, $0xE;
	v30 =	vand.u32 $0xFFFF, v30;
	v25 =	vld.idx.msk [tilespmem:v25+s16+$0x0], $0xffff  }
0x305: {  	v52 =	vperm.xlane v7, v4;
	v27 =	vand.u32 $0x3, v26;
	[tilespmem:v23+s15+$0x0] =	vst.idx.add.f32.msk $0xffff, v28;
	v22 =	vmul.f32 v35, v24  }
0x306: {  	v55 =	vshrl.u32 v21, $0xE;
	v41 =	vshll.u32 v39, $0x2;
	v39 =	vshrl.u32 v39, $0xE;
	v37 =	vld.idx.msk [tilespmem:v37+s16+$0x0], $0xffff  }
0x307: {  	v51 =	vperm.xlane v12, v4;
	v48 =	vor.u32 v2, v41;
	v49 =	vand.u32 $0x3, v39;
	[tilespmem:v31+s15+$0x0] =	vst.idx.add.f32.msk $0xffff, v22  }
0x308: {  	v21 =	vshll.u32 v21, $0x2;
	v50 =	vand.u32 $0x3FFFC, v36;
	v24 =	vand.u32 $0xFFFF, v48;
	v29 =	vld.idx.msk [tilespmem:v29+s13+$0x0], $0xffff  }
0x309: {  	v59 =	vperm.xlane v7, v5;
	v36 =	vshrl.u32 v51, $0xE;
	v35 =	vor.u32 v2, v50;
	v30 =	vld.idx.msk [tilespmem:v30+s16+$0x0], $0xffff  }
0x30a: {  	v57 =	vand.u32 $0x3, v55;
	v23 =	vand.u32 $0x3, v36;
	v28 =	vand.u32 $0x3FFFC, v47;
	v27 =	vld.idx.msk [tilespmem:v27+s13+$0x0], $0xffff  }
0x30b: {  	v28 =	vor.u32 v2, v28;
	v22 =	vand.u32 $0x3FFFC, v26;
	v31 =	vshll.u32 v51, $0x2  }
0x30c: {  	v56 =	vld.idx.msk [tilespmem:v49+s13+$0x0], $0xffff;
	v22 =	vor.u32 v2, v22;
	v31 =	vor.u32 v2, v31;
	v25 =	vmul.f32 v25, v32  }
0x30d: {  	v21 =	vor.u32 v2, v21;
	v54 =	vshll.u32 v52, $0x2;
	v31 =	vand.u32 $0xFFFF, v31;
	v24 =	vld.idx.msk [tilespmem:v24+s16+$0x0], $0xffff  }
0x30e: {  	v21 =	vand.u32 $0xFFFF, v21;
	v26 =	vperm.xlane v11, v4;
	[tilespmem:v35+s15+$0x0] =	vst.idx.add.f32.msk $0xffff, v25;
	v25 =	vmul.f32 v30, v29  }
0x30f: {  	v12 =	vperm.xlane v12, v5;
	v53 =	vand.u32 $0x3FFFC, v39;
	v35 =	vld.idx.msk [tilespmem:v23+s13+$0x0], $0xffff;
	v27 =	vmul.f32 v37, v27  }
0x310: {  	v39 =	vor.u32 v2, v54;
	v34 =	vor.u32 v2, v53;
	v58 =	vshll.u32 v26, $0x2;
	[tilespmem:v28+s15+$0x0] =	vst.idx.add.f32.msk $0xffff, v25  }
0x311: {  	v23 =	vshrl.u32 v26, $0xE;
	v26 =	vand.u32 $0xFFFF, v39;
	v29 =	vshrl.u32 v52, $0xE;
	[tilespmem:v22+s15+$0x0] =	vst.idx.add.f32.msk $0xffff, v27  }
0x312: {  	v62 =	vshrl.u32 v59, $0xE;
	v7 =	vand.u32 $0x3FFFC, v29;
	v25 =	vand.u32 $0x3, v29;
	v29 =	vld.idx.msk [tilespmem:v31+s16+$0x0], $0xffff  }
0x313: {  	v36 =	vand.u32 $0x3FFFC, v36;
	v47 =	vand.u32 $0x3, v62;
	v22 =	vmul.f32 v24, v56;
	v33 =	vld.idx.msk [tilespmem:v57+s13+$0x0], $0xffff  }
0x314: {  	v11 =	vperm.xlane v11, v5;
	v28 =	vand.u32 $0x3, v23;
	v24 =	vshll.u32 v12, $0x2;
	v21 =	vld.idx.msk [tilespmem:v21+s16+$0x0], $0xffff  }
0x315: {  	v23 =	vand.u32 $0x3FFFC, v23;
	v27 =	vmul.f32 v19, v9;
	v60 =	vor.u32 v2, v7;
	[tilespmem:v34+s15+$0x0] =	vst.idx.add.f32.msk $0xffff, v22  }
0x316: {  	s31 =	simm.s32 $0x1E0A0;
	v7 =	vor.u32 v2, v23;
	v23 =	vand.u32 $0x3FFFC, v55;
	v22 =	vor.u32 v2, v24;
	v24 =	vld.idx.msk [tilespmem:v26+s16+$0x0], $0xffff  }
0x317: {  	v48 =	vmul.f32 v10, v8;
	v8 =	vand.u32 $0x3FFFC, v62;
	v63 =	vor.u32 v2, v23;
	v23 =	vld [tilespmem:s31+$0x0]  }
0x318: {  	v9 =	vshll.u32 v59, $0x2;
	v19 =	vshll.u32 v11, $0x2;
	v31 =	vor.u32 v2, v36;
	[tilespmem:v13+s15+$0x0] =	vst.idx.add.f32.msk $0xffff, v27  }
0x319: {  	v9 =	vor.u32 v2, v9;
	v26 =	vor.u32 v2, v19;
	v44 =	vand.u32 $0xFFFF, v22;
	v22 =	vld [tilespmem:s31+$0xFFFFFFF0]  }
0x31a: {  	v12 =	vshrl.u32 v12, $0xE;
	v45 =	vand.u32 $0xFFFF, v9;
	v9 =	vand.u32 $0xFFFF, v26;
	v26 =	vld [tilespmem:s31+$0xFFFFFFE0]  }
0x31b: {  	v30 =	vor.u32 v2, v58;
	v36 =	vmul.f32 v20, v14;
	v46 =	vand.u32 $0x3, v12;
	v61 =	vld.idx.msk [tilespmem:v25+s13+$0x0], $0xffff  }
0x31c: {  	v19 =	vld.idx.msk [tilespmem:v28+s13+$0x0], $0xffff;
	v28 =	vshrl.u32 v11, $0xE;
	v11 =	vand.u32 $0x3FFFC, v12;
	v14 =	vmul.f32 v29, v35  }
0x31d: {  	v25 =	vld [tilespmem:s31+$0x10];
	v12 =	vmul.f32 v21, v33;
	v10 =	vor.u32 v2, v11;
	v20 =	vand.u32 $0x3FFFC, v28  }
0x31e: {  	v11 =	vor.u32 v2, v8;
	v8 =	vor.u32 v2, v20;
	v29 =	vperm.xlane v23, v1  }
0x31f: {  	v30 =	vand.u32 $0xFFFF, v30;
	[tilespmem:v31+s15+$0x0] =	vst.idx.add.f32.msk $0xffff, v14;
	v43 =	vperm.xlane v23, v3;
	v14 =	vperm.xlane v22, v1  }
0x320: {  	[tilespmem:v63+s15+$0x0] =	vst.idx.add.f32.msk $0xffff, v12;
	v12 =	vand.u32 $0x3, v28;
	v28 =	vperm.xlane v22, v3;
	v27 =	vperm.xlane v26, v1  }
0x321: {  	[tilespmem:v18+s15+$0x0] =	vst.idx.add.f32.msk $0xffff, v48;
	v56 =	vperm.xlane v26, v3;
	v48 =	vperm.xlane v26, v4;
	v50 =	vshll.u32 v29, $0x2  }
0x322: {  	[tilespmem:v17+s15+$0x0] =	vst.idx.add.f32.msk $0xffff, v36;
	v29 =	vshrl.u32 v29, $0xE;
	v20 =	vmul.f32 v24, v61;
	v21 =	vperm.xlane v25, v1  }
0x323: {  	v15 =	vld.idx.msk [tilespmem:v15+s13+$0x0], $0xffff;
	v49 =	vshll.u32 v14, $0x2;
	v52 =	vshll.u32 v27, $0x2;
	v34 =	vor.u32 v2, v50  }
0x324: {  	v24 =	vld.idx.msk [tilespmem:v30+s16+$0x0], $0xffff;
	v27 =	vshrl.u32 v27, $0xE;
	v53 =	vshrl.u32 v14, $0xE;
	v42 =	vand.u32 $0x3, v29  }
0x325: {  	v29 =	vand.u32 $0x3FFFC, v29;
	[tilespmem:v60+s15+$0x0] =	vst.idx.add.f32.msk $0xffff, v20;
	v30 =	vshrl.u32 v21, $0xE;
	v20 =	vshll.u32 v21, $0x2  }
0x326: {  	v16 =	vld.idx.msk [tilespmem:v16+s16+$0x0], $0xffff;
	v58 =	vshll.u32 v28, $0x2;
	v31 =	vand.u32 $0x3, v30;
	v13 =	vor.u32 v2, v20  }
0x327: {  	v41 =	vshrl.u32 v56, $0xE;
	v28 =	vshrl.u32 v28, $0xE;
	v21 =	vld.idx.msk [tilespmem:v44+s16+$0x0], $0xffff;
	v51 =	vand.u32 $0xFFFF, v13  }
0x328: {  	v32 =	vor.u32 v2, v49;
	v37 =	vor.u32 v2, v52;
	v54 =	vand.u32 $0x3, v27;
	v20 =	vld.idx.msk [tilespmem:v46+s13+$0x0], $0xffff  }
0x329: {  	v55 =	vand.u32 $0x3, v53;
	v34 =	vand.u32 $0xFFFF, v34;
	v27 =	vand.u32 $0x3FFFC, v27;
	v14 =	vld.idx.msk [tilespmem:v45+s16+$0x0], $0xffff  }
0x32a: {  	v38 =	vand.u32 $0x3FFFC, v53;
	v29 =	vor.u32 v2, v29;
	v63 =	vand.u32 $0x3, v41;
	v13 =	vld.idx.msk [tilespmem:v47+s13+$0x0], $0xffff  }
0x32b: {  	v52 =	vand.u32 $0x3, v28;
	v41 =	vand.u32 $0x3FFFC, v41;
	v49 =	vperm.xlane v25, v4;
	v31 =	vld.idx.msk [tilespmem:v31+s13+$0x0], $0xffff  }
0x32c: {  	v28 =	vand.u32 $0x3FFFC, v28;
	v37 =	vand.u32 $0xFFFF, v37;
	v44 =	vperm.xlane v25, v3;
	v35 =	vld.idx.msk [tilespmem:v51+s16+$0x0], $0xffff  }
0x32d: {  	v32 =	vand.u32 $0xFFFF, v32;
	v27 =	vor.u32 v2, v27;
	v30 =	vand.u32 $0x3FFFC, v30;
	v42 =	vld.idx.msk [tilespmem:v42+s13+$0x0], $0xffff  }
0x32e: {  	v18 =	vor.u32 v2, v30;
	v30 =	vshrl.u32 v44, $0xE;
	v57 =	vshll.u32 v44, $0x2;
	v34 =	vld.idx.msk [tilespmem:v34+s16+$0x0], $0xffff  }
0x32f: {  	v38 =	vor.u32 v2, v38;
	v46 =	vand.u32 $0x3, v30;
	v33 =	vor.u32 v2, v57;
	v59 =	vld.idx.msk [tilespmem:v54+s13+$0x0], $0xffff  }
0x330: {  	v41 =	vor.u32 v2, v41;
	v45 =	vshll.u32 v56, $0x2;
	v33 =	vand.u32 $0xFFFF, v33;
	v40 =	vld.idx.msk [tilespmem:v55+s13+$0x0], $0xffff  }
0x331: {  	v47 =	vshll.u32 v43, $0x2;
	v43 =	vshrl.u32 v43, $0xE;
	v37 =	vld.idx.msk [tilespmem:v37+s16+$0x0], $0xffff;
	v31 =	vmul.f32 v35, v31  }
0x332: {  	v28 =	vor.u32 v2, v28;
	v60 =	vor.u32 v2, v45;
	v53 =	vand.u32 $0x3, v43;
	v32 =	vld.idx.msk [tilespmem:v32+s16+$0x0], $0xffff  }
0x333: {  	v44 =	vor.u32 v2, v58;
	v61 =	vor.u32 v2, v47;
	[tilespmem:v18+s15+$0x0] =	vst.idx.add.f32.msk $0xffff, v31  }
0x334: {  	v30 =	vand.u32 $0x3FFFC, v30;
	v39 =	vand.u32 $0xFFFF, v61;
	v34 =	vmul.f32 v34, v42;
	v62 =	vld.idx.msk [tilespmem:v46+s13+$0x0], $0xffff  }
0x335: {  	v54 =	vperm.xlane v22, v4;
	v17 =	vor.u32 v2, v30;
	v30 =	vshrl.u32 v49, $0xE;
	v33 =	vld.idx.msk [tilespmem:v33+s16+$0x0], $0xffff  }
0x336: {  	v55 =	vshll.u32 v49, $0x2;
	[tilespmem:v29+s15+$0x0] =	vst.idx.add.f32.msk $0xffff, v34;
	v35 =	vmul.f32 v37, v59;
	v18 =	vand.u32 $0xFFFF, v60  }
0x337: {  	v22 =	vperm.xlane v22, v5;
	v56 =	vand.u32 $0x3, v30;
	v57 =	vor.u32 v2, v55;
	v53 =	vld.idx.msk [tilespmem:v53+s13+$0x0], $0xffff  }
0x338: {  	v30 =	vand.u32 $0x3FFFC, v30;
	v61 =	vshll.u32 v54, $0x2;
	[tilespmem:v27+s15+$0x0] =	vst.idx.add.f32.msk $0xffff, v35;
	v27 =	vmul.f32 v32, v40  }
0x339: {  	v30 =	vor.u32 v2, v30;
	v45 =	vor.u32 v2, v61;
	v35 =	vand.u32 $0xFFFF, v57;
	v58 =	vld.idx.msk [tilespmem:v63+s13+$0x0], $0xffff  }
0x33a: {  	v29 =	vperm.xlane v25, v5;
	v37 =	vshrl.u32 v54, $0xE;
	[tilespmem:v38+s15+$0x0] =	vst.idx.add.f32.msk $0xffff, v27;
	v33 =	vmul.f32 v33, v62  }
0x33b: {  	v59 =	vperm.xlane v23, v4;
	v55 =	vand.u32 $0x3, v37;
	v31 =	vand.u32 $0xFFFF, v44;
	v18 =	vld.idx.msk [tilespmem:v18+s16+$0x0], $0xffff  }
0x33c: {  	v60 =	vshll.u32 v48, $0x2;
	v44 =	vand.u32 $0xFFFF, v45;
	v57 =	vperm.xlane v26, v5;
	[tilespmem:v17+s15+$0x0] =	vst.idx.add.f32.msk $0xffff, v33  }
0x33d: {  	v63 =	vshrl.u32 v48, $0xE;
	v48 =	vshrl.u32 v59, $0xE;
	v27 =	vand.u32 $0x3FFFC, v43;
	v32 =	vld.idx.msk [tilespmem:v56+s13+$0x0], $0xffff  }
0x33e: {  	v50 =	vand.u32 $0x3, v63;
	v27 =	vor.u32 v2, v27;
	v17 =	vor.u32 v2, v60;
	v35 =	vld.idx.msk [tilespmem:v35+s16+$0x0], $0xffff  }
0x33f: {  	v51 =	vld.idx.msk [tilespmem:v52+s13+$0x0], $0xffff;
	v52 =	vshrl.u32 v29, $0xE;
	v29 =	vshll.u32 v29, $0x2;
	v17 =	vand.u32 $0xFFFF, v17  }
0x340: {  	v39 =	vld.idx.msk [tilespmem:v39+s16+$0x0], $0xffff;
	v54 =	vand.u32 $0x3, v52;
	v62 =	vshll.u32 v59, $0x2;
	v18 =	vmul.f32 v18, v58  }
0x341: {  	v29 =	vor.u32 v2, v29;
	v31 =	vld.idx.msk [tilespmem:v31+s16+$0x0], $0xffff;
	v59 =	vperm.xlane v23, v5;
	v49 =	vor.u32 v2, v62  }
0x342: {  	v29 =	vand.u32 $0xFFFF, v29;
	v23 =	vshll.u32 v57, $0x2;
	v25 =	vand.u32 $0xFFFF, v49;
	[tilespmem:v41+s15+$0x0] =	vst.idx.add.f32.msk $0xffff, v18  }
0x343: {  	v60 =	vand.u32 $0x3FFFC, v48;
	v61 =	vshll.u32 v59, $0x2;
	v26 =	vld.idx.msk [tilespmem:v50+s13+$0x0], $0xffff;
	v32 =	vmul.f32 v35, v32  }
0x344: {  	v56 =	vand.u32 $0x3, v48;
	v58 =	vand.u32 $0x3FFFC, v37;
	v18 =	vand.u32 $0x3FFFC, v63;
	v40 =	vld.idx.msk [tilespmem:v17+s16+$0x0], $0xffff  }
0x345: {  	v33 =	vor.u32 v2, v58;
	v63 =	vshrl.u32 v57, $0xE;
	v34 =	vor.u32 v2, v18;
	[tilespmem:v30+s15+$0x0] =	vst.idx.add.f32.msk $0xffff, v32  }
0x346: {  	v30 =	vmul.f32 v24, v19;
	v19 =	vmul.f32 v31, v51;
	v24 =	vshll.u32 v22, $0x2;
	v62 =	vld.idx.msk [tilespmem:v54+s13+$0x0], $0xffff  }
0x347: {  	v31 =	vor.u32 v2, v60;
	v32 =	vmul.f32 v21, v20;
	v18 =	vld.idx.msk [tilespmem:v29+s16+$0x0], $0xffff;
	v29 =	vor.u32 v2, v23  }
0x348: {  	v17 =	vor.u32 v2, v24;
	v24 =	vor.u32 v2, v61;
	[tilespmem:v28+s15+$0x0] =	vst.idx.add.f32.msk $0xffff, v19;
	v28 =	vand.u32 $0x3FFFC, v52  }
0x349: {  	v23 =	vshrl.u32 v22, $0xE;
	v19 =	vmul.f32 v39, v53;
	v42 =	vor.u32 v2, v28;
	v41 =	vld.idx.msk [tilespmem:v55+s13+$0x0], $0xffff  }
0x34a: {  	v22 =	vshrl.u32 v59, $0xE;
	v37 =	vand.u32 $0xFFFF, v29;
	v36 =	vand.u32 $0xFFFF, v17;
	v43 =	vld.idx.msk [tilespmem:v44+s16+$0x0], $0xffff  }
0x34b: {  	v29 =	vand.u32 $0xFFFF, v24;
	v39 =	vand.u32 $0x3, v63;
	v38 =	vand.u32 $0x3, v23;
	[tilespmem:v27+s15+$0x0] =	vst.idx.add.f32.msk $0xffff, v19  }
0x34c: {  	s25 =	simm.s32 $0x1E0E0;
	s24 =	simm.s32 $0x8;
	v35 =	vand.u32 $0x3, v22;
	v44 =	vand.u32 $0x3FFFC, v63;
	v17 =	vld.idx.msk [tilespmem:v56+s13+$0x0], $0xffff;
	v45 =	vmul.f32 v18, v62  }
.LBB2_15:
0x34d: {  	v24 =	vld [tilespmem:s25+$0x10];
	v18 =	vand.u32 $0x3FFFC, v23;
	v28 =	vmul.f32 v14, v13;
	v27 =	vmul.f32 v16, v15  }
0x34e: {  	v13 =	vmul.f32 v40, v26;
	v40 =	vor.u32 v2, v44;
	v14 =	vand.u32 $0x3FFFC, v22;
	[tilespmem:v42+s15+$0x0] =	vst.idx.add.f32.msk $0xffff, v45  }
0x34f: {  	v42 =	vor.u32 v2, v18;
	v26 =	vor.u32 v2, v14;
	v20 =	vld [tilespmem:s25+$0xFFFFFFF0]  }
0x350: {  	v21 =	vld [tilespmem:s25+$0x0]  }
0x351: {  	s24 =	sadd.s32 $0x4, s24;
	v14 =	vmul.f32 v43, v41;
	v23 =	vld [tilespmem:s25+$0xFFFFFFE0]  }
0x352: {  	p0 =	slt.u32 s24, $0x7C;
	v22 =	vld.idx.msk [tilespmem:v25+s16+$0x0], $0xffff  }
0x353: {  	v15 =	vperm.xlane v24, v1;
	[tilespmem:v34+s15+$0x0] =	vst.idx.add.f32.msk $0xffff, v13  }
0x354: {  	v16 =	vperm.xlane v20, v1;
	v25 =	vperm.xlane v20, v3;
	[tilespmem:v33+s15+$0x0] =	vst.idx.add.f32.msk $0xffff, v14  }
0x355: {  	v34 =	vshrl.u32 v15, $0xE;
	v13 =	vshll.u32 v15, $0x2;
	v33 =	vperm.xlane v21, v1;
	[tilespmem:v7+s15+$0x0] =	vst.idx.add.f32.msk $0xffff, v30;
	v7 =	vmovc v31  }
0x356: {  	v30 =	vand.u32 $0x3, v34;
	v13 =	vor.u32 v2, v13;
	v14 =	vperm.xlane v23, v1;
	v18 =	vld.idx.msk [tilespmem:v39+s13+$0x0], $0xffff  }
0x357: {  	v15 =	vshll.u32 v16, $0x2;
	v39 =	vand.u32 $0xFFFF, v13;
	v31 =	vshll.u32 v33, $0x2;
	v19 =	vld.idx.msk [tilespmem:v37+s16+$0x0], $0xffff  }
0x358: {  	v15 =	vor.u32 v2, v15;
	v37 =	vshll.u32 v14, $0x2;
	v31 =	vor.u32 v2, v31;
	v13 =	vld.idx.msk [tilespmem:v38+s13+$0x0], $0xffff  }
0x359: {  	v16 =	vshrl.u32 v16, $0xE;
	v38 =	vshrl.u32 v14, $0xE;
	v37 =	vor.u32 v2, v37;
	v14 =	vld.idx.msk [tilespmem:v36+s16+$0x0], $0xffff  }
0x35a: {  	v33 =	vshrl.u32 v33, $0xE;
	v36 =	vand.u32 $0xFFFF, v37;
	v37 =	vand.u32 $0xFFFF, v15;
	v15 =	vld.idx.msk [tilespmem:v12+s13+$0x0], $0xffff;
	v12 =	vmovc v35  }
0x35b: {  	v41 =	vand.u32 $0x3, v16;
	v31 =	vand.u32 $0xFFFF, v31;
	v35 =	vand.u32 $0x3, v38;
	v30 =	vld.idx.msk [tilespmem:v30+s13+$0x0], $0xffff  }
0x35c: {  	v45 =	vperm.xlane v21, v3;
	v43 =	vperm.xlane v23, v3;
	v44 =	vand.u32 $0x3, v33;
	v39 =	vld.idx.msk [tilespmem:v39+s16+$0x0], $0xffff  }
0x35d: {  	v47 =	vperm.xlane v24, v3;
	v46 =	vand.u32 $0x3FFFC, v16;
	v38 =	vand.u32 $0x3FFFC, v38;
	v16 =	vld.idx.msk [tilespmem:v9+s16+$0x0], $0xffff;
	v9 =	vmovc v29  }
0x35e: {  	v34 =	vand.u32 $0x3FFFC, v34;
	v33 =	vand.u32 $0x3FFFC, v33;
	v29 =	vshll.u32 v43, $0x2;
	[tilespmem:v10+s15+$0x0] =	vst.idx.add.f32.msk $0xffff, v32;
	v10 =	vmovc v40  }
0x35f: {  	v34 =	vor.u32 v2, v34;
	v40 =	vshll.u32 v47, $0x2;
	v32 =	vld.idx.msk [tilespmem:v36+s16+$0x0], $0xffff;
	v36 =	vshrl.u32 v47, $0xE  }
0x360: {  	v47 =	vshll.u32 v25, $0x2;
	v40 =	vor.u32 v2, v40;
	v37 =	vld.idx.msk [tilespmem:v37+s16+$0x0], $0xffff;
	v48 =	vand.u32 $0x3, v36  }
0x361: {  	v49 =	vshll.u32 v45, $0x2;
	v38 =	vor.u32 v2, v38;
	v40 =	vand.u32 $0xFFFF, v40;
	v31 =	vld.idx.msk [tilespmem:v31+s16+$0x0], $0xffff  }
0x362: {  	v46 =	vor.u32 v2, v46;
	v33 =	vor.u32 v2, v33;
	v30 =	vmul.f32 v39, v30;
	v35 =	vld.idx.msk [tilespmem:v35+s13+$0x0], $0xffff  }
0x363: {  	v29 =	vor.u32 v2, v29;
	v39 =	vld.idx.msk [tilespmem:v41+s13+$0x0], $0xffff;
	v41 =	vor.u32 v2, v47;
	v47 =	vor.u32 v2, v49  }
0x364: {  	v45 =	vshrl.u32 v45, $0xE;
	v43 =	vshrl.u32 v43, $0xE;
	v25 =	vshrl.u32 v25, $0xE;
	[tilespmem:v34+s15+$0x0] =	vst.idx.add.f32.msk $0xffff, v30  }
0x365: {  	v29 =	vand.u32 $0xFFFF, v29;
	v30 =	vand.u32 $0xFFFF, v41;
	v34 =	vand.u32 $0xFFFF, v47;
	v41 =	vld.idx.msk [tilespmem:v48+s13+$0x0], $0xffff  }
0x366: {  	v49 =	vand.u32 $0x3, v45;
	v47 =	vand.u32 $0x3, v43;
	v48 =	vand.u32 $0x3, v25;
	v40 =	vld.idx.msk [tilespmem:v40+s16+$0x0], $0xffff  }
0x367: {  	v51 =	vperm.xlane v24, v4;
	v50 =	vperm.xlane v23, v4;
	v43 =	vand.u32 $0x3FFFC, v43;
	v44 =	vld.idx.msk [tilespmem:v44+s13+$0x0], $0xffff  }
0x368: {  	v36 =	vand.u32 $0x3FFFC, v36;
	v32 =	vmul.f32 v32, v35;
	v35 =	vperm.xlane v20, v4;
	[tilespmem:v11+s15+$0x0] =	vst.idx.add.f32.msk $0xffff, v28  }
0x369: {  	v28 =	vor.u32 v2, v36;
	v36 =	vshrl.u32 v51, $0xE;
	v51 =	vshll.u32 v51, $0x2;
	v11 =	vmovc v42;
	[tilespmem:v6+s15+$0x0] =	vst.idx.add.f32.msk $0xffff, v27  }
0x36a: {  	v27 =	vmul.f32 v37, v39;
	v42 =	vor.u32 v2, v51;
	[tilespmem:v38+s15+$0x0] =	vst.idx.add.f32.msk $0xffff, v32;
	v32 =	vand.u32 $0x3, v36  }
0x36b: {  	v25 =	vand.u32 $0x3FFFC, v25;
	v6 =	vmovc v8;
	v8 =	vmovc v26;
	v38 =	vperm.xlane v21, v4;
	v39 =	vand.u32 $0xFFFF, v42;
	v37 =	vld.idx.msk [tilespmem:v47+s13+$0x0], $0xffff  }
0x36c: {  	v26 =	vshll.u32 v50, $0x2;
	v40 =	vmul.f32 v40, v41;
	[tilespmem:v46+s15+$0x0] =	vst.idx.add.f32.msk $0xffff, v27;
	v27 =	vand.u32 $0x3FFFC, v45  }
0x36d: {  	v41 =	vshll.u32 v35, $0x2;
	v31 =	vmul.f32 v31, v44;
	v42 =	vshll.u32 v38, $0x2;
	v29 =	vld.idx.msk [tilespmem:v29+s16+$0x0], $0xffff  }
0x36e: {  	v43 =	vor.u32 v2, v43;
	v44 =	vshrl.u32 v50, $0xE;
	v45 =	vor.u32 v2, v25;
	[tilespmem:v28+s15+$0x0] =	vst.idx.add.f32.msk $0xffff, v40  }
0x36f: {  	v25 =	vor.u32 v2, v26;
	v26 =	vor.u32 v2, v41;
	v27 =	vor.u32 v2, v27;
	v28 =	vld.idx.msk [tilespmem:v32+s13+$0x0], $0xffff  }
0x370: {  	v32 =	vshrl.u32 v35, $0xE;
	v35 =	vshrl.u32 v38, $0xE;
	v38 =	vor.u32 v2, v42;
	v39 =	vld.idx.msk [tilespmem:v39+s16+$0x0], $0xffff  }
0x371: {  	v24 =	vperm.xlane v24, v5;
	v46 =	vand.u32 $0xFFFF, v26;
	v40 =	vand.u32 $0xFFFF, v25;
	[tilespmem:v33+s15+$0x0] =	vst.idx.add.f32.msk $0xffff, v31  }
0x372: {  	v26 =	vand.u32 $0x3, v44;
	v25 =	vand.u32 $0xFFFF, v38;
	v33 =	vand.u32 $0x3FFFC, v36;
	v31 =	vld.idx.msk [tilespmem:v48+s13+$0x0], $0xffff  }
0x373: {  	v38 =	vshrl.u32 v24, $0xE;
	v24 =	vshll.u32 v24, $0x2;
	v36 =	vld.idx.msk [tilespmem:v30+s16+$0x0], $0xffff;
	v30 =	vor.u32 v2, v33  }
0x374: {  	v24 =	vor.u32 v2, v24;
	v29 =	vmul.f32 v29, v37;
	v33 =	vand.u32 $0x3, v38;
	v37 =	vld.idx.msk [tilespmem:v49+s13+$0x0], $0xffff  }
0x375: {  	v41 =	vand.u32 $0x3, v32;
	v47 =	vand.u32 $0x3, v35;
	v24 =	vand.u32 $0xFFFF, v24;
	v42 =	vld.idx.msk [tilespmem:v34+s16+$0x0], $0xffff  }
0x376: {  	v23 =	vperm.xlane v23, v5;
	v28 =	vmul.f32 v39, v28;
	[tilespmem:v43+s15+$0x0] =	vst.idx.add.f32.msk $0xffff, v29;
	v29 =	vand.u32 $0x3FFFC, v44  }
0x377: {  	v20 =	vperm.xlane v20, v5;
	v21 =	vperm.xlane v21, v5;
	v32 =	vand.u32 $0x3FFFC, v32;
	v26 =	vld.idx.msk [tilespmem:v26+s13+$0x0], $0xffff  }
0x378: {  	v35 =	vand.u32 $0x3FFFC, v35;
	v39 =	vshll.u32 v23, $0x2;
	[tilespmem:v30+s15+$0x0] =	vst.idx.add.f32.msk $0xffff, v28;
	v30 =	vmul.f32 v22, v17  }
0x379: {  	v17 =	vmul.f32 v36, v31;
	v22 =	vshll.u32 v20, $0x2;
	v28 =	vshll.u32 v21, $0x2;
	v48 =	vld.idx.msk [tilespmem:v33+s13+$0x0], $0xffff  }
0x37a: {  	v34 =	vor.u32 v2, v29;
	v31 =	vor.u32 v2, v35;
	v33 =	vor.u32 v2, v32;
	v24 =	vld.idx.msk [tilespmem:v24+s16+$0x0], $0xffff  }
0x37b: {  	v29 =	vor.u32 v2, v39;
	v32 =	vshrl.u32 v23, $0xE;
	[tilespmem:v45+s15+$0x0] =	vst.idx.add.f32.msk $0xffff, v17;
	v17 =	vmul.f32 v42, v37  }
.Ltmp6:
0x37c: {  	v36 =	vand.u32 $0x3FFFC, v38;
	v35 =	vor.u32 v2, v22;
	v28 =	vor.u32 v2, v28;
	v40 =	vld.idx.msk [tilespmem:v40+s16+$0x0], $0xffff;
	(pc) =	sbr.rel @p0 .LBB2_15-.Ltmp6, $4  }
0x37d: {  	v23 =	vshrl.u32 v20, $0xE;
	v22 =	vshrl.u32 v21, $0xE;
	v42 =	vor.u32 v2, v36;
	[tilespmem:v27+s15+$0x0] =	vst.idx.add.f32.msk $0xffff, v17  }
0x37e: {  	v37 =	vand.u32 $0xFFFF, v29;
	v36 =	vand.u32 $0xFFFF, v35;
	v29 =	vand.u32 $0xFFFF, v28;
	v41 =	vld.idx.msk [tilespmem:v41+s13+$0x0], $0xffff  }
0x37f: {  	v39 =	vand.u32 $0x3, v32;
	v38 =	vand.u32 $0x3, v23;
	v35 =	vand.u32 $0x3, v22;
	v43 =	vld.idx.msk [tilespmem:v46+s16+$0x0], $0xffff  }
0x380: {  	s25 =	sadd.s32 $0x40, s25;
	v44 =	vand.u32 $0x3FFFC, v32;
	v32 =	vmul.f32 v19, v18;
	v45 =	vmul.f32 v24, v48;
	v17 =	vld.idx.msk [tilespmem:v47+s13+$0x0], $0xffff  }
0x381: {  	_ =	sdelay $0x3  }
0x382: {  	v20 =	vld.idx.msk [tilespmem:v25+s16+$0x0], $0xffff  }
0x383: {  	[tilespmem:v7+s15+$0x0] =	vst.idx.add.f32.msk $0xffff, v30  }
0x384: {  	[tilespmem:v42+s15+$0x0] =	vst.idx.add.f32.msk $0xffff, v45  }
0x385: {  	v18 =	vmul.f32 v40, v26;
	v12 =	vld.idx.msk [tilespmem:v12+s13+$0x0], $0xffff  }
0x386: {  	v9 =	vld.idx.msk [tilespmem:v9+s16+$0x0], $0xffff  }
0x387: {  	[tilespmem:v34+s15+$0x0] =	vst.idx.add.f32.msk $0xffff, v18  }
0x388: {  	v19 =	vmul.f32 v43, v41;
	v7 =	vld.idx.msk [tilespmem:v39+s13+$0x0], $0xffff  }
0x389: {  	v18 =	vld.idx.msk [tilespmem:v37+s16+$0x0], $0xffff  }
0x38a: {  	[tilespmem:v33+s15+$0x0] =	vst.idx.add.f32.msk $0xffff, v19  }
0x38b: {  	v17 =	vmul.f32 v20, v17;
	v19 =	vld.idx.msk [tilespmem:v38+s13+$0x0], $0xffff  }
0x38c: {  	v21 =	vld.idx.msk [tilespmem:v36+s16+$0x0], $0xffff  }
0x38d: {  	[tilespmem:v31+s15+$0x0] =	vst.idx.add.f32.msk $0xffff, v17  }
0x38e: {  	v17 =	vand.u32 $0x3FFFC, v23;
	v23 =	vld.idx.msk [tilespmem:v35+s13+$0x0], $0xffff  }
0x38f: {  	v13 =	vmul.f32 v14, v13;
	v14 =	vor.u32 v2, v17;
	v17 =	vld.idx.msk [tilespmem:v29+s16+$0x0], $0xffff  }
0x390: {  	v15 =	vmul.f32 v16, v15;
	v16 =	vand.u32 $0x3FFFC, v22;
	[tilespmem:v10+s15+$0x0] =	vst.idx.add.f32.msk $0xffff, v32;
	v20 =	vor.u32 v2, v44  }
0x391: {  	v10 =	vor.u32 v2, v16;
	[tilespmem:v11+s15+$0x0] =	vst.idx.add.f32.msk $0xffff, v13;
	v9 =	vmul.f32 v9, v12  }
0x392: {  	[tilespmem:v6+s15+$0x0] =	vst.idx.add.f32.msk $0xffff, v15;
	v6 =	vmul.f32 v21, v19  }
0x393: {  	v7 =	vmul.f32 v18, v7;
	[tilespmem:v8+s15+$0x0] =	vst.idx.add.f32.msk $0xffff, v9  }
0x394: {  	[tilespmem:v14+s15+$0x0] =	vst.idx.add.f32.msk $0xffff, v6;
	v6 =	vmul.f32 v17, v23  }
0x395: {  	p0 =	seq.s32 s22, $0x27;
	[tilespmem:v20+s15+$0x0] =	vst.idx.add.f32.msk $0xffff, v7  }
0x396: {  	s23 =	sadd.s32 @!p0 s23, s8;
	s24 =	simm.s32 @!p0 $0x0;
	s25 =	simm.s32 @!p0 $0x1E000;
	[tilespmem:v10+s15+$0x0] =	vst.idx.add.f32.msk $0xffff, v6  }
0x397: {  	[tilespmem:s25], [sflag:$0x1] =	stream.linear.gather @!p0 [hbm4b:s23+s24], $0x800, $0x38;
	[tilespmem:$0x1F080] =	vst v63  }
0x398: {  	_ =	swait.ge [sflag:s20], $0x800  }
0x399: {  	[sflag:s20] =	ssyncset.done $0x0  }
0x39a: {  	s29 =	simm.s32 $0x1E820;
	[sflag:s20] =	ssyncadd.s32 $0xFFFFF800  }
0x39b: {  	v8 =	vld [tilespmem:s29+$0x10]  }
0x39c: {  	v9 =	vld [tilespmem:s29+$0xFFFFFFE0]  }
0x39d: {  	v6 =	vld [tilespmem:s29+$0x0];
	_ =	sdelay $0x2  }
0x39e: {  	v10 =	vperm.xlane v8, v1  }
0x39f: {  	v14 =	vperm.xlane v9, v1  }
0x3a0: {  	v7 =	vld [tilespmem:s29+$0xFFFFFFF0];
	v12 =	vperm.xlane v6, v1;
	v13 =	vshrl.u32 v10, $0xE;
	v10 =	vshll.u32 v10, $0x2  }
0x3a1: {  	v19 =	vshll.u32 v14, $0x2;
	v14 =	vshrl.u32 v14, $0xE;
	v15 =	vand.u32 $0x3, v13  }
0x3a2: {  	v18 =	vshll.u32 v12, $0x2;
	v12 =	vshrl.u32 v12, $0xE;
	v20 =	vand.u32 $0x3, v14  }
0x3a3: {  	v10 =	vor.u32 v2, v10;
	v24 =	vand.u32 $0x3, v12  }
0x3a4: {  	v19 =	vor.u32 v2, v19;
	v10 =	vand.u32 $0xFFFF, v10  }
0x3a5: {  	v11 =	vperm.xlane v7, v1;
	v18 =	vor.u32 v2, v18;
	v19 =	vand.u32 $0xFFFF, v19  }
0x3a6: {  	v18 =	vand.u32 $0xFFFF, v18;
	v15 =	vld.idx.msk [tilespmem:v15+s13+$0x0], $0xffff  }
0x3a7: {  	v16 =	vperm.xlane v7, v3;
	v17 =	vshll.u32 v11, $0x2;
	v11 =	vshrl.u32 v11, $0xE;
	v20 =	vld.idx.msk [tilespmem:v20+s13+$0x0], $0xffff  }
0x3a8: {  	v22 =	vperm.xlane v8, v3;
	v17 =	vor.u32 v2, v17;
	v21 =	vand.u32 $0x3, v11;
	v24 =	vld.idx.msk [tilespmem:v24+s13+$0x0], $0xffff  }
0x3a9: {  	v23 =	vperm.xlane v9, v3;
	v26 =	vperm.xlane v6, v3;
	v17 =	vand.u32 $0xFFFF, v17;
	v10 =	vld.idx.msk [tilespmem:v10+s16+$0x0], $0xffff  }
0x3aa: {  	v25 =	vshrl.u32 v22, $0xE;
	v22 =	vshll.u32 v22, $0x2;
	v13 =	vand.u32 $0x3FFFC, v13;
	v19 =	vld.idx.msk [tilespmem:v19+s16+$0x0], $0xffff  }
0x3ab: {  	v28 =	vshll.u32 v23, $0x2;
	v14 =	vand.u32 $0x3FFFC, v14;
	v13 =	vor.u32 v2, v13;
	v18 =	vld.idx.msk [tilespmem:v18+s16+$0x0], $0xffff  }
0x3ac: {  	v29 =	vshll.u32 v26, $0x2;
	v23 =	vshrl.u32 v23, $0xE;
	v14 =	vor.u32 v2, v14  }
0x3ad: {  	v27 =	vand.u32 $0x3, v25;
	v22 =	vor.u32 v2, v22;
	v11 =	vand.u32 $0x3FFFC, v11;
	v21 =	vld.idx.msk [tilespmem:v21+s13+$0x0], $0xffff  }
0x3ae: {  	v12 =	vand.u32 $0x3FFFC, v12;
	v22 =	vand.u32 $0xFFFF, v22;
	v17 =	vld.idx.msk [tilespmem:v17+s16+$0x0], $0xffff;
	v10 =	vmul.f32 v10, v15  }
0x3af: {  	v11 =	vor.u32 v2, v11;
	v12 =	vor.u32 v2, v12;
	v19 =	vmul.f32 v19, v20  }
0x3b0: {  	v15 =	vshll.u32 v16, $0x2;
	v20 =	vand.u32 $0x3FFFC, v25;
	v18 =	vmul.f32 v18, v24;
	[tilespmem:v13+s15+$0x0] =	vst.idx.add.f32.msk $0xffff, v10  }
0x3b1: {  	v16 =	vshrl.u32 v16, $0xE;
	v20 =	vor.u32 v2, v20;
	v10 =	vor.u32 v2, v28;
	[tilespmem:v14+s15+$0x0] =	vst.idx.add.f32.msk $0xffff, v19  }
0x3b2: {  	v13 =	vor.u32 v2, v15;
	v28 =	vor.u32 v2, v29;
	v15 =	vld.idx.msk [tilespmem:v27+s13+$0x0], $0xffff;
	v27 =	vand.u32 $0x3, v23  }
0x3b3: {  	v29 =	vperm.xlane v8, v4;
	v14 =	vmul.f32 v17, v21;
	v22 =	vld.idx.msk [tilespmem:v22+s16+$0x0], $0xffff;
	v10 =	vand.u32 $0xFFFF, v10  }
0x3b4: {  	v21 =	vshrl.u32 v26, $0xE;
	v8 =	vperm.xlane v8, v5;
	v13 =	vand.u32 $0xFFFF, v13  }
0x3b5: {  	v25 =	vshrl.u32 v29, $0xE;
	v29 =	vshll.u32 v29, $0x2;
	[tilespmem:v11+s15+$0x0] =	vst.idx.add.f32.msk $0xffff, v14;
	v14 =	vand.u32 $0x3, v21  }
0x3b6: {  	[tilespmem:v12+s15+$0x0] =	vst.idx.add.f32.msk $0xffff, v18;
	v17 =	vand.u32 $0x3, v25;
	v19 =	vor.u32 v2, v29;
	v29 =	vperm.xlane v6, v4  }
0x3b7: {  	v25 =	vand.u32 $0x3FFFC, v25;
	v6 =	vperm.xlane v6, v5;
	v19 =	vand.u32 $0xFFFF, v19;
	v26 =	vld.idx.msk [tilespmem:v27+s13+$0x0], $0xffff  }
0x3b8: {  	v25 =	vor.u32 v2, v25;
	v24 =	vshll.u32 v29, $0x2;
	v11 =	vmul.f32 v22, v15;
	v10 =	vld.idx.msk [tilespmem:v10+s16+$0x0], $0xffff  }
0x3b9: {  	v27 =	vand.u32 $0xFFFF, v28;
	v28 =	vand.u32 $0x3, v16;
	v22 =	vperm.xlane v9, v4;
	v13 =	vld.idx.msk [tilespmem:v13+s16+$0x0], $0xffff  }
0x3ba: {  	v29 =	vshrl.u32 v29, $0xE;
	v15 =	vand.u32 $0x3FFFC, v23;
	v23 =	vperm.xlane v7, v4;
	[tilespmem:v20+s15+$0x0] =	vst.idx.add.f32.msk $0xffff, v11  }
0x3bb: {  	v15 =	vor.u32 v2, v15;
	v11 =	vshll.u32 v22, $0x2;
	v22 =	vshrl.u32 v22, $0xE;
	v17 =	vld.idx.msk [tilespmem:v17+s13+$0x0], $0xffff  }
0x3bc: {  	v16 =	vand.u32 $0x3FFFC, v16;
	v19 =	vld.idx.msk [tilespmem:v19+s16+$0x0], $0xffff;
	v11 =	vor.u32 v2, v11;
	v12 =	vand.u32 $0x3, v22  }
0x3bd: {  	v9 =	vperm.xlane v9, v5;
	v7 =	vperm.xlane v7, v5;
	v14 =	vld.idx.msk [tilespmem:v14+s13+$0x0], $0xffff;
	v11 =	vand.u32 $0xFFFF, v11  }
0x3be: {  	v16 =	vor.u32 v2, v16;
	v20 =	vand.u32 $0x3FFFC, v21;
	v18 =	vld.idx.msk [tilespmem:v28+s13+$0x0], $0xffff;
	v10 =	vmul.f32 v10, v26  }
0x3bf: {  	v21 =	vshll.u32 v23, $0x2;
	v28 =	vshrl.u32 v8, $0xE;
	v8 =	vshll.u32 v8, $0x2;
	v27 =	vld.idx.msk [tilespmem:v27+s16+$0x0], $0xffff  }
0x3c0: {  	v21 =	vor.u32 v2, v21;
	v26 =	vand.u32 $0x3, v28;
	v8 =	vor.u32 v2, v8;
	[tilespmem:v15+s15+$0x0] =	vst.idx.add.f32.msk $0xffff, v10  }
0x3c1: {  	v8 =	vand.u32 $0xFFFF, v8;
	v15 =	vor.u32 v2, v24;
	v10 =	vmul.f32 v19, v17;
	v19 =	vld.idx.msk [tilespmem:v12+s13+$0x0], $0xffff  }
0x3c2: {  	v23 =	vshrl.u32 v23, $0xE;
	v17 =	vand.u32 $0xFFFF, v21;
	v24 =	vand.u32 $0xFFFF, v15;
	v30 =	vld.idx.msk [tilespmem:v11+s16+$0x0], $0xffff  }
0x3c3: {  	s30 =	simm.s32 $0x1E860;
	v12 =	vand.u32 $0x3, v23;
	v15 =	vand.u32 $0x3FFFC, v22;
	v21 =	vand.u32 $0x3FFFC, v23;
	[tilespmem:v25+s15+$0x0] =	vst.idx.add.f32.msk $0xffff, v10  }
0x3c4: {  	v23 =	vand.u32 $0x3FFFC, v29;
	v10 =	vand.u32 $0x3, v29;
	v29 =	vor.u32 v2, v21;
	v21 =	vld [tilespmem:s30+$0x10]  }
0x3c5: {  	v22 =	vshll.u32 v9, $0x2;
	v9 =	vshrl.u32 v9, $0xE;
	v13 =	vmul.f32 v13, v18;
	v18 =	vld.idx.msk [tilespmem:v26+s13+$0x0], $0xffff  }
0x3c6: {  	v20 =	vor.u32 v2, v20;
	v11 =	vor.u32 v2, v22;
	v47 =	vand.u32 $0x3, v9;
	v8 =	vld.idx.msk [tilespmem:v8+s16+$0x0], $0xffff  }
0x3c7: {  	v25 =	vshll.u32 v7, $0x2;
	v14 =	vmul.f32 v27, v14;
	v26 =	vor.u32 v2, v15;
	[tilespmem:v16+s15+$0x0] =	vst.idx.add.f32.msk $0xffff, v13  }
0x3c8: {  	v16 =	vshll.u32 v6, $0x2;
	v13 =	vor.u32 v2, v23;
	v23 =	vshrl.u32 v7, $0xE;
	v7 =	vld [tilespmem:s30+$0xFFFFFFF0]  }
0x3c9: {  	v6 =	vshrl.u32 v6, $0xE;
	v22 =	vld.idx.msk [tilespmem:v12+s13+$0x0], $0xffff;
	v12 =	vor.u32 v2, v25;
	v15 =	vor.u32 v2, v16  }
0x3ca: {  	v16 =	vand.u32 $0x3FFFC, v28;
	v25 =	vld.idx.msk [tilespmem:v17+s16+$0x0], $0xffff;
	v28 =	vand.u32 $0xFFFF, v11;
	v17 =	vand.u32 $0x3FFFC, v9  }
0x3cb: {  	[tilespmem:v20+s15+$0x0] =	vst.idx.add.f32.msk $0xffff, v14;
	v14 =	vand.u32 $0x3FFFC, v23;
	v27 =	vor.u32 v2, v16;
	v31 =	vand.u32 $0xFFFF, v12  }
0x3cc: {  	v16 =	vand.u32 $0xFFFF, v15;
	v12 =	vld [tilespmem:s30+$0xFFFFFFE0];
	v15 =	vand.u32 $0x3, v6;
	v20 =	vmul.f32 v30, v19  }
0x3cd: {  	v11 =	vld [tilespmem:s30+$0x0];
	v6 =	vand.u32 $0x3FFFC, v6;
	v19 =	vperm.xlane v21, v1;
	v51 =	vperm.xlane v21, v3  }
0x3ce: {  	v9 =	vld.idx.msk [tilespmem:v10+s13+$0x0], $0xffff;
	v6 =	vor.u32 v2, v6;
	v61 =	vperm.xlane v21, v4;
	v8 =	vmul.f32 v8, v18  }
0x3cf: {  	v48 =	vand.u32 $0x3, v23;
	[tilespmem:v26+s15+$0x0] =	vst.idx.add.f32.msk $0xffff, v20;
	v18 =	vor.u32 v2, v17;
	v17 =	vor.u32 v2, v14  }
0x3d0: {  	v10 =	vshll.u32 v19, $0x2;
	v20 =	vperm.xlane v7, v1;
	[tilespmem:v27+s15+$0x0] =	vst.idx.add.f32.msk $0xffff, v8;
	v8 =	vmul.f32 v25, v22  }
0x3d1: {  	v10 =	vor.u32 v2, v10;
	v22 =	vshrl.u32 v19, $0xE;
	v19 =	vld.idx.msk [tilespmem:v24+s16+$0x0], $0xffff;
	v14 =	vperm.xlane v12, v1  }
0x3d2: {  	v24 =	vperm.xlane v11, v1;
	v25 =	vand.u32 $0xFFFF, v10;
	v27 =	vshll.u32 v20, $0x2;
	[tilespmem:v29+s15+$0x0] =	vst.idx.add.f32.msk $0xffff, v8  }
0x3d3: {  	v49 =	vshrl.u32 v20, $0xE;
	v23 =	vand.u32 $0x3, v22;
	v10 =	vshll.u32 v14, $0x2;
	v8 =	vld.idx.msk [tilespmem:v47+s13+$0x0], $0xffff  }
0x3d4: {  	v52 =	vand.u32 $0x3, v49;
	v29 =	vshll.u32 v24, $0x2;
	v30 =	vor.u32 v2, v10;
	v10 =	vld.idx.msk [tilespmem:v28+s16+$0x0], $0xffff  }
0x3d5: {  	v28 =	vor.u32 v2, v29;
	v20 =	vld.idx.msk [tilespmem:v31+s16+$0x0], $0xffff;
	v29 =	vand.u32 $0xFFFF, v30;
	v30 =	vshrl.u32 v14, $0xE  }
0x3d6: {  	v21 =	vperm.xlane v21, v5;
	v27 =	vor.u32 v2, v27;
	v14 =	vld.idx.msk [tilespmem:v48+s13+$0x0], $0xffff;
	v50 =	vand.u32 $0x3, v30  }
0x3d7: {  	v26 =	vperm.xlane v7, v3;
	v27 =	vand.u32 $0xFFFF, v27;
	v24 =	vshrl.u32 v24, $0xE;
	v25 =	vld.idx.msk [tilespmem:v25+s16+$0x0], $0xffff  }
0x3d8: {  	v35 =	vshll.u32 v51, $0x2;
	v63 =	vshrl.u32 v61, $0xE;
	v55 =	vand.u32 $0x3, v24;
	v23 =	vld.idx.msk [tilespmem:v23+s13+$0x0], $0xffff  }
0x3d9: {  	v40 =	vshll.u32 v61, $0x2;
	v22 =	vand.u32 $0x3FFFC, v22;
	v28 =	vand.u32 $0xFFFF, v28;
	v33 =	vld.idx.msk [tilespmem:v52+s13+$0x0], $0xffff  }
0x3da: {  	v35 =	vor.u32 v2, v35;
	v22 =	vor.u32 v2, v22;
	v31 =	vshrl.u32 v51, $0xE;
	v29 =	vld.idx.msk [tilespmem:v29+s16+$0x0], $0xffff  }
0x3db: {  	v56 =	vperm.xlane v11, v3;
	v53 =	vperm.xlane v12, v3;
	v54 =	vand.u32 $0x3, v31;
	v34 =	vld.idx.msk [tilespmem:v50+s13+$0x0], $0xffff  }
0x3dc: {  	v35 =	vand.u32 $0xFFFF, v35;
	v57 =	vshll.u32 v26, $0x2;
	v30 =	vand.u32 $0x3FFFC, v30;
	v27 =	vld.idx.msk [tilespmem:v27+s16+$0x0], $0xffff  }
0x3dd: {  	v36 =	vshrl.u32 v53, $0xE;
	v30 =	vor.u32 v2, v30;
	v62 =	vld.idx.msk [tilespmem:v55+s13+$0x0], $0xffff;
	v23 =	vmul.f32 v25, v23  }
0x3de: {  	v32 =	vand.u32 $0x3FFFC, v49;
	v59 =	vand.u32 $0x3, v36;
	v28 =	vld.idx.msk [tilespmem:v28+s16+$0x0], $0xffff;
	v25 =	vshll.u32 v53, $0x2  }
0x3df: {  	v24 =	vand.u32 $0x3FFFC, v24;
	v25 =	vor.u32 v2, v25;
	[tilespmem:v22+s15+$0x0] =	vst.idx.add.f32.msk $0xffff, v23;
	v22 =	vor.u32 v2, v32  }
0x3e0: {  	v23 =	vor.u32 v2, v24;
	v25 =	vand.u32 $0xFFFF, v25;
	v24 =	vld.idx.msk [tilespmem:v54+s13+$0x0], $0xffff;
	v29 =	vmul.f32 v29, v34  }
0x3e1: {  	v26 =	vshrl.u32 v26, $0xE;
	v46 =	vperm.xlane v12, v4;
	v60 =	vor.u32 v2, v57;
	v35 =	vld.idx.msk [tilespmem:v35+s16+$0x0], $0xffff  }
0x3e2: {  	v37 =	vand.u32 $0xFFFF, v60;
	v31 =	vand.u32 $0x3FFFC, v31;
	v27 =	vmul.f32 v27, v33;
	[tilespmem:v30+s15+$0x0] =	vst.idx.add.f32.msk $0xffff, v29  }
0x3e3: {  	v12 =	vperm.xlane v12, v5;
	v58 =	vshll.u32 v56, $0x2;
	v31 =	vor.u32 v2, v31;
	v32 =	vld.idx.msk [tilespmem:v59+s13+$0x0], $0xffff  }
0x3e4: {  	v28 =	vmul.f32 v28, v62;
	v29 =	vand.u32 $0x3, v63;
	v30 =	vor.u32 v2, v40;
	[tilespmem:v22+s15+$0x0] =	vst.idx.add.f32.msk $0xffff, v27  }
0x3e5: {  	v39 =	vshrl.u32 v56, $0xE;
	v47 =	vperm.xlane v7, v4;
	v30 =	vand.u32 $0xFFFF, v30;
	v25 =	vld.idx.msk [tilespmem:v25+s16+$0x0], $0xffff  }
0x3e6: {  	v43 =	vor.u32 v2, v58;
	v27 =	vand.u32 $0x3, v26;
	[tilespmem:v23+s15+$0x0] =	vst.idx.add.f32.msk $0xffff, v28;
	v22 =	vmul.f32 v35, v24  }
0x3e7: {  	v44 =	vand.u32 $0x3, v39;
	v45 =	vand.u32 $0x3FFFC, v36;
	v49 =	vshll.u32 v47, $0x2;
	v37 =	vld.idx.msk [tilespmem:v37+s16+$0x0], $0xffff  }
0x3e8: {  	v36 =	vshrl.u32 v46, $0xE;
	v48 =	vand.u32 $0x3FFFC, v39;
	v39 =	vor.u32 v2, v49;
	[tilespmem:v31+s15+$0x0] =	vst.idx.add.f32.msk $0xffff, v22  }
0x3e9: {  	v50 =	vshrl.u32 v21, $0xE;
	v21 =	vshll.u32 v21, $0x2;
	v24 =	vand.u32 $0xFFFF, v43;
	v29 =	vld.idx.msk [tilespmem:v29+s13+$0x0], $0xffff  }
0x3ea: {  	v28 =	vand.u32 $0x3FFFC, v63;
	v63 =	vmul.f32 v10, v8;
	v35 =	vor.u32 v2, v45;
	v30 =	vld.idx.msk [tilespmem:v30+s16+$0x0], $0xffff  }
0x3eb: {  	v21 =	vor.u32 v2, v21;
	v54 =	vperm.xlane v7, v5;
	v23 =	vand.u32 $0x3, v36;
	v27 =	vld.idx.msk [tilespmem:v27+s13+$0x0], $0xffff  }
0x3ec: {  	v28 =	vor.u32 v2, v28;
	[tilespmem:v18+s15+$0x0] =	vst.idx.add.f32.msk $0xffff, v63;
	v22 =	vand.u32 $0x3FFFC, v26;
	v31 =	vshll.u32 v46, $0x2  }
0x3ed: {  	v51 =	vld.idx.msk [tilespmem:v44+s13+$0x0], $0xffff;
	v22 =	vor.u32 v2, v22;
	v31 =	vor.u32 v2, v31;
	v25 =	vmul.f32 v25, v32  }
0x3ee: {  	v52 =	vand.u32 $0x3, v50;
	v21 =	vand.u32 $0xFFFF, v21;
	v31 =	vand.u32 $0xFFFF, v31;
	v24 =	vld.idx.msk [tilespmem:v24+s16+$0x0], $0xffff  }
0x3ef: {  	v57 =	vshrl.u32 v54, $0xE;
	v26 =	vperm.xlane v11, v4;
	[tilespmem:v35+s15+$0x0] =	vst.idx.add.f32.msk $0xffff, v25;
	v25 =	vmul.f32 v30, v29  }
0x3f0: {  	v34 =	vor.u32 v2, v48;
	v62 =	vand.u32 $0x3, v57;
	v35 =	vld.idx.msk [tilespmem:v23+s13+$0x0], $0xffff;
	v27 =	vmul.f32 v37, v27  }
0x3f1: {  	v36 =	vand.u32 $0x3FFFC, v36;
	v8 =	vand.u32 $0x3FFFC, v57;
	v53 =	vshll.u32 v26, $0x2;
	[tilespmem:v28+s15+$0x0] =	vst.idx.add.f32.msk $0xffff, v25  }
0x3f2: {  	v23 =	vshrl.u32 v26, $0xE;
	v26 =	vand.u32 $0xFFFF, v39;
	v29 =	vshrl.u32 v47, $0xE;
	[tilespmem:v22+s15+$0x0] =	vst.idx.add.f32.msk $0xffff, v27  }
0x3f3: {  	v11 =	vperm.xlane v11, v5;
	v7 =	vand.u32 $0x3FFFC, v29;
	v25 =	vand.u32 $0x3, v29;
	v29 =	vld.idx.msk [tilespmem:v31+s16+$0x0], $0xffff  }
0x3f4: {  	v30 =	vor.u32 v2, v53;
	v28 =	vand.u32 $0x3, v23;
	v22 =	vmul.f32 v24, v51;
	v33 =	vld.idx.msk [tilespmem:v52+s13+$0x0], $0xffff  }
0x3f5: {  	v24 =	vshll.u32 v12, $0x2;
	v23 =	vand.u32 $0x3FFFC, v23;
	v27 =	vmul.f32 v19, v9;
	v21 =	vld.idx.msk [tilespmem:v21+s16+$0x0], $0xffff  }
0x3f6: {  	v9 =	vshll.u32 v54, $0x2;
	v19 =	vshll.u32 v11, $0x2;
	v55 =	vor.u32 v2, v7;
	[tilespmem:v34+s15+$0x0] =	vst.idx.add.f32.msk $0xffff, v22  }
0x3f7: {  	s31 =	simm.s32 $0x1E8A0;
	v7 =	vor.u32 v2, v23;
	v23 =	vand.u32 $0x3FFFC, v50;
	v22 =	vor.u32 v2, v24;
	v24 =	vld.idx.msk [tilespmem:v26+s16+$0x0], $0xffff  }
0x3f8: {  	v31 =	vor.u32 v2, v36;
	v12 =	vshrl.u32 v12, $0xE;
	v58 =	vor.u32 v2, v23;
	v23 =	vld [tilespmem:s31+$0x0]  }
0x3f9: {  	v9 =	vor.u32 v2, v9;
	v26 =	vor.u32 v2, v19;
	v59 =	vand.u32 $0xFFFF, v22;
	v22 =	vld [tilespmem:s31+$0xFFFFFFF0]  }
0x3fa: {  	v36 =	vmul.f32 v20, v14;
	v60 =	vand.u32 $0xFFFF, v9;
	v9 =	vand.u32 $0xFFFF, v26;
	v26 =	vld [tilespmem:s31+$0xFFFFFFE0]  }
0x3fb: {  	v61 =	vand.u32 $0x3, v12;
	v19 =	vld.idx.msk [tilespmem:v28+s13+$0x0], $0xffff;
	v28 =	vshrl.u32 v11, $0xE;
	v11 =	vand.u32 $0x3FFFC, v12  }
0x3fc: {  	v56 =	vld.idx.msk [tilespmem:v25+s13+$0x0], $0xffff;
	v14 =	vmul.f32 v29, v35;
	v12 =	vmul.f32 v21, v33;
	v20 =	vand.u32 $0x3FFFC, v28  }
0x3fd: {  	v25 =	vld [tilespmem:s31+$0x10];
	v10 =	vor.u32 v2, v11;
	v11 =	vor.u32 v2, v8;
	v8 =	vor.u32 v2, v20  }
0x3fe: {  	v30 =	vand.u32 $0xFFFF, v30;
	[tilespmem:v31+s15+$0x0] =	vst.idx.add.f32.msk $0xffff, v14;
	v29 =	vperm.xlane v23, v1;
	v54 =	vperm.xlane v23, v3  }
0x3ff: {  	[tilespmem:v58+s15+$0x0] =	vst.idx.add.f32.msk $0xffff, v12;
	v12 =	vand.u32 $0x3, v28;
	v14 =	vperm.xlane v22, v1;
	v28 =	vperm.xlane v22, v3  }
0x400: {  	[tilespmem:v13+s15+$0x0] =	vst.idx.add.f32.msk $0xffff, v27;
	v27 =	vperm.xlane v26, v1;
	v53 =	vperm.xlane v26, v3;
	v47 =	vshll.u32 v29, $0x2  }
0x401: {  	[tilespmem:v17+s15+$0x0] =	vst.idx.add.f32.msk $0xffff, v36;
	v29 =	vshrl.u32 v29, $0xE;
	v43 =	vshrl.u32 v54, $0xE;
	v20 =	vmul.f32 v24, v56  }
0x402: {  	v15 =	vld.idx.msk [tilespmem:v15+s13+$0x0], $0xffff;
	v21 =	vperm.xlane v25, v1;
	v46 =	vshll.u32 v14, $0x2;
	v49 =	vshll.u32 v27, $0x2  }
0x403: {  	v24 =	vld.idx.msk [tilespmem:v30+s16+$0x0], $0xffff;
	v34 =	vor.u32 v2, v47;
	v27 =	vshrl.u32 v27, $0xE;
	v50 =	vshrl.u32 v14, $0xE  }
0x404: {  	v42 =	vand.u32 $0x3, v29;
	[tilespmem:v55+s15+$0x0] =	vst.idx.add.f32.msk $0xffff, v20;
	v30 =	vshrl.u32 v21, $0xE;
	v20 =	vshll.u32 v21, $0x2  }
0x405: {  	v16 =	vld.idx.msk [tilespmem:v16+s16+$0x0], $0xffff;
	v56 =	vshll.u32 v53, $0x2;
	v31 =	vand.u32 $0x3, v30;
	v13 =	vor.u32 v2, v20  }
0x406: {  	v29 =	vand.u32 $0x3FFFC, v29;
	v58 =	vshll.u32 v28, $0x2;
	v21 =	vld.idx.msk [tilespmem:v59+s16+$0x0], $0xffff;
	v48 =	vand.u32 $0xFFFF, v13  }
0x407: {  	v47 =	vshll.u32 v54, $0x2;
	v41 =	vshrl.u32 v53, $0xE;
	v28 =	vshrl.u32 v28, $0xE;
	v20 =	vld.idx.msk [tilespmem:v61+s13+$0x0], $0xffff  }
0x408: {  	v53 =	vand.u32 $0x3, v43;
	v54 =	vperm.xlane v22, v4;
	v34 =	vand.u32 $0xFFFF, v34;
	v14 =	vld.idx.msk [tilespmem:v60+s16+$0x0], $0xffff  }
0x409: {  	v22 =	vperm.xlane v22, v5;
	v32 =	vor.u32 v2, v46;
	v51 =	vand.u32 $0x3, v27;
	v13 =	vld.idx.msk [tilespmem:v62+s13+$0x0], $0xffff  }
0x40a: {  	v37 =	vor.u32 v2, v49;
	v52 =	vand.u32 $0x3, v50;
	v27 =	vand.u32 $0x3FFFC, v27;
	v31 =	vld.idx.msk [tilespmem:v31+s13+$0x0], $0xffff  }
0x40b: {  	v38 =	vand.u32 $0x3FFFC, v50;
	v37 =	vand.u32 $0xFFFF, v37;
	v55 =	vperm.xlane v25, v3;
	v35 =	vld.idx.msk [tilespmem:v48+s16+$0x0], $0xffff  }
0x40c: {  	v29 =	vor.u32 v2, v29;
	v32 =	vand.u32 $0xFFFF, v32;
	v30 =	vand.u32 $0x3FFFC, v30;
	v42 =	vld.idx.msk [tilespmem:v42+s13+$0x0], $0xffff  }
0x40d: {  	v18 =	vor.u32 v2, v30;
	v30 =	vshrl.u32 v55, $0xE;
	v57 =	vshll.u32 v55, $0x2;
	v34 =	vld.idx.msk [tilespmem:v34+s16+$0x0], $0xffff  }
0x40e: {  	v44 =	vor.u32 v2, v58;
	v46 =	vand.u32 $0x3, v30;
	v33 =	vor.u32 v2, v57;
	v59 =	vld.idx.msk [tilespmem:v51+s13+$0x0], $0xffff  }
0x40f: {  	v63 =	vand.u32 $0x3, v41;
	v41 =	vand.u32 $0x3FFFC, v41;
	v33 =	vand.u32 $0xFFFF, v33;
	v40 =	vld.idx.msk [tilespmem:v52+s13+$0x0], $0xffff  }
0x410: {  	v49 =	vperm.xlane v25, v4;
	v27 =	vor.u32 v2, v27;
	v37 =	vld.idx.msk [tilespmem:v37+s16+$0x0], $0xffff;
	v31 =	vmul.f32 v35, v31  }
0x411: {  	v38 =	vor.u32 v2, v38;
	v41 =	vor.u32 v2, v41;
	v61 =	vor.u32 v2, v47;
	v32 =	vld.idx.msk [tilespmem:v32+s16+$0x0], $0xffff  }
0x412: {  	v60 =	vor.u32 v2, v56;
	v39 =	vand.u32 $0xFFFF, v61;
	v55 =	vshll.u32 v49, $0x2;
	[tilespmem:v18+s15+$0x0] =	vst.idx.add.f32.msk $0xffff, v31  }
0x413: {  	v61 =	vshll.u32 v54, $0x2;
	v30 =	vand.u32 $0x3FFFC, v30;
	v34 =	vmul.f32 v34, v42;
	v62 =	vld.idx.msk [tilespmem:v46+s13+$0x0], $0xffff  }
0x414: {  	v57 =	vor.u32 v2, v55;
	v45 =	vor.u32 v2, v61;
	v17 =	vor.u32 v2, v30;
	v33 =	vld.idx.msk [tilespmem:v33+s16+$0x0], $0xffff  }
0x415: {  	v30 =	vshrl.u32 v49, $0xE;
	[tilespmem:v29+s15+$0x0] =	vst.idx.add.f32.msk $0xffff, v34;
	v35 =	vmul.f32 v37, v59;
	v18 =	vand.u32 $0xFFFF, v60  }
0x416: {  	v52 =	vand.u32 $0x3, v28;
	v28 =	vand.u32 $0x3FFFC, v28;
	v56 =	vand.u32 $0x3, v30;
	v53 =	vld.idx.msk [tilespmem:v53+s13+$0x0], $0xffff  }
0x417: {  	v28 =	vor.u32 v2, v28;
	v30 =	vand.u32 $0x3FFFC, v30;
	[tilespmem:v27+s15+$0x0] =	vst.idx.add.f32.msk $0xffff, v35;
	v27 =	vmul.f32 v32, v40  }
0x418: {  	v30 =	vor.u32 v2, v30;
	v48 =	vperm.xlane v26, v4;
	v35 =	vand.u32 $0xFFFF, v57;
	v58 =	vld.idx.msk [tilespmem:v63+s13+$0x0], $0xffff  }
0x419: {  	v29 =	vperm.xlane v25, v5;
	v37 =	vshrl.u32 v54, $0xE;
	[tilespmem:v38+s15+$0x0] =	vst.idx.add.f32.msk $0xffff, v27;
	v33 =	vmul.f32 v33, v62  }
0x41a: {  	v59 =	vperm.xlane v23, v4;
	v55 =	vand.u32 $0x3, v37;
	v31 =	vand.u32 $0xFFFF, v44;
	v18 =	vld.idx.msk [tilespmem:v18+s16+$0x0], $0xffff  }
0x41b: {  	v60 =	vshll.u32 v48, $0x2;
	v44 =	vand.u32 $0xFFFF, v45;
	v57 =	vperm.xlane v26, v5;
	[tilespmem:v17+s15+$0x0] =	vst.idx.add.f32.msk $0xffff, v33  }
0x41c: {  	v63 =	vshrl.u32 v48, $0xE;
	v48 =	vshrl.u32 v59, $0xE;
	v27 =	vand.u32 $0x3FFFC, v43;
	v32 =	vld.idx.msk [tilespmem:v56+s13+$0x0], $0xffff  }
0x41d: {  	v50 =	vand.u32 $0x3, v63;
	v27 =	vor.u32 v2, v27;
	v17 =	vor.u32 v2, v60;
	v35 =	vld.idx.msk [tilespmem:v35+s16+$0x0], $0xffff  }
0x41e: {  	v51 =	vld.idx.msk [tilespmem:v52+s13+$0x0], $0xffff;
	v52 =	vshrl.u32 v29, $0xE;
	v29 =	vshll.u32 v29, $0x2;
	v17 =	vand.u32 $0xFFFF, v17  }
0x41f: {  	v39 =	vld.idx.msk [tilespmem:v39+s16+$0x0], $0xffff;
	v54 =	vand.u32 $0x3, v52;
	v62 =	vshll.u32 v59, $0x2;
	v18 =	vmul.f32 v18, v58  }
0x420: {  	v29 =	vor.u32 v2, v29;
	v31 =	vld.idx.msk [tilespmem:v31+s16+$0x0], $0xffff;
	v59 =	vperm.xlane v23, v5;
	v49 =	vor.u32 v2, v62  }
0x421: {  	v29 =	vand.u32 $0xFFFF, v29;
	v23 =	vshll.u32 v57, $0x2;
	v25 =	vand.u32 $0xFFFF, v49;
	[tilespmem:v41+s15+$0x0] =	vst.idx.add.f32.msk $0xffff, v18  }
0x422: {  	v60 =	vand.u32 $0x3FFFC, v48;
	v61 =	vshll.u32 v59, $0x2;
	v26 =	vld.idx.msk [tilespmem:v50+s13+$0x0], $0xffff;
	v32 =	vmul.f32 v35, v32  }
0x423: {  	v56 =	vand.u32 $0x3, v48;
	v58 =	vand.u32 $0x3FFFC, v37;
	v18 =	vand.u32 $0x3FFFC, v63;
	v40 =	vld.idx.msk [tilespmem:v17+s16+$0x0], $0xffff  }
0x424: {  	v33 =	vor.u32 v2, v58;
	v63 =	vshrl.u32 v57, $0xE;
	v34 =	vor.u32 v2, v18;
	[tilespmem:v30+s15+$0x0] =	vst.idx.add.f32.msk $0xffff, v32  }
0x425: {  	v30 =	vmul.f32 v24, v19;
	v19 =	vmul.f32 v31, v51;
	v24 =	vshll.u32 v22, $0x2;
	v62 =	vld.idx.msk [tilespmem:v54+s13+$0x0], $0xffff  }
0x426: {  	v31 =	vor.u32 v2, v60;
	v32 =	vmul.f32 v21, v20;
	v18 =	vld.idx.msk [tilespmem:v29+s16+$0x0], $0xffff;
	v29 =	vor.u32 v2, v23  }
0x427: {  	v17 =	vor.u32 v2, v24;
	v24 =	vor.u32 v2, v61;
	[tilespmem:v28+s15+$0x0] =	vst.idx.add.f32.msk $0xffff, v19;
	v28 =	vand.u32 $0x3FFFC, v52  }
0x428: {  	v23 =	vshrl.u32 v22, $0xE;
	v19 =	vmul.f32 v39, v53;
	v42 =	vor.u32 v2, v28;
	v41 =	vld.idx.msk [tilespmem:v55+s13+$0x0], $0xffff  }
0x429: {  	v22 =	vshrl.u32 v59, $0xE;
	v37 =	vand.u32 $0xFFFF, v29;
	v36 =	vand.u32 $0xFFFF, v17;
	v43 =	vld.idx.msk [tilespmem:v44+s16+$0x0], $0xffff  }
0x42a: {  	v29 =	vand.u32 $0xFFFF, v24;
	v39 =	vand.u32 $0x3, v63;
	v38 =	vand.u32 $0x3, v23;
	[tilespmem:v27+s15+$0x0] =	vst.idx.add.f32.msk $0xffff, v19  }
0x42b: {  	s23 =	simm.s32 $0x8;
	s24 =	simm.s32 $0x1E8E0;
	v35 =	vand.u32 $0x3, v22;
	v44 =	vand.u32 $0x3FFFC, v63;
	v17 =	vld.idx.msk [tilespmem:v56+s13+$0x0], $0xffff;
	v45 =	vmul.f32 v18, v62  }
.LBB2_17:
0x42c: {  	v24 =	vld [tilespmem:s24+$0x10];
	v18 =	vand.u32 $0x3FFFC, v23;
	v28 =	vmul.f32 v14, v13;
	v27 =	vmul.f32 v16, v15  }
0x42d: {  	v13 =	vmul.f32 v40, v26;
	v40 =	vor.u32 v2, v44;
	v14 =	vand.u32 $0x3FFFC, v22;
	[tilespmem:v42+s15+$0x0] =	vst.idx.add.f32.msk $0xffff, v45  }
0x42e: {  	v42 =	vor.u32 v2, v18;
	v26 =	vor.u32 v2, v14;
	v20 =	vld [tilespmem:s24+$0xFFFFFFF0]  }
0x42f: {  	v21 =	vld [tilespmem:s24+$0x0]  }
0x430: {  	s23 =	sadd.s32 $0x4, s23;
	v14 =	vmul.f32 v43, v41;
	v23 =	vld [tilespmem:s24+$0xFFFFFFE0]  }
0x431: {  	p0 =	slt.u32 s23, $0x7C;
	v22 =	vld.idx.msk [tilespmem:v25+s16+$0x0], $0xffff  }
0x432: {  	v15 =	vperm.xlane v24, v1;
	[tilespmem:v34+s15+$0x0] =	vst.idx.add.f32.msk $0xffff, v13  }
0x433: {  	v16 =	vperm.xlane v20, v1;
	v25 =	vperm.xlane v20, v3;
	[tilespmem:v33+s15+$0x0] =	vst.idx.add.f32.msk $0xffff, v14  }
0x434: {  	v34 =	vshrl.u32 v15, $0xE;
	v13 =	vshll.u32 v15, $0x2;
	v33 =	vperm.xlane v21, v1;
	[tilespmem:v7+s15+$0x0] =	vst.idx.add.f32.msk $0xffff, v30;
	v7 =	vmovc v31  }
0x435: {  	v30 =	vand.u32 $0x3, v34;
	v13 =	vor.u32 v2, v13;
	v14 =	vperm.xlane v23, v1;
	v18 =	vld.idx.msk [tilespmem:v39+s13+$0x0], $0xffff  }
0x436: {  	v15 =	vshll.u32 v16, $0x2;
	v39 =	vand.u32 $0xFFFF, v13;
	v31 =	vshll.u32 v33, $0x2;
	v19 =	vld.idx.msk [tilespmem:v37+s16+$0x0], $0xffff  }
0x437: {  	v15 =	vor.u32 v2, v15;
	v37 =	vshll.u32 v14, $0x2;
	v31 =	vor.u32 v2, v31;
	v13 =	vld.idx.msk [tilespmem:v38+s13+$0x0], $0xffff  }
0x438: {  	v16 =	vshrl.u32 v16, $0xE;
	v38 =	vshrl.u32 v14, $0xE;
	v37 =	vor.u32 v2, v37;
	v14 =	vld.idx.msk [tilespmem:v36+s16+$0x0], $0xffff  }
0x439: {  	v33 =	vshrl.u32 v33, $0xE;
	v36 =	vand.u32 $0xFFFF, v37;
	v37 =	vand.u32 $0xFFFF, v15;
	v15 =	vld.idx.msk [tilespmem:v12+s13+$0x0], $0xffff;
	v12 =	vmovc v35  }
0x43a: {  	v41 =	vand.u32 $0x3, v16;
	v31 =	vand.u32 $0xFFFF, v31;
	v35 =	vand.u32 $0x3, v38;
	v30 =	vld.idx.msk [tilespmem:v30+s13+$0x0], $0xffff  }
0x43b: {  	v45 =	vperm.xlane v21, v3;
	v43 =	vperm.xlane v23, v3;
	v44 =	vand.u32 $0x3, v33;
	v39 =	vld.idx.msk [tilespmem:v39+s16+$0x0], $0xffff  }
0x43c: {  	v47 =	vperm.xlane v24, v3;
	v46 =	vand.u32 $0x3FFFC, v16;
	v38 =	vand.u32 $0x3FFFC, v38;
	v16 =	vld.idx.msk [tilespmem:v9+s16+$0x0], $0xffff;
	v9 =	vmovc v29  }
0x43d: {  	v34 =	vand.u32 $0x3FFFC, v34;
	v33 =	vand.u32 $0x3FFFC, v33;
	v29 =	vshll.u32 v43, $0x2;
	[tilespmem:v10+s15+$0x0] =	vst.idx.add.f32.msk $0xffff, v32;
	v10 =	vmovc v40  }
0x43e: {  	v34 =	vor.u32 v2, v34;
	v40 =	vshll.u32 v47, $0x2;
	v32 =	vld.idx.msk [tilespmem:v36+s16+$0x0], $0xffff;
	v36 =	vshrl.u32 v47, $0xE  }
0x43f: {  	v47 =	vshll.u32 v25, $0x2;
	v40 =	vor.u32 v2, v40;
	v37 =	vld.idx.msk [tilespmem:v37+s16+$0x0], $0xffff;
	v48 =	vand.u32 $0x3, v36  }
0x440: {  	v49 =	vshll.u32 v45, $0x2;
	v38 =	vor.u32 v2, v38;
	v40 =	vand.u32 $0xFFFF, v40;
	v31 =	vld.idx.msk [tilespmem:v31+s16+$0x0], $0xffff  }
0x441: {  	v46 =	vor.u32 v2, v46;
	v33 =	vor.u32 v2, v33;
	v30 =	vmul.f32 v39, v30;
	v35 =	vld.idx.msk [tilespmem:v35+s13+$0x0], $0xffff  }
0x442: {  	v29 =	vor.u32 v2, v29;
	v39 =	vld.idx.msk [tilespmem:v41+s13+$0x0], $0xffff;
	v41 =	vor.u32 v2, v47;
	v47 =	vor.u32 v2, v49  }
0x443: {  	v45 =	vshrl.u32 v45, $0xE;
	v43 =	vshrl.u32 v43, $0xE;
	v25 =	vshrl.u32 v25, $0xE;
	[tilespmem:v34+s15+$0x0] =	vst.idx.add.f32.msk $0xffff, v30  }
0x444: {  	v29 =	vand.u32 $0xFFFF, v29;
	v30 =	vand.u32 $0xFFFF, v41;
	v34 =	vand.u32 $0xFFFF, v47;
	v41 =	vld.idx.msk [tilespmem:v48+s13+$0x0], $0xffff  }
0x445: {  	v49 =	vand.u32 $0x3, v45;
	v47 =	vand.u32 $0x3, v43;
	v48 =	vand.u32 $0x3, v25;
	v40 =	vld.idx.msk [tilespmem:v40+s16+$0x0], $0xffff  }
0x446: {  	v51 =	vperm.xlane v24, v4;
	v50 =	vperm.xlane v23, v4;
	v43 =	vand.u32 $0x3FFFC, v43;
	v44 =	vld.idx.msk [tilespmem:v44+s13+$0x0], $0xffff  }
0x447: {  	v36 =	vand.u32 $0x3FFFC, v36;
	v32 =	vmul.f32 v32, v35;
	v35 =	vperm.xlane v20, v4;
	[tilespmem:v11+s15+$0x0] =	vst.idx.add.f32.msk $0xffff, v28  }
0x448: {  	v28 =	vor.u32 v2, v36;
	v36 =	vshrl.u32 v51, $0xE;
	v51 =	vshll.u32 v51, $0x2;
	v11 =	vmovc v42;
	[tilespmem:v6+s15+$0x0] =	vst.idx.add.f32.msk $0xffff, v27  }
0x449: {  	v27 =	vmul.f32 v37, v39;
	v42 =	vor.u32 v2, v51;
	[tilespmem:v38+s15+$0x0] =	vst.idx.add.f32.msk $0xffff, v32;
	v32 =	vand.u32 $0x3, v36  }
0x44a: {  	v25 =	vand.u32 $0x3FFFC, v25;
	v6 =	vmovc v8;
	v8 =	vmovc v26;
	v38 =	vperm.xlane v21, v4;
	v39 =	vand.u32 $0xFFFF, v42;
	v37 =	vld.idx.msk [tilespmem:v47+s13+$0x0], $0xffff  }
0x44b: {  	v26 =	vshll.u32 v50, $0x2;
	v40 =	vmul.f32 v40, v41;
	[tilespmem:v46+s15+$0x0] =	vst.idx.add.f32.msk $0xffff, v27;
	v27 =	vand.u32 $0x3FFFC, v45  }
0x44c: {  	v41 =	vshll.u32 v35, $0x2;
	v31 =	vmul.f32 v31, v44;
	v42 =	vshll.u32 v38, $0x2;
	v29 =	vld.idx.msk [tilespmem:v29+s16+$0x0], $0xffff  }
0x44d: {  	v43 =	vor.u32 v2, v43;
	v44 =	vshrl.u32 v50, $0xE;
	v45 =	vor.u32 v2, v25;
	[tilespmem:v28+s15+$0x0] =	vst.idx.add.f32.msk $0xffff, v40  }
0x44e: {  	v25 =	vor.u32 v2, v26;
	v26 =	vor.u32 v2, v41;
	v27 =	vor.u32 v2, v27;
	v28 =	vld.idx.msk [tilespmem:v32+s13+$0x0], $0xffff  }
0x44f: {  	v32 =	vshrl.u32 v35, $0xE;
	v35 =	vshrl.u32 v38, $0xE;
	v38 =	vor.u32 v2, v42;
	v39 =	vld.idx.msk [tilespmem:v39+s16+$0x0], $0xffff  }
0x450: {  	v24 =	vperm.xlane v24, v5;
	v46 =	vand.u32 $0xFFFF, v26;
	v40 =	vand.u32 $0xFFFF, v25;
	[tilespmem:v33+s15+$0x0] =	vst.idx.add.f32.msk $0xffff, v31  }
0x451: {  	v26 =	vand.u32 $0x3, v44;
	v25 =	vand.u32 $0xFFFF, v38;
	v33 =	vand.u32 $0x3FFFC, v36;
	v31 =	vld.idx.msk [tilespmem:v48+s13+$0x0], $0xffff  }
0x452: {  	v38 =	vshrl.u32 v24, $0xE;
	v24 =	vshll.u32 v24, $0x2;
	v36 =	vld.idx.msk [tilespmem:v30+s16+$0x0], $0xffff;
	v30 =	vor.u32 v2, v33  }
0x453: {  	v24 =	vor.u32 v2, v24;
	v29 =	vmul.f32 v29, v37;
	v33 =	vand.u32 $0x3, v38;
	v37 =	vld.idx.msk [tilespmem:v49+s13+$0x0], $0xffff  }
0x454: {  	v41 =	vand.u32 $0x3, v32;
	v47 =	vand.u32 $0x3, v35;
	v24 =	vand.u32 $0xFFFF, v24;
	v42 =	vld.idx.msk [tilespmem:v34+s16+$0x0], $0xffff  }
0x455: {  	v23 =	vperm.xlane v23, v5;
	v28 =	vmul.f32 v39, v28;
	[tilespmem:v43+s15+$0x0] =	vst.idx.add.f32.msk $0xffff, v29;
	v29 =	vand.u32 $0x3FFFC, v44  }
0x456: {  	v20 =	vperm.xlane v20, v5;
	v21 =	vperm.xlane v21, v5;
	v32 =	vand.u32 $0x3FFFC, v32;
	v26 =	vld.idx.msk [tilespmem:v26+s13+$0x0], $0xffff  }
0x457: {  	v35 =	vand.u32 $0x3FFFC, v35;
	v39 =	vshll.u32 v23, $0x2;
	[tilespmem:v30+s15+$0x0] =	vst.idx.add.f32.msk $0xffff, v28;
	v30 =	vmul.f32 v22, v17  }
0x458: {  	v17 =	vmul.f32 v36, v31;
	v22 =	vshll.u32 v20, $0x2;
	v28 =	vshll.u32 v21, $0x2;
	v48 =	vld.idx.msk [tilespmem:v33+s13+$0x0], $0xffff  }
0x459: {  	v34 =	vor.u32 v2, v29;
	v31 =	vor.u32 v2, v35;
	v33 =	vor.u32 v2, v32;
	v24 =	vld.idx.msk [tilespmem:v24+s16+$0x0], $0xffff  }
0x45a: {  	v29 =	vor.u32 v2, v39;
	v32 =	vshrl.u32 v23, $0xE;
	[tilespmem:v45+s15+$0x0] =	vst.idx.add.f32.msk $0xffff, v17;
	v17 =	vmul.f32 v42, v37  }
.Ltmp7:
0x45b: {  	v36 =	vand.u32 $0x3FFFC, v38;
	v35 =	vor.u32 v2, v22;
	v28 =	vor.u32 v2, v28;
	v40 =	vld.idx.msk [tilespmem:v40+s16+$0x0], $0xffff;
	(pc) =	sbr.rel @p0 .LBB2_17-.Ltmp7, $4  }
0x45c: {  	v23 =	vshrl.u32 v20, $0xE;
	v22 =	vshrl.u32 v21, $0xE;
	v42 =	vor.u32 v2, v36;
	[tilespmem:v27+s15+$0x0] =	vst.idx.add.f32.msk $0xffff, v17  }
0x45d: {  	v37 =	vand.u32 $0xFFFF, v29;
	v36 =	vand.u32 $0xFFFF, v35;
	v29 =	vand.u32 $0xFFFF, v28;
	v41 =	vld.idx.msk [tilespmem:v41+s13+$0x0], $0xffff  }
0x45e: {  	v39 =	vand.u32 $0x3, v32;
	v38 =	vand.u32 $0x3, v23;
	v35 =	vand.u32 $0x3, v22;
	v43 =	vld.idx.msk [tilespmem:v46+s16+$0x0], $0xffff  }
0x45f: {  	s24 =	sadd.s32 $0x40, s24;
	v44 =	vand.u32 $0x3FFFC, v32;
	v32 =	vmul.f32 v19, v18;
	v45 =	vmul.f32 v24, v48;
	v17 =	vld.idx.msk [tilespmem:v47+s13+$0x0], $0xffff  }
0x460: {  	_ =	sdelay $0x3  }
0x461: {  	v20 =	vld.idx.msk [tilespmem:v25+s16+$0x0], $0xffff  }
0x462: {  	[tilespmem:v7+s15+$0x0] =	vst.idx.add.f32.msk $0xffff, v30  }
0x463: {  	[tilespmem:v42+s15+$0x0] =	vst.idx.add.f32.msk $0xffff, v45  }
0x464: {  	v18 =	vmul.f32 v40, v26;
	v12 =	vld.idx.msk [tilespmem:v12+s13+$0x0], $0xffff  }
0x465: {  	v9 =	vld.idx.msk [tilespmem:v9+s16+$0x0], $0xffff  }
0x466: {  	[tilespmem:v34+s15+$0x0] =	vst.idx.add.f32.msk $0xffff, v18  }
0x467: {  	v19 =	vmul.f32 v43, v41;
	v7 =	vld.idx.msk [tilespmem:v39+s13+$0x0], $0xffff  }
0x468: {  	v18 =	vld.idx.msk [tilespmem:v37+s16+$0x0], $0xffff  }
0x469: {  	[tilespmem:v33+s15+$0x0] =	vst.idx.add.f32.msk $0xffff, v19  }
0x46a: {  	v17 =	vmul.f32 v20, v17;
	v19 =	vld.idx.msk [tilespmem:v38+s13+$0x0], $0xffff  }
0x46b: {  	v21 =	vld.idx.msk [tilespmem:v36+s16+$0x0], $0xffff  }
0x46c: {  	[tilespmem:v31+s15+$0x0] =	vst.idx.add.f32.msk $0xffff, v17  }
0x46d: {  	v57 =	vand.u32 $0x3FFFC, v23;
	v59 =	vld.idx.msk [tilespmem:v35+s13+$0x0], $0xffff  }
0x46e: {  	v13 =	vmul.f32 v14, v13;
	v60 =	vor.u32 v2, v57;
	v61 =	vld.idx.msk [tilespmem:v29+s16+$0x0], $0xffff  }
0x46f: {  	v58 =	vor.u32 v2, v44;
	v15 =	vmul.f32 v16, v15;
	v62 =	vand.u32 $0x3FFFC, v22;
	s22 =	sadd.s32 $0x1, s22;
	[tilespmem:v10+s15+$0x0] =	vst.idx.add.f32.msk $0xffff, v32  }
0x470: {  	v63 =	vor.u32 v2, v62;
	p0 =	sne.s32 s22, $0x28;
	[tilespmem:v11+s15+$0x0] =	vst.idx.add.f32.msk $0xffff, v13;
	v9 =	vmul.f32 v9, v12  }
.Ltmp8:
0x471: {  	[tilespmem:v6+s15+$0x0] =	vst.idx.add.f32.msk $0xffff, v15;
	v6 =	vmul.f32 v21, v19;
	(pc) =	sbr.rel @p0 .LBB2_14-.Ltmp8, $4  }
0x472: {  	v7 =	vmul.f32 v18, v7;
	[tilespmem:v8+s15+$0x0] =	vst.idx.add.f32.msk $0xffff, v9  }
0x473: {  	[tilespmem:v60+s15+$0x0] =	vst.idx.add.f32.msk $0xffff, v6;
	v6 =	vmul.f32 v61, v59  }
0x474: {  	[tilespmem:v58+s15+$0x0] =	vst.idx.add.f32.msk $0xffff, v7  }
0x475: {  	[tilespmem:v63+s15+$0x0] =	vst.idx.add.f32.msk $0xffff, v6  }
0x476: {  	s23 =	simm.s32 $0x0  }
0x477: {  	v6 =	vmov s23  }
0x478: {  	v6 =	vshll.u32 v6, $0x2  }
0x479: {  	v7 =	vor.u32 v0, v6  }
0x47a: {  	s22 =	simm.s32 $0x10  }
0x47b: {  	v6 =	vmov s22  }
0x47c: {  	s26 =	simm.s32 $0x30;
	v6 =	vshll.u32 v6, $0x2  }
0x47d: {  	s24 =	simm.s32 $0x20;
	v11 =	vor.u32 v0, v6;
	v6 =	vmov s26  }
0x47e: {  	v10 =	vmov s24;
	v6 =	vshll.u32 v6, $0x2;
	v8 =	vld.idx.msk [tilespmem:v7+s15+$0x0], $0xffff  }
0x47f: {  	s25 =	simm.s32 $0x40;
	v9 =	vor.u32 $0x1, v7;
	v12 =	vor.u32 v0, v6;
	v6 =	vshll.u32 v10, $0x2  }
0x480: {  	s30 =	simm.s32 $0x50;
	v13 =	vor.u32 v0, v6;
	v6 =	vmov s25  }
0x481: {  	v16 =	vmov s30;
	v6 =	vshll.u32 v6, $0x2  }
0x482: {  	s22 =	simm.s32 $0x7830;
	v17 =	vor.u32 v0, v6;
	v6 =	vshll.u32 v16, $0x2  }
0x483: {  	v6 =	vor.u32 v0, v6;
	[tilespmem:s22+$0xFFFF87D0] =	vst v8  }
0x484: {  	v8 =	vld.idx.msk [tilespmem:v9+s15+$0x0], $0xffff  }
0x485: {  	v10 =	vor.u32 $0x2, v7;
	v9 =	vld.idx.msk [tilespmem:v11+s15+$0x0], $0xffff  }
0x486: {  	v15 =	vld.idx.msk [tilespmem:v12+s15+$0x0], $0xffff  }
0x487: {  	v18 =	vor.u32 $0x1, v12;
	v16 =	vld.idx.msk [tilespmem:v13+s15+$0x0], $0xffff  }
0x488: {  	s26 =	sand.u32 $0x3FC0, s23;
	v14 =	vor.u32 $0x1, v11;
	v20 =	vld.idx.msk [tilespmem:v6+s15+$0x0], $0xffff  }
0x489: {  	s31 =	simm.s32 $0x70;
	v21 =	vor.u32 $0x1, v6;
	[tilespmem:s26+$0x2800] =	vst v8  }
0x48a: {  	[tilespmem:s22+$0xFFFF87E0] =	vst v9;
	v9 =	vmov s31;
	v8 =	vld.idx.msk [tilespmem:v10+s15+$0x0], $0xffff;
	v10 =	vor.u32 $0x1, v13  }
0x48b: {  	v19 =	vor.u32 $0x3, v7;
	[tilespmem:s22+$0xFFFF8800] =	vst v15;
	v15 =	vld.idx.msk [tilespmem:v17+s15+$0x0], $0xffff;
	v9 =	vshll.u32 v9, $0x2  }
0x48c: {  	s23 =	simm.s32 $0x7870;
	[tilespmem:s22+$0xFFFF87F0] =	vst v16;
	v7 =	vor.u32 v0, v9;
	v9 =	vld.idx.msk [tilespmem:v18+s15+$0x0], $0xffff  }
0x48d: {  	v16 =	vor.u32 $0x2, v12;
	v14 =	vld.idx.msk [tilespmem:v14+s15+$0x0], $0xffff;
	[tilespmem:s23+$0xFFFF87E0] =	vst v20  }
0x48e: {  	s24 =	simm.s32 $0x60;
	v18 =	vor.u32 $0x1, v17;
	v20 =	vld.idx.msk [tilespmem:v21+s15+$0x0], $0xffff  }
0x48f: {  	v22 =	vor.u32 $0x2, v11;
	[tilespmem:s26+$0x5000] =	vst v8;
	v10 =	vld.idx.msk [tilespmem:v10+s15+$0x0], $0xffff;
	v8 =	vmov s24  }
0x490: {  	v23 =	vor.u32 $0x2, v13;
	[tilespmem:s23+$0xFFFF87D0] =	vst v15;
	v19 =	vld.idx.msk [tilespmem:v19+s15+$0x0], $0xffff;
	v8 =	vshll.u32 v8, $0x2  }
0x491: {  	v15 =	vld.idx.msk [tilespmem:v7+s15+$0x0], $0xffff;
	[tilespmem:s22+$0xFFFFB000] =	vst v9;
	v8 =	vor.u32 v0, v8  }
0x492: {  	v24 =	vor.u32 $0x1, v7;
	v16 =	vld.idx.msk [tilespmem:v16+s15+$0x0], $0xffff  }
0x493: {  	v12 =	vor.u32 $0x3, v12;
	s24 =	simm.s32 $0x80;
	[tilespmem:s22+$0xFFFFAFE0] =	vst v14;
	v18 =	vld.idx.msk [tilespmem:v18+s15+$0x0], $0xffff  }
0x494: {  	s28 =	simm.s32 $0x90;
	v14 =	vor.u32 $0x2, v17;
	v9 =	vmov s24;
	v22 =	vld.idx.msk [tilespmem:v22+s15+$0x0], $0xffff;
	[tilespmem:s22+$0xFFFFAFF0] =	vst v10  }
0x495: {  	v11 =	vor.u32 $0x3, v11;
	v21 =	vmov s28;
	v9 =	vshll.u32 v9, $0x2;
	[tilespmem:s26+$0x7800] =	vst v19;
	v19 =	vld.idx.msk [tilespmem:v23+s15+$0x0], $0xffff  }
0x496: {  	v10 =	vor.u32 v0, v9;
	v9 =	vshll.u32 v21, $0x2;
	[tilespmem:s23+$0xFFFF8800] =	vst v15;
	v21 =	vld.idx.msk [tilespmem:v8+s15+$0x0], $0xffff  }
0x497: {  	v9 =	vor.u32 v0, v9;
	s26 =	sand.u32 $0x3FC0, s25;
	v15 =	vld.idx.msk [tilespmem:v24+s15+$0x0], $0xffff;
	[tilespmem:s22+$0xFFFFD800] =	vst v16  }
0x498: {  	s30 =	simm.s32 $0xB0;
	v13 =	vor.u32 $0x3, v13;
	[tilespmem:s26+$0x2800] =	vst v18;
	v23 =	vld.idx.msk [tilespmem:v12+s15+$0x0], $0xffff  }
0x499: {  	[tilespmem:s22+$0xFFFFD7E0] =	vst v22;
	v16 =	vmov s30;
	v18 =	vor.u32 $0x1, v8;
	v14 =	vld.idx.msk [tilespmem:v14+s15+$0x0], $0xffff  }
0x49a: {  	[tilespmem:s23+$0xFFFFAFE0] =	vst v20;
	v20 =	vld.idx.msk [tilespmem:v11+s15+$0x0], $0xffff;
	v12 =	vshll.u32 v16, $0x2;
	v16 =	vor.u32 $0x3, v17  }
0x49b: {  	v12 =	vor.u32 v0, v12;
	v63 =	vld.idx.msk [tilespmem:v10+s15+$0x0], $0xffff;
	[tilespmem:s22+$0xFFFFD7F0] =	vst v19  }
0x49c: {  	v26 =	vor.u32 $0x1, v10;
	v25 =	vld.idx.msk [tilespmem:v9+s15+$0x0], $0xffff;
	[tilespmem:s23+$0xFFFF87F0] =	vst v21  }
0x49d: {  	v19 =	vld.idx.msk [tilespmem:v13+s15+$0x0], $0xffff;
	[tilespmem:s22+$0x0] =	vst v23;
	v23 =	vor.u32 $0x2, v7  }
0x49e: {  	s31 =	simm.s32 $0xA0;
	v22 =	vor.u32 $0x1, v9;
	[tilespmem:s26+$0x5000] =	vst v14;
	v18 =	vld.idx.msk [tilespmem:v18+s15+$0x0], $0xffff  }
0x49f: {  	s25 =	simm.s32 $0x78B0;
	v11 =	vmov s31;
	[tilespmem:s23+$0xFFFFB000] =	vst v15;
	v21 =	vor.u32 $0x2, v6;
	v14 =	vld.idx.msk [tilespmem:v16+s15+$0x0], $0xffff  }
0x4a0: {  	v11 =	vshll.u32 v11, $0x2;
	v17 =	vld.idx.msk [tilespmem:v12+s15+$0x0], $0xffff;
	v16 =	vor.u32 $0x2, v8;
	[tilespmem:s25+$0xFFFF87D0] =	vst v63  }
0x4a1: {  	s29 =	simm.s32 $0xF0;
	s28 =	simm.s32 $0x8;
	v11 =	vor.u32 v0, v11;
	v13 =	vor.u32 $0x1, v12;
	v15 =	vld.idx.msk [tilespmem:v26+s15+$0x0], $0xffff;
	[tilespmem:s25+$0xFFFF87E0] =	vst v25  }
.LBB2_20:
0x4a2: {  	s30 =	sadd.s32 $0xFFFFFFD0, s29;
	s28 =	sadd.s32 $0x4, s28;
	v23 =	vld.idx.msk [tilespmem:v23+s15+$0x0], $0xffff;
	[tilespmem:s22+$0xFFFFFFE0] =	vst v20  }
0x4a3: {  	s31 =	sadd.s32 $0xFFFFFFE0, s29;
	v24 =	vor.u32 $0x2, v10;
	v20 =	vmov s30;
	p0 =	slt.u32 s28, $0x27C;
	v22 =	vld.idx.msk [tilespmem:v22+s15+$0x0], $0xffff;
	[tilespmem:s22+$0xFFFFFFF0] =	vst v19;
	s22 =	smov.u32 s23  }
0x4a4: {  	s23 =	smov.u32 s25;
	v19 =	vshll.u32 v20, $0x2;
	v20 =	vmov s31;
	s31 =	sadd.s32 $0xFFFFFFF0, s29;
	v21 =	vld.idx.msk [tilespmem:v21+s15+$0x0], $0xffff;
	[tilespmem:s22+$0xFFFFAFF0] =	vst v18;
	v18 =	vor.u32 $0x3, v7;
	v7 =	vmovc v12  }
0x4a5: {  	v12 =	vor.u32 v0, v19;
	v19 =	vshll.u32 v20, $0x2;
	v20 =	vmov s31;
	[tilespmem:s26+$0x7800] =	vst v14;
	v14 =	vld.idx.msk [tilespmem:v16+s15+$0x0], $0xffff  }
0x4a6: {  	s26 =	sand.u32 $0x3FC0, s24;
	s24 =	smov.u32 s30;
	v16 =	vor.u32 v0, v19;
	v19 =	vshll.u32 v20, $0x2;
	v20 =	vld.idx.msk [tilespmem:v11+s15+$0x0], $0xffff;
	[tilespmem:s25+$0xFFFF8800] =	vst v17  }
0x4a7: {  	v25 =	vor.u32 $0x3, v8;
	v17 =	vor.u32 v0, v19;
	[tilespmem:s26+$0x2800] =	vst v15;
	v15 =	vld.idx.msk [tilespmem:v13+s15+$0x0], $0xffff;
	v19 =	vor.u32 $0x3, v6;
	v6 =	vmovc v9  }
0x4a8: {  	v8 =	vmov v11;
	v9 =	vmov v16;
	v24 =	vld.idx.msk [tilespmem:v24+s15+$0x0], $0xffff;
	[tilespmem:s22+$0xFFFFD800] =	vst v23;
	v11 =	vmov v17  }
0x4a9: {  	v13 =	vmov s29;
	v17 =	vor.u32 $0x1, v8;
	[tilespmem:s25+$0xFFFFAFE0] =	vst v22;
	v26 =	vld.idx.msk [tilespmem:v18+s15+$0x0], $0xffff  }
0x4aa: {  	v28 =	vor.u32 $0x3, v10;
	v10 =	vmov v12;
	v13 =	vshll.u32 v13, $0x2;
	v27 =	vld.idx.msk [tilespmem:v12+s15+$0x0], $0xffff;
	[tilespmem:s22+$0xFFFFD7E0] =	vst v21  }
0x4ab: {  	v12 =	vor.u32 v0, v13;
	v29 =	vld.idx.msk [tilespmem:v16+s15+$0x0], $0xffff;
	[tilespmem:s22+$0xFFFFD7F0] =	vst v14  }
0x4ac: {  	v30 =	vor.u32 $0x1, v10;
	v13 =	vor.u32 $0x1, v12;
	[tilespmem:s25+$0xFFFF87F0] =	vst v20;
	v20 =	vld.idx.msk [tilespmem:v19+s15+$0x0], $0xffff  }
.Ltmp9:
0x4ad: {  	v23 =	vor.u32 $0x2, v7;
	[tilespmem:s25+$0xFFFFB000] =	vst v15;
	v19 =	vld.idx.msk [tilespmem:v25+s15+$0x0], $0xffff;
	(pc) =	sbr.rel @p0 .LBB2_20-.Ltmp9, $4  }
0x4ae: {  	v22 =	vor.u32 $0x1, v9;
	[tilespmem:s26+$0x5000] =	vst v24;
	v18 =	vld.idx.msk [tilespmem:v17+s15+$0x0], $0xffff  }
0x4af: {  	v21 =	vor.u32 $0x2, v6;
	s25 =	sadd.s32 $0x40, s25;
	v14 =	vld.idx.msk [tilespmem:v28+s15+$0x0], $0xffff;
	[tilespmem:s22+$0x0] =	vst v26  }
0x4b0: {  	v16 =	vor.u32 $0x2, v8;
	[tilespmem:s25+$0xFFFF87D0] =	vst v27;
	v17 =	vld.idx.msk [tilespmem:v12+s15+$0x0], $0xffff  }
0x4b1: {  	s29 =	sadd.s32 $0x40, s29;
	v15 =	vld.idx.msk [tilespmem:v30+s15+$0x0], $0xffff;
	[tilespmem:s25+$0xFFFF87E0] =	vst v29  }
0x4b2: {  	_ =	sdelay $0x3  }
0x4b3: {  	[tilespmem:s22+$0xFFFFFFE0] =	vst v20;
	v50 =	vld.idx.msk [tilespmem:v11+s15+$0x0], $0xffff  }
0x4b4: {  	[tilespmem:s22+$0xFFFFFFF0] =	vst v19;
	v51 =	vor.u32 $0x1, v11  }
0x4b5: {  	v23 =	vld.idx.msk [tilespmem:v23+s15+$0x0], $0xffff;
	[tilespmem:s23+$0xFFFFAFF0] =	vst v18  }
0x4b6: {  	v52 =	vor.u32 $0x2, v10;
	v22 =	vld.idx.msk [tilespmem:v22+s15+$0x0], $0xffff;
	[tilespmem:s26+$0x7800] =	vst v14  }
0x4b7: {  	v7 =	vor.u32 $0x3, v7;
	v53 =	vld.idx.msk [tilespmem:v21+s15+$0x0], $0xffff;
	[tilespmem:s25+$0xFFFF8800] =	vst v17  }
0x4b8: {  	s31 =	sand.u32 $0x3FC0, s24;
	v56 =	vor.u32 $0x2, v9;
	v13 =	vld.idx.msk [tilespmem:v13+s15+$0x0], $0xffff;
	[tilespmem:s25+$0xFFFF87F0] =	vst v50  }
0x4b9: {  	v54 =	vor.u32 $0x2, v12;
	[tilespmem:s31+$0x2800] =	vst v15;
	v55 =	vld.idx.msk [tilespmem:v51+s15+$0x0], $0xffff  }
0x4ba: {  	v57 =	vor.u32 $0x2, v11;
	v16 =	vld.idx.msk [tilespmem:v16+s15+$0x0], $0xffff;
	[tilespmem:s23+$0xFFFFD800] =	vst v23  }
0x4bb: {  	v6 =	vor.u32 $0x3, v6;
	v18 =	vld.idx.msk [tilespmem:v52+s15+$0x0], $0xffff;
	[tilespmem:s25+$0xFFFFAFE0] =	vst v22  }
0x4bc: {  	v8 =	vor.u32 $0x3, v8;
	[tilespmem:s23+$0xFFFFD7E0] =	vst v53;
	v7 =	vld.idx.msk [tilespmem:v7+s15+$0x0], $0xffff  }
0x4bd: {  	v58 =	vor.u32 $0x3, v10;
	v59 =	vld.idx.msk [tilespmem:v56+s15+$0x0], $0xffff;
	[tilespmem:s25+$0xFFFFB000] =	vst v13  }
0x4be: {  	v61 =	vor.u32 $0x3, v9;
	v13 =	vld.idx.msk [tilespmem:v54+s15+$0x0], $0xffff;
	[tilespmem:s25+$0xFFFFAFF0] =	vst v55  }
0x4bf: {  	v60 =	vor.u32 $0x3, v12;
	[tilespmem:s23+$0xFFFFD7F0] =	vst v16;
	v15 =	vld.idx.msk [tilespmem:v57+s15+$0x0], $0xffff  }
0x4c0: {  	v62 =	vor.u32 $0x3, v11;
	v6 =	vld.idx.msk [tilespmem:v6+s15+$0x0], $0xffff;
	[tilespmem:s31+$0x5000] =	vst v18  }
0x4c1: {  	v8 =	vld.idx.msk [tilespmem:v8+s15+$0x0], $0xffff;
	[tilespmem:s23+$0x0] =	vst v7  }
0x4c2: {  	v7 =	vld.idx.msk [tilespmem:v58+s15+$0x0], $0xffff;
	[tilespmem:s25+$0xFFFFD7E0] =	vst v59  }
0x4c3: {  	v9 =	vld.idx.msk [tilespmem:v61+s15+$0x0], $0xffff;
	[tilespmem:s25+$0xFFFFD800] =	vst v13  }
0x4c4: {  	v63 =	vld.idx.msk [tilespmem:v60+s15+$0x0], $0xffff;
	[tilespmem:s25+$0xFFFFD7F0] =	vst v15  }
0x4c5: {  	[tilespmem:s23+$0xFFFFFFE0] =	vst v6;
	v6 =	vld.idx.msk [tilespmem:v62+s15+$0x0], $0xffff  }
0x4c6: {  	[tilespmem:s23+$0xFFFFFFF0] =	vst v8  }
0x4c7: {  	[tilespmem:s31+$0x7800] =	vst v7  }
0x4c8: {  	s21 =	sadd.s32 $0x1, s21;
	[tilespmem:s25+$0xFFFFFFE0] =	vst v9  }
0x4c9: {  	p0 =	sne.s32 s21, s12;
	[tilespmem:s25+$0x0] =	vst v63  }
.Ltmp10:
0x4ca: {  	[tilespmem:s25+$0xFFFFFFF0] =	vst v6;
	(pc) =	sbr.rel @p0 .LBB2_1-.Ltmp10, $4  }
0x4cb: {  	[hbm4b:s11+s3] =	stream.linear.scatter [tilespmem:s3], [sflag:$0x3], $0xA000, $0x38;
	[tilespmem:$0x1F080] =	vst v63  }
0x4cc: {  	_ =	swait.ge [sflag:s14], $0xA000  }
0x4cd: {  	[sflag:s14] =	ssyncset.done $0x0  }
0x4ce: {  	[sflag:s14] =	ssyncadd.s32 $0xFFFF6000  }
0x4cf: {  	_ =	sfence.sel $0x180000  }
0x4d0: {  	[bflag:$0x0] =	sbarrier.arrive $0xFFFF  }
0x4d1: {  	p0 =	sne.s32 s2, $0x0;
	_ =	strace $0x9000004A  }
0x4d2: {  	s0 =	sadd.s32 @!p0 $0x100000, s0;
	[bflag:$0x2] =	sbarrier.arrive $0xFFFF  }
0x4d3: {  	[sflag:s0] =	ssyncadd.tile.s32 @!p0 $0x1;
	_ =	shalt  }
.Lfunc_end2:
_tile_overlayer_lowered:
.L_overlay_start_2:
0x4d4: {  	(tag) =	ssettag $0x2  }
0x4d5: {  	s0 =	rddreg [dreg:$0x0];
	s2 =	stileid.u32  }
0x4d6: {  	s1 =	rddreg [dreg:$0x1];
	p0 =	sne.s32 s2, $0x0  }
0x4d7: {  	s3 =	rddreg [dreg:$0x2];
	[bflag:$0x3] =	sbarrier.arrive $0xFFFF;
	s2 =	simm.s32 @!p0 $0x1C03  }
0x4d8: {  	[timem:s3], [sflag:s2] =	dma.local @!p0 [hbm:s0], s1  }
0x4d9: {  	s0 =	simm.s32 @!p0 $0x3  }
0x4da: {  	_ =	swait.ge @!p0 [sflag:s0], s1  }
0x4db: {  	s1 =	ssub.s32 @!p0 $0x0, s1;
	[sflag:s0] =	ssyncset.done @!p0 $0x0  }
0x4dc: {  	[sflag:s0] =	ssyncadd.s32 @!p0 s1  }
0x4dd: {  	[bflag:$0x3] =	sbarrier.arrive $0xFFFF  }
0x4de: {  	_ =	shalt  }

// kernel: kernel.7.cloned.1.call-start
scs
__scs_entry_jumppad:
0x0: {  	(pc) =	sbr.rel $0x88, $3  }
0x1: {  	(tag) =	ssettag $0x0;
	lr =	simm.s32 $0x1  }
0x2: {  	[smem:$0x3F9B] =	sst lr;
	_ =	strace $0xD0000000  }
0x3: {  	_ = 	snop  }
0x4: {  	_ = 	snop  }
0x5: {  	_ = 	snop  }
0x6: {  	_ = 	snop  }
0x7: {  	_ = 	snop  }
__scs_overlays_trampoline_lowered:
0x8: {  	[smem:$0x3FAA] =	sst s0  }
0x9: {  	[smem:$0x3FAB] =	sst s1  }
0xa: {  	[smem:$0x3FAC] =	sst s2  }
0xb: {  	[smem:$0x3FAD] =	sst s3  }
0xc: {  	[smem:$0x3FAE] =	sst s4  }
0xd: {  	[smem:$0x3FAF] =	sst s5  }
0xe: {  	[smem:$0x3FB0] =	sst s6  }
0xf: {  	[smem:$0x3FB1] =	sst s7  }
0x10: {  	[smem:$0x3FB2] =	sst s8  }
0x11: {  	[smem:$0x3FB3] =	sst s9;
	s0 =	simm.s32 @!p0 $0x0  }
0x12: {  	s1 =	sld [smem:$0x3F99];
	s0 =	simm.s32 @p0 $0x1  }
0x13: {  	[smem:$0x3FB4] =	sst s0;
	s0 =	simm.s32 @!p1 $0x0  }
0x14: {  	s2 =	sld [smem:$0x3F98];
	s0 =	simm.s32 @p1 $0x1  }
0x15: {  	[smem:$0x3FB5] =	sst s0;
	s0 =	simm.s32 @!p2 $0x0  }
0x16: {  	s3 =	sld [smem:$0x3FDB];
	s0 =	simm.s32 @p2 $0x1  }
0x17: {  	s4 =	simm.s32 $0x1BF5;
	[smem:$0x3FB7] =	sst s0  }
0x18: {  	s0 =	sld [smem:$0x3F9A];
	_ =	swait.ge [sflag:s4], $0x0  }
0x19: {  	s7 =	sld [smem:$0x3F9B]  }
0x1a: {  	s8 =	sadd.s32 $0xFFFFE003, lr  }
0x1b: {  	s9 =	sadd.s32 $0xFFFFFEF7, lr;
	s5 =	simm.s32 $0xFFFFFFFF;
	p2 =	slt.u32 s8, $0xFFFFF086  }
0x1c: {  	p1 =	slt.u32 s9, $0xF7A;
	s5 =	simm.s32 @!p2 $0x0  }
0x1d: {  	s5 =	simm.s32 @p1 $0x1;
	p0 =	seq.s32 s7, s2  }
0x1e: {  	s7 =	smul.u32 @!p0 $0xF7A, s2;
	p2 =	seq.s32 @!p0 s5, $0x0  }
0x1f: {  	s9 =	smul.u32 $0xF7A, s1;
	s8 =	simm.s32 @!p0 $0x1BF5;
	p2 =	por !p2, p0  }
0x20: {  	[sflag:s8] =	ssyncset.s32 @!p0 $0xFFFFF086;
	s6 =	sadd.s32 @!p0 s3, s7;
	s7 =	simm.s32 @!p0 $0x108  }
0x21: {  	s3 =	sadd.s32 s3, s9;
	s6 =	sadd.s32 @!p0 $0x88, s6;
	s7 =	simm.s32 @p2 $0x1082  }
0x22: {  	[simem:s7], [sflag:s8] =	dma.local @!p0 [hbm:s6], $0xF7A  }
0x23: {  	s9 =	sor.u32 $0xD0000000, s2;
	s6 =	simm.s32 $0x108;
	_ =	swait.ge @!p0 [sflag:s8], $0x0  }
0x24: {  	s3 =	sadd.s32 $0x88, s3;
	s6 =	simm.s32 @!p1 $0x1082;
	[sflag:s4] =	ssyncset.s32 $0xFFFFF086  }
0x25: {  	[simem:s6], [sflag:s4] =	dma.local [hbm:s3], $0xF7A  }
0x26: {  	[smem:$0x3F9B] =	sst s1;
	(tag) =	ssettag s2;
	_ =	strace s9  }
0x27: {  	s1 =	sld [smem:$0x3FAB]  }
0x28: {  	s2 =	sld [smem:$0x3FAC]  }
0x29: {  	s4 =	sld [smem:$0x3FAE]  }
0x2a: {  	p0 =	seq.s32 s5, $0x0;
	s5 =	sld [smem:$0x3FAF]  }
0x2b: {  	s6 =	sld [smem:$0x3FB0]  }
0x2c: {  	s7 =	sld [smem:$0x3FB1]  }
0x2d: {  	s3 =	simm.s32 $0x108;
	s8 =	sld [smem:$0x3FB2]  }
0x2e: {  	s3 =	simm.s32 @!p0 $0x1082;
	s9 =	sld [smem:$0x3FB3]  }
0x2f: {  	lr =	sadd.s32 s0, s3;
	s0 =	sld [smem:$0x3FAA]  }
0x30: {  	s3 =	sld [smem:$0x3FAD]  }
0x31: {  	[smem:$0x3FB6] =	sst s10  }
0x32: {  	s10 =	sld [smem:$0x3FB4];
	_ =	sdelay $0x3  }
0x33: {  	p0 =	seq.s32 s10, $0x1;
	s10 =	sld [smem:$0x3FB6];
	_ =	sdelay $0x3  }
0x34: {  	[smem:$0x3FB6] =	sst s10  }
0x35: {  	s10 =	sld [smem:$0x3FB5];
	_ =	sdelay $0x3  }
0x36: {  	p1 =	seq.s32 s10, $0x1;
	s10 =	sld [smem:$0x3FB6];
	_ =	sdelay $0x3  }
0x37: {  	[smem:$0x3FB6] =	sst s10  }
0x38: {  	s10 =	sld [smem:$0x3FB7]  }
0x39: {  	_ = 	snop;
	(pc) =	sbr.ind lr, $3  }
0x3a: {  	_ = 	snop  }
0x3b: {  	_ = 	snop  }
0x3c: {  	p2 =	seq.s32 s10, $0x1;
	s10 =	sld [smem:$0x3FB6]  }
0x3d: {  	_ =	shalt  }
0x3e: {  	_ =	shalt  }
0x3f: {  	_ =	shalt  }
0x40: {  	_ =	shalt  }
0x41: {  	_ =	shalt  }
0x42: {  	_ =	shalt  }
0x43: {  	_ =	shalt  }
0x44: {  	_ =	shalt  }
0x45: {  	_ =	shalt  }
0x46: {  	_ =	shalt  }
0x47: {  	_ =	shalt  }
0x48: {  	_ =	shalt  }
0x49: {  	_ =	shalt  }
0x4a: {  	_ =	shalt  }
0x4b: {  	_ =	shalt  }
0x4c: {  	_ =	shalt  }
0x4d: {  	_ =	shalt  }
0x4e: {  	_ =	shalt  }
0x4f: {  	_ =	shalt  }
0x50: {  	_ =	shalt  }
0x51: {  	_ =	shalt  }
0x52: {  	_ =	shalt  }
0x53: {  	_ =	shalt  }
0x54: {  	_ =	shalt  }
0x55: {  	_ =	shalt  }
0x56: {  	_ =	shalt  }
0x57: {  	_ =	shalt  }
0x58: {  	_ =	shalt  }
0x59: {  	_ =	shalt  }
0x5a: {  	_ =	shalt  }
0x5b: {  	_ =	shalt  }
0x5c: {  	_ =	shalt  }
0x5d: {  	_ =	shalt  }
0x5e: {  	_ =	shalt  }
0x5f: {  	_ =	shalt  }
0x60: {  	_ =	shalt  }
0x61: {  	_ =	shalt  }
0x62: {  	_ =	shalt  }
0x63: {  	_ =	shalt  }
0x64: {  	_ =	shalt  }
0x65: {  	_ =	shalt  }
0x66: {  	_ =	shalt  }
0x67: {  	_ =	shalt  }
0x68: {  	_ =	shalt  }
0x69: {  	_ =	shalt  }
0x6a: {  	_ =	shalt  }
0x6b: {  	_ =	shalt  }
0x6c: {  	_ =	shalt  }
0x6d: {  	_ =	shalt  }
0x6e: {  	_ =	shalt  }
0x6f: {  	_ =	shalt  }
0x70: {  	_ =	shalt  }
0x71: {  	_ =	shalt  }
0x72: {  	_ =	shalt  }
0x73: {  	_ =	shalt  }
0x74: {  	_ =	shalt  }
0x75: {  	_ =	shalt  }
0x76: {  	_ =	shalt  }
0x77: {  	_ =	shalt  }
0x78: {  	_ =	shalt  }
0x79: {  	_ =	shalt  }
0x7a: {  	_ =	shalt  }
0x7b: {  	_ =	shalt  }
0x7c: {  	_ =	shalt  }
0x7d: {  	_ =	shalt  }
0x7e: {  	_ =	shalt  }
0x7f: {  	_ =	shalt  }
0x80: {  	_ =	shalt  }
0x81: {  	_ =	shalt  }
0x82: {  	_ =	shalt  }
0x83: {  	_ =	shalt  }
0x84: {  	_ =	shalt  }
0x85: {  	_ =	shalt  }
0x86: {  	_ =	shalt  }
0x87: {  	_ =	shalt  }
.Lfunc_end0:
.L_simem_size_0:
called_computation_lowered:
.L_overlay_start_0:
0x88: {  	s2 =	sld [smem:$0x3FD9]  }
0x89: {  	s3 =	sld [smem:$0x3FFE];
	_ =	sdelay $0x1  }
0x8a: {  	s1 =	srdreg.scid  }
0x8b: {  	s0 =	sand.u32 $0x1, s1  }
0x8c: {  	s17 =	sshll.u32 s0, $0xA;
	s2 =	sadd.s32 s3, s2  }
0x8d: {  	s2 =	sadd.s32 s2, s17  }
0x8e: {  	[smem:$0x3FC2] =	sst s2  }
0x8f: {  	_ = 	snop  }
0x90: {  	s2 =	sld [smem:$0x3FD0];
	(tm) =	ssettm $0x1  }
0x91: {  	s18 =	sld [smem:$0x3FFB];
	_ =	sdelay $0x3  }
0x92: {  	_ =	strace s18  }
0x93: {  	s3 =	sld [smem:$0x3FFC];
	_ =	sdelay $0x3  }
0x94: {  	_ =	strace s3  }
0x95: {  	s3 =	sld [smem:$0x3FFD];
	_ =	sdelay $0x3  }
0x96: {  	_ =	strace s3  }
0x97: {  	_ =	strace $0x8FFFFFFF  }
0x98: {  	s19 =	sld [smem:$0x3FDB];
	_ =	sdelay $0x1  }
0x99: {  	s4 =	simm.s32 $_scs_section_size  }
0x9a: {  	s5 =	simm.s32 $_size__tile_overlayer_lowered;
	s6 =	simm.s32 $_tile_overlayer_lowered  }
0x9b: {  	s22 =	simm.s32 $0x1BFF;
	s21 =	sshll.u32 s6, $0x1;
	s3 =	sadd.s32 s4, s19  }
0x9c: {  	s7 =	simm.s32 $0x0;
	s20 =	sshll.u32 s5, $0x1;
	s5 =	sadd.s32 s21, s3  }
0x9d: {  	[timem:s7], [sflag:s22] =	dma.local [hbm:s5], s20  }
0x9e: {  	_ =	swait.ge [sflag:s22], s20  }
0x9f: {  	s4 =	ssub.s32 $0x0, s20;
	[sflag:s22] =	ssyncset.done $0x0  }
0xa0: {  	[sflag:s22] =	ssyncadd.s32 s4;
	_ =	sdelay $0x1  }
0xa1: {  	s23 =	simm.s32 $0x1B8B  }
0xa2: {  	_ =	swait.ge [sflag:s23], $0x1  }
0xa3: {  	[sflag:s23] =	ssyncset.done $0x0  }
0xa4: {  	s25 =	simm.s32 $0x1B8E;
	s24 =	sld [smem:$0x3FFE];
	[sflag:s23] =	ssyncadd.s32 $0xFFFFFFFF  }
0xa5: {  	s26 =	simm.s32 $execute0_lowered;
	[smem:$0x3FD2] =	sst s25  }
0xa6: {  	s5 =	sshll.u32 s26, $0x1;
	_ =	strace $0x80000046;
	[dreg:$0x1] =	wrdreg $0xFFFFFFFF  }
0xa7: {  	s28 =	simm.s32 $_size_execute0_lowered;
	s3 =	sadd.s32 s3, s5;
	[dreg:$0x0] =	wrdreg $0x0  }
0xa8: {  	s5 =	sshll.u32 s28, $0x1;
	[dreg:$0x2] =	wrdreg s3  }
0xa9: {  	[dreg:$0x3] =	wrdreg s5  }
0xaa: {  	[dreg:$0x4] =	wrdreg $0xC0  }
0xab: {  	_ =	task [dreg:s7], $0x5FFFF  }
0xac: {  	[dreg:$0x1] =	wrdreg $0xFFFFFFFF  }
0xad: {  	[dreg:$0x0] =	wrdreg $0x60  }
0xae: {  	[dreg:$0x2] =	wrdreg s24  }
0xaf: {  	[dreg:$0x3] =	wrdreg s2  }
0xb0: {  	[dreg:$0x4] =	wrdreg $0x9  }
0xb1: {  	_ =	task.clear_ibuf [dreg:s7], $0x5FFFF;
	_ =	strace $0x90000046  }
0xb2: {  	s29 =	simm.s32 $0x9;
	_ =	strace $0x80000048  }
0xb3: {  	_ =	swait.ge [sflag:s29], $0x1  }
0xb4: {  	[sflag:s29] =	ssyncadd.s32 $0xFFFFFFFF  }
0xb5: {  	_ =	strace $0x90000048  }
0xb6: {  	_ =	sfence  }
0xb7: {  	s30 =	sld [smem:$0x0];
	_ =	sdelay $0x2  }
0xb8: {  	s31 =	sshll.u32 s1, $0xD;
	s1 =	sshrl.u32 s1, $0x2  }
0xb9: {  	s3 =	sand.u32 $0x4000, s31;
	s1 =	sadd.s32 s1, s30  }
0xba: {  	s0 =	sor.u32 s3, s0;
	s1 =	sshll.u32 s1, $0x11  }
0xbb: {  	s0 =	sor.u32 s1, s0  }
0xbc: {  	s0 =	sadd.s32 $0x8F2B, s0  }
0xbd: {  	[sflag:s0] =	ssyncadd.remote.s32 $0x1  }
0xbe: {  	_ =	sfence.sel $0xFFFF  }
0xbf: {  	[dreg:$0x0] =	wrdreg $0xFFFFFFFF;
	(pc) =	sbr.abs _section_cstart, $3  }
0xc0: {  	[dreg:$0x1] =	wrdreg $0xFFFFFFFF  }
0xc1: {  	_ =	task.clear_ibuf [dreg:s7], $0x2FFFF;
	_ =	strace $0x9FFFFFFF  }
0xc2: {  	(tm) =	ssettm $0x7FFFFFFF  }
0xc3: {  	_ =	shalt  }
tec
execute0_lowered:
.L_overlay_start_1:
0x0: {  	(tag) =	ssettag $0x1  }
0x1: {  	s0 =	srdreg.scid;
	s4 =	rddreg [dreg:$0x0]  }
0x2: {  	s7 =	rddreg [dreg:$0x1];
	s1 =	stileid.u32  }
0x3: {  	s2 =	simm.s32 $0x0;
	s11 =	simm.s32 $0x2800;
	s12 =	simm.s32 $0x80  }
0x4: {  	s13 =	simm.s32 $0x400;
	s5 =	sand.u32 $0x1, s0;
	s0 =	rddreg [dreg:$0x2]  }
0x5: {  	s14 =	simm.s32 $0x0;
	[smem:$0x7FF] =	sst s2;
	s3 =	sshll.u32 s5, $0x4  }
0x6: {  	s9 =	sshll.u32 s1, $0x7;
	_ =	strace $0x80000047;
	s3 =	sor.u32 s1, s3  }
0x7: {  	s5 =	ssub.s32 $0x2, s5;
	s6 =	smul.u32 $0x271, s3;
	s3 =	sshrl.u32 s3, $0x3  }
0x8: {  	s9 =	sand.u32 $0x380, s9;
	s10 =	sshrl.u32 s5, $0x1;
	s8 =	smul.u32 $0x14000, s3  }
0x9: {  	s31 =	ssub.s32 s5, s10;
	s10 =	simm.s32 $0x1;
	s3 =	sadd.s32 $0x1E00, s4  }
0xa: {  	s6 =	sadd.s32 s6, s4;
	s4 =	sadd.s32 $0xC000, s4;
	s8 =	sor.u32 s9, s8  }
0xb: {  	s5 =	sadd.s32 $0x7000, s6;
	s6 =	sadd.s32 $0x2000, s6;
	s8 =	sshrl.u32 s8, $0x3  }
0xc: {  	v0 =	vlaneseq.u32;
	s9 =	simm.s32 $0x2880;
	s7 =	sadd.s32 s7, s8;
	s8 =	smax.u32 s31, $0x1  }
.LBB2_1:
0xd: {  	[tilespmem:s9], [sflag:$0x1] =	stream.linear.gather [hbm4b:s4+s2], $0x2800, $0x38;
	[tilespmem:$0x5080] =	vst v63  }
0xe: {  	_ =	swait.ge [sflag:s10], $0x2800  }
0xf: {  	[sflag:s10] =	ssyncset.done $0x0  }
0x10: {  	[sflag:s10] =	ssyncadd.s32 $0xFFFFD800  }
0x11: {  	[tilespmem:s11], [sflag:$0x1] =	stream.linear.gather [hbm4b:s3+s2], $0x80, $0x38;
	[tilespmem:$0x5080] =	vst v63  }
0x12: {  	_ =	swait.ge [sflag:s10], $0x80  }
0x13: {  	[sflag:s10] =	ssyncset.done $0x0  }
0x14: {  	[sflag:s10] =	ssyncadd.s32 $0xFFFFFF80  }
0x15: {  	[tilespmem:s2], [sflag:$0x1] =	stream.linear.gather [hbm4b:s5+s2], $0x1398, $0x38;
	[tilespmem:$0x5080] =	vst v63  }
0x16: {  	_ =	swait.ge [sflag:s10], $0x1398  }
0x17: {  	[sflag:s10] =	ssyncset.done $0x0  }
0x18: {  	s15 =	simm.s32 $0x1400;
	[sflag:s10] =	ssyncadd.s32 $0xFFFFEC68  }
0x19: {  	[tilespmem:s15], [sflag:$0x1] =	stream.linear.gather [hbm4b:s6+s2], $0x1398, $0x38;
	[tilespmem:$0x5080] =	vst v63  }
0x1a: {  	_ =	swait.ge [sflag:s10], $0x1398  }
0x1b: {  	[sflag:s10] =	ssyncset.done $0x0  }
0x1c: {  	[sflag:s10] =	ssyncadd.s32 $0xFFFFEC68  }
0x1d: {  	v1 =	vld [tilespmem:s15+$0x0];
	_ =	sdelay $0x4  }
0x1e: {  	s31 =	simm.s32 $0x1388;
	v2 =	vld [tilespmem:s2+$0x0]  }
0x1f: {  	v3 =	vmov s31  }
0x20: {  	vm0 =	vgt.u32 v3, v0  }
0x21: {  	v1 =	vld.idx.msk [tilespmem:v1+s11+$0x0], $0xffff;
	_ =	sdelay $0x4  }
0x22: {  	s16 =	simm.s32 $0x1410;
	[tilespmem:v2+s9+$0x0] =	vst.idx.add.f32.msk vm0, v1  }
0x23: {  	s18 =	simm.s32 $0x1368;
	s17 =	simm.s32 $0x0;
	s15 =	simm.s32 $0x1378;
	v1 =	vld [tilespmem:s16+$0x0]  }
.LBB2_2:
0x24: {  	p0 =	sne.s32 s18, $0x8;
	_ =	sdelay $0x3  }
0x25: {  	s17 =	sadd.s32 $0x10, s17  }
0x26: {  	v2 =	vld [tilespmem:s17+$0x0]  }
0x27: {  	v3 =	vmov s15;
	s15 =	smov.u32 s18  }
0x28: {  	vm0 =	vgt.u32 v3, v0;
	v1 =	vld.idx.msk [tilespmem:v1+s11+$0x0], $0xffff;
	_ =	sdelay $0x2  }
.Ltmp0:
0x29: {  	(pc) =	sbr.rel @p0 .LBB2_2-.Ltmp0, $3  }
0x2a: {  	_ =	sdelay $0x1  }
0x2b: {  	s16 =	sadd.s32 $0x10, s16;
	[tilespmem:v2+s9+$0x0] =	vst.idx.add.f32.msk vm0, v1  }
0x2c: {  	s18 =	sadd.s32 $0xFFFFFFF0, s18;
	v1 =	vld [tilespmem:s16+$0x0]  }
0x2d: {  	_ =	sdelay $0x3  }
0x2e: {  	s16 =	sadd.s32 $0x10, s17  }
0x2f: {  	v2 =	vld [tilespmem:s16+$0x0]  }
0x30: {  	v3 =	vmov s15  }
0x31: {  	vm0 =	vgt.u32 v3, v0  }
0x32: {  	v1 =	vld.idx.msk [tilespmem:v1+s11+$0x0], $0xffff;
	_ =	sdelay $0x2  }
0x33: {  	s14 =	sadd.s32 $0x1, s14  }
0x34: {  	p0 =	sne.s32 s14, s8  }
.Ltmp1:
0x35: {  	[tilespmem:v2+s9+$0x0] =	vst.idx.add.f32.msk vm0, v1;
	(pc) =	sbr.rel @p0 .LBB2_1-.Ltmp1, $4  }
0x36: {  	[hbm4b:s7+s12] =	stream.strided.scatter [tilespmem:s9], [sflag:$0x1], $0x2800, s13, s12, $0x38;
	[tilespmem:$0x5080] =	vst v63  }
0x37: {  	_ =	swait.ge [sflag:s10], $0x2800  }
0x38: {  	[sflag:s10] =	ssyncset.done $0x0  }
0x39: {  	[sflag:s10] =	ssyncadd.s32 $0xFFFFD800  }
0x3a: {  	_ =	sfence.sel $0x180000  }
0x3b: {  	[bflag:$0x0] =	sbarrier.arrive $0xFFFF  }
0x3c: {  	p0 =	sne.s32 s1, $0x0;
	_ =	strace $0x90000047  }
0x3d: {  	s0 =	sadd.s32 @!p0 $0x100000, s0;
	[bflag:$0x2] =	sbarrier.arrive $0xFFFF  }
0x3e: {  	[sflag:s0] =	ssyncadd.tile.s32 @!p0 $0x1;
	_ =	shalt  }
.Lfunc_end2:
_tile_overlayer_lowered:
.L_overlay_start_2:
0x3f: {  	(tag) =	ssettag $0x2  }
0x40: {  	s0 =	rddreg [dreg:$0x0];
	s2 =	stileid.u32  }
0x41: {  	s1 =	rddreg [dreg:$0x1];
	p0 =	sne.s32 s2, $0x0  }
0x42: {  	s3 =	rddreg [dreg:$0x2];
	[bflag:$0x3] =	sbarrier.arrive $0xFFFF;
	s2 =	simm.s32 @!p0 $0x1C01  }
0x43: {  	[timem:s3], [sflag:s2] =	dma.local @!p0 [hbm:s0], s1  }
0x44: {  	s0 =	simm.s32 @!p0 $0x1  }
0x45: {  	_ =	swait.ge @!p0 [sflag:s0], s1  }
0x46: {  	s1 =	ssub.s32 @!p0 $0x0, s1;
	[sflag:s0] =	ssyncset.done @!p0 $0x0  }
0x47: {  	[sflag:s0] =	ssyncadd.s32 @!p0 s1  }
0x48: {  	[bflag:$0x3] =	sbarrier.arrive $0xFFFF  }
0x49: {  	_ =	shalt  }

</sc_bundles>
